<compile_context>
chip_gen: v7x
topology: tpu7x:2x2x1
jax: 0.10.2.dev20260603
libtpu: 0.0.44.dev20260713+nightly
codegen_flags: <defaults>
</compile_context>

<pallas_src>
import functools

import jax
import jax.numpy as jnp
from jax import lax
from jax.experimental import pallas as pl
from jax.experimental.pallas import tpu as pltpu
from jax.experimental.pallas import tpu_sc as plsc

VOCAB = 32
TS = 33
B = 4096
L = 200
NW = 32
LB = B // NW
LC = 10
N_LCH = L // LC
NG = LB // 16


def _table_body(e_ref, wt_ref, b_ref, t_ref):
    t_ref[...] = (
        jnp.dot(e_ref[...], wt_ref[...], preferred_element_type=jnp.float32)
        + b_ref[...]
    )


def _make_table(embed_table, wt, b2):
    return pl.pallas_call(
        _table_body,
        out_shape=jax.ShapeDtypeStruct((VOCAB, TS), jnp.float32),
    )(embed_table, wt, b2)


def _gather_body(t_hbm, ids_hbm, out_hbm, t_v, tmp, idst, buf0, buf1, s0, s1):
    wid = lax.axis_index("s") * 2 + lax.axis_index("c")
    b0 = wid * LB

    pltpu.sync_copy(t_hbm, t_v)

    lane = lax.iota(jnp.int32, 16)
    lane_l = lane * L

    def stage(bg, carry):
        pltpu.sync_copy(ids_hbm.at[pl.ds((b0 + bg * 16) * L, 16 * L)], tmp)

        @plsc.parallel_loop(0, L, unroll=4)
        def _(l):
            ids16 = plsc.load_gather(tmp, [lane_l + l])
            idst[pl.ds(l * LB + bg * 16, 16)] = ids16 * TS

        return carry

    lax.fori_loop(0, NG, stage, 0)

    def fill(buf, k):
        l0 = k * LC

        @plsc.parallel_loop(0, LC * NG, unroll=2)
        def _(q):
            i = q // NG
            g = q - i * NG
            flat = idst[pl.ds((l0 + i) * LB + g * 16, 16)]
            vals = [plsc.load_gather(t_v, [flat + v]) for v in range(VOCAB)]
            for v in range(VOCAB):
                buf[i, v, pl.ds(g * 16, 16)] = vals[v]

    def store(buf, k, sem):
        return pltpu.make_async_copy(
            buf, out_hbm.at[pl.ds(k * LC, LC), :, pl.ds(b0, LB)], sem
        )

    fill(buf0, 0)
    store(buf0, 0, s0).start()

    def pair(p, carry):
        k1 = 2 * p + 1
        k2 = 2 * p + 2
        fill(buf1, k1)
        store(buf0, 2 * p, s0).wait()
        store(buf1, k1, s1).start()
        fill(buf0, k2)
        store(buf1, k1, s1).wait()
        store(buf0, k2, s0).start()
        return carry

    lax.fori_loop(0, (N_LCH - 2) // 2, pair, 0)

    fill(buf1, N_LCH - 1)
    store(buf0, N_LCH - 2, s0).wait()
    store(buf1, N_LCH - 1, s1).start()
    store(buf1, N_LCH - 1, s1).wait()


_gather = functools.partial(
    pl.kernel,
    out_type=jax.ShapeDtypeStruct((L, VOCAB, B), jnp.float32),
    mesh=plsc.VectorSubcoreMesh(core_axis_name="c", subcore_axis_name="s"),
    scratch_types=[
        pltpu.VMEM((VOCAB * TS,), jnp.float32),
        pltpu.VMEM((16 * L,), jnp.int32),
        pltpu.VMEM((LB * L,), jnp.int32),
        pltpu.VMEM((LC, VOCAB, LB), jnp.float32),
        pltpu.VMEM((LC, VOCAB, LB), jnp.float32),
        pltpu.SemaphoreType.DMA,
        pltpu.SemaphoreType.DMA,
    ],
    compiler_params=pltpu.CompilerParams(
        use_tc_tiling_on_sc=True, needs_layout_passes=False
    ),
)(_gather_body)


def kernel(input_ids, embed_table, W, b):
    wt33 = jnp.pad(W.T, ((0, 0), (0, TS - VOCAB)))
    b33 = jnp.pad(b.reshape(1, VOCAB), ((0, 0), (0, TS - VOCAB)))
    table = _make_table(embed_table, wt33, b33)
    ids = input_ids.reshape(B * L).astype(jnp.int32)
    xt = _gather(table.reshape(VOCAB * TS), ids)
    return jnp.transpose(xt, (2, 0, 1))

# --- scband reference (transcript-rebuilt; emitter-appended) ---
"""Pipeline reference for scband-stub-model-81630148427840 (READ-ONLY COPY).

The authoritative reference and input builder live on the scoring server;
editing this copy changes nothing except your own understanding.
"""

import jax, jax.numpy as jnp
import numpy as np

VOCAB_SIZE = 32
HIDDEN = 8

def setup_inputs(seed: int = 0) -> dict:
    key = jax.random.key(seed)
    k1, k2, k3, k4 = jax.random.split(key, 4)
    input_ids = jax.random.randint(k1, (4096, 200), 0, VOCAB_SIZE, dtype=jnp.int64 if jax.config.jax_enable_x64 else jnp.int32)
    embed_table = jax.random.normal(k2, (VOCAB_SIZE, HIDDEN), dtype=jnp.float32)
    W = jax.random.normal(k3, (VOCAB_SIZE, HIDDEN), dtype=jnp.float32) * (1.0 / np.sqrt(HIDDEN))
    b = jax.random.normal(k4, (VOCAB_SIZE,), dtype=jnp.float32) * 0.01
    return {"input_ids": input_ids, "embed_table": embed_table, "W": W, "b": b}

def reference(input_ids, embed_table, W, b):
    # h = embed(input_ids): gather rows from embedding table
    h = jnp.take(embed_table, input_ids, axis=0)  # [B, L, HIDDEN]
    # logits = Linear(HIDDEN -> VOCAB_SIZE): h @ W.T + b
    logits = jnp.dot(h, W.T) + b  # [B, L, VOCAB_SIZE]
    return logits

if __name__ == "__main__":
    import jax
    _d = setup_inputs()
    print(jax.jit(kernel)(*tuple(_d.values())))

</pallas_src>

<mosaic_0001>
#map = affine_map<(d0, d1) -> (0)>
#map1 = affine_map<(d0, d1) -> (0, 0, 0)>
module attributes {stable_mosaic.version = 14 : i64} {
  func.func @_gather_body(%arg0: i32, %arg1: i32, %arg2: memref<1056xf32, #tpu.memory_space<hbm>>, %arg3: memref<819200xi32, #tpu.memory_space<hbm>>, %arg4: memref<200x32x4096xf32, #tpu.memory_space<hbm>>, %arg5: memref<1056xf32, #tpu.memory_space<vmem>>, %arg6: memref<3200xi32, #tpu.memory_space<vmem>>, %arg7: memref<25600xi32, #tpu.memory_space<vmem>>, %arg8: memref<10x32x128xf32, #tpu.memory_space<vmem>>, %arg9: memref<10x32x128xf32, #tpu.memory_space<vmem>>, %arg10: memref<!tpu.dma_semaphore, #tpu.memory_space<semaphore_mem>>, %arg11: memref<!tpu.dma_semaphore, #tpu.memory_space<semaphore_mem>>) attributes {dimension_semantics = [#tpu.dimension_semantics<core_parallel>, #tpu.dimension_semantics<subcore_parallel>], iteration_bounds = array<i64: 2, 16>, scalar_prefetch = 0 : i64, scratch_operands = 7 : i64, tpu.core_type = #tpu.core_type<sc_vector_subcore>, window_params = [{transform_indices = #map}, {transform_indices = #map}, {transform_indices = #map1}]} {
    %mul3A = arith.constant 2 : i32
    %mul3A_0 = arith.muli %arg1, %mul3A : i32
    %add3A = arith.addi %mul3A_0, %arg0 : i32
    %mul3A_1 = arith.constant 128 : i32
    %mul3A_2 = arith.muli %add3A, %mul3A_1 : i32
    "tpu.region"() ({
      %run_scoped3A = tpu.sem_alloc : memref<!tpu.dma_semaphore, #tpu.memory_space<semaphore_mem>>
      tpu.enqueue_dma source(%arg2 : memref<1056xf32, #tpu.memory_space<hbm>>) target(%arg5 : memref<1056xf32, #tpu.memory_space<vmem>>) target_semaphore(%run_scoped3A : memref<!tpu.dma_semaphore, #tpu.memory_space<semaphore_mem>>)
      tpu.wait_dma2 semaphore(%run_scoped3A : memref<!tpu.dma_semaphore, #tpu.memory_space<semaphore_mem>>) src(%arg2 : memref<1056xf32, #tpu.memory_space<hbm>>) dst(%arg5 : memref<1056xf32, #tpu.memory_space<vmem>>)
      tpu.yield
    }) : () -> ()
    %iota3A = tpu.iota {dimensions = array<i32: 0>} : vector<16xi32>
    %mul3A_3 = arith.constant 200 : i32
    %mul3A_4 = vector.broadcast %mul3A_3 : i32 to vector<16xi32>
    %mul3A_5 = arith.muli %iota3A, %mul3A_4 : vector<16xi32>
    %scan3A = arith.constant 0 : i32
    %scan3A_6 = arith.constant 0 : i32
    %scan3A_7 = arith.constant 8 : i32
    %scan3A_8 = arith.addi %scan3A_6, %scan3A_7 : i32
    %scan3A_9 = arith.constant 1 : i32
    scf.for %scan3A_44 = %scan3A_6 to %scan3A_8 step %scan3A_9  : i32 {
      %mul3A_45 = arith.constant 16 : i32
      %mul3A_46 = arith.muli %scan3A_44, %mul3A_45 : i32
      %add3A_47 = arith.addi %mul3A_2, %mul3A_46 : i32
      %mul3A_48 = arith.constant 200 : i32
      %mul3A_49 = arith.muli %add3A_47, %mul3A_48 : i32
      "tpu.region"() ({
        %run_scoped3A = tpu.sem_alloc : memref<!tpu.dma_semaphore, #tpu.memory_space<semaphore_mem>>
        %dma_start3A_53 = tpu.memref_slice %arg3[%mul3A_49] : memref<819200xi32, #tpu.memory_space<hbm>> -> memref<3200xi32, #tpu.memory_space<hbm>>
        %dma_start3A_54 = tpu.memref_slice %arg3[%mul3A_49] : memref<819200xi32, #tpu.memory_space<hbm>> -> memref<3200xi32, #tpu.memory_space<hbm>>
        tpu.enqueue_dma source(%dma_start3A_54 : memref<3200xi32, #tpu.memory_space<hbm>>) target(%arg6 : memref<3200xi32, #tpu.memory_space<vmem>>) target_semaphore(%run_scoped3A : memref<!tpu.dma_semaphore, #tpu.memory_space<semaphore_mem>>)
        %dma_wait3A_55 = tpu.memref_slice %arg3[%mul3A_49] : memref<819200xi32, #tpu.memory_space<hbm>> -> memref<3200xi32, #tpu.memory_space<hbm>>
        %dma_wait3A_56 = tpu.memref_slice %arg3[%mul3A_49] : memref<819200xi32, #tpu.memory_space<hbm>> -> memref<3200xi32, #tpu.memory_space<hbm>>
        tpu.wait_dma2 semaphore(%run_scoped3A : memref<!tpu.dma_semaphore, #tpu.memory_space<semaphore_mem>>) src(%dma_wait3A_56 : memref<3200xi32, #tpu.memory_space<hbm>>) dst(%arg6 : memref<3200xi32, #tpu.memory_space<vmem>>)
        tpu.yield
      }) : () -> ()
      %parallel_loop3A_50 = arith.constant 0 : i32
      %parallel_loop3A_51 = arith.constant 200 : i32
      %parallel_loop3A_52 = arith.constant 1 : i32
      scf.for %parallel_loop3A_53 = %parallel_loop3A_50 to %parallel_loop3A_51 step %parallel_loop3A_52  : i32 {
        %parallel_loop3A_54 = vector.broadcast %parallel_loop3A_53 : i32 to vector<16xi32>
        %parallel_loop3A_55 = arith.addi %mul3A_5, %parallel_loop3A_54 : vector<16xi32>
        %parallel_loop3A_56 = tpu.vector_load_idx %arg6[%parallel_loop3A_55] : memref<3200xi32, #tpu.memory_space<vmem>>[vector<16xi32>], vector<16xi32>,
        %parallel_loop3A_57 = arith.constant 33 : i32
        %parallel_loop3A_58 = vector.broadcast %parallel_loop3A_57 : i32 to vector<16xi32>
        %parallel_loop3A_59 = arith.muli %parallel_loop3A_56, %parallel_loop3A_58 : vector<16xi32>
        %parallel_loop3A_60 = arith.constant 128 : i32
        %parallel_loop3A_61 = arith.muli %parallel_loop3A_53, %parallel_loop3A_60 : i32
        %parallel_loop3A_62 = arith.constant 16 : i32
        %parallel_loop3A_63 = arith.muli %scan3A_44, %parallel_loop3A_62 : i32
        %parallel_loop3A_64 = arith.addi %parallel_loop3A_61, %parallel_loop3A_63 : i32
        %parallel_loop3A_65 = arith.index_cast %parallel_loop3A_64 : i32 to index
        %parallel_loop3A_66 = tpu.vector_load %arg7[%parallel_loop3A_65] {strides = array<i32>} : memref<25600xi32, #tpu.memory_space<vmem>>, vector<16xi32>,
        tpu.vector_store %arg7[%parallel_loop3A_65], %parallel_loop3A_59 {strides = array<i32>} : memref<25600xi32, #tpu.memory_space<vmem>>, vector<16xi32>,
      } {sc.loop_unroll_factor = 4 : i64, sc.parallel_access}
    }
    %scan3A_10 = arith.constant 8 : i32
    %parallel_loop3A = arith.constant 0 : i32
    %parallel_loop3A_11 = arith.constant 80 : i32
    %parallel_loop3A_12 = arith.constant 1 : i32
    scf.for %parallel_loop3A_44 = %parallel_loop3A to %parallel_loop3A_11 step %parallel_loop3A_12  : i32 {
      %parallel_loop3A_45 = arith.constant 8 : i32
      %parallel_loop3A_46 = arith.divsi %parallel_loop3A_44, %parallel_loop3A_45 : i32
      %parallel_loop3A_47 = arith.constant 0 : i32
      %parallel_loop3A_48 = arith.cmpi sgt, %parallel_loop3A_44, %parallel_loop3A_47 : i32
      %parallel_loop3A_49 = arith.extui %parallel_loop3A_48 : i1 to i32
      %parallel_loop3A_50 = arith.constant 0 : i32
      %parallel_loop3A_51 = arith.cmpi slt, %parallel_loop3A_44, %parallel_loop3A_50 : i32
      %parallel_loop3A_52 = arith.extui %parallel_loop3A_51 : i1 to i32
      %parallel_loop3A_53 = arith.subi %parallel_loop3A_49, %parallel_loop3A_52 : i32
      %parallel_loop3A_54 = arith.constant 0 : i32
      %parallel_loop3A_55 = arith.cmpi sgt, %parallel_loop3A_45, %parallel_loop3A_54 : i32
      %parallel_loop3A_56 = arith.extui %parallel_loop3A_55 : i1 to i32
      %parallel_loop3A_57 = arith.constant 0 : i32
      %parallel_loop3A_58 = arith.cmpi slt, %parallel_loop3A_45, %parallel_loop3A_57 : i32
      %parallel_loop3A_59 = arith.extui %parallel_loop3A_58 : i1 to i32
      %parallel_loop3A_60 = arith.subi %parallel_loop3A_56, %parallel_loop3A_59 : i32
      %parallel_loop3A_61 = arith.cmpi ne, %parallel_loop3A_53, %parallel_loop3A_60 : i32
      %parallel_loop3A_62 = arith.remsi %parallel_loop3A_44, %parallel_loop3A_45 : i32
      %parallel_loop3A_63 = arith.constant 0 : i32
      %parallel_loop3A_64 = arith.cmpi ne, %parallel_loop3A_62, %parallel_loop3A_63 : i32
      %parallel_loop3A_65 = arith.andi %parallel_loop3A_61, %parallel_loop3A_64 : i1
      %parallel_loop3A_66 = arith.constant 1 : i32
      %parallel_loop3A_67 = arith.subi %parallel_loop3A_46, %parallel_loop3A_66 : i32
      %parallel_loop3A_68 = arith.select %parallel_loop3A_65, %parallel_loop3A_67, %parallel_loop3A_46 : i32
      %parallel_loop3A_69 = arith.constant 8 : i32
      %parallel_loop3A_70 = arith.muli %parallel_loop3A_68, %parallel_loop3A_69 : i32
      %parallel_loop3A_71 = arith.subi %parallel_loop3A_44, %parallel_loop3A_70 : i32
      %parallel_loop3A_72 = arith.constant 0 : i32
      %parallel_loop3A_73 = arith.addi %parallel_loop3A_72, %parallel_loop3A_68 : i32
      %parallel_loop3A_74 = arith.constant 128 : i32
      %parallel_loop3A_75 = arith.muli %parallel_loop3A_73, %parallel_loop3A_74 : i32
      %parallel_loop3A_76 = arith.constant 16 : i32
      %parallel_loop3A_77 = arith.muli %parallel_loop3A_71, %parallel_loop3A_76 : i32
      %parallel_loop3A_78 = arith.addi %parallel_loop3A_75, %parallel_loop3A_77 : i32
      %parallel_loop3A_79 = arith.index_cast %parallel_loop3A_78 : i32 to index
      %parallel_loop3A_80 = tpu.vector_load %arg7[%parallel_loop3A_79] {strides = array<i32>} : memref<25600xi32, #tpu.memory_space<vmem>>, vector<16xi32>,
      %parallel_loop3A_81 = arith.constant 0 : i32
      %parallel_loop3A_82 = vector.broadcast %parallel_loop3A_81 : i32 to vector<16xi32>
      %parallel_loop3A_83 = arith.addi %parallel_loop3A_80, %parallel_loop3A_82 : vector<16xi32>
      %parallel_loop3A_84 = tpu.vector_load_idx %arg5[%parallel_loop3A_83] : memref<1056xf32, #tpu.memory_space<vmem>>[vector<16xi32>], vector<16xf32>,
      %parallel_loop3A_85 = arith.constant 1 : i32
      %parallel_loop3A_86 = vector.broadcast %parallel_loop3A_85 : i32 to vector<16xi32>
      %parallel_loop3A_87 = arith.addi %parallel_loop3A_80, %parallel_loop3A_86 : vector<16xi32>
      %parallel_loop3A_88 = tpu.vector_load_idx %arg5[%parallel_loop3A_87] : memref<1056xf32, #tpu.memory_space<vmem>>[vector<16xi32>], vector<16xf32>,
      %parallel_loop3A_89 = arith.constant 2 : i32
      %parallel_loop3A_90 = vector.broadcast %parallel_loop3A_89 : i32 to vector<16xi32>
      %parallel_loop3A_91 = arith.addi %parallel_loop3A_80, %parallel_loop3A_90 : vector<16xi32>
      %parallel_loop3A_92 = tpu.vector_load_idx %arg5[%parallel_loop3A_91] : memref<1056xf32, #tpu.memory_space<vmem>>[vector<16xi32>], vector<16xf32>,
      %parallel_loop3A_93 = arith.constant 3 : i32
      %parallel_loop3A_94 = vector.broadcast %parallel_loop3A_93 : i32 to vector<16xi32>
      %parallel_loop3A_95 = arith.addi %parallel_loop3A_80, %parallel_loop3A_94 : vector<16xi32>
      %parallel_loop3A_96 = tpu.vector_load_idx %arg5[%parallel_loop3A_95] : memref<1056xf32, #tpu.memory_space<vmem>>[vector<16xi32>], vector<16xf32>,
      %parallel_loop3A_97 = arith.constant 4 : i32
      %parallel_loop3A_98 = vector.broadcast %parallel_loop3A_97 : i32 to vector<16xi32>
      %parallel_loop3A_99 = arith.addi %parallel_loop3A_80, %parallel_loop3A_98 : vector<16xi32>
      %parallel_loop3A_100 = tpu.vector_load_idx %arg5[%parallel_loop3A_99] : memref<1056xf32, #tpu.memory_space<vmem>>[vector<16xi32>], vector<16xf32>,
      %parallel_loop3A_101 = arith.constant 5 : i32
      %parallel_loop3A_102 = vector.broadcast %parallel_loop3A_101 : i32 to vector<16xi32>
      %parallel_loop3A_103 = arith.addi %parallel_loop3A_80, %parallel_loop3A_102 : vector<16xi32>
      %parallel_loop3A_104 = tpu.vector_load_idx %arg5[%parallel_loop3A_103] : memref<1056xf32, #tpu.memory_space<vmem>>[vector<16xi32>], vector<16xf32>,
      %parallel_loop3A_105 = arith.constant 6 : i32
      %parallel_loop3A_106 = vector.broadcast %parallel_loop3A_105 : i32 to vector<16xi32>
      %parallel_loop3A_107 = arith.addi %parallel_loop3A_80, %parallel_loop3A_106 : vector<16xi32>
      %parallel_loop3A_108 = tpu.vector_load_idx %arg5[%parallel_loop3A_107] : memref<1056xf32, #tpu.memory_space<vmem>>[vector<16xi32>], vector<16xf32>,
      %parallel_loop3A_109 = arith.constant 7 : i32
      %parallel_loop3A_110 = vector.broadcast %parallel_loop3A_109 : i32 to vector<16xi32>
      %parallel_loop3A_111 = arith.addi %parallel_loop3A_80, %parallel_loop3A_110 : vector<16xi32>
      %parallel_loop3A_112 = tpu.vector_load_idx %arg5[%parallel_loop3A_111] : memref<1056xf32, #tpu.memory_space<vmem>>[vector<16xi32>], vector<16xf32>,
      %parallel_loop3A_113 = arith.constant 8 : i32
      %parallel_loop3A_114 = vector.broadcast %parallel_loop3A_113 : i32 to vector<16xi32>
      %parallel_loop3A_115 = arith.addi %parallel_loop3A_80, %parallel_loop3A_114 : vector<16xi32>
      %parallel_loop3A_116 = tpu.vector_load_idx %arg5[%parallel_loop3A_115] : memref<1056xf32, #tpu.memory_space<vmem>>[vector<16xi32>], vector<16xf32>,
      %parallel_loop3A_117 = arith.constant 9 : i32
      %parallel_loop3A_118 = vector.broadcast %parallel_loop3A_117 : i32 to vector<16xi32>
      %parallel_loop3A_119 = arith.addi %parallel_loop3A_80, %parallel_loop3A_118 : vector<16xi32>
      %parallel_loop3A_120 = tpu.vector_load_idx %arg5[%parallel_loop3A_119] : memref<1056xf32, #tpu.memory_space<vmem>>[vector<16xi32>], vector<16xf32>,
      %parallel_loop3A_121 = arith.constant 10 : i32
      %parallel_loop3A_122 = vector.broadcast %parallel_loop3A_121 : i32 to vector<16xi32>
      %parallel_loop3A_123 = arith.addi %parallel_loop3A_80, %parallel_loop3A_122 : vector<16xi32>
      %parallel_loop3A_124 = tpu.vector_load_idx %arg5[%parallel_loop3A_123] : memref<1056xf32, #tpu.memory_space<vmem>>[vector<16xi32>], vector<16xf32>,
      %parallel_loop3A_125 = arith.constant 11 : i32
      %parallel_loop3A_126 = vector.broadcast %parallel_loop3A_125 : i32 to vector<16xi32>
      %parallel_loop3A_127 = arith.addi %parallel_loop3A_80, %parallel_loop3A_126 : vector<16xi32>
      %parallel_loop3A_128 = tpu.vector_load_idx %arg5[%parallel_loop3A_127] : memref<1056xf32, #tpu.memory_space<vmem>>[vector<16xi32>], vector<16xf32>,
      %parallel_loop3A_129 = arith.constant 12 : i32
      %parallel_loop3A_130 = vector.broadcast %parallel_loop3A_129 : i32 to vector<16xi32>
      %parallel_loop3A_131 = arith.addi %parallel_loop3A_80, %parallel_loop3A_130 : vector<16xi32>
      %parallel_loop3A_132 = tpu.vector_load_idx %arg5[%parallel_loop3A_131] : memref<1056xf32, #tpu.memory_space<vmem>>[vector<16xi32>], vector<16xf32>,
      %parallel_loop3A_133 = arith.constant 13 : i32
      %parallel_loop3A_134 = vector.broadcast %parallel_loop3A_133 : i32 to vector<16xi32>
      %parallel_loop3A_135 = arith.addi %parallel_loop3A_80, %parallel_loop3A_134 : vector<16xi32>
      %parallel_loop3A_136 = tpu.vector_load_idx %arg5[%parallel_loop3A_135] : memref<1056xf32, #tpu.memory_space<vmem>>[vector<16xi32>], vector<16xf32>,
      %parallel_loop3A_137 = arith.constant 14 : i32
      %parallel_loop3A_138 = vector.broadcast %parallel_loop3A_137 : i32 to vector<16xi32>
      %parallel_loop3A_139 = arith.addi %parallel_loop3A_80, %parallel_loop3A_138 : vector<16xi32>
      %parallel_loop3A_140 = tpu.vector_load_idx %arg5[%parallel_loop3A_139] : memref<1056xf32, #tpu.memory_space<vmem>>[vector<16xi32>], vector<16xf32>,
      %parallel_loop3A_141 = arith.constant 15 : i32
      %parallel_loop3A_142 = vector.broadcast %parallel_loop3A_141 : i32 to vector<16xi32>
      %parallel_loop3A_143 = arith.addi %parallel_loop3A_80, %parallel_loop3A_142 : vector<16xi32>
      %parallel_loop3A_144 = tpu.vector_load_idx %arg5[%parallel_loop3A_143] : memref<1056xf32, #tpu.memory_space<vmem>>[vector<16xi32>], vector<16xf32>,
      %parallel_loop3A_145 = arith.constant 16 : i32
      %parallel_loop3A_146 = vector.broadcast %parallel_loop3A_145 : i32 to vector<16xi32>
      %parallel_loop3A_147 = arith.addi %parallel_loop3A_80, %parallel_loop3A_146 : vector<16xi32>
      %parallel_loop3A_148 = tpu.vector_load_idx %arg5[%parallel_loop3A_147] : memref<1056xf32, #tpu.memory_space<vmem>>[vector<16xi32>], vector<16xf32>,
      %parallel_loop3A_149 = arith.constant 17 : i32
      %parallel_loop3A_150 = vector.broadcast %parallel_loop3A_149 : i32 to vector<16xi32>
      %parallel_loop3A_151 = arith.addi %parallel_loop3A_80, %parallel_loop3A_150 : vector<16xi32>
      %parallel_loop3A_152 = tpu.vector_load_idx %arg5[%parallel_loop3A_151] : memref<1056xf32, #tpu.memory_space<vmem>>[vector<16xi32>], vector<16xf32>,
      %parallel_loop3A_153 = arith.constant 18 : i32
      %parallel_loop3A_154 = vector.broadcast %parallel_loop3A_153 : i32 to vector<16xi32>
      %parallel_loop3A_155 = arith.addi %parallel_loop3A_80, %parallel_loop3A_154 : vector<16xi32>
      %parallel_loop3A_156 = tpu.vector_load_idx %arg5[%parallel_loop3A_155] : memref<1056xf32, #tpu.memory_space<vmem>>[vector<16xi32>], vector<16xf32>,
      %parallel_loop3A_157 = arith.constant 19 : i32
      %parallel_loop3A_158 = vector.broadcast %parallel_loop3A_157 : i32 to vector<16xi32>
      %parallel_loop3A_159 = arith.addi %parallel_loop3A_80, %parallel_loop3A_158 : vector<16xi32>
      %parallel_loop3A_160 = tpu.vector_load_idx %arg5[%parallel_loop3A_159] : memref<1056xf32, #tpu.memory_space<vmem>>[vector<16xi32>], vector<16xf32>,
      %parallel_loop3A_161 = arith.constant 20 : i32
      %parallel_loop3A_162 = vector.broadcast %parallel_loop3A_161 : i32 to vector<16xi32>
      %parallel_loop3A_163 = arith.addi %parallel_loop3A_80, %parallel_loop3A_162 : vector<16xi32>
      %parallel_loop3A_164 = tpu.vector_load_idx %arg5[%parallel_loop3A_163] : memref<1056xf32, #tpu.memory_space<vmem>>[vector<16xi32>], vector<16xf32>,
      %parallel_loop3A_165 = arith.constant 21 : i32
      %parallel_loop3A_166 = vector.broadcast %parallel_loop3A_165 : i32 to vector<16xi32>
      %parallel_loop3A_167 = arith.addi %parallel_loop3A_80, %parallel_loop3A_166 : vector<16xi32>
      %parallel_loop3A_168 = tpu.vector_load_idx %arg5[%parallel_loop3A_167] : memref<1056xf32, #tpu.memory_space<vmem>>[vector<16xi32>], vector<16xf32>,
      %parallel_loop3A_169 = arith.constant 22 : i32
      %parallel_loop3A_170 = vector.broadcast %parallel_loop3A_169 : i32 to vector<16xi32>
      %parallel_loop3A_171 = arith.addi %parallel_loop3A_80, %parallel_loop3A_170 : vector<16xi32>
      %parallel_loop3A_172 = tpu.vector_load_idx %arg5[%parallel_loop3A_171] : memref<1056xf32, #tpu.memory_space<vmem>>[vector<16xi32>], vector<16xf32>,
      %parallel_loop3A_173 = arith.constant 23 : i32
      %parallel_loop3A_174 = vector.broadcast %parallel_loop3A_173 : i32 to vector<16xi32>
      %parallel_loop3A_175 = arith.addi %parallel_loop3A_80, %parallel_loop3A_174 : vector<16xi32>
      %parallel_loop3A_176 = tpu.vector_load_idx %arg5[%parallel_loop3A_175] : memref<1056xf32, #tpu.memory_space<vmem>>[vector<16xi32>], vector<16xf32>,
      %parallel_loop3A_177 = arith.constant 24 : i32
      %parallel_loop3A_178 = vector.broadcast %parallel_loop3A_177 : i32 to vector<16xi32>
      %parallel_loop3A_179 = arith.addi %parallel_loop3A_80, %parallel_loop3A_178 : vector<16xi32>
      %parallel_loop3A_180 = tpu.vector_load_idx %arg5[%parallel_loop3A_179] : memref<1056xf32, #tpu.memory_space<vmem>>[vector<16xi32>], vector<16xf32>,
      %parallel_loop3A_181 = arith.constant 25 : i32
      %parallel_loop3A_182 = vector.broadcast %parallel_loop3A_181 : i32 to vector<16xi32>
      %parallel_loop3A_183 = arith.addi %parallel_loop3A_80, %parallel_loop3A_182 : vector<16xi32>
      %parallel_loop3A_184 = tpu.vector_load_idx %arg5[%parallel_loop3A_183] : memref<1056xf32, #tpu.memory_space<vmem>>[vector<16xi32>], vector<16xf32>,
      %parallel_loop3A_185 = arith.constant 26 : i32
      %parallel_loop3A_186 = vector.broadcast %parallel_loop3A_185 : i32 to vector<16xi32>
      %parallel_loop3A_187 = arith.addi %parallel_loop3A_80, %parallel_loop3A_186 : vector<16xi32>
      %parallel_loop3A_188 = tpu.vector_load_idx %arg5[%parallel_loop3A_187] : memref<1056xf32, #tpu.memory_space<vmem>>[vector<16xi32>], vector<16xf32>,
      %parallel_loop3A_189 = arith.constant 27 : i32
      %parallel_loop3A_190 = vector.broadcast %parallel_loop3A_189 : i32 to vector<16xi32>
      %parallel_loop3A_191 = arith.addi %parallel_loop3A_80, %parallel_loop3A_190 : vector<16xi32>
      %parallel_loop3A_192 = tpu.vector_load_idx %arg5[%parallel_loop3A_191] : memref<1056xf32, #tpu.memory_space<vmem>>[vector<16xi32>], vector<16xf32>,
      %parallel_loop3A_193 = arith.constant 28 : i32
      %parallel_loop3A_194 = vector.broadcast %parallel_loop3A_193 : i32 to vector<16xi32>
      %parallel_loop3A_195 = arith.addi %parallel_loop3A_80, %parallel_loop3A_194 : vector<16xi32>
      %parallel_loop3A_196 = tpu.vector_load_idx %arg5[%parallel_loop3A_195] : memref<1056xf32, #tpu.memory_space<vmem>>[vector<16xi32>], vector<16xf32>,
      %parallel_loop3A_197 = arith.constant 29 : i32
      %parallel_loop3A_198 = vector.broadcast %parallel_loop3A_197 : i32 to vector<16xi32>
      %parallel_loop3A_199 = arith.addi %parallel_loop3A_80, %parallel_loop3A_198 : vector<16xi32>
      %parallel_loop3A_200 = tpu.vector_load_idx %arg5[%parallel_loop3A_199] : memref<1056xf32, #tpu.memory_space<vmem>>[vector<16xi32>], vector<16xf32>,
      %parallel_loop3A_201 = arith.constant 30 : i32
      %parallel_loop3A_202 = vector.broadcast %parallel_loop3A_201 : i32 to vector<16xi32>
      %parallel_loop3A_203 = arith.addi %parallel_loop3A_80, %parallel_loop3A_202 : vector<16xi32>
      %parallel_loop3A_204 = tpu.vector_load_idx %arg5[%parallel_loop3A_203] : memref<1056xf32, #tpu.memory_space<vmem>>[vector<16xi32>], vector<16xf32>,
      %parallel_loop3A_205 = arith.constant 31 : i32
      %parallel_loop3A_206 = vector.broadcast %parallel_loop3A_205 : i32 to vector<16xi32>
      %parallel_loop3A_207 = arith.addi %parallel_loop3A_80, %parallel_loop3A_206 : vector<16xi32>
      %parallel_loop3A_208 = tpu.vector_load_idx %arg5[%parallel_loop3A_207] : memref<1056xf32, #tpu.memory_space<vmem>>[vector<16xi32>], vector<16xf32>,
      %parallel_loop3A_209 = arith.constant 16 : i32
      %parallel_loop3A_210 = arith.muli %parallel_loop3A_71, %parallel_loop3A_209 : i32
      %parallel_loop3A_211 = arith.constant 0 : i32
      %parallel_loop3A_212 = arith.index_cast %parallel_loop3A_68 : i32 to index
      %parallel_loop3A_213 = arith.index_cast %parallel_loop3A_211 : i32 to index
      %parallel_loop3A_214 = arith.index_cast %parallel_loop3A_210 : i32 to index
      %parallel_loop3A_215 = tpu.vector_load %arg8[%parallel_loop3A_212, %parallel_loop3A_213, %parallel_loop3A_214] {strides = array<i32>} : memref<10x32x128xf32, #tpu.memory_space<vmem>>, vector<16xf32>,
      tpu.vector_store %arg8[%parallel_loop3A_212, %parallel_loop3A_213, %parallel_loop3A_214], %parallel_loop3A_84 {strides = array<i32>} : memref<10x32x128xf32, #tpu.memory_space<vmem>>, vector<16xf32>,
      %parallel_loop3A_216 = arith.constant 16 : i32
      %parallel_loop3A_217 = arith.muli %parallel_loop3A_71, %parallel_loop3A_216 : i32
      %parallel_loop3A_218 = arith.constant 1 : i32
      %parallel_loop3A_219 = arith.index_cast %parallel_loop3A_68 : i32 to index
      %parallel_loop3A_220 = arith.index_cast %parallel_loop3A_218 : i32 to index
      %parallel_loop3A_221 = arith.index_cast %parallel_loop3A_217 : i32 to index
      %parallel_loop3A_222 = tpu.vector_load %arg8[%parallel_loop3A_219, %parallel_loop3A_220, %parallel_loop3A_221] {strides = array<i32>} : memref<10x32x128xf32, #tpu.memory_space<vmem>>, vector<16xf32>,
      tpu.vector_store %arg8[%parallel_loop3A_219, %parallel_loop3A_220, %parallel_loop3A_221], %parallel_loop3A_88 {strides = array<i32>} : memref<10x32x128xf32, #tpu.memory_space<vmem>>, vector<16xf32>,
      %parallel_loop3A_223 = arith.constant 16 : i32
      %parallel_loop3A_224 = arith.muli %parallel_loop3A_71, %parallel_loop3A_223 : i32
      %parallel_loop3A_225 = arith.constant 2 : i32
      %parallel_loop3A_226 = arith.index_cast %parallel_loop3A_68 : i32 to index
      %parallel_loop3A_227 = arith.index_cast %parallel_loop3A_225 : i32 to index
      %parallel_loop3A_228 = arith.index_cast %parallel_loop3A_224 : i32 to index
      %parallel_loop3A_229 = tpu.vector_load %arg8[%parallel_loop3A_226, %parallel_loop3A_227, %parallel_loop3A_228] {strides = array<i32>} : memref<10x32x128xf32, #tpu.memory_space<vmem>>, vector<16xf32>,
      tpu.vector_store %arg8[%parallel_loop3A_226, %parallel_loop3A_227, %parallel_loop3A_228], %parallel_loop3A_92 {strides = array<i32>} : memref<10x32x128xf32, #tpu.memory_space<vmem>>, vector<16xf32>,
      %parallel_loop3A_230 = arith.constant 16 : i32
      %parallel_loop3A_231 = arith.muli %parallel_loop3A_71, %parallel_loop3A_230 : i32
      %parallel_loop3A_232 = arith.constant 3 : i32
      %parallel_loop3A_233 = arith.index_cast %parallel_loop3A_68 : i32 to index
      %parallel_loop3A_234 = arith.index_cast %parallel_loop3A_232 : i32 to index
      %parallel_loop3A_235 = arith.index_cast %parallel_loop3A_231 : i32 to index
      %parallel_loop3A_236 = tpu.vector_load %arg8[%parallel_loop3A_233, %parallel_loop3A_234, %parallel_loop3A_235] {strides = array<i32>} : memref<10x32x128xf32, #tpu.memory_space<vmem>>, vector<16xf32>,
      tpu.vector_store %arg8[%parallel_loop3A_233, %parallel_loop3A_234, %parallel_loop3A_235], %parallel_loop3A_96 {strides = array<i32>} : memref<10x32x128xf32, #tpu.memory_space<vmem>>, vector<16xf32>,
      %parallel_loop3A_237 = arith.constant 16 : i32
      %parallel_loop3A_238 = arith.muli %parallel_loop3A_71, %parallel_loop3A_237 : i32
      %parallel_loop3A_239 = arith.constant 4 : i32
      %parallel_loop3A_240 = arith.index_cast %parallel_loop3A_68 : i32 to index
      %parallel_loop3A_241 = arith.index_cast %parallel_loop3A_239 : i32 to index
      %parallel_loop3A_242 = arith.index_cast %parallel_loop3A_238 : i32 to index
      %parallel_loop3A_243 = tpu.vector_load %arg8[%parallel_loop3A_240, %parallel_loop3A_241, %parallel_loop3A_242] {strides = array<i32>} : memref<10x32x128xf32, #tpu.memory_space<vmem>>, vector<16xf32>,
      tpu.vector_store %arg8[%parallel_loop3A_240, %parallel_loop3A_241, %parallel_loop3A_242], %parallel_loop3A_100 {strides = array<i32>} : memref<10x32x128xf32, #tpu.memory_space<vmem>>, vector<16xf32>,
      %parallel_loop3A_244 = arith.constant 16 : i32
      %parallel_loop3A_245 = arith.muli %parallel_loop3A_71, %parallel_loop3A_244 : i32
      %parallel_loop3A_246 = arith.constant 5 : i32
      %parallel_loop3A_247 = arith.index_cast %parallel_loop3A_68 : i32 to index
      %parallel_loop3A_248 = arith.index_cast %parallel_loop3A_246 : i32 to index
      %parallel_loop3A_249 = arith.index_cast %parallel_loop3A_245 : i32 to index
      %parallel_loop3A_250 = tpu.vector_load %arg8[%parallel_loop3A_247, %parallel_loop3A_248, %parallel_loop3A_249] {strides = array<i32>} : memref<10x32x128xf32, #tpu.memory_space<vmem>>, vector<16xf32>,
      tpu.vector_store %arg8[%parallel_loop3A_247, %parallel_loop3A_248, %parallel_loop3A_249], %parallel_loop3A_104 {strides = array<i32>} : memref<10x32x128xf32, #tpu.memory_space<vmem>>, vector<16xf32>,
      %parallel_loop3A_251 = arith.constant 16 : i32
      %parallel_loop3A_252 = arith.muli %parallel_loop3A_71, %parallel_loop3A_251 : i32
      %parallel_loop3A_253 = arith.constant 6 : i32
      %parallel_loop3A_254 = arith.index_cast %parallel_loop3A_68 : i32 to index
      %parallel_loop3A_255 = arith.index_cast %parallel_loop3A_253 : i32 to index
      %parallel_loop3A_256 = arith.index_cast %parallel_loop3A_252 : i32 to index
      %parallel_loop3A_257 = tpu.vector_load %arg8[%parallel_loop3A_254, %parallel_loop3A_255, %parallel_loop3A_256] {strides = array<i32>} : memref<10x32x128xf32, #tpu.memory_space<vmem>>, vector<16xf32>,
      tpu.vector_store %arg8[%parallel_loop3A_254, %parallel_loop3A_255, %parallel_loop3A_256], %parallel_loop3A_108 {strides = array<i32>} : memref<10x32x128xf32, #tpu.memory_space<vmem>>, vector<16xf32>,
      %parallel_loop3A_258 = arith.constant 16 : i32
      %parallel_loop3A_259 = arith.muli %parallel_loop3A_71, %parallel_loop3A_258 : i32
      %parallel_loop3A_260 = arith.constant 7 : i32
      %parallel_loop3A_261 = arith.index_cast %parallel_loop3A_68 : i32 to index
      %parallel_loop3A_262 = arith.index_cast %parallel_loop3A_260 : i32 to index
      %parallel_loop3A_263 = arith.index_cast %parallel_loop3A_259 : i32 to index
      %parallel_loop3A_264 = tpu.vector_load %arg8[%parallel_loop3A_261, %parallel_loop3A_262, %parallel_loop3A_263] {strides = array<i32>} : memref<10x32x128xf32, #tpu.memory_space<vmem>>, vector<16xf32>,
      tpu.vector_store %arg8[%parallel_loop3A_261, %parallel_loop3A_262, %parallel_loop3A_263], %parallel_loop3A_112 {strides = array<i32>} : memref<10x32x128xf32, #tpu.memory_space<vmem>>, vector<16xf32>,
      %parallel_loop3A_265 = arith.constant 16 : i32
      %parallel_loop3A_266 = arith.muli %parallel_loop3A_71, %parallel_loop3A_265 : i32
      %parallel_loop3A_267 = arith.constant 8 : i32
      %parallel_loop3A_268 = arith.index_cast %parallel_loop3A_68 : i32 to index
      %parallel_loop3A_269 = arith.index_cast %parallel_loop3A_267 : i32 to index
      %parallel_loop3A_270 = arith.index_cast %parallel_loop3A_266 : i32 to index
      %parallel_loop3A_271 = tpu.vector_load %arg8[%parallel_loop3A_268, %parallel_loop3A_269, %parallel_loop3A_270] {strides = array<i32>} : memref<10x32x128xf32, #tpu.memory_space<vmem>>, vector<16xf32>,
      tpu.vector_store %arg8[%parallel_loop3A_268, %parallel_loop3A_269, %parallel_loop3A_270], %parallel_loop3A_116 {strides = array<i32>} : memref<10x32x128xf32, #tpu.memory_space<vmem>>, vector<16xf32>,
      %parallel_loop3A_272 = arith.constant 16 : i32
      %parallel_loop3A_273 = arith.muli %parallel_loop3A_71, %parallel_loop3A_272 : i32
      %parallel_loop3A_274 = arith.constant 9 : i32
      %parallel_loop3A_275 = arith.index_cast %parallel_loop3A_68 : i32 to index
      %parallel_loop3A_276 = arith.index_cast %parallel_loop3A_274 : i32 to index
      %parallel_loop3A_277 = arith.index_cast %parallel_loop3A_273 : i32 to index
      %parallel_loop3A_278 = tpu.vector_load %arg8[%parallel_loop3A_275, %parallel_loop3A_276, %parallel_loop3A_277] {strides = array<i32>} : memref<10x32x128xf32, #tpu.memory_space<vmem>>, vector<16xf32>,
      tpu.vector_store %arg8[%parallel_loop3A_275, %parallel_loop3A_276, %parallel_loop3A_277], %parallel_loop3A_120 {strides = array<i32>} : memref<10x32x128xf32, #tpu.memory_space<vmem>>, vector<16xf32>,
      %parallel_loop3A_279 = arith.constant 16 : i32
      %parallel_loop3A_280 = arith.muli %parallel_loop3A_71, %parallel_loop3A_279 : i32
      %parallel_loop3A_281 = arith.constant 10 : i32
      %parallel_loop3A_282 = arith.index_cast %parallel_loop3A_68 : i32 to index
      %parallel_loop3A_283 = arith.index_cast %parallel_loop3A_281 : i32 to index
      %parallel_loop3A_284 = arith.index_cast %parallel_loop3A_280 : i32 to index
      %parallel_loop3A_285 = tpu.vector_load %arg8[%parallel_loop3A_282, %parallel_loop3A_283, %parallel_loop3A_284] {strides = array<i32>} : memref<10x32x128xf32, #tpu.memory_space<vmem>>, vector<16xf32>,
      tpu.vector_store %arg8[%parallel_loop3A_282, %parallel_loop3A_283, %parallel_loop3A_284], %parallel_loop3A_124 {strides = array<i32>} : memref<10x32x128xf32, #tpu.memory_space<vmem>>, vector<16xf32>,
      %parallel_loop3A_286 = arith.constant 16 : i32
      %parallel_loop3A_287 = arith.muli %parallel_loop3A_71, %parallel_loop3A_286 : i32
      %parallel_loop3A_288 = arith.constant 11 : i32
      %parallel_loop3A_289 = arith.index_cast %parallel_loop3A_68 : i32 to index
      %parallel_loop3A_290 = arith.index_cast %parallel_loop3A_288 : i32 to index
      %parallel_loop3A_291 = arith.index_cast %parallel_loop3A_287 : i32 to index
      %parallel_loop3A_292 = tpu.vector_load %arg8[%parallel_loop3A_289, %parallel_loop3A_290, %parallel_loop3A_291] {strides = array<i32>} : memref<10x32x128xf32, #tpu.memory_space<vmem>>, vector<16xf32>,
      tpu.vector_store %arg8[%parallel_loop3A_289, %parallel_loop3A_290, %parallel_loop3A_291], %parallel_loop3A_128 {strides = array<i32>} : memref<10x32x128xf32, #tpu.memory_space<vmem>>, vector<16xf32>,
      %parallel_loop3A_293 = arith.constant 16 : i32
      %parallel_loop3A_294 = arith.muli %parallel_loop3A_71, %parallel_loop3A_293 : i32
      %parallel_loop3A_295 = arith.constant 12 : i32
      %parallel_loop3A_296 = arith.index_cast %parallel_loop3A_68 : i32 to index
      %parallel_loop3A_297 = arith.index_cast %parallel_loop3A_295 : i32 to index
      %parallel_loop3A_298 = arith.index_cast %parallel_loop3A_294 : i32 to index
      %parallel_loop3A_299 = tpu.vector_load %arg8[%parallel_loop3A_296, %parallel_loop3A_297, %parallel_loop3A_298] {strides = array<i32>} : memref<10x32x128xf32, #tpu.memory_space<vmem>>, vector<16xf32>,
      tpu.vector_store %arg8[%parallel_loop3A_296, %parallel_loop3A_297, %parallel_loop3A_298], %parallel_loop3A_132 {strides = array<i32>} : memref<10x32x128xf32, #tpu.memory_space<vmem>>, vector<16xf32>,
      %parallel_loop3A_300 = arith.constant 16 : i32
      %parallel_loop3A_301 = arith.muli %parallel_loop3A_71, %parallel_loop3A_300 : i32
      %parallel_loop3A_302 = arith.constant 13 : i32
      %parallel_loop3A_303 = arith.index_cast %parallel_loop3A_68 : i32 to index
      %parallel_loop3A_304 = arith.index_cast %parallel_loop3A_302 : i32 to index
      %parallel_loop3A_305 = arith.index_cast %parallel_loop3A_301 : i32 to index
      %parallel_loop3A_306 = tpu.vector_load %arg8[%parallel_loop3A_303, %parallel_loop3A_304, %parallel_loop3A_305] {strides = array<i32>} : memref<10x32x128xf32, #tpu.memory_space<vmem>>, vector<16xf32>,
      tpu.vector_store %arg8[%parallel_loop3A_303, %parallel_loop3A_304, %parallel_loop3A_305], %parallel_loop3A_136 {strides = array<i32>} : memref<10x32x128xf32, #tpu.memory_space<vmem>>, vector<16xf32>,
      %parallel_loop3A_307 = arith.constant 16 : i32
      %parallel_loop3A_308 = arith.muli %parallel_loop3A_71, %parallel_loop3A_307 : i32
      %parallel_loop3A_309 = arith.constant 14 : i32
      %parallel_loop3A_310 = arith.index_cast %parallel_loop3A_68 : i32 to index
      %parallel_loop3A_311 = arith.index_cast %parallel_loop3A_309 : i32 to index
      %parallel_loop3A_312 = arith.index_cast %parallel_loop3A_308 : i32 to index
      %parallel_loop3A_313 = tpu.vector_load %arg8[%parallel_loop3A_310, %parallel_loop3A_311, %parallel_loop3A_312] {strides = array<i32>} : memref<10x32x128xf32, #tpu.memory_space<vmem>>, vector<16xf32>,
      tpu.vector_store %arg8[%parallel_loop3A_310, %parallel_loop3A_311, %parallel_loop3A_312], %parallel_loop3A_140 {strides = array<i32>} : memref<10x32x128xf32, #tpu.memory_space<vmem>>, vector<16xf32>,
      %parallel_loop3A_314 = arith.constant 16 : i32
      %parallel_loop3A_315 = arith.muli %parallel_loop3A_71, %parallel_loop3A_314 : i32
      %parallel_loop3A_316 = arith.constant 15 : i32
      %parallel_loop3A_317 = arith.index_cast %parallel_loop3A_68 : i32 to index
      %parallel_loop3A_318 = arith.index_cast %parallel_loop3A_316 : i32 to index
      %parallel_loop3A_319 = arith.index_cast %parallel_loop3A_315 : i32 to index
      %parallel_loop3A_320 = tpu.vector_load %arg8[%parallel_loop3A_317, %parallel_loop3A_318, %parallel_loop3A_319] {strides = array<i32>} : memref<10x32x128xf32, #tpu.memory_space<vmem>>, vector<16xf32>,
      tpu.vector_store %arg8[%parallel_loop3A_317, %parallel_loop3A_318, %parallel_loop3A_319], %parallel_loop3A_144 {strides = array<i32>} : memref<10x32x128xf32, #tpu.memory_space<vmem>>, vector<16xf32>,
      %parallel_loop3A_321 = arith.constant 16 : i32
      %parallel_loop3A_322 = arith.muli %parallel_loop3A_71, %parallel_loop3A_321 : i32
      %parallel_loop3A_323 = arith.constant 16 : i32
      %parallel_loop3A_324 = arith.index_cast %parallel_loop3A_68 : i32 to index
      %parallel_loop3A_325 = arith.index_cast %parallel_loop3A_323 : i32 to index
      %parallel_loop3A_326 = arith.index_cast %parallel_loop3A_322 : i32 to index
      %parallel_loop3A_327 = tpu.vector_load %arg8[%parallel_loop3A_324, %parallel_loop3A_325, %parallel_loop3A_326] {strides = array<i32>} : memref<10x32x128xf32, #tpu.memory_space<vmem>>, vector<16xf32>,
      tpu.vector_store %arg8[%parallel_loop3A_324, %parallel_loop3A_325, %parallel_loop3A_326], %parallel_loop3A_148 {strides = array<i32>} : memref<10x32x128xf32, #tpu.memory_space<vmem>>, vector<16xf32>,
      %parallel_loop3A_328 = arith.constant 16 : i32
      %parallel_loop3A_329 = arith.muli %parallel_loop3A_71, %parallel_loop3A_328 : i32
      %parallel_loop3A_330 = arith.constant 17 : i32
      %parallel_loop3A_331 = arith.index_cast %parallel_loop3A_68 : i32 to index
      %parallel_loop3A_332 = arith.index_cast %parallel_loop3A_330 : i32 to index
      %parallel_loop3A_333 = arith.index_cast %parallel_loop3A_329 : i32 to index
      %parallel_loop3A_334 = tpu.vector_load %arg8[%parallel_loop3A_331, %parallel_loop3A_332, %parallel_loop3A_333] {strides = array<i32>} : memref<10x32x128xf32, #tpu.memory_space<vmem>>, vector<16xf32>,
      tpu.vector_store %arg8[%parallel_loop3A_331, %parallel_loop3A_332, %parallel_loop3A_333], %parallel_loop3A_152 {strides = array<i32>} : memref<10x32x128xf32, #tpu.memory_space<vmem>>, vector<16xf32>,
      %parallel_loop3A_335 = arith.constant 16 : i32
      %parallel_loop3A_336 = arith.muli %parallel_loop3A_71, %parallel_loop3A_335 : i32
      %parallel_loop3A_337 = arith.constant 18 : i32
      %parallel_loop3A_338 = arith.index_cast %parallel_loop3A_68 : i32 to index
      %parallel_loop3A_339 = arith.index_cast %parallel_loop3A_337 : i32 to index
      %parallel_loop3A_340 = arith.index_cast %parallel_loop3A_336 : i32 to index
      %parallel_loop3A_341 = tpu.vector_load %arg8[%parallel_loop3A_338, %parallel_loop3A_339, %parallel_loop3A_340] {strides = array<i32>} : memref<10x32x128xf32, #tpu.memory_space<vmem>>, vector<16xf32>,
      tpu.vector_store %arg8[%parallel_loop3A_338, %parallel_loop3A_339, %parallel_loop3A_340], %parallel_loop3A_156 {strides = array<i32>} : memref<10x32x128xf32, #tpu.memory_space<vmem>>, vector<16xf32>,
      %parallel_loop3A_342 = arith.constant 16 : i32
      %parallel_loop3A_343 = arith.muli %parallel_loop3A_71, %parallel_loop3A_342 : i32
      %parallel_loop3A_344 = arith.constant 19 : i32
      %parallel_loop3A_345 = arith.index_cast %parallel_loop3A_68 : i32 to index
      %parallel_loop3A_346 = arith.index_cast %parallel_loop3A_344 : i32 to index
      %parallel_loop3A_347 = arith.index_cast %parallel_loop3A_343 : i32 to index
      %parallel_loop3A_348 = tpu.vector_load %arg8[%parallel_loop3A_345, %parallel_loop3A_346, %parallel_loop3A_347] {strides = array<i32>} : memref<10x32x128xf32, #tpu.memory_space<vmem>>, vector<16xf32>,
      tpu.vector_store %arg8[%parallel_loop3A_345, %parallel_loop3A_346, %parallel_loop3A_347], %parallel_loop3A_160 {strides = array<i32>} : memref<10x32x128xf32, #tpu.memory_space<vmem>>, vector<16xf32>,
      %parallel_loop3A_349 = arith.constant 16 : i32
      %parallel_loop3A_350 = arith.muli %parallel_loop3A_71, %parallel_loop3A_349 : i32
      %parallel_loop3A_351 = arith.constant 20 : i32
      %parallel_loop3A_352 = arith.index_cast %parallel_loop3A_68 : i32 to index
      %parallel_loop3A_353 = arith.index_cast %parallel_loop3A_351 : i32 to index
      %parallel_loop3A_354 = arith.index_cast %parallel_loop3A_350 : i32 to index
      %parallel_loop3A_355 = tpu.vector_load %arg8[%parallel_loop3A_352, %parallel_loop3A_353, %parallel_loop3A_354] {strides = array<i32>} : memref<10x32x128xf32, #tpu.memory_space<vmem>>, vector<16xf32>,
      tpu.vector_store %arg8[%parallel_loop3A_352, %parallel_loop3A_353, %parallel_loop3A_354], %parallel_loop3A_164 {strides = array<i32>} : memref<10x32x128xf32, #tpu.memory_space<vmem>>, vector<16xf32>,
      %parallel_loop3A_356 = arith.constant 16 : i32
      %parallel_loop3A_357 = arith.muli %parallel_loop3A_71, %parallel_loop3A_356 : i32
      %parallel_loop3A_358 = arith.constant 21 : i32
      %parallel_loop3A_359 = arith.index_cast %parallel_loop3A_68 : i32 to index
      %parallel_loop3A_360 = arith.index_cast %parallel_loop3A_358 : i32 to index
      %parallel_loop3A_361 = arith.index_cast %parallel_loop3A_357 : i32 to index
      %parallel_loop3A_362 = tpu.vector_load %arg8[%parallel_loop3A_359, %parallel_loop3A_360, %parallel_loop3A_361] {strides = array<i32>} : memref<10x32x128xf32, #tpu.memory_space<vmem>>, vector<16xf32>,
      tpu.vector_store %arg8[%parallel_loop3A_359, %parallel_loop3A_360, %parallel_loop3A_361], %parallel_loop3A_168 {strides = array<i32>} : memref<10x32x128xf32, #tpu.memory_space<vmem>>, vector<16xf32>,
      %parallel_loop3A_363 = arith.constant 16 : i32
      %parallel_loop3A_364 = arith.muli %parallel_loop3A_71, %parallel_loop3A_363 : i32
      %parallel_loop3A_365 = arith.constant 22 : i32
      %parallel_loop3A_366 = arith.index_cast %parallel_loop3A_68 : i32 to index
      %parallel_loop3A_367 = arith.index_cast %parallel_loop3A_365 : i32 to index
      %parallel_loop3A_368 = arith.index_cast %parallel_loop3A_364 : i32 to index
      %parallel_loop3A_369 = tpu.vector_load %arg8[%parallel_loop3A_366, %parallel_loop3A_367, %parallel_loop3A_368] {strides = array<i32>} : memref<10x32x128xf32, #tpu.memory_space<vmem>>, vector<16xf32>,
      tpu.vector_store %arg8[%parallel_loop3A_366, %parallel_loop3A_367, %parallel_loop3A_368], %parallel_loop3A_172 {strides = array<i32>} : memref<10x32x128xf32, #tpu.memory_space<vmem>>, vector<16xf32>,
      %parallel_loop3A_370 = arith.constant 16 : i32
      %parallel_loop3A_371 = arith.muli %parallel_loop3A_71, %parallel_loop3A_370 : i32
      %parallel_loop3A_372 = arith.constant 23 : i32
      %parallel_loop3A_373 = arith.index_cast %parallel_loop3A_68 : i32 to index
      %parallel_loop3A_374 = arith.index_cast %parallel_loop3A_372 : i32 to index
      %parallel_loop3A_375 = arith.index_cast %parallel_loop3A_371 : i32 to index
      %parallel_loop3A_376 = tpu.vector_load %arg8[%parallel_loop3A_373, %parallel_loop3A_374, %parallel_loop3A_375] {strides = array<i32>} : memref<10x32x128xf32, #tpu.memory_space<vmem>>, vector<16xf32>,
      tpu.vector_store %arg8[%parallel_loop3A_373, %parallel_loop3A_374, %parallel_loop3A_375], %parallel_loop3A_176 {strides = array<i32>} : memref<10x32x128xf32, #tpu.memory_space<vmem>>, vector<16xf32>,
      %parallel_loop3A_377 = arith.constant 16 : i32
      %parallel_loop3A_378 = arith.muli %parallel_loop3A_71, %parallel_loop3A_377 : i32
      %parallel_loop3A_379 = arith.constant 24 : i32
      %parallel_loop3A_380 = arith.index_cast %parallel_loop3A_68 : i32 to index
      %parallel_loop3A_381 = arith.index_cast %parallel_loop3A_379 : i32 to index
      %parallel_loop3A_382 = arith.index_cast %parallel_loop3A_378 : i32 to index
      %parallel_loop3A_383 = tpu.vector_load %arg8[%parallel_loop3A_380, %parallel_loop3A_381, %parallel_loop3A_382] {strides = array<i32>} : memref<10x32x128xf32, #tpu.memory_space<vmem>>, vector<16xf32>,
      tpu.vector_store %arg8[%parallel_loop3A_380, %parallel_loop3A_381, %parallel_loop3A_382], %parallel_loop3A_180 {strides = array<i32>} : memref<10x32x128xf32, #tpu.memory_space<vmem>>, vector<16xf32>,
      %parallel_loop3A_384 = arith.constant 16 : i32
      %parallel_loop3A_385 = arith.muli %parallel_loop3A_71, %parallel_loop3A_384 : i32
      %parallel_loop3A_386 = arith.constant 25 : i32
      %parallel_loop3A_387 = arith.index_cast %parallel_loop3A_68 : i32 to index
      %parallel_loop3A_388 = arith.index_cast %parallel_loop3A_386 : i32 to index
      %parallel_loop3A_389 = arith.index_cast %parallel_loop3A_385 : i32 to index
      %parallel_loop3A_390 = tpu.vector_load %arg8[%parallel_loop3A_387, %parallel_loop3A_388, %parallel_loop3A_389] {strides = array<i32>} : memref<10x32x128xf32, #tpu.memory_space<vmem>>, vector<16xf32>,
      tpu.vector_store %arg8[%parallel_loop3A_387, %parallel_loop3A_388, %parallel_loop3A_389], %parallel_loop3A_184 {strides = array<i32>} : memref<10x32x128xf32, #tpu.memory_space<vmem>>, vector<16xf32>,
      %parallel_loop3A_391 = arith.constant 16 : i32
      %parallel_loop3A_392 = arith.muli %parallel_loop3A_71, %parallel_loop3A_391 : i32
      %parallel_loop3A_393 = arith.constant 26 : i32
      %parallel_loop3A_394 = arith.index_cast %parallel_loop3A_68 : i32 to index
      %parallel_loop3A_395 = arith.index_cast %parallel_loop3A_393 : i32 to index
      %parallel_loop3A_396 = arith.index_cast %parallel_loop3A_392 : i32 to index
      %parallel_loop3A_397 = tpu.vector_load %arg8[%parallel_loop3A_394, %parallel_loop3A_395, %parallel_loop3A_396] {strides = array<i32>} : memref<10x32x128xf32, #tpu.memory_space<vmem>>, vector<16xf32>,
      tpu.vector_store %arg8[%parallel_loop3A_394, %parallel_loop3A_395, %parallel_loop3A_396], %parallel_loop3A_188 {strides = array<i32>} : memref<10x32x128xf32, #tpu.memory_space<vmem>>, vector<16xf32>,
      %parallel_loop3A_398 = arith.constant 16 : i32
      %parallel_loop3A_399 = arith.muli %parallel_loop3A_71, %parallel_loop3A_398 : i32
      %parallel_loop3A_400 = arith.constant 27 : i32
      %parallel_loop3A_401 = arith.index_cast %parallel_loop3A_68 : i32 to index
      %parallel_loop3A_402 = arith.index_cast %parallel_loop3A_400 : i32 to index
      %parallel_loop3A_403 = arith.index_cast %parallel_loop3A_399 : i32 to index
      %parallel_loop3A_404 = tpu.vector_load %arg8[%parallel_loop3A_401, %parallel_loop3A_402, %parallel_loop3A_403] {strides = array<i32>} : memref<10x32x128xf32, #tpu.memory_space<vmem>>, vector<16xf32>,
      tpu.vector_store %arg8[%parallel_loop3A_401, %parallel_loop3A_402, %parallel_loop3A_403], %parallel_loop3A_192 {strides = array<i32>} : memref<10x32x128xf32, #tpu.memory_space<vmem>>, vector<16xf32>,
      %parallel_loop3A_405 = arith.constant 16 : i32
      %parallel_loop3A_406 = arith.muli %parallel_loop3A_71, %parallel_loop3A_405 : i32
      %parallel_loop3A_407 = arith.constant 28 : i32
      %parallel_loop3A_408 = arith.index_cast %parallel_loop3A_68 : i32 to index
      %parallel_loop3A_409 = arith.index_cast %parallel_loop3A_407 : i32 to index
      %parallel_loop3A_410 = arith.index_cast %parallel_loop3A_406 : i32 to index
      %parallel_loop3A_411 = tpu.vector_load %arg8[%parallel_loop3A_408, %parallel_loop3A_409, %parallel_loop3A_410] {strides = array<i32>} : memref<10x32x128xf32, #tpu.memory_space<vmem>>, vector<16xf32>,
      tpu.vector_store %arg8[%parallel_loop3A_408, %parallel_loop3A_409, %parallel_loop3A_410], %parallel_loop3A_196 {strides = array<i32>} : memref<10x32x128xf32, #tpu.memory_space<vmem>>, vector<16xf32>,
      %parallel_loop3A_412 = arith.constant 16 : i32
      %parallel_loop3A_413 = arith.muli %parallel_loop3A_71, %parallel_loop3A_412 : i32
      %parallel_loop3A_414 = arith.constant 29 : i32
      %parallel_loop3A_415 = arith.index_cast %parallel_loop3A_68 : i32 to index
      %parallel_loop3A_416 = arith.index_cast %parallel_loop3A_414 : i32 to index
      %parallel_loop3A_417 = arith.index_cast %parallel_loop3A_413 : i32 to index
      %parallel_loop3A_418 = tpu.vector_load %arg8[%parallel_loop3A_415, %parallel_loop3A_416, %parallel_loop3A_417] {strides = array<i32>} : memref<10x32x128xf32, #tpu.memory_space<vmem>>, vector<16xf32>,
      tpu.vector_store %arg8[%parallel_loop3A_415, %parallel_loop3A_416, %parallel_loop3A_417], %parallel_loop3A_200 {strides = array<i32>} : memref<10x32x128xf32, #tpu.memory_space<vmem>>, vector<16xf32>,
      %parallel_loop3A_419 = arith.constant 16 : i32
      %parallel_loop3A_420 = arith.muli %parallel_loop3A_71, %parallel_loop3A_419 : i32
      %parallel_loop3A_421 = arith.constant 30 : i32
      %parallel_loop3A_422 = arith.index_cast %parallel_loop3A_68 : i32 to index
      %parallel_loop3A_423 = arith.index_cast %parallel_loop3A_421 : i32 to index
      %parallel_loop3A_424 = arith.index_cast %parallel_loop3A_420 : i32 to index
      %parallel_loop3A_425 = tpu.vector_load %arg8[%parallel_loop3A_422, %parallel_loop3A_423, %parallel_loop3A_424] {strides = array<i32>} : memref<10x32x128xf32, #tpu.memory_space<vmem>>, vector<16xf32>,
      tpu.vector_store %arg8[%parallel_loop3A_422, %parallel_loop3A_423, %parallel_loop3A_424], %parallel_loop3A_204 {strides = array<i32>} : memref<10x32x128xf32, #tpu.memory_space<vmem>>, vector<16xf32>,
      %parallel_loop3A_426 = arith.constant 16 : i32
      %parallel_loop3A_427 = arith.muli %parallel_loop3A_71, %parallel_loop3A_426 : i32
      %parallel_loop3A_428 = arith.constant 31 : i32
      %parallel_loop3A_429 = arith.index_cast %parallel_loop3A_68 : i32 to index
      %parallel_loop3A_430 = arith.index_cast %parallel_loop3A_428 : i32 to index
      %parallel_loop3A_431 = arith.index_cast %parallel_loop3A_427 : i32 to index
      %parallel_loop3A_432 = tpu.vector_load %arg8[%parallel_loop3A_429, %parallel_loop3A_430, %parallel_loop3A_431] {strides = array<i32>} : memref<10x32x128xf32, #tpu.memory_space<vmem>>, vector<16xf32>,
      tpu.vector_store %arg8[%parallel_loop3A_429, %parallel_loop3A_430, %parallel_loop3A_431], %parallel_loop3A_208 {strides = array<i32>} : memref<10x32x128xf32, #tpu.memory_space<vmem>>, vector<16xf32>,
    } {sc.loop_unroll_factor = 2 : i64, sc.parallel_access}
    %dma_start3A = arith.constant 0 : i32
    %dma_start3A_13 = arith.constant 0 : i32
    %dma_start3A_14 = tpu.memref_slice %arg4[%dma_start3A, %dma_start3A_13, %mul3A_2] : memref<200x32x4096xf32, #tpu.memory_space<hbm>> -> memref<10x32x128xf32, #tpu.memory_space<hbm>>
    %dma_start3A_15 = arith.constant 0 : i32
    %dma_start3A_16 = arith.constant 0 : i32
    %dma_start3A_17 = tpu.memref_slice %arg4[%dma_start3A_15, %dma_start3A_16, %mul3A_2] : memref<200x32x4096xf32, #tpu.memory_space<hbm>> -> memref<10x32x128xf32, #tpu.memory_space<hbm>>
    tpu.enqueue_dma source(%arg8 : memref<10x32x128xf32, #tpu.memory_space<vmem>>) target(%dma_start3A_17 : memref<10x32x128xf32, #tpu.memory_space<hbm>>) target_semaphore(%arg10 : memref<!tpu.dma_semaphore, #tpu.memory_space<semaphore_mem>>)
    %scan3A_18 = arith.constant 0 : i32
    %scan3A_19 = arith.constant 0 : i32
    %scan3A_20 = arith.constant 9 : i32
    %scan3A_21 = arith.addi %scan3A_19, %scan3A_20 : i32
    %scan3A_22 = arith.constant 1 : i32
    scf.for %scan3A_44 = %scan3A_19 to %scan3A_21 step %scan3A_22  : i32 {
      %mul3A_45 = arith.constant 2 : i32
      %mul3A_46 = arith.muli %mul3A_45, %scan3A_44 : i32
      %add3A_47 = arith.constant 1 : i32
      %add3A_48 = arith.addi %mul3A_46, %add3A_47 : i32
      %mul3A_49 = arith.constant 2 : i32
      %mul3A_50 = arith.muli %mul3A_49, %scan3A_44 : i32
      %add3A_51 = arith.constant 2 : i32
      %add3A_52 = arith.addi %mul3A_50, %add3A_51 : i32
      %mul3A_53 = arith.constant 10 : i32
      %mul3A_54 = arith.muli %add3A_48, %mul3A_53 : i32
      %parallel_loop3A_55 = arith.constant 0 : i32
      %parallel_loop3A_56 = arith.constant 80 : i32
      %parallel_loop3A_57 = arith.constant 1 : i32
      scf.for %parallel_loop3A_89 = %parallel_loop3A_55 to %parallel_loop3A_56 step %parallel_loop3A_57  : i32 {
        %parallel_loop3A_90 = arith.constant 8 : i32
        %parallel_loop3A_91 = arith.divsi %parallel_loop3A_89, %parallel_loop3A_90 : i32
        %parallel_loop3A_92 = arith.constant 0 : i32
        %parallel_loop3A_93 = arith.cmpi sgt, %parallel_loop3A_89, %parallel_loop3A_92 : i32
        %parallel_loop3A_94 = arith.extui %parallel_loop3A_93 : i1 to i32
        %parallel_loop3A_95 = arith.constant 0 : i32
        %parallel_loop3A_96 = arith.cmpi slt, %parallel_loop3A_89, %parallel_loop3A_95 : i32
        %parallel_loop3A_97 = arith.extui %parallel_loop3A_96 : i1 to i32
        %parallel_loop3A_98 = arith.subi %parallel_loop3A_94, %parallel_loop3A_97 : i32
        %parallel_loop3A_99 = arith.constant 0 : i32
        %parallel_loop3A_100 = arith.cmpi sgt, %parallel_loop3A_90, %parallel_loop3A_99 : i32
        %parallel_loop3A_101 = arith.extui %parallel_loop3A_100 : i1 to i32
        %parallel_loop3A_102 = arith.constant 0 : i32
        %parallel_loop3A_103 = arith.cmpi slt, %parallel_loop3A_90, %parallel_loop3A_102 : i32
        %parallel_loop3A_104 = arith.extui %parallel_loop3A_103 : i1 to i32
        %parallel_loop3A_105 = arith.subi %parallel_loop3A_101, %parallel_loop3A_104 : i32
        %parallel_loop3A_106 = arith.cmpi ne, %parallel_loop3A_98, %parallel_loop3A_105 : i32
        %parallel_loop3A_107 = arith.remsi %parallel_loop3A_89, %parallel_loop3A_90 : i32
        %parallel_loop3A_108 = arith.constant 0 : i32
        %parallel_loop3A_109 = arith.cmpi ne, %parallel_loop3A_107, %parallel_loop3A_108 : i32
        %parallel_loop3A_110 = arith.andi %parallel_loop3A_106, %parallel_loop3A_109 : i1
        %parallel_loop3A_111 = arith.constant 1 : i32
        %parallel_loop3A_112 = arith.subi %parallel_loop3A_91, %parallel_loop3A_111 : i32
        %parallel_loop3A_113 = arith.select %parallel_loop3A_110, %parallel_loop3A_112, %parallel_loop3A_91 : i32
        %parallel_loop3A_114 = arith.constant 8 : i32
        %parallel_loop3A_115 = arith.muli %parallel_loop3A_113, %parallel_loop3A_114 : i32
        %parallel_loop3A_116 = arith.subi %parallel_loop3A_89, %parallel_loop3A_115 : i32
        %parallel_loop3A_117 = arith.addi %mul3A_54, %parallel_loop3A_113 : i32
        %parallel_loop3A_118 = arith.constant 128 : i32
        %parallel_loop3A_119 = arith.muli %parallel_loop3A_117, %parallel_loop3A_118 : i32
        %parallel_loop3A_120 = arith.constant 16 : i32
        %parallel_loop3A_121 = arith.muli %parallel_loop3A_116, %parallel_loop3A_120 : i32
        %parallel_loop3A_122 = arith.addi %parallel_loop3A_119, %parallel_loop3A_121 : i32
        %parallel_loop3A_123 = arith.index_cast %parallel_loop3A_122 : i32 to index
        %parallel_loop3A_124 = tpu.vector_load %arg7[%parallel_loop3A_123] {strides = array<i32>} : memref<25600xi32, #tpu.memory_space<vmem>>, vector<16xi32>,
        %parallel_loop3A_125 = arith.constant 0 : i32
        %parallel_loop3A_126 = vector.broadcast %parallel_loop3A_125 : i32 to vector<16xi32>
        %parallel_loop3A_127 = arith.addi %parallel_loop3A_124, %parallel_loop3A_126 : vector<16xi32>
        %parallel_loop3A_128 = tpu.vector_load_idx %arg5[%parallel_loop3A_127] : memref<1056xf32, #tpu.memory_space<vmem>>[vector<16xi32>], vector<16xf32>,
        %parallel_loop3A_129 = arith.constant 1 : i32
        %parallel_loop3A_130 = vector.broadcast %parallel_loop3A_129 : i32 to vector<16xi32>
        %parallel_loop3A_131 = arith.addi %parallel_loop3A_124, %parallel_loop3A_130 : vector<16xi32>
        %parallel_loop3A_132 = tpu.vector_load_idx %arg5[%parallel_loop3A_131] : memref<1056xf32, #tpu.memory_space<vmem>>[vector<16xi32>], vector<16xf32>,
        %parallel_loop3A_133 = arith.constant 2 : i32
        %parallel_loop3A_134 = vector.broadcast %parallel_loop3A_133 : i32 to vector<16xi32>
        %parallel_loop3A_135 = arith.addi %parallel_loop3A_124, %parallel_loop3A_134 : vector<16xi32>
        %parallel_loop3A_136 = tpu.vector_load_idx %arg5[%parallel_loop3A_135] : memref<1056xf32, #tpu.memory_space<vmem>>[vector<16xi32>], vector<16xf32>,
        %parallel_loop3A_137 = arith.constant 3 : i32
        %parallel_loop3A_138 = vector.broadcast %parallel_loop3A_137 : i32 to vector<16xi32>
        %parallel_loop3A_139 = arith.addi %parallel_loop3A_124, %parallel_loop3A_138 : vector<16xi32>
        %parallel_loop3A_140 = tpu.vector_load_idx %arg5[%parallel_loop3A_139] : memref<1056xf32, #tpu.memory_space<vmem>>[vector<16xi32>], vector<16xf32>,
        %parallel_loop3A_141 = arith.constant 4 : i32
        %parallel_loop3A_142 = vector.broadcast %parallel_loop3A_141 : i32 to vector<16xi32>
        %parallel_loop3A_143 = arith.addi %parallel_loop3A_124, %parallel_loop3A_142 : vector<16xi32>
        %parallel_loop3A_144 = tpu.vector_load_idx %arg5[%parallel_loop3A_143] : memref<1056xf32, #tpu.memory_space<vmem>>[vector<16xi32>], vector<16xf32>,
        %parallel_loop3A_145 = arith.constant 5 : i32
        %parallel_loop3A_146 = vector.broadcast %parallel_loop3A_145 : i32 to vector<16xi32>
        %parallel_loop3A_147 = arith.addi %parallel_loop3A_124, %parallel_loop3A_146 : vector<16xi32>
        %parallel_loop3A_148 = tpu.vector_load_idx %arg5[%parallel_loop3A_147] : memref<1056xf32, #tpu.memory_space<vmem>>[vector<16xi32>], vector<16xf32>,
        %parallel_loop3A_149 = arith.constant 6 : i32
        %parallel_loop3A_150 = vector.broadcast %parallel_loop3A_149 : i32 to vector<16xi32>
        %parallel_loop3A_151 = arith.addi %parallel_loop3A_124, %parallel_loop3A_150 : vector<16xi32>
        %parallel_loop3A_152 = tpu.vector_load_idx %arg5[%parallel_loop3A_151] : memref<1056xf32, #tpu.memory_space<vmem>>[vector<16xi32>], vector<16xf32>,
        %parallel_loop3A_153 = arith.constant 7 : i32
        %parallel_loop3A_154 = vector.broadcast %parallel_loop3A_153 : i32 to vector<16xi32>
        %parallel_loop3A_155 = arith.addi %parallel_loop3A_124, %parallel_loop3A_154 : vector<16xi32>
        %parallel_loop3A_156 = tpu.vector_load_idx %arg5[%parallel_loop3A_155] : memref<1056xf32, #tpu.memory_space<vmem>>[vector<16xi32>], vector<16xf32>,
        %parallel_loop3A_157 = arith.constant 8 : i32
        %parallel_loop3A_158 = vector.broadcast %parallel_loop3A_157 : i32 to vector<16xi32>
        %parallel_loop3A_159 = arith.addi %parallel_loop3A_124, %parallel_loop3A_158 : vector<16xi32>
        %parallel_loop3A_160 = tpu.vector_load_idx %arg5[%parallel_loop3A_159] : memref<1056xf32, #tpu.memory_space<vmem>>[vector<16xi32>], vector<16xf32>,
        %parallel_loop3A_161 = arith.constant 9 : i32
        %parallel_loop3A_162 = vector.broadcast %parallel_loop3A_161 : i32 to vector<16xi32>
        %parallel_loop3A_163 = arith.addi %parallel_loop3A_124, %parallel_loop3A_162 : vector<16xi32>
        %parallel_loop3A_164 = tpu.vector_load_idx %arg5[%parallel_loop3A_163] : memref<1056xf32, #tpu.memory_space<vmem>>[vector<16xi32>], vector<16xf32>,
        %parallel_loop3A_165 = arith.constant 10 : i32
        %parallel_loop3A_166 = vector.broadcast %parallel_loop3A_165 : i32 to vector<16xi32>
        %parallel_loop3A_167 = arith.addi %parallel_loop3A_124, %parallel_loop3A_166 : vector<16xi32>
        %parallel_loop3A_168 = tpu.vector_load_idx %arg5[%parallel_loop3A_167] : memref<1056xf32, #tpu.memory_space<vmem>>[vector<16xi32>], vector<16xf32>,
        %parallel_loop3A_169 = arith.constant 11 : i32
        %parallel_loop3A_170 = vector.broadcast %parallel_loop3A_169 : i32 to vector<16xi32>
        %parallel_loop3A_171 = arith.addi %parallel_loop3A_124, %parallel_loop3A_170 : vector<16xi32>
        %parallel_loop3A_172 = tpu.vector_load_idx %arg5[%parallel_loop3A_171] : memref<1056xf32, #tpu.memory_space<vmem>>[vector<16xi32>], vector<16xf32>,
        %parallel_loop3A_173 = arith.constant 12 : i32
        %parallel_loop3A_174 = vector.broadcast %parallel_loop3A_173 : i32 to vector<16xi32>
        %parallel_loop3A_175 = arith.addi %parallel_loop3A_124, %parallel_loop3A_174 : vector<16xi32>
        %parallel_loop3A_176 = tpu.vector_load_idx %arg5[%parallel_loop3A_175] : memref<1056xf32, #tpu.memory_space<vmem>>[vector<16xi32>], vector<16xf32>,
        %parallel_loop3A_177 = arith.constant 13 : i32
        %parallel_loop3A_178 = vector.broadcast %parallel_loop3A_177 : i32 to vector<16xi32>
        %parallel_loop3A_179 = arith.addi %parallel_loop3A_124, %parallel_loop3A_178 : vector<16xi32>
        %parallel_loop3A_180 = tpu.vector_load_idx %arg5[%parallel_loop3A_179] : memref<1056xf32, #tpu.memory_space<vmem>>[vector<16xi32>], vector<16xf32>,
        %parallel_loop3A_181 = arith.constant 14 : i32
        %parallel_loop3A_182 = vector.broadcast %parallel_loop3A_181 : i32 to vector<16xi32>
        %parallel_loop3A_183 = arith.addi %parallel_loop3A_124, %parallel_loop3A_182 : vector<16xi32>
        %parallel_loop3A_184 = tpu.vector_load_idx %arg5[%parallel_loop3A_183] : memref<1056xf32, #tpu.memory_space<vmem>>[vector<16xi32>], vector<16xf32>,
        %parallel_loop3A_185 = arith.constant 15 : i32
        %parallel_loop3A_186 = vector.broadcast %parallel_loop3A_185 : i32 to vector<16xi32>
        %parallel_loop3A_187 = arith.addi %parallel_loop3A_124, %parallel_loop3A_186 : vector<16xi32>
        %parallel_loop3A_188 = tpu.vector_load_idx %arg5[%parallel_loop3A_187] : memref<1056xf32, #tpu.memory_space<vmem>>[vector<16xi32>], vector<16xf32>,
        %parallel_loop3A_189 = arith.constant 16 : i32
        %parallel_loop3A_190 = vector.broadcast %parallel_loop3A_189 : i32 to vector<16xi32>
        %parallel_loop3A_191 = arith.addi %parallel_loop3A_124, %parallel_loop3A_190 : vector<16xi32>
        %parallel_loop3A_192 = tpu.vector_load_idx %arg5[%parallel_loop3A_191] : memref<1056xf32, #tpu.memory_space<vmem>>[vector<16xi32>], vector<16xf32>,
        %parallel_loop3A_193 = arith.constant 17 : i32
        %parallel_loop3A_194 = vector.broadcast %parallel_loop3A_193 : i32 to vector<16xi32>
        %parallel_loop3A_195 = arith.addi %parallel_loop3A_124, %parallel_loop3A_194 : vector<16xi32>
        %parallel_loop3A_196 = tpu.vector_load_idx %arg5[%parallel_loop3A_195] : memref<1056xf32, #tpu.memory_space<vmem>>[vector<16xi32>], vector<16xf32>,
        %parallel_loop3A_197 = arith.constant 18 : i32
        %parallel_loop3A_198 = vector.broadcast %parallel_loop3A_197 : i32 to vector<16xi32>
        %parallel_loop3A_199 = arith.addi %parallel_loop3A_124, %parallel_loop3A_198 : vector<16xi32>
        %parallel_loop3A_200 = tpu.vector_load_idx %arg5[%parallel_loop3A_199] : memref<1056xf32, #tpu.memory_space<vmem>>[vector<16xi32>], vector<16xf32>,
        %parallel_loop3A_201 = arith.constant 19 : i32
        %parallel_loop3A_202 = vector.broadcast %parallel_loop3A_201 : i32 to vector<16xi32>
        %parallel_loop3A_203 = arith.addi %parallel_loop3A_124, %parallel_loop3A_202 : vector<16xi32>
        %parallel_loop3A_204 = tpu.vector_load_idx %arg5[%parallel_loop3A_203] : memref<1056xf32, #tpu.memory_space<vmem>>[vector<16xi32>], vector<16xf32>,
        %parallel_loop3A_205 = arith.constant 20 : i32
        %parallel_loop3A_206 = vector.broadcast %parallel_loop3A_205 : i32 to vector<16xi32>
        %parallel_loop3A_207 = arith.addi %parallel_loop3A_124, %parallel_loop3A_206 : vector<16xi32>
        %parallel_loop3A_208 = tpu.vector_load_idx %arg5[%parallel_loop3A_207] : memref<1056xf32, #tpu.memory_space<vmem>>[vector<16xi32>], vector<16xf32>,
        %parallel_loop3A_209 = arith.constant 21 : i32
        %parallel_loop3A_210 = vector.broadcast %parallel_loop3A_209 : i32 to vector<16xi32>
        %parallel_loop3A_211 = arith.addi %parallel_loop3A_124, %parallel_loop3A_210 : vector<16xi32>
        %parallel_loop3A_212 = tpu.vector_load_idx %arg5[%parallel_loop3A_211] : memref<1056xf32, #tpu.memory_space<vmem>>[vector<16xi32>], vector<16xf32>,
        %parallel_loop3A_213 = arith.constant 22 : i32
        %parallel_loop3A_214 = vector.broadcast %parallel_loop3A_213 : i32 to vector<16xi32>
        %parallel_loop3A_215 = arith.addi %parallel_loop3A_124, %parallel_loop3A_214 : vector<16xi32>
        %parallel_loop3A_216 = tpu.vector_load_idx %arg5[%parallel_loop3A_215] : memref<1056xf32, #tpu.memory_space<vmem>>[vector<16xi32>], vector<16xf32>,
        %parallel_loop3A_217 = arith.constant 23 : i32
        %parallel_loop3A_218 = vector.broadcast %parallel_loop3A_217 : i32 to vector<16xi32>
        %parallel_loop3A_219 = arith.addi %parallel_loop3A_124, %parallel_loop3A_218 : vector<16xi32>
        %parallel_loop3A_220 = tpu.vector_load_idx %arg5[%parallel_loop3A_219] : memref<1056xf32, #tpu.memory_space<vmem>>[vector<16xi32>], vector<16xf32>,
        %parallel_loop3A_221 = arith.constant 24 : i32
        %parallel_loop3A_222 = vector.broadcast %parallel_loop3A_221 : i32 to vector<16xi32>
        %parallel_loop3A_223 = arith.addi %parallel_loop3A_124, %parallel_loop3A_222 : vector<16xi32>
        %parallel_loop3A_224 = tpu.vector_load_idx %arg5[%parallel_loop3A_223] : memref<1056xf32, #tpu.memory_space<vmem>>[vector<16xi32>], vector<16xf32>,
        %parallel_loop3A_225 = arith.constant 25 : i32
        %parallel_loop3A_226 = vector.broadcast %parallel_loop3A_225 : i32 to vector<16xi32>
        %parallel_loop3A_227 = arith.addi %parallel_loop3A_124, %parallel_loop3A_226 : vector<16xi32>
        %parallel_loop3A_228 = tpu.vector_load_idx %arg5[%parallel_loop3A_227] : memref<1056xf32, #tpu.memory_space<vmem>>[vector<16xi32>], vector<16xf32>,
        %parallel_loop3A_229 = arith.constant 26 : i32
        %parallel_loop3A_230 = vector.broadcast %parallel_loop3A_229 : i32 to vector<16xi32>
        %parallel_loop3A_231 = arith.addi %parallel_loop3A_124, %parallel_loop3A_230 : vector<16xi32>
        %parallel_loop3A_232 = tpu.vector_load_idx %arg5[%parallel_loop3A_231] : memref<1056xf32, #tpu.memory_space<vmem>>[vector<16xi32>], vector<16xf32>,
        %parallel_loop3A_233 = arith.constant 27 : i32
        %parallel_loop3A_234 = vector.broadcast %parallel_loop3A_233 : i32 to vector<16xi32>
        %parallel_loop3A_235 = arith.addi %parallel_loop3A_124, %parallel_loop3A_234 : vector<16xi32>
        %parallel_loop3A_236 = tpu.vector_load_idx %arg5[%parallel_loop3A_235] : memref<1056xf32, #tpu.memory_space<vmem>>[vector<16xi32>], vector<16xf32>,
        %parallel_loop3A_237 = arith.constant 28 : i32
        %parallel_loop3A_238 = vector.broadcast %parallel_loop3A_237 : i32 to vector<16xi32>
        %parallel_loop3A_239 = arith.addi %parallel_loop3A_124, %parallel_loop3A_238 : vector<16xi32>
        %parallel_loop3A_240 = tpu.vector_load_idx %arg5[%parallel_loop3A_239] : memref<1056xf32, #tpu.memory_space<vmem>>[vector<16xi32>], vector<16xf32>,
        %parallel_loop3A_241 = arith.constant 29 : i32
        %parallel_loop3A_242 = vector.broadcast %parallel_loop3A_241 : i32 to vector<16xi32>
        %parallel_loop3A_243 = arith.addi %parallel_loop3A_124, %parallel_loop3A_242 : vector<16xi32>
        %parallel_loop3A_244 = tpu.vector_load_idx %arg5[%parallel_loop3A_243] : memref<1056xf32, #tpu.memory_space<vmem>>[vector<16xi32>], vector<16xf32>,
        %parallel_loop3A_245 = arith.constant 30 : i32
        %parallel_loop3A_246 = vector.broadcast %parallel_loop3A_245 : i32 to vector<16xi32>
        %parallel_loop3A_247 = arith.addi %parallel_loop3A_124, %parallel_loop3A_246 : vector<16xi32>
        %parallel_loop3A_248 = tpu.vector_load_idx %arg5[%parallel_loop3A_247] : memref<1056xf32, #tpu.memory_space<vmem>>[vector<16xi32>], vector<16xf32>,
        %parallel_loop3A_249 = arith.constant 31 : i32
        %parallel_loop3A_250 = vector.broadcast %parallel_loop3A_249 : i32 to vector<16xi32>
        %parallel_loop3A_251 = arith.addi %parallel_loop3A_124, %parallel_loop3A_250 : vector<16xi32>
        %parallel_loop3A_252 = tpu.vector_load_idx %arg5[%parallel_loop3A_251] : memref<1056xf32, #tpu.memory_space<vmem>>[vector<16xi32>], vector<16xf32>,
        %parallel_loop3A_253 = arith.constant 16 : i32
        %parallel_loop3A_254 = arith.muli %parallel_loop3A_116, %parallel_loop3A_253 : i32
        %parallel_loop3A_255 = arith.constant 0 : i32
        %parallel_loop3A_256 = arith.index_cast %parallel_loop3A_113 : i32 to index
        %parallel_loop3A_257 = arith.index_cast %parallel_loop3A_255 : i32 to index
        %parallel_loop3A_258 = arith.index_cast %parallel_loop3A_254 : i32 to index
        %parallel_loop3A_259 = tpu.vector_load %arg9[%parallel_loop3A_256, %parallel_loop3A_257, %parallel_loop3A_258] {strides = array<i32>} : memref<10x32x128xf32, #tpu.memory_space<vmem>>, vector<16xf32>,
        tpu.vector_store %arg9[%parallel_loop3A_256, %parallel_loop3A_257, %parallel_loop3A_258], %parallel_loop3A_128 {strides = array<i32>} : memref<10x32x128xf32, #tpu.memory_space<vmem>>, vector<16xf32>,
        %parallel_loop3A_260 = arith.constant 16 : i32
        %parallel_loop3A_261 = arith.muli %parallel_loop3A_116, %parallel_loop3A_260 : i32
        %parallel_loop3A_262 = arith.constant 1 : i32
        %parallel_loop3A_263 = arith.index_cast %parallel_loop3A_113 : i32 to index
        %parallel_loop3A_264 = arith.index_cast %parallel_loop3A_262 : i32 to index
        %parallel_loop3A_265 = arith.index_cast %parallel_loop3A_261 : i32 to index
        %parallel_loop3A_266 = tpu.vector_load %arg9[%parallel_loop3A_263, %parallel_loop3A_264, %parallel_loop3A_265] {strides = array<i32>} : memref<10x32x128xf32, #tpu.memory_space<vmem>>, vector<16xf32>,
        tpu.vector_store %arg9[%parallel_loop3A_263, %parallel_loop3A_264, %parallel_loop3A_265], %parallel_loop3A_132 {strides = array<i32>} : memref<10x32x128xf32, #tpu.memory_space<vmem>>, vector<16xf32>,
        %parallel_loop3A_267 = arith.constant 16 : i32
        %parallel_loop3A_268 = arith.muli %parallel_loop3A_116, %parallel_loop3A_267 : i32
        %parallel_loop3A_269 = arith.constant 2 : i32
        %parallel_loop3A_270 = arith.index_cast %parallel_loop3A_113 : i32 to index
        %parallel_loop3A_271 = arith.index_cast %parallel_loop3A_269 : i32 to index
        %parallel_loop3A_272 = arith.index_cast %parallel_loop3A_268 : i32 to index
        %parallel_loop3A_273 = tpu.vector_load %arg9[%parallel_loop3A_270, %parallel_loop3A_271, %parallel_loop3A_272] {strides = array<i32>} : memref<10x32x128xf32, #tpu.memory_space<vmem>>, vector<16xf32>,
        tpu.vector_store %arg9[%parallel_loop3A_270, %parallel_loop3A_271, %parallel_loop3A_272], %parallel_loop3A_136 {strides = array<i32>} : memref<10x32x128xf32, #tpu.memory_space<vmem>>, vector<16xf32>,
        %parallel_loop3A_274 = arith.constant 16 : i32
        %parallel_loop3A_275 = arith.muli %parallel_loop3A_116, %parallel_loop3A_274 : i32
        %parallel_loop3A_276 = arith.constant 3 : i32
        %parallel_loop3A_277 = arith.index_cast %parallel_loop3A_113 : i32 to index
        %parallel_loop3A_278 = arith.index_cast %parallel_loop3A_276 : i32 to index
        %parallel_loop3A_279 = arith.index_cast %parallel_loop3A_275 : i32 to index
        %parallel_loop3A_280 = tpu.vector_load %arg9[%parallel_loop3A_277, %parallel_loop3A_278, %parallel_loop3A_279] {strides = array<i32>} : memref<10x32x128xf32, #tpu.memory_space<vmem>>, vector<16xf32>,
        tpu.vector_store %arg9[%parallel_loop3A_277, %parallel_loop3A_278, %parallel_loop3A_279], %parallel_loop3A_140 {strides = array<i32>} : memref<10x32x128xf32, #tpu.memory_space<vmem>>, vector<16xf32>,
        %parallel_loop3A_281 = arith.constant 16 : i32
        %parallel_loop3A_282 = arith.muli %parallel_loop3A_116, %parallel_loop3A_281 : i32
        %parallel_loop3A_283 = arith.constant 4 : i32
        %parallel_loop3A_284 = arith.index_cast %parallel_loop3A_113 : i32 to index
        %parallel_loop3A_285 = arith.index_cast %parallel_loop3A_283 : i32 to index
        %parallel_loop3A_286 = arith.index_cast %parallel_loop3A_282 : i32 to index
        %parallel_loop3A_287 = tpu.vector_load %arg9[%parallel_loop3A_284, %parallel_loop3A_285, %parallel_loop3A_286] {strides = array<i32>} : memref<10x32x128xf32, #tpu.memory_space<vmem>>, vector<16xf32>,
        tpu.vector_store %arg9[%parallel_loop3A_284, %parallel_loop3A_285, %parallel_loop3A_286], %parallel_loop3A_144 {strides = array<i32>} : memref<10x32x128xf32, #tpu.memory_space<vmem>>, vector<16xf32>,
        %parallel_loop3A_288 = arith.constant 16 : i32
        %parallel_loop3A_289 = arith.muli %parallel_loop3A_116, %parallel_loop3A_288 : i32
        %parallel_loop3A_290 = arith.constant 5 : i32
        %parallel_loop3A_291 = arith.index_cast %parallel_loop3A_113 : i32 to index
        %parallel_loop3A_292 = arith.index_cast %parallel_loop3A_290 : i32 to index
        %parallel_loop3A_293 = arith.index_cast %parallel_loop3A_289 : i32 to index
        %parallel_loop3A_294 = tpu.vector_load %arg9[%parallel_loop3A_291, %parallel_loop3A_292, %parallel_loop3A_293] {strides = array<i32>} : memref<10x32x128xf32, #tpu.memory_space<vmem>>, vector<16xf32>,
        tpu.vector_store %arg9[%parallel_loop3A_291, %parallel_loop3A_292, %parallel_loop3A_293], %parallel_loop3A_148 {strides = array<i32>} : memref<10x32x128xf32, #tpu.memory_space<vmem>>, vector<16xf32>,
        %parallel_loop3A_295 = arith.constant 16 : i32
        %parallel_loop3A_296 = arith.muli %parallel_loop3A_116, %parallel_loop3A_295 : i32
        %parallel_loop3A_297 = arith.constant 6 : i32
        %parallel_loop3A_298 = arith.index_cast %parallel_loop3A_113 : i32 to index
        %parallel_loop3A_299 = arith.index_cast %parallel_loop3A_297 : i32 to index
        %parallel_loop3A_300 = arith.index_cast %parallel_loop3A_296 : i32 to index
        %parallel_loop3A_301 = tpu.vector_load %arg9[%parallel_loop3A_298, %parallel_loop3A_299, %parallel_loop3A_300] {strides = array<i32>} : memref<10x32x128xf32, #tpu.memory_space<vmem>>, vector<16xf32>,
        tpu.vector_store %arg9[%parallel_loop3A_298, %parallel_loop3A_299, %parallel_loop3A_300], %parallel_loop3A_152 {strides = array<i32>} : memref<10x32x128xf32, #tpu.memory_space<vmem>>, vector<16xf32>,
        %parallel_loop3A_302 = arith.constant 16 : i32
        %parallel_loop3A_303 = arith.muli %parallel_loop3A_116, %parallel_loop3A_302 : i32
        %parallel_loop3A_304 = arith.constant 7 : i32
        %parallel_loop3A_305 = arith.index_cast %parallel_loop3A_113 : i32 to index
        %parallel_loop3A_306 = arith.index_cast %parallel_loop3A_304 : i32 to index
        %parallel_loop3A_307 = arith.index_cast %parallel_loop3A_303 : i32 to index
        %parallel_loop3A_308 = tpu.vector_load %arg9[%parallel_loop3A_305, %parallel_loop3A_306, %parallel_loop3A_307] {strides = array<i32>} : memref<10x32x128xf32, #tpu.memory_space<vmem>>, vector<16xf32>,
        tpu.vector_store %arg9[%parallel_loop3A_305, %parallel_loop3A_306, %parallel_loop3A_307], %parallel_loop3A_156 {strides = array<i32>} : memref<10x32x128xf32, #tpu.memory_space<vmem>>, vector<16xf32>,
        %parallel_loop3A_309 = arith.constant 16 : i32
        %parallel_loop3A_310 = arith.muli %parallel_loop3A_116, %parallel_loop3A_309 : i32
        %parallel_loop3A_311 = arith.constant 8 : i32
        %parallel_loop3A_312 = arith.index_cast %parallel_loop3A_113 : i32 to index
        %parallel_loop3A_313 = arith.index_cast %parallel_loop3A_311 : i32 to index
        %parallel_loop3A_314 = arith.index_cast %parallel_loop3A_310 : i32 to index
        %parallel_loop3A_315 = tpu.vector_load %arg9[%parallel_loop3A_312, %parallel_loop3A_313, %parallel_loop3A_314] {strides = array<i32>} : memref<10x32x128xf32, #tpu.memory_space<vmem>>, vector<16xf32>,
        tpu.vector_store %arg9[%parallel_loop3A_312, %parallel_loop3A_313, %parallel_loop3A_314], %parallel_loop3A_160 {strides = array<i32>} : memref<10x32x128xf32, #tpu.memory_space<vmem>>, vector<16xf32>,
        %parallel_loop3A_316 = arith.constant 16 : i32
        %parallel_loop3A_317 = arith.muli %parallel_loop3A_116, %parallel_loop3A_316 : i32
        %parallel_loop3A_318 = arith.constant 9 : i32
        %parallel_loop3A_319 = arith.index_cast %parallel_loop3A_113 : i32 to index
        %parallel_loop3A_320 = arith.index_cast %parallel_loop3A_318 : i32 to index
        %parallel_loop3A_321 = arith.index_cast %parallel_loop3A_317 : i32 to index
        %parallel_loop3A_322 = tpu.vector_load %arg9[%parallel_loop3A_319, %parallel_loop3A_320, %parallel_loop3A_321] {strides = array<i32>} : memref<10x32x128xf32, #tpu.memory_space<vmem>>, vector<16xf32>,
        tpu.vector_store %arg9[%parallel_loop3A_319, %parallel_loop3A_320, %parallel_loop3A_321], %parallel_loop3A_164 {strides = array<i32>} : memref<10x32x128xf32, #tpu.memory_space<vmem>>, vector<16xf32>,
        %parallel_loop3A_323 = arith.constant 16 : i32
        %parallel_loop3A_324 = arith.muli %parallel_loop3A_116, %parallel_loop3A_323 : i32
        %parallel_loop3A_325 = arith.constant 10 : i32
        %parallel_loop3A_326 = arith.index_cast %parallel_loop3A_113 : i32 to index
        %parallel_loop3A_327 = arith.index_cast %parallel_loop3A_325 : i32 to index
        %parallel_loop3A_328 = arith.index_cast %parallel_loop3A_324 : i32 to index
        %parallel_loop3A_329 = tpu.vector_load %arg9[%parallel_loop3A_326, %parallel_loop3A_327, %parallel_loop3A_328] {strides = array<i32>} : memref<10x32x128xf32, #tpu.memory_space<vmem>>, vector<16xf32>,
        tpu.vector_store %arg9[%parallel_loop3A_326, %parallel_loop3A_327, %parallel_loop3A_328], %parallel_loop3A_168 {strides = array<i32>} : memref<10x32x128xf32, #tpu.memory_space<vmem>>, vector<16xf32>,
        %parallel_loop3A_330 = arith.constant 16 : i32
        %parallel_loop3A_331 = arith.muli %parallel_loop3A_116, %parallel_loop3A_330 : i32
        %parallel_loop3A_332 = arith.constant 11 : i32
        %parallel_loop3A_333 = arith.index_cast %parallel_loop3A_113 : i32 to index
        %parallel_loop3A_334 = arith.index_cast %parallel_loop3A_332 : i32 to index
        %parallel_loop3A_335 = arith.index_cast %parallel_loop3A_331 : i32 to index
        %parallel_loop3A_336 = tpu.vector_load %arg9[%parallel_loop3A_333, %parallel_loop3A_334, %parallel_loop3A_335] {strides = array<i32>} : memref<10x32x128xf32, #tpu.memory_space<vmem>>, vector<16xf32>,
        tpu.vector_store %arg9[%parallel_loop3A_333, %parallel_loop3A_334, %parallel_loop3A_335], %parallel_loop3A_172 {strides = array<i32>} : memref<10x32x128xf32, #tpu.memory_space<vmem>>, vector<16xf32>,
        %parallel_loop3A_337 = arith.constant 16 : i32
        %parallel_loop3A_338 = arith.muli %parallel_loop3A_116, %parallel_loop3A_337 : i32
        %parallel_loop3A_339 = arith.constant 12 : i32
        %parallel_loop3A_340 = arith.index_cast %parallel_loop3A_113 : i32 to index
        %parallel_loop3A_341 = arith.index_cast %parallel_loop3A_339 : i32 to index
        %parallel_loop3A_342 = arith.index_cast %parallel_loop3A_338 : i32 to index
        %parallel_loop3A_343 = tpu.vector_load %arg9[%parallel_loop3A_340, %parallel_loop3A_341, %parallel_loop3A_342] {strides = array<i32>} : memref<10x32x128xf32, #tpu.memory_space<vmem>>, vector<16xf32>,
        tpu.vector_store %arg9[%parallel_loop3A_340, %parallel_loop3A_341, %parallel_loop3A_342], %parallel_loop3A_176 {strides = array<i32>} : memref<10x32x128xf32, #tpu.memory_space<vmem>>, vector<16xf32>,
        %parallel_loop3A_344 = arith.constant 16 : i32
        %parallel_loop3A_345 = arith.muli %parallel_loop3A_116, %parallel_loop3A_344 : i32
        %parallel_loop3A_346 = arith.constant 13 : i32
        %parallel_loop3A_347 = arith.index_cast %parallel_loop3A_113 : i32 to index
        %parallel_loop3A_348 = arith.index_cast %parallel_loop3A_346 : i32 to index
        %parallel_loop3A_349 = arith.index_cast %parallel_loop3A_345 : i32 to index
        %parallel_loop3A_350 = tpu.vector_load %arg9[%parallel_loop3A_347, %parallel_loop3A_348, %parallel_loop3A_349] {strides = array<i32>} : memref<10x32x128xf32, #tpu.memory_space<vmem>>, vector<16xf32>,
        tpu.vector_store %arg9[%parallel_loop3A_347, %parallel_loop3A_348, %parallel_loop3A_349], %parallel_loop3A_180 {strides = array<i32>} : memref<10x32x128xf32, #tpu.memory_space<vmem>>, vector<16xf32>,
        %parallel_loop3A_351 = arith.constant 16 : i32
        %parallel_loop3A_352 = arith.muli %parallel_loop3A_116, %parallel_loop3A_351 : i32
        %parallel_loop3A_353 = arith.constant 14 : i32
        %parallel_loop3A_354 = arith.index_cast %parallel_loop3A_113 : i32 to index
        %parallel_loop3A_355 = arith.index_cast %parallel_loop3A_353 : i32 to index
        %parallel_loop3A_356 = arith.index_cast %parallel_loop3A_352 : i32 to index
        %parallel_loop3A_357 = tpu.vector_load %arg9[%parallel_loop3A_354, %parallel_loop3A_355, %parallel_loop3A_356] {strides = array<i32>} : memref<10x32x128xf32, #tpu.memory_space<vmem>>, vector<16xf32>,
        tpu.vector_store %arg9[%parallel_loop3A_354, %parallel_loop3A_355, %parallel_loop3A_356], %parallel_loop3A_184 {strides = array<i32>} : memref<10x32x128xf32, #tpu.memory_space<vmem>>, vector<16xf32>,
        %parallel_loop3A_358 = arith.constant 16 : i32
        %parallel_loop3A_359 = arith.muli %parallel_loop3A_116, %parallel_loop3A_358 : i32
        %parallel_loop3A_360 = arith.constant 15 : i32
        %parallel_loop3A_361 = arith.index_cast %parallel_loop3A_113 : i32 to index
        %parallel_loop3A_362 = arith.index_cast %parallel_loop3A_360 : i32 to index
        %parallel_loop3A_363 = arith.index_cast %parallel_loop3A_359 : i32 to index
        %parallel_loop3A_364 = tpu.vector_load %arg9[%parallel_loop3A_361, %parallel_loop3A_362, %parallel_loop3A_363] {strides = array<i32>} : memref<10x32x128xf32, #tpu.memory_space<vmem>>, vector<16xf32>,
        tpu.vector_store %arg9[%parallel_loop3A_361, %parallel_loop3A_362, %parallel_loop3A_363], %parallel_loop3A_188 {strides = array<i32>} : memref<10x32x128xf32, #tpu.memory_space<vmem>>, vector<16xf32>,
        %parallel_loop3A_365 = arith.constant 16 : i32
        %parallel_loop3A_366 = arith.muli %parallel_loop3A_116, %parallel_loop3A_365 : i32
        %parallel_loop3A_367 = arith.constant 16 : i32
        %parallel_loop3A_368 = arith.index_cast %parallel_loop3A_113 : i32 to index
        %parallel_loop3A_369 = arith.index_cast %parallel_loop3A_367 : i32 to index
        %parallel_loop3A_370 = arith.index_cast %parallel_loop3A_366 : i32 to index
        %parallel_loop3A_371 = tpu.vector_load %arg9[%parallel_loop3A_368, %parallel_loop3A_369, %parallel_loop3A_370] {strides = array<i32>} : memref<10x32x128xf32, #tpu.memory_space<vmem>>, vector<16xf32>,
        tpu.vector_store %arg9[%parallel_loop3A_368, %parallel_loop3A_369, %parallel_loop3A_370], %parallel_loop3A_192 {strides = array<i32>} : memref<10x32x128xf32, #tpu.memory_space<vmem>>, vector<16xf32>,
        %parallel_loop3A_372 = arith.constant 16 : i32
        %parallel_loop3A_373 = arith.muli %parallel_loop3A_116, %parallel_loop3A_372 : i32
        %parallel_loop3A_374 = arith.constant 17 : i32
        %parallel_loop3A_375 = arith.index_cast %parallel_loop3A_113 : i32 to index
        %parallel_loop3A_376 = arith.index_cast %parallel_loop3A_374 : i32 to index
        %parallel_loop3A_377 = arith.index_cast %parallel_loop3A_373 : i32 to index
        %parallel_loop3A_378 = tpu.vector_load %arg9[%parallel_loop3A_375, %parallel_loop3A_376, %parallel_loop3A_377] {strides = array<i32>} : memref<10x32x128xf32, #tpu.memory_space<vmem>>, vector<16xf32>,
        tpu.vector_store %arg9[%parallel_loop3A_375, %parallel_loop3A_376, %parallel_loop3A_377], %parallel_loop3A_196 {strides = array<i32>} : memref<10x32x128xf32, #tpu.memory_space<vmem>>, vector<16xf32>,
        %parallel_loop3A_379 = arith.constant 16 : i32
        %parallel_loop3A_380 = arith.muli %parallel_loop3A_116, %parallel_loop3A_379 : i32
        %parallel_loop3A_381 = arith.constant 18 : i32
        %parallel_loop3A_382 = arith.index_cast %parallel_loop3A_113 : i32 to index
        %parallel_loop3A_383 = arith.index_cast %parallel_loop3A_381 : i32 to index
        %parallel_loop3A_384 = arith.index_cast %parallel_loop3A_380 : i32 to index
        %parallel_loop3A_385 = tpu.vector_load %arg9[%parallel_loop3A_382, %parallel_loop3A_383, %parallel_loop3A_384] {strides = array<i32>} : memref<10x32x128xf32, #tpu.memory_space<vmem>>, vector<16xf32>,
        tpu.vector_store %arg9[%parallel_loop3A_382, %parallel_loop3A_383, %parallel_loop3A_384], %parallel_loop3A_200 {strides = array<i32>} : memref<10x32x128xf32, #tpu.memory_space<vmem>>, vector<16xf32>,
        %parallel_loop3A_386 = arith.constant 16 : i32
        %parallel_loop3A_387 = arith.muli %parallel_loop3A_116, %parallel_loop3A_386 : i32
        %parallel_loop3A_388 = arith.constant 19 : i32
        %parallel_loop3A_389 = arith.index_cast %parallel_loop3A_113 : i32 to index
        %parallel_loop3A_390 = arith.index_cast %parallel_loop3A_388 : i32 to index
        %parallel_loop3A_391 = arith.index_cast %parallel_loop3A_387 : i32 to index
        %parallel_loop3A_392 = tpu.vector_load %arg9[%parallel_loop3A_389, %parallel_loop3A_390, %parallel_loop3A_391] {strides = array<i32>} : memref<10x32x128xf32, #tpu.memory_space<vmem>>, vector<16xf32>,
        tpu.vector_store %arg9[%parallel_loop3A_389, %parallel_loop3A_390, %parallel_loop3A_391], %parallel_loop3A_204 {strides = array<i32>} : memref<10x32x128xf32, #tpu.memory_space<vmem>>, vector<16xf32>,
        %parallel_loop3A_393 = arith.constant 16 : i32
        %parallel_loop3A_394 = arith.muli %parallel_loop3A_116, %parallel_loop3A_393 : i32
        %parallel_loop3A_395 = arith.constant 20 : i32
        %parallel_loop3A_396 = arith.index_cast %parallel_loop3A_113 : i32 to index
        %parallel_loop3A_397 = arith.index_cast %parallel_loop3A_395 : i32 to index
        %parallel_loop3A_398 = arith.index_cast %parallel_loop3A_394 : i32 to index
        %parallel_loop3A_399 = tpu.vector_load %arg9[%parallel_loop3A_396, %parallel_loop3A_397, %parallel_loop3A_398] {strides = array<i32>} : memref<10x32x128xf32, #tpu.memory_space<vmem>>, vector<16xf32>,
        tpu.vector_store %arg9[%parallel_loop3A_396, %parallel_loop3A_397, %parallel_loop3A_398], %parallel_loop3A_208 {strides = array<i32>} : memref<10x32x128xf32, #tpu.memory_space<vmem>>, vector<16xf32>,
        %parallel_loop3A_400 = arith.constant 16 : i32
        %parallel_loop3A_401 = arith.muli %parallel_loop3A_116, %parallel_loop3A_400 : i32
        %parallel_loop3A_402 = arith.constant 21 : i32
        %parallel_loop3A_403 = arith.index_cast %parallel_loop3A_113 : i32 to index
        %parallel_loop3A_404 = arith.index_cast %parallel_loop3A_402 : i32 to index
        %parallel_loop3A_405 = arith.index_cast %parallel_loop3A_401 : i32 to index
        %parallel_loop3A_406 = tpu.vector_load %arg9[%parallel_loop3A_403, %parallel_loop3A_404, %parallel_loop3A_405] {strides = array<i32>} : memref<10x32x128xf32, #tpu.memory_space<vmem>>, vector<16xf32>,
        tpu.vector_store %arg9[%parallel_loop3A_403, %parallel_loop3A_404, %parallel_loop3A_405], %parallel_loop3A_212 {strides = array<i32>} : memref<10x32x128xf32, #tpu.memory_space<vmem>>, vector<16xf32>,
        %parallel_loop3A_407 = arith.constant 16 : i32
        %parallel_loop3A_408 = arith.muli %parallel_loop3A_116, %parallel_loop3A_407 : i32
        %parallel_loop3A_409 = arith.constant 22 : i32
        %parallel_loop3A_410 = arith.index_cast %parallel_loop3A_113 : i32 to index
        %parallel_loop3A_411 = arith.index_cast %parallel_loop3A_409 : i32 to index
        %parallel_loop3A_412 = arith.index_cast %parallel_loop3A_408 : i32 to index
        %parallel_loop3A_413 = tpu.vector_load %arg9[%parallel_loop3A_410, %parallel_loop3A_411, %parallel_loop3A_412] {strides = array<i32>} : memref<10x32x128xf32, #tpu.memory_space<vmem>>, vector<16xf32>,
        tpu.vector_store %arg9[%parallel_loop3A_410, %parallel_loop3A_411, %parallel_loop3A_412], %parallel_loop3A_216 {strides = array<i32>} : memref<10x32x128xf32, #tpu.memory_space<vmem>>, vector<16xf32>,
        %parallel_loop3A_414 = arith.constant 16 : i32
        %parallel_loop3A_415 = arith.muli %parallel_loop3A_116, %parallel_loop3A_414 : i32
        %parallel_loop3A_416 = arith.constant 23 : i32
        %parallel_loop3A_417 = arith.index_cast %parallel_loop3A_113 : i32 to index
        %parallel_loop3A_418 = arith.index_cast %parallel_loop3A_416 : i32 to index
        %parallel_loop3A_419 = arith.index_cast %parallel_loop3A_415 : i32 to index
        %parallel_loop3A_420 = tpu.vector_load %arg9[%parallel_loop3A_417, %parallel_loop3A_418, %parallel_loop3A_419] {strides = array<i32>} : memref<10x32x128xf32, #tpu.memory_space<vmem>>, vector<16xf32>,
        tpu.vector_store %arg9[%parallel_loop3A_417, %parallel_loop3A_418, %parallel_loop3A_419], %parallel_loop3A_220 {strides = array<i32>} : memref<10x32x128xf32, #tpu.memory_space<vmem>>, vector<16xf32>,
        %parallel_loop3A_421 = arith.constant 16 : i32
        %parallel_loop3A_422 = arith.muli %parallel_loop3A_116, %parallel_loop3A_421 : i32
        %parallel_loop3A_423 = arith.constant 24 : i32
        %parallel_loop3A_424 = arith.index_cast %parallel_loop3A_113 : i32 to index
        %parallel_loop3A_425 = arith.index_cast %parallel_loop3A_423 : i32 to index
        %parallel_loop3A_426 = arith.index_cast %parallel_loop3A_422 : i32 to index
        %parallel_loop3A_427 = tpu.vector_load %arg9[%parallel_loop3A_424, %parallel_loop3A_425, %parallel_loop3A_426] {strides = array<i32>} : memref<10x32x128xf32, #tpu.memory_space<vmem>>, vector<16xf32>,
        tpu.vector_store %arg9[%parallel_loop3A_424, %parallel_loop3A_425, %parallel_loop3A_426], %parallel_loop3A_224 {strides = array<i32>} : memref<10x32x128xf32, #tpu.memory_space<vmem>>, vector<16xf32>,
        %parallel_loop3A_428 = arith.constant 16 : i32
        %parallel_loop3A_429 = arith.muli %parallel_loop3A_116, %parallel_loop3A_428 : i32
        %parallel_loop3A_430 = arith.constant 25 : i32
        %parallel_loop3A_431 = arith.index_cast %parallel_loop3A_113 : i32 to index
        %parallel_loop3A_432 = arith.index_cast %parallel_loop3A_430 : i32 to index
        %parallel_loop3A_433 = arith.index_cast %parallel_loop3A_429 : i32 to index
        %parallel_loop3A_434 = tpu.vector_load %arg9[%parallel_loop3A_431, %parallel_loop3A_432, %parallel_loop3A_433] {strides = array<i32>} : memref<10x32x128xf32, #tpu.memory_space<vmem>>, vector<16xf32>,
        tpu.vector_store %arg9[%parallel_loop3A_431, %parallel_loop3A_432, %parallel_loop3A_433], %parallel_loop3A_228 {strides = array<i32>} : memref<10x32x128xf32, #tpu.memory_space<vmem>>, vector<16xf32>,
        %parallel_loop3A_435 = arith.constant 16 : i32
        %parallel_loop3A_436 = arith.muli %parallel_loop3A_116, %parallel_loop3A_435 : i32
        %parallel_loop3A_437 = arith.constant 26 : i32
        %parallel_loop3A_438 = arith.index_cast %parallel_loop3A_113 : i32 to index
        %parallel_loop3A_439 = arith.index_cast %parallel_loop3A_437 : i32 to index
        %parallel_loop3A_440 = arith.index_cast %parallel_loop3A_436 : i32 to index
        %parallel_loop3A_441 = tpu.vector_load %arg9[%parallel_loop3A_438, %parallel_loop3A_439, %parallel_loop3A_440] {strides = array<i32>} : memref<10x32x128xf32, #tpu.memory_space<vmem>>, vector<16xf32>,
        tpu.vector_store %arg9[%parallel_loop3A_438, %parallel_loop3A_439, %parallel_loop3A_440], %parallel_loop3A_232 {strides = array<i32>} : memref<10x32x128xf32, #tpu.memory_space<vmem>>, vector<16xf32>,
        %parallel_loop3A_442 = arith.constant 16 : i32
        %parallel_loop3A_443 = arith.muli %parallel_loop3A_116, %parallel_loop3A_442 : i32
        %parallel_loop3A_444 = arith.constant 27 : i32
        %parallel_loop3A_445 = arith.index_cast %parallel_loop3A_113 : i32 to index
        %parallel_loop3A_446 = arith.index_cast %parallel_loop3A_444 : i32 to index
        %parallel_loop3A_447 = arith.index_cast %parallel_loop3A_443 : i32 to index
        %parallel_loop3A_448 = tpu.vector_load %arg9[%parallel_loop3A_445, %parallel_loop3A_446, %parallel_loop3A_447] {strides = array<i32>} : memref<10x32x128xf32, #tpu.memory_space<vmem>>, vector<16xf32>,
        tpu.vector_store %arg9[%parallel_loop3A_445, %parallel_loop3A_446, %parallel_loop3A_447], %parallel_loop3A_236 {strides = array<i32>} : memref<10x32x128xf32, #tpu.memory_space<vmem>>, vector<16xf32>,
        %parallel_loop3A_449 = arith.constant 16 : i32
        %parallel_loop3A_450 = arith.muli %parallel_loop3A_116, %parallel_loop3A_449 : i32
        %parallel_loop3A_451 = arith.constant 28 : i32
        %parallel_loop3A_452 = arith.index_cast %parallel_loop3A_113 : i32 to index
        %parallel_loop3A_453 = arith.index_cast %parallel_loop3A_451 : i32 to index
        %parallel_loop3A_454 = arith.index_cast %parallel_loop3A_450 : i32 to index
        %parallel_loop3A_455 = tpu.vector_load %arg9[%parallel_loop3A_452, %parallel_loop3A_453, %parallel_loop3A_454] {strides = array<i32>} : memref<10x32x128xf32, #tpu.memory_space<vmem>>, vector<16xf32>,
        tpu.vector_store %arg9[%parallel_loop3A_452, %parallel_loop3A_453, %parallel_loop3A_454], %parallel_loop3A_240 {strides = array<i32>} : memref<10x32x128xf32, #tpu.memory_space<vmem>>, vector<16xf32>,
        %parallel_loop3A_456 = arith.constant 16 : i32
        %parallel_loop3A_457 = arith.muli %parallel_loop3A_116, %parallel_loop3A_456 : i32
        %parallel_loop3A_458 = arith.constant 29 : i32
        %parallel_loop3A_459 = arith.index_cast %parallel_loop3A_113 : i32 to index
        %parallel_loop3A_460 = arith.index_cast %parallel_loop3A_458 : i32 to index
        %parallel_loop3A_461 = arith.index_cast %parallel_loop3A_457 : i32 to index
        %parallel_loop3A_462 = tpu.vector_load %arg9[%parallel_loop3A_459, %parallel_loop3A_460, %parallel_loop3A_461] {strides = array<i32>} : memref<10x32x128xf32, #tpu.memory_space<vmem>>, vector<16xf32>,
        tpu.vector_store %arg9[%parallel_loop3A_459, %parallel_loop3A_460, %parallel_loop3A_461], %parallel_loop3A_244 {strides = array<i32>} : memref<10x32x128xf32, #tpu.memory_space<vmem>>, vector<16xf32>,
        %parallel_loop3A_463 = arith.constant 16 : i32
        %parallel_loop3A_464 = arith.muli %parallel_loop3A_116, %parallel_loop3A_463 : i32
        %parallel_loop3A_465 = arith.constant 30 : i32
        %parallel_loop3A_466 = arith.index_cast %parallel_loop3A_113 : i32 to index
        %parallel_loop3A_467 = arith.index_cast %parallel_loop3A_465 : i32 to index
        %parallel_loop3A_468 = arith.index_cast %parallel_loop3A_464 : i32 to index
        %parallel_loop3A_469 = tpu.vector_load %arg9[%parallel_loop3A_466, %parallel_loop3A_467, %parallel_loop3A_468] {strides = array<i32>} : memref<10x32x128xf32, #tpu.memory_space<vmem>>, vector<16xf32>,
        tpu.vector_store %arg9[%parallel_loop3A_466, %parallel_loop3A_467, %parallel_loop3A_468], %parallel_loop3A_248 {strides = array<i32>} : memref<10x32x128xf32, #tpu.memory_space<vmem>>, vector<16xf32>,
        %parallel_loop3A_470 = arith.constant 16 : i32
        %parallel_loop3A_471 = arith.muli %parallel_loop3A_116, %parallel_loop3A_470 : i32
        %parallel_loop3A_472 = arith.constant 31 : i32
        %parallel_loop3A_473 = arith.index_cast %parallel_loop3A_113 : i32 to index
        %parallel_loop3A_474 = arith.index_cast %parallel_loop3A_472 : i32 to index
        %parallel_loop3A_475 = arith.index_cast %parallel_loop3A_471 : i32 to index
        %parallel_loop3A_476 = tpu.vector_load %arg9[%parallel_loop3A_473, %parallel_loop3A_474, %parallel_loop3A_475] {strides = array<i32>} : memref<10x32x128xf32, #tpu.memory_space<vmem>>, vector<16xf32>,
        tpu.vector_store %arg9[%parallel_loop3A_473, %parallel_loop3A_474, %parallel_loop3A_475], %parallel_loop3A_252 {strides = array<i32>} : memref<10x32x128xf32, #tpu.memory_space<vmem>>, vector<16xf32>,
      } {sc.loop_unroll_factor = 2 : i64, sc.parallel_access}
      %mul3A_58 = arith.constant 2 : i32
      %mul3A_59 = arith.muli %mul3A_58, %scan3A_44 : i32
      %mul3A_60 = arith.constant 10 : i32
      %mul3A_61 = arith.muli %mul3A_59, %mul3A_60 : i32
      %dma_wait3A_62 = arith.constant 0 : i32
      %dma_wait3A_63 = tpu.memref_slice %arg4[%mul3A_61, %dma_wait3A_62, %mul3A_2] : memref<200x32x4096xf32, #tpu.memory_space<hbm>> -> memref<10x32x128xf32, #tpu.memory_space<hbm>>
      %dma_wait3A_64 = arith.constant 0 : i32
      %dma_wait3A_65 = tpu.memref_slice %arg4[%mul3A_61, %dma_wait3A_64, %mul3A_2] : memref<200x32x4096xf32, #tpu.memory_space<hbm>> -> memref<10x32x128xf32, #tpu.memory_space<hbm>>
      tpu.wait_dma2 semaphore(%arg10 : memref<!tpu.dma_semaphore, #tpu.memory_space<semaphore_mem>>) src(%arg8 : memref<10x32x128xf32, #tpu.memory_space<vmem>>) dst(%dma_wait3A_65 : memref<10x32x128xf32, #tpu.memory_space<hbm>>)
      %mul3A_66 = arith.constant 10 : i32
      %mul3A_67 = arith.muli %add3A_48, %mul3A_66 : i32
      %dma_start3A_68 = arith.constant 0 : i32
      %dma_start3A_69 = tpu.memref_slice %arg4[%mul3A_67, %dma_start3A_68, %mul3A_2] : memref<200x32x4096xf32, #tpu.memory_space<hbm>> -> memref<10x32x128xf32, #tpu.memory_space<hbm>>
      %dma_start3A_70 = arith.constant 0 : i32
      %dma_start3A_71 = tpu.memref_slice %arg4[%mul3A_67, %dma_start3A_70, %mul3A_2] : memref<200x32x4096xf32, #tpu.memory_space<hbm>> -> memref<10x32x128xf32, #tpu.memory_space<hbm>>
      tpu.enqueue_dma source(%arg9 : memref<10x32x128xf32, #tpu.memory_space<vmem>>) target(%dma_start3A_71 : memref<10x32x128xf32, #tpu.memory_space<hbm>>) target_semaphore(%arg11 : memref<!tpu.dma_semaphore, #tpu.memory_space<semaphore_mem>>)
      %mul3A_72 = arith.constant 10 : i32
      %mul3A_73 = arith.muli %add3A_52, %mul3A_72 : i32
      %parallel_loop3A_74 = arith.constant 0 : i32
      %parallel_loop3A_75 = arith.constant 80 : i32
      %parallel_loop3A_76 = arith.constant 1 : i32
      scf.for %parallel_loop3A_89 = %parallel_loop3A_74 to %parallel_loop3A_75 step %parallel_loop3A_76  : i32 {
        %parallel_loop3A_90 = arith.constant 8 : i32
        %parallel_loop3A_91 = arith.divsi %parallel_loop3A_89, %parallel_loop3A_90 : i32
        %parallel_loop3A_92 = arith.constant 0 : i32
        %parallel_loop3A_93 = arith.cmpi sgt, %parallel_loop3A_89, %parallel_loop3A_92 : i32
        %parallel_loop3A_94 = arith.extui %parallel_loop3A_93 : i1 to i32
        %parallel_loop3A_95 = arith.constant 0 : i32
        %parallel_loop3A_96 = arith.cmpi slt, %parallel_loop3A_89, %parallel_loop3A_95 : i32
        %parallel_loop3A_97 = arith.extui %parallel_loop3A_96 : i1 to i32
        %parallel_loop3A_98 = arith.subi %parallel_loop3A_94, %parallel_loop3A_97 : i32
        %parallel_loop3A_99 = arith.constant 0 : i32
        %parallel_loop3A_100 = arith.cmpi sgt, %parallel_loop3A_90, %parallel_loop3A_99 : i32
        %parallel_loop3A_101 = arith.extui %parallel_loop3A_100 : i1 to i32
        %parallel_loop3A_102 = arith.constant 0 : i32
        %parallel_loop3A_103 = arith.cmpi slt, %parallel_loop3A_90, %parallel_loop3A_102 : i32
        %parallel_loop3A_104 = arith.extui %parallel_loop3A_103 : i1 to i32
        %parallel_loop3A_105 = arith.subi %parallel_loop3A_101, %parallel_loop3A_104 : i32
        %parallel_loop3A_106 = arith.cmpi ne, %parallel_loop3A_98, %parallel_loop3A_105 : i32
        %parallel_loop3A_107 = arith.remsi %parallel_loop3A_89, %parallel_loop3A_90 : i32
        %parallel_loop3A_108 = arith.constant 0 : i32
        %parallel_loop3A_109 = arith.cmpi ne, %parallel_loop3A_107, %parallel_loop3A_108 : i32
        %parallel_loop3A_110 = arith.andi %parallel_loop3A_106, %parallel_loop3A_109 : i1
        %parallel_loop3A_111 = arith.constant 1 : i32
        %parallel_loop3A_112 = arith.subi %parallel_loop3A_91, %parallel_loop3A_111 : i32
        %parallel_loop3A_113 = arith.select %parallel_loop3A_110, %parallel_loop3A_112, %parallel_loop3A_91 : i32
        %parallel_loop3A_114 = arith.constant 8 : i32
        %parallel_loop3A_115 = arith.muli %parallel_loop3A_113, %parallel_loop3A_114 : i32
        %parallel_loop3A_116 = arith.subi %parallel_loop3A_89, %parallel_loop3A_115 : i32
        %parallel_loop3A_117 = arith.addi %mul3A_73, %parallel_loop3A_113 : i32
        %parallel_loop3A_118 = arith.constant 128 : i32
        %parallel_loop3A_119 = arith.muli %parallel_loop3A_117, %parallel_loop3A_118 : i32
        %parallel_loop3A_120 = arith.constant 16 : i32
        %parallel_loop3A_121 = arith.muli %parallel_loop3A_116, %parallel_loop3A_120 : i32
        %parallel_loop3A_122 = arith.addi %parallel_loop3A_119, %parallel_loop3A_121 : i32
        %parallel_loop3A_123 = arith.index_cast %parallel_loop3A_122 : i32 to index
        %parallel_loop3A_124 = tpu.vector_load %arg7[%parallel_loop3A_123] {strides = array<i32>} : memref<25600xi32, #tpu.memory_space<vmem>>, vector<16xi32>,
        %parallel_loop3A_125 = arith.constant 0 : i32
        %parallel_loop3A_126 = vector.broadcast %parallel_loop3A_125 : i32 to vector<16xi32>
        %parallel_loop3A_127 = arith.addi %parallel_loop3A_124, %parallel_loop3A_126 : vector<16xi32>
        %parallel_loop3A_128 = tpu.vector_load_idx %arg5[%parallel_loop3A_127] : memref<1056xf32, #tpu.memory_space<vmem>>[vector<16xi32>], vector<16xf32>,
        %parallel_loop3A_129 = arith.constant 1 : i32
        %parallel_loop3A_130 = vector.broadcast %parallel_loop3A_129 : i32 to vector<16xi32>
        %parallel_loop3A_131 = arith.addi %parallel_loop3A_124, %parallel_loop3A_130 : vector<16xi32>
        %parallel_loop3A_132 = tpu.vector_load_idx %arg5[%parallel_loop3A_131] : memref<1056xf32, #tpu.memory_space<vmem>>[vector<16xi32>], vector<16xf32>,
        %parallel_loop3A_133 = arith.constant 2 : i32
        %parallel_loop3A_134 = vector.broadcast %parallel_loop3A_133 : i32 to vector<16xi32>
        %parallel_loop3A_135 = arith.addi %parallel_loop3A_124, %parallel_loop3A_134 : vector<16xi32>
        %parallel_loop3A_136 = tpu.vector_load_idx %arg5[%parallel_loop3A_135] : memref<1056xf32, #tpu.memory_space<vmem>>[vector<16xi32>], vector<16xf32>,
        %parallel_loop3A_137 = arith.constant 3 : i32
        %parallel_loop3A_138 = vector.broadcast %parallel_loop3A_137 : i32 to vector<16xi32>
        %parallel_loop3A_139 = arith.addi %parallel_loop3A_124, %parallel_loop3A_138 : vector<16xi32>
        %parallel_loop3A_140 = tpu.vector_load_idx %arg5[%parallel_loop3A_139] : memref<1056xf32, #tpu.memory_space<vmem>>[vector<16xi32>], vector<16xf32>,
        %parallel_loop3A_141 = arith.constant 4 : i32
        %parallel_loop3A_142 = vector.broadcast %parallel_loop3A_141 : i32 to vector<16xi32>
        %parallel_loop3A_143 = arith.addi %parallel_loop3A_124, %parallel_loop3A_142 : vector<16xi32>
        %parallel_loop3A_144 = tpu.vector_load_idx %arg5[%parallel_loop3A_143] : memref<1056xf32, #tpu.memory_space<vmem>>[vector<16xi32>], vector<16xf32>,
        %parallel_loop3A_145 = arith.constant 5 : i32
        %parallel_loop3A_146 = vector.broadcast %parallel_loop3A_145 : i32 to vector<16xi32>
        %parallel_loop3A_147 = arith.addi %parallel_loop3A_124, %parallel_loop3A_146 : vector<16xi32>
        %parallel_loop3A_148 = tpu.vector_load_idx %arg5[%parallel_loop3A_147] : memref<1056xf32, #tpu.memory_space<vmem>>[vector<16xi32>], vector<16xf32>,
        %parallel_loop3A_149 = arith.constant 6 : i32
        %parallel_loop3A_150 = vector.broadcast %parallel_loop3A_149 : i32 to vector<16xi32>
        %parallel_loop3A_151 = arith.addi %parallel_loop3A_124, %parallel_loop3A_150 : vector<16xi32>
        %parallel_loop3A_152 = tpu.vector_load_idx %arg5[%parallel_loop3A_151] : memref<1056xf32, #tpu.memory_space<vmem>>[vector<16xi32>], vector<16xf32>,
        %parallel_loop3A_153 = arith.constant 7 : i32
        %parallel_loop3A_154 = vector.broadcast %parallel_loop3A_153 : i32 to vector<16xi32>
        %parallel_loop3A_155 = arith.addi %parallel_loop3A_124, %parallel_loop3A_154 : vector<16xi32>
        %parallel_loop3A_156 = tpu.vector_load_idx %arg5[%parallel_loop3A_155] : memref<1056xf32, #tpu.memory_space<vmem>>[vector<16xi32>], vector<16xf32>,
        %parallel_loop3A_157 = arith.constant 8 : i32
        %parallel_loop3A_158 = vector.broadcast %parallel_loop3A_157 : i32 to vector<16xi32>
        %parallel_loop3A_159 = arith.addi %parallel_loop3A_124, %parallel_loop3A_158 : vector<16xi32>
        %parallel_loop3A_160 = tpu.vector_load_idx %arg5[%parallel_loop3A_159] : memref<1056xf32, #tpu.memory_space<vmem>>[vector<16xi32>], vector<16xf32>,
        %parallel_loop3A_161 = arith.constant 9 : i32
        %parallel_loop3A_162 = vector.broadcast %parallel_loop3A_161 : i32 to vector<16xi32>
        %parallel_loop3A_163 = arith.addi %parallel_loop3A_124, %parallel_loop3A_162 : vector<16xi32>
        %parallel_loop3A_164 = tpu.vector_load_idx %arg5[%parallel_loop3A_163] : memref<1056xf32, #tpu.memory_space<vmem>>[vector<16xi32>], vector<16xf32>,
        %parallel_loop3A_165 = arith.constant 10 : i32
        %parallel_loop3A_166 = vector.broadcast %parallel_loop3A_165 : i32 to vector<16xi32>
        %parallel_loop3A_167 = arith.addi %parallel_loop3A_124, %parallel_loop3A_166 : vector<16xi32>
        %parallel_loop3A_168 = tpu.vector_load_idx %arg5[%parallel_loop3A_167] : memref<1056xf32, #tpu.memory_space<vmem>>[vector<16xi32>], vector<16xf32>,
        %parallel_loop3A_169 = arith.constant 11 : i32
        %parallel_loop3A_170 = vector.broadcast %parallel_loop3A_169 : i32 to vector<16xi32>
        %parallel_loop3A_171 = arith.addi %parallel_loop3A_124, %parallel_loop3A_170 : vector<16xi32>
        %parallel_loop3A_172 = tpu.vector_load_idx %arg5[%parallel_loop3A_171] : memref<1056xf32, #tpu.memory_space<vmem>>[vector<16xi32>], vector<16xf32>,
        %parallel_loop3A_173 = arith.constant 12 : i32
        %parallel_loop3A_174 = vector.broadcast %parallel_loop3A_173 : i32 to vector<16xi32>
        %parallel_loop3A_175 = arith.addi %parallel_loop3A_124, %parallel_loop3A_174 : vector<16xi32>
        %parallel_loop3A_176 = tpu.vector_load_idx %arg5[%parallel_loop3A_175] : memref<1056xf32, #tpu.memory_space<vmem>>[vector<16xi32>], vector<16xf32>,
        %parallel_loop3A_177 = arith.constant 13 : i32
        %parallel_loop3A_178 = vector.broadcast %parallel_loop3A_177 : i32 to vector<16xi32>
        %parallel_loop3A_179 = arith.addi %parallel_loop3A_124, %parallel_loop3A_178 : vector<16xi32>
        %parallel_loop3A_180 = tpu.vector_load_idx %arg5[%parallel_loop3A_179] : memref<1056xf32, #tpu.memory_space<vmem>>[vector<16xi32>], vector<16xf32>,
        %parallel_loop3A_181 = arith.constant 14 : i32
        %parallel_loop3A_182 = vector.broadcast %parallel_loop3A_181 : i32 to vector<16xi32>
        %parallel_loop3A_183 = arith.addi %parallel_loop3A_124, %parallel_loop3A_182 : vector<16xi32>
        %parallel_loop3A_184 = tpu.vector_load_idx %arg5[%parallel_loop3A_183] : memref<1056xf32, #tpu.memory_space<vmem>>[vector<16xi32>], vector<16xf32>,
        %parallel_loop3A_185 = arith.constant 15 : i32
        %parallel_loop3A_186 = vector.broadcast %parallel_loop3A_185 : i32 to vector<16xi32>
        %parallel_loop3A_187 = arith.addi %parallel_loop3A_124, %parallel_loop3A_186 : vector<16xi32>
        %parallel_loop3A_188 = tpu.vector_load_idx %arg5[%parallel_loop3A_187] : memref<1056xf32, #tpu.memory_space<vmem>>[vector<16xi32>], vector<16xf32>,
        %parallel_loop3A_189 = arith.constant 16 : i32
        %parallel_loop3A_190 = vector.broadcast %parallel_loop3A_189 : i32 to vector<16xi32>
        %parallel_loop3A_191 = arith.addi %parallel_loop3A_124, %parallel_loop3A_190 : vector<16xi32>
        %parallel_loop3A_192 = tpu.vector_load_idx %arg5[%parallel_loop3A_191] : memref<1056xf32, #tpu.memory_space<vmem>>[vector<16xi32>], vector<16xf32>,
        %parallel_loop3A_193 = arith.constant 17 : i32
        %parallel_loop3A_194 = vector.broadcast %parallel_loop3A_193 : i32 to vector<16xi32>
        %parallel_loop3A_195 = arith.addi %parallel_loop3A_124, %parallel_loop3A_194 : vector<16xi32>
        %parallel_loop3A_196 = tpu.vector_load_idx %arg5[%parallel_loop3A_195] : memref<1056xf32, #tpu.memory_space<vmem>>[vector<16xi32>], vector<16xf32>,
        %parallel_loop3A_197 = arith.constant 18 : i32
        %parallel_loop3A_198 = vector.broadcast %parallel_loop3A_197 : i32 to vector<16xi32>
        %parallel_loop3A_199 = arith.addi %parallel_loop3A_124, %parallel_loop3A_198 : vector<16xi32>
        %parallel_loop3A_200 = tpu.vector_load_idx %arg5[%parallel_loop3A_199] : memref<1056xf32, #tpu.memory_space<vmem>>[vector<16xi32>], vector<16xf32>,
        %parallel_loop3A_201 = arith.constant 19 : i32
        %parallel_loop3A_202 = vector.broadcast %parallel_loop3A_201 : i32 to vector<16xi32>
        %parallel_loop3A_203 = arith.addi %parallel_loop3A_124, %parallel_loop3A_202 : vector<16xi32>
        %parallel_loop3A_204 = tpu.vector_load_idx %arg5[%parallel_loop3A_203] : memref<1056xf32, #tpu.memory_space<vmem>>[vector<16xi32>], vector<16xf32>,
        %parallel_loop3A_205 = arith.constant 20 : i32
        %parallel_loop3A_206 = vector.broadcast %parallel_loop3A_205 : i32 to vector<16xi32>
        %parallel_loop3A_207 = arith.addi %parallel_loop3A_124, %parallel_loop3A_206 : vector<16xi32>
        %parallel_loop3A_208 = tpu.vector_load_idx %arg5[%parallel_loop3A_207] : memref<1056xf32, #tpu.memory_space<vmem>>[vector<16xi32>], vector<16xf32>,
        %parallel_loop3A_209 = arith.constant 21 : i32
        %parallel_loop3A_210 = vector.broadcast %parallel_loop3A_209 : i32 to vector<16xi32>
        %parallel_loop3A_211 = arith.addi %parallel_loop3A_124, %parallel_loop3A_210 : vector<16xi32>
        %parallel_loop3A_212 = tpu.vector_load_idx %arg5[%parallel_loop3A_211] : memref<1056xf32, #tpu.memory_space<vmem>>[vector<16xi32>], vector<16xf32>,
        %parallel_loop3A_213 = arith.constant 22 : i32
        %parallel_loop3A_214 = vector.broadcast %parallel_loop3A_213 : i32 to vector<16xi32>
        %parallel_loop3A_215 = arith.addi %parallel_loop3A_124, %parallel_loop3A_214 : vector<16xi32>
        %parallel_loop3A_216 = tpu.vector_load_idx %arg5[%parallel_loop3A_215] : memref<1056xf32, #tpu.memory_space<vmem>>[vector<16xi32>], vector<16xf32>,
        %parallel_loop3A_217 = arith.constant 23 : i32
        %parallel_loop3A_218 = vector.broadcast %parallel_loop3A_217 : i32 to vector<16xi32>
        %parallel_loop3A_219 = arith.addi %parallel_loop3A_124, %parallel_loop3A_218 : vector<16xi32>
        %parallel_loop3A_220 = tpu.vector_load_idx %arg5[%parallel_loop3A_219] : memref<1056xf32, #tpu.memory_space<vmem>>[vector<16xi32>], vector<16xf32>,
        %parallel_loop3A_221 = arith.constant 24 : i32
        %parallel_loop3A_222 = vector.broadcast %parallel_loop3A_221 : i32 to vector<16xi32>
        %parallel_loop3A_223 = arith.addi %parallel_loop3A_124, %parallel_loop3A_222 : vector<16xi32>
        %parallel_loop3A_224 = tpu.vector_load_idx %arg5[%parallel_loop3A_223] : memref<1056xf32, #tpu.memory_space<vmem>>[vector<16xi32>], vector<16xf32>,
        %parallel_loop3A_225 = arith.constant 25 : i32
        %parallel_loop3A_226 = vector.broadcast %parallel_loop3A_225 : i32 to vector<16xi32>
        %parallel_loop3A_227 = arith.addi %parallel_loop3A_124, %parallel_loop3A_226 : vector<16xi32>
        %parallel_loop3A_228 = tpu.vector_load_idx %arg5[%parallel_loop3A_227] : memref<1056xf32, #tpu.memory_space<vmem>>[vector<16xi32>], vector<16xf32>,
        %parallel_loop3A_229 = arith.constant 26 : i32
        %parallel_loop3A_230 = vector.broadcast %parallel_loop3A_229 : i32 to vector<16xi32>
        %parallel_loop3A_231 = arith.addi %parallel_loop3A_124, %parallel_loop3A_230 : vector<16xi32>
        %parallel_loop3A_232 = tpu.vector_load_idx %arg5[%parallel_loop3A_231] : memref<1056xf32, #tpu.memory_space<vmem>>[vector<16xi32>], vector<16xf32>,
        %parallel_loop3A_233 = arith.constant 27 : i32
        %parallel_loop3A_234 = vector.broadcast %parallel_loop3A_233 : i32 to vector<16xi32>
        %parallel_loop3A_235 = arith.addi %parallel_loop3A_124, %parallel_loop3A_234 : vector<16xi32>
        %parallel_loop3A_236 = tpu.vector_load_idx %arg5[%parallel_loop3A_235] : memref<1056xf32, #tpu.memory_space<vmem>>[vector<16xi32>], vector<16xf32>,
        %parallel_loop3A_237 = arith.constant 28 : i32
        %parallel_loop3A_238 = vector.broadcast %parallel_loop3A_237 : i32 to vector<16xi32>
        %parallel_loop3A_239 = arith.addi %parallel_loop3A_124, %parallel_loop3A_238 : vector<16xi32>
        %parallel_loop3A_240 = tpu.vector_load_idx %arg5[%parallel_loop3A_239] : memref<1056xf32, #tpu.memory_space<vmem>>[vector<16xi32>], vector<16xf32>,
        %parallel_loop3A_241 = arith.constant 29 : i32
        %parallel_loop3A_242 = vector.broadcast %parallel_loop3A_241 : i32 to vector<16xi32>
        %parallel_loop3A_243 = arith.addi %parallel_loop3A_124, %parallel_loop3A_242 : vector<16xi32>
        %parallel_loop3A_244 = tpu.vector_load_idx %arg5[%parallel_loop3A_243] : memref<1056xf32, #tpu.memory_space<vmem>>[vector<16xi32>], vector<16xf32>,
        %parallel_loop3A_245 = arith.constant 30 : i32
        %parallel_loop3A_246 = vector.broadcast %parallel_loop3A_245 : i32 to vector<16xi32>
        %parallel_loop3A_247 = arith.addi %parallel_loop3A_124, %parallel_loop3A_246 : vector<16xi32>
        %parallel_loop3A_248 = tpu.vector_load_idx %arg5[%parallel_loop3A_247] : memref<1056xf32, #tpu.memory_space<vmem>>[vector<16xi32>], vector<16xf32>,
        %parallel_loop3A_249 = arith.constant 31 : i32
        %parallel_loop3A_250 = vector.broadcast %parallel_loop3A_249 : i32 to vector<16xi32>
        %parallel_loop3A_251 = arith.addi %parallel_loop3A_124, %parallel_loop3A_250 : vector<16xi32>
        %parallel_loop3A_252 = tpu.vector_load_idx %arg5[%parallel_loop3A_251] : memref<1056xf32, #tpu.memory_space<vmem>>[vector<16xi32>], vector<16xf32>,
        %parallel_loop3A_253 = arith.constant 16 : i32
        %parallel_loop3A_254 = arith.muli %parallel_loop3A_116, %parallel_loop3A_253 : i32
        %parallel_loop3A_255 = arith.constant 0 : i32
        %parallel_loop3A_256 = arith.index_cast %parallel_loop3A_113 : i32 to index
        %parallel_loop3A_257 = arith.index_cast %parallel_loop3A_255 : i32 to index
        %parallel_loop3A_258 = arith.index_cast %parallel_loop3A_254 : i32 to index
        %parallel_loop3A_259 = tpu.vector_load %arg8[%parallel_loop3A_256, %parallel_loop3A_257, %parallel_loop3A_258] {strides = array<i32>} : memref<10x32x128xf32, #tpu.memory_space<vmem>>, vector<16xf32>,
        tpu.vector_store %arg8[%parallel_loop3A_256, %parallel_loop3A_257, %parallel_loop3A_258], %parallel_loop3A_128 {strides = array<i32>} : memref<10x32x128xf32, #tpu.memory_space<vmem>>, vector<16xf32>,
        %parallel_loop3A_260 = arith.constant 16 : i32
        %parallel_loop3A_261 = arith.muli %parallel_loop3A_116, %parallel_loop3A_260 : i32
        %parallel_loop3A_262 = arith.constant 1 : i32
        %parallel_loop3A_263 = arith.index_cast %parallel_loop3A_113 : i32 to index
        %parallel_loop3A_264 = arith.index_cast %parallel_loop3A_262 : i32 to index
        %parallel_loop3A_265 = arith.index_cast %parallel_loop3A_261 : i32 to index
        %parallel_loop3A_266 = tpu.vector_load %arg8[%parallel_loop3A_263, %parallel_loop3A_264, %parallel_loop3A_265] {strides = array<i32>} : memref<10x32x128xf32, #tpu.memory_space<vmem>>, vector<16xf32>,
        tpu.vector_store %arg8[%parallel_loop3A_263, %parallel_loop3A_264, %parallel_loop3A_265], %parallel_loop3A_132 {strides = array<i32>} : memref<10x32x128xf32, #tpu.memory_space<vmem>>, vector<16xf32>,
        %parallel_loop3A_267 = arith.constant 16 : i32
        %parallel_loop3A_268 = arith.muli %parallel_loop3A_116, %parallel_loop3A_267 : i32
        %parallel_loop3A_269 = arith.constant 2 : i32
        %parallel_loop3A_270 = arith.index_cast %parallel_loop3A_113 : i32 to index
        %parallel_loop3A_271 = arith.index_cast %parallel_loop3A_269 : i32 to index
        %parallel_loop3A_272 = arith.index_cast %parallel_loop3A_268 : i32 to index
        %parallel_loop3A_273 = tpu.vector_load %arg8[%parallel_loop3A_270, %parallel_loop3A_271, %parallel_loop3A_272] {strides = array<i32>} : memref<10x32x128xf32, #tpu.memory_space<vmem>>, vector<16xf32>,
        tpu.vector_store %arg8[%parallel_loop3A_270, %parallel_loop3A_271, %parallel_loop3A_272], %parallel_loop3A_136 {strides = array<i32>} : memref<10x32x128xf32, #tpu.memory_space<vmem>>, vector<16xf32>,
        %parallel_loop3A_274 = arith.constant 16 : i32
        %parallel_loop3A_275 = arith.muli %parallel_loop3A_116, %parallel_loop3A_274 : i32
        %parallel_loop3A_276 = arith.constant 3 : i32
        %parallel_loop3A_277 = arith.index_cast %parallel_loop3A_113 : i32 to index
        %parallel_loop3A_278 = arith.index_cast %parallel_loop3A_276 : i32 to index
        %parallel_loop3A_279 = arith.index_cast %parallel_loop3A_275 : i32 to index
        %parallel_loop3A_280 = tpu.vector_load %arg8[%parallel_loop3A_277, %parallel_loop3A_278, %parallel_loop3A_279] {strides = array<i32>} : memref<10x32x128xf32, #tpu.memory_space<vmem>>, vector<16xf32>,
        tpu.vector_store %arg8[%parallel_loop3A_277, %parallel_loop3A_278, %parallel_loop3A_279], %parallel_loop3A_140 {strides = array<i32>} : memref<10x32x128xf32, #tpu.memory_space<vmem>>, vector<16xf32>,
        %parallel_loop3A_281 = arith.constant 16 : i32
        %parallel_loop3A_282 = arith.muli %parallel_loop3A_116, %parallel_loop3A_281 : i32
        %parallel_loop3A_283 = arith.constant 4 : i32
        %parallel_loop3A_284 = arith.index_cast %parallel_loop3A_113 : i32 to index
        %parallel_loop3A_285 = arith.index_cast %parallel_loop3A_283 : i32 to index
        %parallel_loop3A_286 = arith.index_cast %parallel_loop3A_282 : i32 to index
        %parallel_loop3A_287 = tpu.vector_load %arg8[%parallel_loop3A_284, %parallel_loop3A_285, %parallel_loop3A_286] {strides = array<i32>} : memref<10x32x128xf32, #tpu.memory_space<vmem>>, vector<16xf32>,
        tpu.vector_store %arg8[%parallel_loop3A_284, %parallel_loop3A_285, %parallel_loop3A_286], %parallel_loop3A_144 {strides = array<i32>} : memref<10x32x128xf32, #tpu.memory_space<vmem>>, vector<16xf32>,
        %parallel_loop3A_288 = arith.constant 16 : i32
        %parallel_loop3A_289 = arith.muli %parallel_loop3A_116, %parallel_loop3A_288 : i32
        %parallel_loop3A_290 = arith.constant 5 : i32
        %parallel_loop3A_291 = arith.index_cast %parallel_loop3A_113 : i32 to index
        %parallel_loop3A_292 = arith.index_cast %parallel_loop3A_290 : i32 to index
        %parallel_loop3A_293 = arith.index_cast %parallel_loop3A_289 : i32 to index
        %parallel_loop3A_294 = tpu.vector_load %arg8[%parallel_loop3A_291, %parallel_loop3A_292, %parallel_loop3A_293] {strides = array<i32>} : memref<10x32x128xf32, #tpu.memory_space<vmem>>, vector<16xf32>,
        tpu.vector_store %arg8[%parallel_loop3A_291, %parallel_loop3A_292, %parallel_loop3A_293], %parallel_loop3A_148 {strides = array<i32>} : memref<10x32x128xf32, #tpu.memory_space<vmem>>, vector<16xf32>,
        %parallel_loop3A_295 = arith.constant 16 : i32
        %parallel_loop3A_296 = arith.muli %parallel_loop3A_116, %parallel_loop3A_295 : i32
        %parallel_loop3A_297 = arith.constant 6 : i32
        %parallel_loop3A_298 = arith.index_cast %parallel_loop3A_113 : i32 to index
        %parallel_loop3A_299 = arith.index_cast %parallel_loop3A_297 : i32 to index
        %parallel_loop3A_300 = arith.index_cast %parallel_loop3A_296 : i32 to index
        %parallel_loop3A_301 = tpu.vector_load %arg8[%parallel_loop3A_298, %parallel_loop3A_299, %parallel_loop3A_300] {strides = array<i32>} : memref<10x32x128xf32, #tpu.memory_space<vmem>>, vector<16xf32>,
        tpu.vector_store %arg8[%parallel_loop3A_298, %parallel_loop3A_299, %parallel_loop3A_300], %parallel_loop3A_152 {strides = array<i32>} : memref<10x32x128xf32, #tpu.memory_space<vmem>>, vector<16xf32>,
        %parallel_loop3A_302 = arith.constant 16 : i32
        %parallel_loop3A_303 = arith.muli %parallel_loop3A_116, %parallel_loop3A_302 : i32
        %parallel_loop3A_304 = arith.constant 7 : i32
        %parallel_loop3A_305 = arith.index_cast %parallel_loop3A_113 : i32 to index
        %parallel_loop3A_306 = arith.index_cast %parallel_loop3A_304 : i32 to index
        %parallel_loop3A_307 = arith.index_cast %parallel_loop3A_303 : i32 to index
        %parallel_loop3A_308 = tpu.vector_load %arg8[%parallel_loop3A_305, %parallel_loop3A_306, %parallel_loop3A_307] {strides = array<i32>} : memref<10x32x128xf32, #tpu.memory_space<vmem>>, vector<16xf32>,
        tpu.vector_store %arg8[%parallel_loop3A_305, %parallel_loop3A_306, %parallel_loop3A_307], %parallel_loop3A_156 {strides = array<i32>} : memref<10x32x128xf32, #tpu.memory_space<vmem>>, vector<16xf32>,
        %parallel_loop3A_309 = arith.constant 16 : i32
        %parallel_loop3A_310 = arith.muli %parallel_loop3A_116, %parallel_loop3A_309 : i32
        %parallel_loop3A_311 = arith.constant 8 : i32
        %parallel_loop3A_312 = arith.index_cast %parallel_loop3A_113 : i32 to index
        %parallel_loop3A_313 = arith.index_cast %parallel_loop3A_311 : i32 to index
        %parallel_loop3A_314 = arith.index_cast %parallel_loop3A_310 : i32 to index
        %parallel_loop3A_315 = tpu.vector_load %arg8[%parallel_loop3A_312, %parallel_loop3A_313, %parallel_loop3A_314] {strides = array<i32>} : memref<10x32x128xf32, #tpu.memory_space<vmem>>, vector<16xf32>,
        tpu.vector_store %arg8[%parallel_loop3A_312, %parallel_loop3A_313, %parallel_loop3A_314], %parallel_loop3A_160 {strides = array<i32>} : memref<10x32x128xf32, #tpu.memory_space<vmem>>, vector<16xf32>,
        %parallel_loop3A_316 = arith.constant 16 : i32
        %parallel_loop3A_317 = arith.muli %parallel_loop3A_116, %parallel_loop3A_316 : i32
        %parallel_loop3A_318 = arith.constant 9 : i32
        %parallel_loop3A_319 = arith.index_cast %parallel_loop3A_113 : i32 to index
        %parallel_loop3A_320 = arith.index_cast %parallel_loop3A_318 : i32 to index
        %parallel_loop3A_321 = arith.index_cast %parallel_loop3A_317 : i32 to index
        %parallel_loop3A_322 = tpu.vector_load %arg8[%parallel_loop3A_319, %parallel_loop3A_320, %parallel_loop3A_321] {strides = array<i32>} : memref<10x32x128xf32, #tpu.memory_space<vmem>>, vector<16xf32>,
        tpu.vector_store %arg8[%parallel_loop3A_319, %parallel_loop3A_320, %parallel_loop3A_321], %parallel_loop3A_164 {strides = array<i32>} : memref<10x32x128xf32, #tpu.memory_space<vmem>>, vector<16xf32>,
        %parallel_loop3A_323 = arith.constant 16 : i32
        %parallel_loop3A_324 = arith.muli %parallel_loop3A_116, %parallel_loop3A_323 : i32
        %parallel_loop3A_325 = arith.constant 10 : i32
        %parallel_loop3A_326 = arith.index_cast %parallel_loop3A_113 : i32 to index
        %parallel_loop3A_327 = arith.index_cast %parallel_loop3A_325 : i32 to index
        %parallel_loop3A_328 = arith.index_cast %parallel_loop3A_324 : i32 to index
        %parallel_loop3A_329 = tpu.vector_load %arg8[%parallel_loop3A_326, %parallel_loop3A_327, %parallel_loop3A_328] {strides = array<i32>} : memref<10x32x128xf32, #tpu.memory_space<vmem>>, vector<16xf32>,
        tpu.vector_store %arg8[%parallel_loop3A_326, %parallel_loop3A_327, %parallel_loop3A_328], %parallel_loop3A_168 {strides = array<i32>} : memref<10x32x128xf32, #tpu.memory_space<vmem>>, vector<16xf32>,
        %parallel_loop3A_330 = arith.constant 16 : i32
        %parallel_loop3A_331 = arith.muli %parallel_loop3A_116, %parallel_loop3A_330 : i32
        %parallel_loop3A_332 = arith.constant 11 : i32
        %parallel_loop3A_333 = arith.index_cast %parallel_loop3A_113 : i32 to index
        %parallel_loop3A_334 = arith.index_cast %parallel_loop3A_332 : i32 to index
        %parallel_loop3A_335 = arith.index_cast %parallel_loop3A_331 : i32 to index
        %parallel_loop3A_336 = tpu.vector_load %arg8[%parallel_loop3A_333, %parallel_loop3A_334, %parallel_loop3A_335] {strides = array<i32>} : memref<10x32x128xf32, #tpu.memory_space<vmem>>, vector<16xf32>,
        tpu.vector_store %arg8[%parallel_loop3A_333, %parallel_loop3A_334, %parallel_loop3A_335], %parallel_loop3A_172 {strides = array<i32>} : memref<10x32x128xf32, #tpu.memory_space<vmem>>, vector<16xf32>,
        %parallel_loop3A_337 = arith.constant 16 : i32
        %parallel_loop3A_338 = arith.muli %parallel_loop3A_116, %parallel_loop3A_337 : i32
        %parallel_loop3A_339 = arith.constant 12 : i32
        %parallel_loop3A_340 = arith.index_cast %parallel_loop3A_113 : i32 to index
        %parallel_loop3A_341 = arith.index_cast %parallel_loop3A_339 : i32 to index
        %parallel_loop3A_342 = arith.index_cast %parallel_loop3A_338 : i32 to index
        %parallel_loop3A_343 = tpu.vector_load %arg8[%parallel_loop3A_340, %parallel_loop3A_341, %parallel_loop3A_342] {strides = array<i32>} : memref<10x32x128xf32, #tpu.memory_space<vmem>>, vector<16xf32>,
        tpu.vector_store %arg8[%parallel_loop3A_340, %parallel_loop3A_341, %parallel_loop3A_342], %parallel_loop3A_176 {strides = array<i32>} : memref<10x32x128xf32, #tpu.memory_space<vmem>>, vector<16xf32>,
        %parallel_loop3A_344 = arith.constant 16 : i32
        %parallel_loop3A_345 = arith.muli %parallel_loop3A_116, %parallel_loop3A_344 : i32
        %parallel_loop3A_346 = arith.constant 13 : i32
        %parallel_loop3A_347 = arith.index_cast %parallel_loop3A_113 : i32 to index
        %parallel_loop3A_348 = arith.index_cast %parallel_loop3A_346 : i32 to index
        %parallel_loop3A_349 = arith.index_cast %parallel_loop3A_345 : i32 to index
        %parallel_loop3A_350 = tpu.vector_load %arg8[%parallel_loop3A_347, %parallel_loop3A_348, %parallel_loop3A_349] {strides = array<i32>} : memref<10x32x128xf32, #tpu.memory_space<vmem>>, vector<16xf32>,
        tpu.vector_store %arg8[%parallel_loop3A_347, %parallel_loop3A_348, %parallel_loop3A_349], %parallel_loop3A_180 {strides = array<i32>} : memref<10x32x128xf32, #tpu.memory_space<vmem>>, vector<16xf32>,
        %parallel_loop3A_351 = arith.constant 16 : i32
        %parallel_loop3A_352 = arith.muli %parallel_loop3A_116, %parallel_loop3A_351 : i32
        %parallel_loop3A_353 = arith.constant 14 : i32
        %parallel_loop3A_354 = arith.index_cast %parallel_loop3A_113 : i32 to index
        %parallel_loop3A_355 = arith.index_cast %parallel_loop3A_353 : i32 to index
        %parallel_loop3A_356 = arith.index_cast %parallel_loop3A_352 : i32 to index
        %parallel_loop3A_357 = tpu.vector_load %arg8[%parallel_loop3A_354, %parallel_loop3A_355, %parallel_loop3A_356] {strides = array<i32>} : memref<10x32x128xf32, #tpu.memory_space<vmem>>, vector<16xf32>,
        tpu.vector_store %arg8[%parallel_loop3A_354, %parallel_loop3A_355, %parallel_loop3A_356], %parallel_loop3A_184 {strides = array<i32>} : memref<10x32x128xf32, #tpu.memory_space<vmem>>, vector<16xf32>,
        %parallel_loop3A_358 = arith.constant 16 : i32
        %parallel_loop3A_359 = arith.muli %parallel_loop3A_116, %parallel_loop3A_358 : i32
        %parallel_loop3A_360 = arith.constant 15 : i32
        %parallel_loop3A_361 = arith.index_cast %parallel_loop3A_113 : i32 to index
        %parallel_loop3A_362 = arith.index_cast %parallel_loop3A_360 : i32 to index
        %parallel_loop3A_363 = arith.index_cast %parallel_loop3A_359 : i32 to index
        %parallel_loop3A_364 = tpu.vector_load %arg8[%parallel_loop3A_361, %parallel_loop3A_362, %parallel_loop3A_363] {strides = array<i32>} : memref<10x32x128xf32, #tpu.memory_space<vmem>>, vector<16xf32>,
        tpu.vector_store %arg8[%parallel_loop3A_361, %parallel_loop3A_362, %parallel_loop3A_363], %parallel_loop3A_188 {strides = array<i32>} : memref<10x32x128xf32, #tpu.memory_space<vmem>>, vector<16xf32>,
        %parallel_loop3A_365 = arith.constant 16 : i32
        %parallel_loop3A_366 = arith.muli %parallel_loop3A_116, %parallel_loop3A_365 : i32
        %parallel_loop3A_367 = arith.constant 16 : i32
        %parallel_loop3A_368 = arith.index_cast %parallel_loop3A_113 : i32 to index
        %parallel_loop3A_369 = arith.index_cast %parallel_loop3A_367 : i32 to index
        %parallel_loop3A_370 = arith.index_cast %parallel_loop3A_366 : i32 to index
        %parallel_loop3A_371 = tpu.vector_load %arg8[%parallel_loop3A_368, %parallel_loop3A_369, %parallel_loop3A_370] {strides = array<i32>} : memref<10x32x128xf32, #tpu.memory_space<vmem>>, vector<16xf32>,
        tpu.vector_store %arg8[%parallel_loop3A_368, %parallel_loop3A_369, %parallel_loop3A_370], %parallel_loop3A_192 {strides = array<i32>} : memref<10x32x128xf32, #tpu.memory_space<vmem>>, vector<16xf32>,
        %parallel_loop3A_372 = arith.constant 16 : i32
        %parallel_loop3A_373 = arith.muli %parallel_loop3A_116, %parallel_loop3A_372 : i32
        %parallel_loop3A_374 = arith.constant 17 : i32
        %parallel_loop3A_375 = arith.index_cast %parallel_loop3A_113 : i32 to index
        %parallel_loop3A_376 = arith.index_cast %parallel_loop3A_374 : i32 to index
        %parallel_loop3A_377 = arith.index_cast %parallel_loop3A_373 : i32 to index
        %parallel_loop3A_378 = tpu.vector_load %arg8[%parallel_loop3A_375, %parallel_loop3A_376, %parallel_loop3A_377] {strides = array<i32>} : memref<10x32x128xf32, #tpu.memory_space<vmem>>, vector<16xf32>,
        tpu.vector_store %arg8[%parallel_loop3A_375, %parallel_loop3A_376, %parallel_loop3A_377], %parallel_loop3A_196 {strides = array<i32>} : memref<10x32x128xf32, #tpu.memory_space<vmem>>, vector<16xf32>,
        %parallel_loop3A_379 = arith.constant 16 : i32
        %parallel_loop3A_380 = arith.muli %parallel_loop3A_116, %parallel_loop3A_379 : i32
        %parallel_loop3A_381 = arith.constant 18 : i32
        %parallel_loop3A_382 = arith.index_cast %parallel_loop3A_113 : i32 to index
        %parallel_loop3A_383 = arith.index_cast %parallel_loop3A_381 : i32 to index
        %parallel_loop3A_384 = arith.index_cast %parallel_loop3A_380 : i32 to index
        %parallel_loop3A_385 = tpu.vector_load %arg8[%parallel_loop3A_382, %parallel_loop3A_383, %parallel_loop3A_384] {strides = array<i32>} : memref<10x32x128xf32, #tpu.memory_space<vmem>>, vector<16xf32>,
        tpu.vector_store %arg8[%parallel_loop3A_382, %parallel_loop3A_383, %parallel_loop3A_384], %parallel_loop3A_200 {strides = array<i32>} : memref<10x32x128xf32, #tpu.memory_space<vmem>>, vector<16xf32>,
        %parallel_loop3A_386 = arith.constant 16 : i32
        %parallel_loop3A_387 = arith.muli %parallel_loop3A_116, %parallel_loop3A_386 : i32
        %parallel_loop3A_388 = arith.constant 19 : i32
        %parallel_loop3A_389 = arith.index_cast %parallel_loop3A_113 : i32 to index
        %parallel_loop3A_390 = arith.index_cast %parallel_loop3A_388 : i32 to index
        %parallel_loop3A_391 = arith.index_cast %parallel_loop3A_387 : i32 to index
        %parallel_loop3A_392 = tpu.vector_load %arg8[%parallel_loop3A_389, %parallel_loop3A_390, %parallel_loop3A_391] {strides = array<i32>} : memref<10x32x128xf32, #tpu.memory_space<vmem>>, vector<16xf32>,
        tpu.vector_store %arg8[%parallel_loop3A_389, %parallel_loop3A_390, %parallel_loop3A_391], %parallel_loop3A_204 {strides = array<i32>} : memref<10x32x128xf32, #tpu.memory_space<vmem>>, vector<16xf32>,
        %parallel_loop3A_393 = arith.constant 16 : i32
        %parallel_loop3A_394 = arith.muli %parallel_loop3A_116, %parallel_loop3A_393 : i32
        %parallel_loop3A_395 = arith.constant 20 : i32
        %parallel_loop3A_396 = arith.index_cast %parallel_loop3A_113 : i32 to index
        %parallel_loop3A_397 = arith.index_cast %parallel_loop3A_395 : i32 to index
        %parallel_loop3A_398 = arith.index_cast %parallel_loop3A_394 : i32 to index
        %parallel_loop3A_399 = tpu.vector_load %arg8[%parallel_loop3A_396, %parallel_loop3A_397, %parallel_loop3A_398] {strides = array<i32>} : memref<10x32x128xf32, #tpu.memory_space<vmem>>, vector<16xf32>,
        tpu.vector_store %arg8[%parallel_loop3A_396, %parallel_loop3A_397, %parallel_loop3A_398], %parallel_loop3A_208 {strides = array<i32>} : memref<10x32x128xf32, #tpu.memory_space<vmem>>, vector<16xf32>,
        %parallel_loop3A_400 = arith.constant 16 : i32
        %parallel_loop3A_401 = arith.muli %parallel_loop3A_116, %parallel_loop3A_400 : i32
        %parallel_loop3A_402 = arith.constant 21 : i32
        %parallel_loop3A_403 = arith.index_cast %parallel_loop3A_113 : i32 to index
        %parallel_loop3A_404 = arith.index_cast %parallel_loop3A_402 : i32 to index
        %parallel_loop3A_405 = arith.index_cast %parallel_loop3A_401 : i32 to index
        %parallel_loop3A_406 = tpu.vector_load %arg8[%parallel_loop3A_403, %parallel_loop3A_404, %parallel_loop3A_405] {strides = array<i32>} : memref<10x32x128xf32, #tpu.memory_space<vmem>>, vector<16xf32>,
        tpu.vector_store %arg8[%parallel_loop3A_403, %parallel_loop3A_404, %parallel_loop3A_405], %parallel_loop3A_212 {strides = array<i32>} : memref<10x32x128xf32, #tpu.memory_space<vmem>>, vector<16xf32>,
        %parallel_loop3A_407 = arith.constant 16 : i32
        %parallel_loop3A_408 = arith.muli %parallel_loop3A_116, %parallel_loop3A_407 : i32
        %parallel_loop3A_409 = arith.constant 22 : i32
        %parallel_loop3A_410 = arith.index_cast %parallel_loop3A_113 : i32 to index
        %parallel_loop3A_411 = arith.index_cast %parallel_loop3A_409 : i32 to index
        %parallel_loop3A_412 = arith.index_cast %parallel_loop3A_408 : i32 to index
        %parallel_loop3A_413 = tpu.vector_load %arg8[%parallel_loop3A_410, %parallel_loop3A_411, %parallel_loop3A_412] {strides = array<i32>} : memref<10x32x128xf32, #tpu.memory_space<vmem>>, vector<16xf32>,
        tpu.vector_store %arg8[%parallel_loop3A_410, %parallel_loop3A_411, %parallel_loop3A_412], %parallel_loop3A_216 {strides = array<i32>} : memref<10x32x128xf32, #tpu.memory_space<vmem>>, vector<16xf32>,
        %parallel_loop3A_414 = arith.constant 16 : i32
        %parallel_loop3A_415 = arith.muli %parallel_loop3A_116, %parallel_loop3A_414 : i32
        %parallel_loop3A_416 = arith.constant 23 : i32
        %parallel_loop3A_417 = arith.index_cast %parallel_loop3A_113 : i32 to index
        %parallel_loop3A_418 = arith.index_cast %parallel_loop3A_416 : i32 to index
        %parallel_loop3A_419 = arith.index_cast %parallel_loop3A_415 : i32 to index
        %parallel_loop3A_420 = tpu.vector_load %arg8[%parallel_loop3A_417, %parallel_loop3A_418, %parallel_loop3A_419] {strides = array<i32>} : memref<10x32x128xf32, #tpu.memory_space<vmem>>, vector<16xf32>,
        tpu.vector_store %arg8[%parallel_loop3A_417, %parallel_loop3A_418, %parallel_loop3A_419], %parallel_loop3A_220 {strides = array<i32>} : memref<10x32x128xf32, #tpu.memory_space<vmem>>, vector<16xf32>,
        %parallel_loop3A_421 = arith.constant 16 : i32
        %parallel_loop3A_422 = arith.muli %parallel_loop3A_116, %parallel_loop3A_421 : i32
        %parallel_loop3A_423 = arith.constant 24 : i32
        %parallel_loop3A_424 = arith.index_cast %parallel_loop3A_113 : i32 to index
        %parallel_loop3A_425 = arith.index_cast %parallel_loop3A_423 : i32 to index
        %parallel_loop3A_426 = arith.index_cast %parallel_loop3A_422 : i32 to index
        %parallel_loop3A_427 = tpu.vector_load %arg8[%parallel_loop3A_424, %parallel_loop3A_425, %parallel_loop3A_426] {strides = array<i32>} : memref<10x32x128xf32, #tpu.memory_space<vmem>>, vector<16xf32>,
        tpu.vector_store %arg8[%parallel_loop3A_424, %parallel_loop3A_425, %parallel_loop3A_426], %parallel_loop3A_224 {strides = array<i32>} : memref<10x32x128xf32, #tpu.memory_space<vmem>>, vector<16xf32>,
        %parallel_loop3A_428 = arith.constant 16 : i32
        %parallel_loop3A_429 = arith.muli %parallel_loop3A_116, %parallel_loop3A_428 : i32
        %parallel_loop3A_430 = arith.constant 25 : i32
        %parallel_loop3A_431 = arith.index_cast %parallel_loop3A_113 : i32 to index
        %parallel_loop3A_432 = arith.index_cast %parallel_loop3A_430 : i32 to index
        %parallel_loop3A_433 = arith.index_cast %parallel_loop3A_429 : i32 to index
        %parallel_loop3A_434 = tpu.vector_load %arg8[%parallel_loop3A_431, %parallel_loop3A_432, %parallel_loop3A_433] {strides = array<i32>} : memref<10x32x128xf32, #tpu.memory_space<vmem>>, vector<16xf32>,
        tpu.vector_store %arg8[%parallel_loop3A_431, %parallel_loop3A_432, %parallel_loop3A_433], %parallel_loop3A_228 {strides = array<i32>} : memref<10x32x128xf32, #tpu.memory_space<vmem>>, vector<16xf32>,
        %parallel_loop3A_435 = arith.constant 16 : i32
        %parallel_loop3A_436 = arith.muli %parallel_loop3A_116, %parallel_loop3A_435 : i32
        %parallel_loop3A_437 = arith.constant 26 : i32
        %parallel_loop3A_438 = arith.index_cast %parallel_loop3A_113 : i32 to index
        %parallel_loop3A_439 = arith.index_cast %parallel_loop3A_437 : i32 to index
        %parallel_loop3A_440 = arith.index_cast %parallel_loop3A_436 : i32 to index
        %parallel_loop3A_441 = tpu.vector_load %arg8[%parallel_loop3A_438, %parallel_loop3A_439, %parallel_loop3A_440] {strides = array<i32>} : memref<10x32x128xf32, #tpu.memory_space<vmem>>, vector<16xf32>,
        tpu.vector_store %arg8[%parallel_loop3A_438, %parallel_loop3A_439, %parallel_loop3A_440], %parallel_loop3A_232 {strides = array<i32>} : memref<10x32x128xf32, #tpu.memory_space<vmem>>, vector<16xf32>,
        %parallel_loop3A_442 = arith.constant 16 : i32
        %parallel_loop3A_443 = arith.muli %parallel_loop3A_116, %parallel_loop3A_442 : i32
        %parallel_loop3A_444 = arith.constant 27 : i32
        %parallel_loop3A_445 = arith.index_cast %parallel_loop3A_113 : i32 to index
        %parallel_loop3A_446 = arith.index_cast %parallel_loop3A_444 : i32 to index
        %parallel_loop3A_447 = arith.index_cast %parallel_loop3A_443 : i32 to index
        %parallel_loop3A_448 = tpu.vector_load %arg8[%parallel_loop3A_445, %parallel_loop3A_446, %parallel_loop3A_447] {strides = array<i32>} : memref<10x32x128xf32, #tpu.memory_space<vmem>>, vector<16xf32>,
        tpu.vector_store %arg8[%parallel_loop3A_445, %parallel_loop3A_446, %parallel_loop3A_447], %parallel_loop3A_236 {strides = array<i32>} : memref<10x32x128xf32, #tpu.memory_space<vmem>>, vector<16xf32>,
        %parallel_loop3A_449 = arith.constant 16 : i32
        %parallel_loop3A_450 = arith.muli %parallel_loop3A_116, %parallel_loop3A_449 : i32
        %parallel_loop3A_451 = arith.constant 28 : i32
        %parallel_loop3A_452 = arith.index_cast %parallel_loop3A_113 : i32 to index
        %parallel_loop3A_453 = arith.index_cast %parallel_loop3A_451 : i32 to index
        %parallel_loop3A_454 = arith.index_cast %parallel_loop3A_450 : i32 to index
        %parallel_loop3A_455 = tpu.vector_load %arg8[%parallel_loop3A_452, %parallel_loop3A_453, %parallel_loop3A_454] {strides = array<i32>} : memref<10x32x128xf32, #tpu.memory_space<vmem>>, vector<16xf32>,
        tpu.vector_store %arg8[%parallel_loop3A_452, %parallel_loop3A_453, %parallel_loop3A_454], %parallel_loop3A_240 {strides = array<i32>} : memref<10x32x128xf32, #tpu.memory_space<vmem>>, vector<16xf32>,
        %parallel_loop3A_456 = arith.constant 16 : i32
        %parallel_loop3A_457 = arith.muli %parallel_loop3A_116, %parallel_loop3A_456 : i32
        %parallel_loop3A_458 = arith.constant 29 : i32
        %parallel_loop3A_459 = arith.index_cast %parallel_loop3A_113 : i32 to index
        %parallel_loop3A_460 = arith.index_cast %parallel_loop3A_458 : i32 to index
        %parallel_loop3A_461 = arith.index_cast %parallel_loop3A_457 : i32 to index
        %parallel_loop3A_462 = tpu.vector_load %arg8[%parallel_loop3A_459, %parallel_loop3A_460, %parallel_loop3A_461] {strides = array<i32>} : memref<10x32x128xf32, #tpu.memory_space<vmem>>, vector<16xf32>,
        tpu.vector_store %arg8[%parallel_loop3A_459, %parallel_loop3A_460, %parallel_loop3A_461], %parallel_loop3A_244 {strides = array<i32>} : memref<10x32x128xf32, #tpu.memory_space<vmem>>, vector<16xf32>,
        %parallel_loop3A_463 = arith.constant 16 : i32
        %parallel_loop3A_464 = arith.muli %parallel_loop3A_116, %parallel_loop3A_463 : i32
        %parallel_loop3A_465 = arith.constant 30 : i32
        %parallel_loop3A_466 = arith.index_cast %parallel_loop3A_113 : i32 to index
        %parallel_loop3A_467 = arith.index_cast %parallel_loop3A_465 : i32 to index
        %parallel_loop3A_468 = arith.index_cast %parallel_loop3A_464 : i32 to index
        %parallel_loop3A_469 = tpu.vector_load %arg8[%parallel_loop3A_466, %parallel_loop3A_467, %parallel_loop3A_468] {strides = array<i32>} : memref<10x32x128xf32, #tpu.memory_space<vmem>>, vector<16xf32>,
        tpu.vector_store %arg8[%parallel_loop3A_466, %parallel_loop3A_467, %parallel_loop3A_468], %parallel_loop3A_248 {strides = array<i32>} : memref<10x32x128xf32, #tpu.memory_space<vmem>>, vector<16xf32>,
        %parallel_loop3A_470 = arith.constant 16 : i32
        %parallel_loop3A_471 = arith.muli %parallel_loop3A_116, %parallel_loop3A_470 : i32
        %parallel_loop3A_472 = arith.constant 31 : i32
        %parallel_loop3A_473 = arith.index_cast %parallel_loop3A_113 : i32 to index
        %parallel_loop3A_474 = arith.index_cast %parallel_loop3A_472 : i32 to index
        %parallel_loop3A_475 = arith.index_cast %parallel_loop3A_471 : i32 to index
        %parallel_loop3A_476 = tpu.vector_load %arg8[%parallel_loop3A_473, %parallel_loop3A_474, %parallel_loop3A_475] {strides = array<i32>} : memref<10x32x128xf32, #tpu.memory_space<vmem>>, vector<16xf32>,
        tpu.vector_store %arg8[%parallel_loop3A_473, %parallel_loop3A_474, %parallel_loop3A_475], %parallel_loop3A_252 {strides = array<i32>} : memref<10x32x128xf32, #tpu.memory_space<vmem>>, vector<16xf32>,
      } {sc.loop_unroll_factor = 2 : i64, sc.parallel_access}
      %mul3A_77 = arith.constant 10 : i32
      %mul3A_78 = arith.muli %add3A_48, %mul3A_77 : i32
      %dma_wait3A_79 = arith.constant 0 : i32
      %dma_wait3A_80 = tpu.memref_slice %arg4[%mul3A_78, %dma_wait3A_79, %mul3A_2] : memref<200x32x4096xf32, #tpu.memory_space<hbm>> -> memref<10x32x128xf32, #tpu.memory_space<hbm>>
      %dma_wait3A_81 = arith.constant 0 : i32
      %dma_wait3A_82 = tpu.memref_slice %arg4[%mul3A_78, %dma_wait3A_81, %mul3A_2] : memref<200x32x4096xf32, #tpu.memory_space<hbm>> -> memref<10x32x128xf32, #tpu.memory_space<hbm>>
      tpu.wait_dma2 semaphore(%arg11 : memref<!tpu.dma_semaphore, #tpu.memory_space<semaphore_mem>>) src(%arg9 : memref<10x32x128xf32, #tpu.memory_space<vmem>>) dst(%dma_wait3A_82 : memref<10x32x128xf32, #tpu.memory_space<hbm>>)
      %mul3A_83 = arith.constant 10 : i32
      %mul3A_84 = arith.muli %add3A_52, %mul3A_83 : i32
      %dma_start3A_85 = arith.constant 0 : i32
      %dma_start3A_86 = tpu.memref_slice %arg4[%mul3A_84, %dma_start3A_85, %mul3A_2] : memref<200x32x4096xf32, #tpu.memory_space<hbm>> -> memref<10x32x128xf32, #tpu.memory_space<hbm>>
      %dma_start3A_87 = arith.constant 0 : i32
      %dma_start3A_88 = tpu.memref_slice %arg4[%mul3A_84, %dma_start3A_87, %mul3A_2] : memref<200x32x4096xf32, #tpu.memory_space<hbm>> -> memref<10x32x128xf32, #tpu.memory_space<hbm>>
      tpu.enqueue_dma source(%arg8 : memref<10x32x128xf32, #tpu.memory_space<vmem>>) target(%dma_start3A_88 : memref<10x32x128xf32, #tpu.memory_space<hbm>>) target_semaphore(%arg10 : memref<!tpu.dma_semaphore, #tpu.memory_space<semaphore_mem>>)
    }
    %scan3A_23 = arith.constant 9 : i32
    %parallel_loop3A_24 = arith.constant 0 : i32
    %parallel_loop3A_25 = arith.constant 80 : i32
    %parallel_loop3A_26 = arith.constant 1 : i32
    scf.for %parallel_loop3A_44 = %parallel_loop3A_24 to %parallel_loop3A_25 step %parallel_loop3A_26  : i32 {
      %parallel_loop3A_45 = arith.constant 8 : i32
      %parallel_loop3A_46 = arith.divsi %parallel_loop3A_44, %parallel_loop3A_45 : i32
      %parallel_loop3A_47 = arith.constant 0 : i32
      %parallel_loop3A_48 = arith.cmpi sgt, %parallel_loop3A_44, %parallel_loop3A_47 : i32
      %parallel_loop3A_49 = arith.extui %parallel_loop3A_48 : i1 to i32
      %parallel_loop3A_50 = arith.constant 0 : i32
      %parallel_loop3A_51 = arith.cmpi slt, %parallel_loop3A_44, %parallel_loop3A_50 : i32
      %parallel_loop3A_52 = arith.extui %parallel_loop3A_51 : i1 to i32
      %parallel_loop3A_53 = arith.subi %parallel_loop3A_49, %parallel_loop3A_52 : i32
      %parallel_loop3A_54 = arith.constant 0 : i32
      %parallel_loop3A_55 = arith.cmpi sgt, %parallel_loop3A_45, %parallel_loop3A_54 : i32
      %parallel_loop3A_56 = arith.extui %parallel_loop3A_55 : i1 to i32
      %parallel_loop3A_57 = arith.constant 0 : i32
      %parallel_loop3A_58 = arith.cmpi slt, %parallel_loop3A_45, %parallel_loop3A_57 : i32
      %parallel_loop3A_59 = arith.extui %parallel_loop3A_58 : i1 to i32
      %parallel_loop3A_60 = arith.subi %parallel_loop3A_56, %parallel_loop3A_59 : i32
      %parallel_loop3A_61 = arith.cmpi ne, %parallel_loop3A_53, %parallel_loop3A_60 : i32
      %parallel_loop3A_62 = arith.remsi %parallel_loop3A_44, %parallel_loop3A_45 : i32
      %parallel_loop3A_63 = arith.constant 0 : i32
      %parallel_loop3A_64 = arith.cmpi ne, %parallel_loop3A_62, %parallel_loop3A_63 : i32
      %parallel_loop3A_65 = arith.andi %parallel_loop3A_61, %parallel_loop3A_64 : i1
      %parallel_loop3A_66 = arith.constant 1 : i32
      %parallel_loop3A_67 = arith.subi %parallel_loop3A_46, %parallel_loop3A_66 : i32
      %parallel_loop3A_68 = arith.select %parallel_loop3A_65, %parallel_loop3A_67, %parallel_loop3A_46 : i32
      %parallel_loop3A_69 = arith.constant 8 : i32
      %parallel_loop3A_70 = arith.muli %parallel_loop3A_68, %parallel_loop3A_69 : i32
      %parallel_loop3A_71 = arith.subi %parallel_loop3A_44, %parallel_loop3A_70 : i32
      %parallel_loop3A_72 = arith.constant 190 : i32
      %parallel_loop3A_73 = arith.addi %parallel_loop3A_72, %parallel_loop3A_68 : i32
      %parallel_loop3A_74 = arith.constant 128 : i32
      %parallel_loop3A_75 = arith.muli %parallel_loop3A_73, %parallel_loop3A_74 : i32
      %parallel_loop3A_76 = arith.constant 16 : i32
      %parallel_loop3A_77 = arith.muli %parallel_loop3A_71, %parallel_loop3A_76 : i32
      %parallel_loop3A_78 = arith.addi %parallel_loop3A_75, %parallel_loop3A_77 : i32
      %parallel_loop3A_79 = arith.index_cast %parallel_loop3A_78 : i32 to index
      %parallel_loop3A_80 = tpu.vector_load %arg7[%parallel_loop3A_79] {strides = array<i32>} : memref<25600xi32, #tpu.memory_space<vmem>>, vector<16xi32>,
      %parallel_loop3A_81 = arith.constant 0 : i32
      %parallel_loop3A_82 = vector.broadcast %parallel_loop3A_81 : i32 to vector<16xi32>
      %parallel_loop3A_83 = arith.addi %parallel_loop3A_80, %parallel_loop3A_82 : vector<16xi32>
      %parallel_loop3A_84 = tpu.vector_load_idx %arg5[%parallel_loop3A_83] : memref<1056xf32, #tpu.memory_space<vmem>>[vector<16xi32>], vector<16xf32>,
      %parallel_loop3A_85 = arith.constant 1 : i32
      %parallel_loop3A_86 = vector.broadcast %parallel_loop3A_85 : i32 to vector<16xi32>
      %parallel_loop3A_87 = arith.addi %parallel_loop3A_80, %parallel_loop3A_86 : vector<16xi32>
      %parallel_loop3A_88 = tpu.vector_load_idx %arg5[%parallel_loop3A_87] : memref<1056xf32, #tpu.memory_space<vmem>>[vector<16xi32>], vector<16xf32>,
      %parallel_loop3A_89 = arith.constant 2 : i32
      %parallel_loop3A_90 = vector.broadcast %parallel_loop3A_89 : i32 to vector<16xi32>
      %parallel_loop3A_91 = arith.addi %parallel_loop3A_80, %parallel_loop3A_90 : vector<16xi32>
      %parallel_loop3A_92 = tpu.vector_load_idx %arg5[%parallel_loop3A_91] : memref<1056xf32, #tpu.memory_space<vmem>>[vector<16xi32>], vector<16xf32>,
      %parallel_loop3A_93 = arith.constant 3 : i32
      %parallel_loop3A_94 = vector.broadcast %parallel_loop3A_93 : i32 to vector<16xi32>
      %parallel_loop3A_95 = arith.addi %parallel_loop3A_80, %parallel_loop3A_94 : vector<16xi32>
      %parallel_loop3A_96 = tpu.vector_load_idx %arg5[%parallel_loop3A_95] : memref<1056xf32, #tpu.memory_space<vmem>>[vector<16xi32>], vector<16xf32>,
      %parallel_loop3A_97 = arith.constant 4 : i32
      %parallel_loop3A_98 = vector.broadcast %parallel_loop3A_97 : i32 to vector<16xi32>
      %parallel_loop3A_99 = arith.addi %parallel_loop3A_80, %parallel_loop3A_98 : vector<16xi32>
      %parallel_loop3A_100 = tpu.vector_load_idx %arg5[%parallel_loop3A_99] : memref<1056xf32, #tpu.memory_space<vmem>>[vector<16xi32>], vector<16xf32>,
      %parallel_loop3A_101 = arith.constant 5 : i32
      %parallel_loop3A_102 = vector.broadcast %parallel_loop3A_101 : i32 to vector<16xi32>
      %parallel_loop3A_103 = arith.addi %parallel_loop3A_80, %parallel_loop3A_102 : vector<16xi32>
      %parallel_loop3A_104 = tpu.vector_load_idx %arg5[%parallel_loop3A_103] : memref<1056xf32, #tpu.memory_space<vmem>>[vector<16xi32>], vector<16xf32>,
      %parallel_loop3A_105 = arith.constant 6 : i32
      %parallel_loop3A_106 = vector.broadcast %parallel_loop3A_105 : i32 to vector<16xi32>
      %parallel_loop3A_107 = arith.addi %parallel_loop3A_80, %parallel_loop3A_106 : vector<16xi32>
      %parallel_loop3A_108 = tpu.vector_load_idx %arg5[%parallel_loop3A_107] : memref<1056xf32, #tpu.memory_space<vmem>>[vector<16xi32>], vector<16xf32>,
      %parallel_loop3A_109 = arith.constant 7 : i32
      %parallel_loop3A_110 = vector.broadcast %parallel_loop3A_109 : i32 to vector<16xi32>
      %parallel_loop3A_111 = arith.addi %parallel_loop3A_80, %parallel_loop3A_110 : vector<16xi32>
      %parallel_loop3A_112 = tpu.vector_load_idx %arg5[%parallel_loop3A_111] : memref<1056xf32, #tpu.memory_space<vmem>>[vector<16xi32>], vector<16xf32>,
      %parallel_loop3A_113 = arith.constant 8 : i32
      %parallel_loop3A_114 = vector.broadcast %parallel_loop3A_113 : i32 to vector<16xi32>
      %parallel_loop3A_115 = arith.addi %parallel_loop3A_80, %parallel_loop3A_114 : vector<16xi32>
      %parallel_loop3A_116 = tpu.vector_load_idx %arg5[%parallel_loop3A_115] : memref<1056xf32, #tpu.memory_space<vmem>>[vector<16xi32>], vector<16xf32>,
      %parallel_loop3A_117 = arith.constant 9 : i32
      %parallel_loop3A_118 = vector.broadcast %parallel_loop3A_117 : i32 to vector<16xi32>
      %parallel_loop3A_119 = arith.addi %parallel_loop3A_80, %parallel_loop3A_118 : vector<16xi32>
      %parallel_loop3A_120 = tpu.vector_load_idx %arg5[%parallel_loop3A_119] : memref<1056xf32, #tpu.memory_space<vmem>>[vector<16xi32>], vector<16xf32>,
      %parallel_loop3A_121 = arith.constant 10 : i32
      %parallel_loop3A_122 = vector.broadcast %parallel_loop3A_121 : i32 to vector<16xi32>
      %parallel_loop3A_123 = arith.addi %parallel_loop3A_80, %parallel_loop3A_122 : vector<16xi32>
      %parallel_loop3A_124 = tpu.vector_load_idx %arg5[%parallel_loop3A_123] : memref<1056xf32, #tpu.memory_space<vmem>>[vector<16xi32>], vector<16xf32>,
      %parallel_loop3A_125 = arith.constant 11 : i32
      %parallel_loop3A_126 = vector.broadcast %parallel_loop3A_125 : i32 to vector<16xi32>
      %parallel_loop3A_127 = arith.addi %parallel_loop3A_80, %parallel_loop3A_126 : vector<16xi32>
      %parallel_loop3A_128 = tpu.vector_load_idx %arg5[%parallel_loop3A_127] : memref<1056xf32, #tpu.memory_space<vmem>>[vector<16xi32>], vector<16xf32>,
      %parallel_loop3A_129 = arith.constant 12 : i32
      %parallel_loop3A_130 = vector.broadcast %parallel_loop3A_129 : i32 to vector<16xi32>
      %parallel_loop3A_131 = arith.addi %parallel_loop3A_80, %parallel_loop3A_130 : vector<16xi32>
      %parallel_loop3A_132 = tpu.vector_load_idx %arg5[%parallel_loop3A_131] : memref<1056xf32, #tpu.memory_space<vmem>>[vector<16xi32>], vector<16xf32>,
      %parallel_loop3A_133 = arith.constant 13 : i32
      %parallel_loop3A_134 = vector.broadcast %parallel_loop3A_133 : i32 to vector<16xi32>
      %parallel_loop3A_135 = arith.addi %parallel_loop3A_80, %parallel_loop3A_134 : vector<16xi32>
      %parallel_loop3A_136 = tpu.vector_load_idx %arg5[%parallel_loop3A_135] : memref<1056xf32, #tpu.memory_space<vmem>>[vector<16xi32>], vector<16xf32>,
      %parallel_loop3A_137 = arith.constant 14 : i32
      %parallel_loop3A_138 = vector.broadcast %parallel_loop3A_137 : i32 to vector<16xi32>
      %parallel_loop3A_139 = arith.addi %parallel_loop3A_80, %parallel_loop3A_138 : vector<16xi32>
      %parallel_loop3A_140 = tpu.vector_load_idx %arg5[%parallel_loop3A_139] : memref<1056xf32, #tpu.memory_space<vmem>>[vector<16xi32>], vector<16xf32>,
      %parallel_loop3A_141 = arith.constant 15 : i32
      %parallel_loop3A_142 = vector.broadcast %parallel_loop3A_141 : i32 to vector<16xi32>
      %parallel_loop3A_143 = arith.addi %parallel_loop3A_80, %parallel_loop3A_142 : vector<16xi32>
      %parallel_loop3A_144 = tpu.vector_load_idx %arg5[%parallel_loop3A_143] : memref<1056xf32, #tpu.memory_space<vmem>>[vector<16xi32>], vector<16xf32>,
      %parallel_loop3A_145 = arith.constant 16 : i32
      %parallel_loop3A_146 = vector.broadcast %parallel_loop3A_145 : i32 to vector<16xi32>
      %parallel_loop3A_147 = arith.addi %parallel_loop3A_80, %parallel_loop3A_146 : vector<16xi32>
      %parallel_loop3A_148 = tpu.vector_load_idx %arg5[%parallel_loop3A_147] : memref<1056xf32, #tpu.memory_space<vmem>>[vector<16xi32>], vector<16xf32>,
      %parallel_loop3A_149 = arith.constant 17 : i32
      %parallel_loop3A_150 = vector.broadcast %parallel_loop3A_149 : i32 to vector<16xi32>
      %parallel_loop3A_151 = arith.addi %parallel_loop3A_80, %parallel_loop3A_150 : vector<16xi32>
      %parallel_loop3A_152 = tpu.vector_load_idx %arg5[%parallel_loop3A_151] : memref<1056xf32, #tpu.memory_space<vmem>>[vector<16xi32>], vector<16xf32>,
      %parallel_loop3A_153 = arith.constant 18 : i32
      %parallel_loop3A_154 = vector.broadcast %parallel_loop3A_153 : i32 to vector<16xi32>
      %parallel_loop3A_155 = arith.addi %parallel_loop3A_80, %parallel_loop3A_154 : vector<16xi32>
      %parallel_loop3A_156 = tpu.vector_load_idx %arg5[%parallel_loop3A_155] : memref<1056xf32, #tpu.memory_space<vmem>>[vector<16xi32>], vector<16xf32>,
      %parallel_loop3A_157 = arith.constant 19 : i32
      %parallel_loop3A_158 = vector.broadcast %parallel_loop3A_157 : i32 to vector<16xi32>
      %parallel_loop3A_159 = arith.addi %parallel_loop3A_80, %parallel_loop3A_158 : vector<16xi32>
      %parallel_loop3A_160 = tpu.vector_load_idx %arg5[%parallel_loop3A_159] : memref<1056xf32, #tpu.memory_space<vmem>>[vector<16xi32>], vector<16xf32>,
      %parallel_loop3A_161 = arith.constant 20 : i32
      %parallel_loop3A_162 = vector.broadcast %parallel_loop3A_161 : i32 to vector<16xi32>
      %parallel_loop3A_163 = arith.addi %parallel_loop3A_80, %parallel_loop3A_162 : vector<16xi32>
      %parallel_loop3A_164 = tpu.vector_load_idx %arg5[%parallel_loop3A_163] : memref<1056xf32, #tpu.memory_space<vmem>>[vector<16xi32>], vector<16xf32>,
      %parallel_loop3A_165 = arith.constant 21 : i32
      %parallel_loop3A_166 = vector.broadcast %parallel_loop3A_165 : i32 to vector<16xi32>
      %parallel_loop3A_167 = arith.addi %parallel_loop3A_80, %parallel_loop3A_166 : vector<16xi32>
      %parallel_loop3A_168 = tpu.vector_load_idx %arg5[%parallel_loop3A_167] : memref<1056xf32, #tpu.memory_space<vmem>>[vector<16xi32>], vector<16xf32>,
      %parallel_loop3A_169 = arith.constant 22 : i32
      %parallel_loop3A_170 = vector.broadcast %parallel_loop3A_169 : i32 to vector<16xi32>
      %parallel_loop3A_171 = arith.addi %parallel_loop3A_80, %parallel_loop3A_170 : vector<16xi32>
      %parallel_loop3A_172 = tpu.vector_load_idx %arg5[%parallel_loop3A_171] : memref<1056xf32, #tpu.memory_space<vmem>>[vector<16xi32>], vector<16xf32>,
      %parallel_loop3A_173 = arith.constant 23 : i32
      %parallel_loop3A_174 = vector.broadcast %parallel_loop3A_173 : i32 to vector<16xi32>
      %parallel_loop3A_175 = arith.addi %parallel_loop3A_80, %parallel_loop3A_174 : vector<16xi32>
      %parallel_loop3A_176 = tpu.vector_load_idx %arg5[%parallel_loop3A_175] : memref<1056xf32, #tpu.memory_space<vmem>>[vector<16xi32>], vector<16xf32>,
      %parallel_loop3A_177 = arith.constant 24 : i32
      %parallel_loop3A_178 = vector.broadcast %parallel_loop3A_177 : i32 to vector<16xi32>
      %parallel_loop3A_179 = arith.addi %parallel_loop3A_80, %parallel_loop3A_178 : vector<16xi32>
      %parallel_loop3A_180 = tpu.vector_load_idx %arg5[%parallel_loop3A_179] : memref<1056xf32, #tpu.memory_space<vmem>>[vector<16xi32>], vector<16xf32>,
      %parallel_loop3A_181 = arith.constant 25 : i32
      %parallel_loop3A_182 = vector.broadcast %parallel_loop3A_181 : i32 to vector<16xi32>
      %parallel_loop3A_183 = arith.addi %parallel_loop3A_80, %parallel_loop3A_182 : vector<16xi32>
      %parallel_loop3A_184 = tpu.vector_load_idx %arg5[%parallel_loop3A_183] : memref<1056xf32, #tpu.memory_space<vmem>>[vector<16xi32>], vector<16xf32>,
      %parallel_loop3A_185 = arith.constant 26 : i32
      %parallel_loop3A_186 = vector.broadcast %parallel_loop3A_185 : i32 to vector<16xi32>
      %parallel_loop3A_187 = arith.addi %parallel_loop3A_80, %parallel_loop3A_186 : vector<16xi32>
      %parallel_loop3A_188 = tpu.vector_load_idx %arg5[%parallel_loop3A_187] : memref<1056xf32, #tpu.memory_space<vmem>>[vector<16xi32>], vector<16xf32>,
      %parallel_loop3A_189 = arith.constant 27 : i32
      %parallel_loop3A_190 = vector.broadcast %parallel_loop3A_189 : i32 to vector<16xi32>
      %parallel_loop3A_191 = arith.addi %parallel_loop3A_80, %parallel_loop3A_190 : vector<16xi32>
      %parallel_loop3A_192 = tpu.vector_load_idx %arg5[%parallel_loop3A_191] : memref<1056xf32, #tpu.memory_space<vmem>>[vector<16xi32>], vector<16xf32>,
      %parallel_loop3A_193 = arith.constant 28 : i32
      %parallel_loop3A_194 = vector.broadcast %parallel_loop3A_193 : i32 to vector<16xi32>
      %parallel_loop3A_195 = arith.addi %parallel_loop3A_80, %parallel_loop3A_194 : vector<16xi32>
      %parallel_loop3A_196 = tpu.vector_load_idx %arg5[%parallel_loop3A_195] : memref<1056xf32, #tpu.memory_space<vmem>>[vector<16xi32>], vector<16xf32>,
      %parallel_loop3A_197 = arith.constant 29 : i32
      %parallel_loop3A_198 = vector.broadcast %parallel_loop3A_197 : i32 to vector<16xi32>
      %parallel_loop3A_199 = arith.addi %parallel_loop3A_80, %parallel_loop3A_198 : vector<16xi32>
      %parallel_loop3A_200 = tpu.vector_load_idx %arg5[%parallel_loop3A_199] : memref<1056xf32, #tpu.memory_space<vmem>>[vector<16xi32>], vector<16xf32>,
      %parallel_loop3A_201 = arith.constant 30 : i32
      %parallel_loop3A_202 = vector.broadcast %parallel_loop3A_201 : i32 to vector<16xi32>
      %parallel_loop3A_203 = arith.addi %parallel_loop3A_80, %parallel_loop3A_202 : vector<16xi32>
      %parallel_loop3A_204 = tpu.vector_load_idx %arg5[%parallel_loop3A_203] : memref<1056xf32, #tpu.memory_space<vmem>>[vector<16xi32>], vector<16xf32>,
      %parallel_loop3A_205 = arith.constant 31 : i32
      %parallel_loop3A_206 = vector.broadcast %parallel_loop3A_205 : i32 to vector<16xi32>
      %parallel_loop3A_207 = arith.addi %parallel_loop3A_80, %parallel_loop3A_206 : vector<16xi32>
      %parallel_loop3A_208 = tpu.vector_load_idx %arg5[%parallel_loop3A_207] : memref<1056xf32, #tpu.memory_space<vmem>>[vector<16xi32>], vector<16xf32>,
      %parallel_loop3A_209 = arith.constant 16 : i32
      %parallel_loop3A_210 = arith.muli %parallel_loop3A_71, %parallel_loop3A_209 : i32
      %parallel_loop3A_211 = arith.constant 0 : i32
      %parallel_loop3A_212 = arith.index_cast %parallel_loop3A_68 : i32 to index
      %parallel_loop3A_213 = arith.index_cast %parallel_loop3A_211 : i32 to index
      %parallel_loop3A_214 = arith.index_cast %parallel_loop3A_210 : i32 to index
      %parallel_loop3A_215 = tpu.vector_load %arg9[%parallel_loop3A_212, %parallel_loop3A_213, %parallel_loop3A_214] {strides = array<i32>} : memref<10x32x128xf32, #tpu.memory_space<vmem>>, vector<16xf32>,
      tpu.vector_store %arg9[%parallel_loop3A_212, %parallel_loop3A_213, %parallel_loop3A_214], %parallel_loop3A_84 {strides = array<i32>} : memref<10x32x128xf32, #tpu.memory_space<vmem>>, vector<16xf32>,
      %parallel_loop3A_216 = arith.constant 16 : i32
      %parallel_loop3A_217 = arith.muli %parallel_loop3A_71, %parallel_loop3A_216 : i32
      %parallel_loop3A_218 = arith.constant 1 : i32
      %parallel_loop3A_219 = arith.index_cast %parallel_loop3A_68 : i32 to index
      %parallel_loop3A_220 = arith.index_cast %parallel_loop3A_218 : i32 to index
      %parallel_loop3A_221 = arith.index_cast %parallel_loop3A_217 : i32 to index
      %parallel_loop3A_222 = tpu.vector_load %arg9[%parallel_loop3A_219, %parallel_loop3A_220, %parallel_loop3A_221] {strides = array<i32>} : memref<10x32x128xf32, #tpu.memory_space<vmem>>, vector<16xf32>,
      tpu.vector_store %arg9[%parallel_loop3A_219, %parallel_loop3A_220, %parallel_loop3A_221], %parallel_loop3A_88 {strides = array<i32>} : memref<10x32x128xf32, #tpu.memory_space<vmem>>, vector<16xf32>,
      %parallel_loop3A_223 = arith.constant 16 : i32
      %parallel_loop3A_224 = arith.muli %parallel_loop3A_71, %parallel_loop3A_223 : i32
      %parallel_loop3A_225 = arith.constant 2 : i32
      %parallel_loop3A_226 = arith.index_cast %parallel_loop3A_68 : i32 to index
      %parallel_loop3A_227 = arith.index_cast %parallel_loop3A_225 : i32 to index
      %parallel_loop3A_228 = arith.index_cast %parallel_loop3A_224 : i32 to index
      %parallel_loop3A_229 = tpu.vector_load %arg9[%parallel_loop3A_226, %parallel_loop3A_227, %parallel_loop3A_228] {strides = array<i32>} : memref<10x32x128xf32, #tpu.memory_space<vmem>>, vector<16xf32>,
      tpu.vector_store %arg9[%parallel_loop3A_226, %parallel_loop3A_227, %parallel_loop3A_228], %parallel_loop3A_92 {strides = array<i32>} : memref<10x32x128xf32, #tpu.memory_space<vmem>>, vector<16xf32>,
      %parallel_loop3A_230 = arith.constant 16 : i32
      %parallel_loop3A_231 = arith.muli %parallel_loop3A_71, %parallel_loop3A_230 : i32
      %parallel_loop3A_232 = arith.constant 3 : i32
      %parallel_loop3A_233 = arith.index_cast %parallel_loop3A_68 : i32 to index
      %parallel_loop3A_234 = arith.index_cast %parallel_loop3A_232 : i32 to index
      %parallel_loop3A_235 = arith.index_cast %parallel_loop3A_231 : i32 to index
      %parallel_loop3A_236 = tpu.vector_load %arg9[%parallel_loop3A_233, %parallel_loop3A_234, %parallel_loop3A_235] {strides = array<i32>} : memref<10x32x128xf32, #tpu.memory_space<vmem>>, vector<16xf32>,
      tpu.vector_store %arg9[%parallel_loop3A_233, %parallel_loop3A_234, %parallel_loop3A_235], %parallel_loop3A_96 {strides = array<i32>} : memref<10x32x128xf32, #tpu.memory_space<vmem>>, vector<16xf32>,
      %parallel_loop3A_237 = arith.constant 16 : i32
      %parallel_loop3A_238 = arith.muli %parallel_loop3A_71, %parallel_loop3A_237 : i32
      %parallel_loop3A_239 = arith.constant 4 : i32
      %parallel_loop3A_240 = arith.index_cast %parallel_loop3A_68 : i32 to index
      %parallel_loop3A_241 = arith.index_cast %parallel_loop3A_239 : i32 to index
      %parallel_loop3A_242 = arith.index_cast %parallel_loop3A_238 : i32 to index
      %parallel_loop3A_243 = tpu.vector_load %arg9[%parallel_loop3A_240, %parallel_loop3A_241, %parallel_loop3A_242] {strides = array<i32>} : memref<10x32x128xf32, #tpu.memory_space<vmem>>, vector<16xf32>,
      tpu.vector_store %arg9[%parallel_loop3A_240, %parallel_loop3A_241, %parallel_loop3A_242], %parallel_loop3A_100 {strides = array<i32>} : memref<10x32x128xf32, #tpu.memory_space<vmem>>, vector<16xf32>,
      %parallel_loop3A_244 = arith.constant 16 : i32
      %parallel_loop3A_245 = arith.muli %parallel_loop3A_71, %parallel_loop3A_244 : i32
      %parallel_loop3A_246 = arith.constant 5 : i32
      %parallel_loop3A_247 = arith.index_cast %parallel_loop3A_68 : i32 to index
      %parallel_loop3A_248 = arith.index_cast %parallel_loop3A_246 : i32 to index
      %parallel_loop3A_249 = arith.index_cast %parallel_loop3A_245 : i32 to index
      %parallel_loop3A_250 = tpu.vector_load %arg9[%parallel_loop3A_247, %parallel_loop3A_248, %parallel_loop3A_249] {strides = array<i32>} : memref<10x32x128xf32, #tpu.memory_space<vmem>>, vector<16xf32>,
      tpu.vector_store %arg9[%parallel_loop3A_247, %parallel_loop3A_248, %parallel_loop3A_249], %parallel_loop3A_104 {strides = array<i32>} : memref<10x32x128xf32, #tpu.memory_space<vmem>>, vector<16xf32>,
      %parallel_loop3A_251 = arith.constant 16 : i32
      %parallel_loop3A_252 = arith.muli %parallel_loop3A_71, %parallel_loop3A_251 : i32
      %parallel_loop3A_253 = arith.constant 6 : i32
      %parallel_loop3A_254 = arith.index_cast %parallel_loop3A_68 : i32 to index
      %parallel_loop3A_255 = arith.index_cast %parallel_loop3A_253 : i32 to index
      %parallel_loop3A_256 = arith.index_cast %parallel_loop3A_252 : i32 to index
      %parallel_loop3A_257 = tpu.vector_load %arg9[%parallel_loop3A_254, %parallel_loop3A_255, %parallel_loop3A_256] {strides = array<i32>} : memref<10x32x128xf32, #tpu.memory_space<vmem>>, vector<16xf32>,
      tpu.vector_store %arg9[%parallel_loop3A_254, %parallel_loop3A_255, %parallel_loop3A_256], %parallel_loop3A_108 {strides = array<i32>} : memref<10x32x128xf32, #tpu.memory_space<vmem>>, vector<16xf32>,
      %parallel_loop3A_258 = arith.constant 16 : i32
      %parallel_loop3A_259 = arith.muli %parallel_loop3A_71, %parallel_loop3A_258 : i32
      %parallel_loop3A_260 = arith.constant 7 : i32
      %parallel_loop3A_261 = arith.index_cast %parallel_loop3A_68 : i32 to index
      %parallel_loop3A_262 = arith.index_cast %parallel_loop3A_260 : i32 to index
      %parallel_loop3A_263 = arith.index_cast %parallel_loop3A_259 : i32 to index
      %parallel_loop3A_264 = tpu.vector_load %arg9[%parallel_loop3A_261, %parallel_loop3A_262, %parallel_loop3A_263] {strides = array<i32>} : memref<10x32x128xf32, #tpu.memory_space<vmem>>, vector<16xf32>,
      tpu.vector_store %arg9[%parallel_loop3A_261, %parallel_loop3A_262, %parallel_loop3A_263], %parallel_loop3A_112 {strides = array<i32>} : memref<10x32x128xf32, #tpu.memory_space<vmem>>, vector<16xf32>,
      %parallel_loop3A_265 = arith.constant 16 : i32
      %parallel_loop3A_266 = arith.muli %parallel_loop3A_71, %parallel_loop3A_265 : i32
      %parallel_loop3A_267 = arith.constant 8 : i32
      %parallel_loop3A_268 = arith.index_cast %parallel_loop3A_68 : i32 to index
      %parallel_loop3A_269 = arith.index_cast %parallel_loop3A_267 : i32 to index
      %parallel_loop3A_270 = arith.index_cast %parallel_loop3A_266 : i32 to index
      %parallel_loop3A_271 = tpu.vector_load %arg9[%parallel_loop3A_268, %parallel_loop3A_269, %parallel_loop3A_270] {strides = array<i32>} : memref<10x32x128xf32, #tpu.memory_space<vmem>>, vector<16xf32>,
      tpu.vector_store %arg9[%parallel_loop3A_268, %parallel_loop3A_269, %parallel_loop3A_270], %parallel_loop3A_116 {strides = array<i32>} : memref<10x32x128xf32, #tpu.memory_space<vmem>>, vector<16xf32>,
      %parallel_loop3A_272 = arith.constant 16 : i32
      %parallel_loop3A_273 = arith.muli %parallel_loop3A_71, %parallel_loop3A_272 : i32
      %parallel_loop3A_274 = arith.constant 9 : i32
      %parallel_loop3A_275 = arith.index_cast %parallel_loop3A_68 : i32 to index
      %parallel_loop3A_276 = arith.index_cast %parallel_loop3A_274 : i32 to index
      %parallel_loop3A_277 = arith.index_cast %parallel_loop3A_273 : i32 to index
      %parallel_loop3A_278 = tpu.vector_load %arg9[%parallel_loop3A_275, %parallel_loop3A_276, %parallel_loop3A_277] {strides = array<i32>} : memref<10x32x128xf32, #tpu.memory_space<vmem>>, vector<16xf32>,
      tpu.vector_store %arg9[%parallel_loop3A_275, %parallel_loop3A_276, %parallel_loop3A_277], %parallel_loop3A_120 {strides = array<i32>} : memref<10x32x128xf32, #tpu.memory_space<vmem>>, vector<16xf32>,
      %parallel_loop3A_279 = arith.constant 16 : i32
      %parallel_loop3A_280 = arith.muli %parallel_loop3A_71, %parallel_loop3A_279 : i32
      %parallel_loop3A_281 = arith.constant 10 : i32
      %parallel_loop3A_282 = arith.index_cast %parallel_loop3A_68 : i32 to index
      %parallel_loop3A_283 = arith.index_cast %parallel_loop3A_281 : i32 to index
      %parallel_loop3A_284 = arith.index_cast %parallel_loop3A_280 : i32 to index
      %parallel_loop3A_285 = tpu.vector_load %arg9[%parallel_loop3A_282, %parallel_loop3A_283, %parallel_loop3A_284] {strides = array<i32>} : memref<10x32x128xf32, #tpu.memory_space<vmem>>, vector<16xf32>,
      tpu.vector_store %arg9[%parallel_loop3A_282, %parallel_loop3A_283, %parallel_loop3A_284], %parallel_loop3A_124 {strides = array<i32>} : memref<10x32x128xf32, #tpu.memory_space<vmem>>, vector<16xf32>,
      %parallel_loop3A_286 = arith.constant 16 : i32
      %parallel_loop3A_287 = arith.muli %parallel_loop3A_71, %parallel_loop3A_286 : i32
      %parallel_loop3A_288 = arith.constant 11 : i32
      %parallel_loop3A_289 = arith.index_cast %parallel_loop3A_68 : i32 to index
      %parallel_loop3A_290 = arith.index_cast %parallel_loop3A_288 : i32 to index
      %parallel_loop3A_291 = arith.index_cast %parallel_loop3A_287 : i32 to index
      %parallel_loop3A_292 = tpu.vector_load %arg9[%parallel_loop3A_289, %parallel_loop3A_290, %parallel_loop3A_291] {strides = array<i32>} : memref<10x32x128xf32, #tpu.memory_space<vmem>>, vector<16xf32>,
      tpu.vector_store %arg9[%parallel_loop3A_289, %parallel_loop3A_290, %parallel_loop3A_291], %parallel_loop3A_128 {strides = array<i32>} : memref<10x32x128xf32, #tpu.memory_space<vmem>>, vector<16xf32>,
      %parallel_loop3A_293 = arith.constant 16 : i32
      %parallel_loop3A_294 = arith.muli %parallel_loop3A_71, %parallel_loop3A_293 : i32
      %parallel_loop3A_295 = arith.constant 12 : i32
      %parallel_loop3A_296 = arith.index_cast %parallel_loop3A_68 : i32 to index
      %parallel_loop3A_297 = arith.index_cast %parallel_loop3A_295 : i32 to index
      %parallel_loop3A_298 = arith.index_cast %parallel_loop3A_294 : i32 to index
      %parallel_loop3A_299 = tpu.vector_load %arg9[%parallel_loop3A_296, %parallel_loop3A_297, %parallel_loop3A_298] {strides = array<i32>} : memref<10x32x128xf32, #tpu.memory_space<vmem>>, vector<16xf32>,
      tpu.vector_store %arg9[%parallel_loop3A_296, %parallel_loop3A_297, %parallel_loop3A_298], %parallel_loop3A_132 {strides = array<i32>} : memref<10x32x128xf32, #tpu.memory_space<vmem>>, vector<16xf32>,
      %parallel_loop3A_300 = arith.constant 16 : i32
      %parallel_loop3A_301 = arith.muli %parallel_loop3A_71, %parallel_loop3A_300 : i32
      %parallel_loop3A_302 = arith.constant 13 : i32
      %parallel_loop3A_303 = arith.index_cast %parallel_loop3A_68 : i32 to index
      %parallel_loop3A_304 = arith.index_cast %parallel_loop3A_302 : i32 to index
      %parallel_loop3A_305 = arith.index_cast %parallel_loop3A_301 : i32 to index
      %parallel_loop3A_306 = tpu.vector_load %arg9[%parallel_loop3A_303, %parallel_loop3A_304, %parallel_loop3A_305] {strides = array<i32>} : memref<10x32x128xf32, #tpu.memory_space<vmem>>, vector<16xf32>,
      tpu.vector_store %arg9[%parallel_loop3A_303, %parallel_loop3A_304, %parallel_loop3A_305], %parallel_loop3A_136 {strides = array<i32>} : memref<10x32x128xf32, #tpu.memory_space<vmem>>, vector<16xf32>,
      %parallel_loop3A_307 = arith.constant 16 : i32
      %parallel_loop3A_308 = arith.muli %parallel_loop3A_71, %parallel_loop3A_307 : i32
      %parallel_loop3A_309 = arith.constant 14 : i32
      %parallel_loop3A_310 = arith.index_cast %parallel_loop3A_68 : i32 to index
      %parallel_loop3A_311 = arith.index_cast %parallel_loop3A_309 : i32 to index
      %parallel_loop3A_312 = arith.index_cast %parallel_loop3A_308 : i32 to index
      %parallel_loop3A_313 = tpu.vector_load %arg9[%parallel_loop3A_310, %parallel_loop3A_311, %parallel_loop3A_312] {strides = array<i32>} : memref<10x32x128xf32, #tpu.memory_space<vmem>>, vector<16xf32>,
      tpu.vector_store %arg9[%parallel_loop3A_310, %parallel_loop3A_311, %parallel_loop3A_312], %parallel_loop3A_140 {strides = array<i32>} : memref<10x32x128xf32, #tpu.memory_space<vmem>>, vector<16xf32>,
      %parallel_loop3A_314 = arith.constant 16 : i32
      %parallel_loop3A_315 = arith.muli %parallel_loop3A_71, %parallel_loop3A_314 : i32
      %parallel_loop3A_316 = arith.constant 15 : i32
      %parallel_loop3A_317 = arith.index_cast %parallel_loop3A_68 : i32 to index
      %parallel_loop3A_318 = arith.index_cast %parallel_loop3A_316 : i32 to index
      %parallel_loop3A_319 = arith.index_cast %parallel_loop3A_315 : i32 to index
      %parallel_loop3A_320 = tpu.vector_load %arg9[%parallel_loop3A_317, %parallel_loop3A_318, %parallel_loop3A_319] {strides = array<i32>} : memref<10x32x128xf32, #tpu.memory_space<vmem>>, vector<16xf32>,
      tpu.vector_store %arg9[%parallel_loop3A_317, %parallel_loop3A_318, %parallel_loop3A_319], %parallel_loop3A_144 {strides = array<i32>} : memref<10x32x128xf32, #tpu.memory_space<vmem>>, vector<16xf32>,
      %parallel_loop3A_321 = arith.constant 16 : i32
      %parallel_loop3A_322 = arith.muli %parallel_loop3A_71, %parallel_loop3A_321 : i32
      %parallel_loop3A_323 = arith.constant 16 : i32
      %parallel_loop3A_324 = arith.index_cast %parallel_loop3A_68 : i32 to index
      %parallel_loop3A_325 = arith.index_cast %parallel_loop3A_323 : i32 to index
      %parallel_loop3A_326 = arith.index_cast %parallel_loop3A_322 : i32 to index
      %parallel_loop3A_327 = tpu.vector_load %arg9[%parallel_loop3A_324, %parallel_loop3A_325, %parallel_loop3A_326] {strides = array<i32>} : memref<10x32x128xf32, #tpu.memory_space<vmem>>, vector<16xf32>,
      tpu.vector_store %arg9[%parallel_loop3A_324, %parallel_loop3A_325, %parallel_loop3A_326], %parallel_loop3A_148 {strides = array<i32>} : memref<10x32x128xf32, #tpu.memory_space<vmem>>, vector<16xf32>,
      %parallel_loop3A_328 = arith.constant 16 : i32
      %parallel_loop3A_329 = arith.muli %parallel_loop3A_71, %parallel_loop3A_328 : i32
      %parallel_loop3A_330 = arith.constant 17 : i32
      %parallel_loop3A_331 = arith.index_cast %parallel_loop3A_68 : i32 to index
      %parallel_loop3A_332 = arith.index_cast %parallel_loop3A_330 : i32 to index
      %parallel_loop3A_333 = arith.index_cast %parallel_loop3A_329 : i32 to index
      %parallel_loop3A_334 = tpu.vector_load %arg9[%parallel_loop3A_331, %parallel_loop3A_332, %parallel_loop3A_333] {strides = array<i32>} : memref<10x32x128xf32, #tpu.memory_space<vmem>>, vector<16xf32>,
      tpu.vector_store %arg9[%parallel_loop3A_331, %parallel_loop3A_332, %parallel_loop3A_333], %parallel_loop3A_152 {strides = array<i32>} : memref<10x32x128xf32, #tpu.memory_space<vmem>>, vector<16xf32>,
      %parallel_loop3A_335 = arith.constant 16 : i32
      %parallel_loop3A_336 = arith.muli %parallel_loop3A_71, %parallel_loop3A_335 : i32
      %parallel_loop3A_337 = arith.constant 18 : i32
      %parallel_loop3A_338 = arith.index_cast %parallel_loop3A_68 : i32 to index
      %parallel_loop3A_339 = arith.index_cast %parallel_loop3A_337 : i32 to index
      %parallel_loop3A_340 = arith.index_cast %parallel_loop3A_336 : i32 to index
      %parallel_loop3A_341 = tpu.vector_load %arg9[%parallel_loop3A_338, %parallel_loop3A_339, %parallel_loop3A_340] {strides = array<i32>} : memref<10x32x128xf32, #tpu.memory_space<vmem>>, vector<16xf32>,
      tpu.vector_store %arg9[%parallel_loop3A_338, %parallel_loop3A_339, %parallel_loop3A_340], %parallel_loop3A_156 {strides = array<i32>} : memref<10x32x128xf32, #tpu.memory_space<vmem>>, vector<16xf32>,
      %parallel_loop3A_342 = arith.constant 16 : i32
      %parallel_loop3A_343 = arith.muli %parallel_loop3A_71, %parallel_loop3A_342 : i32
      %parallel_loop3A_344 = arith.constant 19 : i32
      %parallel_loop3A_345 = arith.index_cast %parallel_loop3A_68 : i32 to index
      %parallel_loop3A_346 = arith.index_cast %parallel_loop3A_344 : i32 to index
      %parallel_loop3A_347 = arith.index_cast %parallel_loop3A_343 : i32 to index
      %parallel_loop3A_348 = tpu.vector_load %arg9[%parallel_loop3A_345, %parallel_loop3A_346, %parallel_loop3A_347] {strides = array<i32>} : memref<10x32x128xf32, #tpu.memory_space<vmem>>, vector<16xf32>,
      tpu.vector_store %arg9[%parallel_loop3A_345, %parallel_loop3A_346, %parallel_loop3A_347], %parallel_loop3A_160 {strides = array<i32>} : memref<10x32x128xf32, #tpu.memory_space<vmem>>, vector<16xf32>,
      %parallel_loop3A_349 = arith.constant 16 : i32
      %parallel_loop3A_350 = arith.muli %parallel_loop3A_71, %parallel_loop3A_349 : i32
      %parallel_loop3A_351 = arith.constant 20 : i32
      %parallel_loop3A_352 = arith.index_cast %parallel_loop3A_68 : i32 to index
      %parallel_loop3A_353 = arith.index_cast %parallel_loop3A_351 : i32 to index
      %parallel_loop3A_354 = arith.index_cast %parallel_loop3A_350 : i32 to index
      %parallel_loop3A_355 = tpu.vector_load %arg9[%parallel_loop3A_352, %parallel_loop3A_353, %parallel_loop3A_354] {strides = array<i32>} : memref<10x32x128xf32, #tpu.memory_space<vmem>>, vector<16xf32>,
      tpu.vector_store %arg9[%parallel_loop3A_352, %parallel_loop3A_353, %parallel_loop3A_354], %parallel_loop3A_164 {strides = array<i32>} : memref<10x32x128xf32, #tpu.memory_space<vmem>>, vector<16xf32>,
      %parallel_loop3A_356 = arith.constant 16 : i32
      %parallel_loop3A_357 = arith.muli %parallel_loop3A_71, %parallel_loop3A_356 : i32
      %parallel_loop3A_358 = arith.constant 21 : i32
      %parallel_loop3A_359 = arith.index_cast %parallel_loop3A_68 : i32 to index
      %parallel_loop3A_360 = arith.index_cast %parallel_loop3A_358 : i32 to index
      %parallel_loop3A_361 = arith.index_cast %parallel_loop3A_357 : i32 to index
      %parallel_loop3A_362 = tpu.vector_load %arg9[%parallel_loop3A_359, %parallel_loop3A_360, %parallel_loop3A_361] {strides = array<i32>} : memref<10x32x128xf32, #tpu.memory_space<vmem>>, vector<16xf32>,
      tpu.vector_store %arg9[%parallel_loop3A_359, %parallel_loop3A_360, %parallel_loop3A_361], %parallel_loop3A_168 {strides = array<i32>} : memref<10x32x128xf32, #tpu.memory_space<vmem>>, vector<16xf32>,
      %parallel_loop3A_363 = arith.constant 16 : i32
      %parallel_loop3A_364 = arith.muli %parallel_loop3A_71, %parallel_loop3A_363 : i32
      %parallel_loop3A_365 = arith.constant 22 : i32
      %parallel_loop3A_366 = arith.index_cast %parallel_loop3A_68 : i32 to index
      %parallel_loop3A_367 = arith.index_cast %parallel_loop3A_365 : i32 to index
      %parallel_loop3A_368 = arith.index_cast %parallel_loop3A_364 : i32 to index
      %parallel_loop3A_369 = tpu.vector_load %arg9[%parallel_loop3A_366, %parallel_loop3A_367, %parallel_loop3A_368] {strides = array<i32>} : memref<10x32x128xf32, #tpu.memory_space<vmem>>, vector<16xf32>,
      tpu.vector_store %arg9[%parallel_loop3A_366, %parallel_loop3A_367, %parallel_loop3A_368], %parallel_loop3A_172 {strides = array<i32>} : memref<10x32x128xf32, #tpu.memory_space<vmem>>, vector<16xf32>,
      %parallel_loop3A_370 = arith.constant 16 : i32
      %parallel_loop3A_371 = arith.muli %parallel_loop3A_71, %parallel_loop3A_370 : i32
      %parallel_loop3A_372 = arith.constant 23 : i32
      %parallel_loop3A_373 = arith.index_cast %parallel_loop3A_68 : i32 to index
      %parallel_loop3A_374 = arith.index_cast %parallel_loop3A_372 : i32 to index
      %parallel_loop3A_375 = arith.index_cast %parallel_loop3A_371 : i32 to index
      %parallel_loop3A_376 = tpu.vector_load %arg9[%parallel_loop3A_373, %parallel_loop3A_374, %parallel_loop3A_375] {strides = array<i32>} : memref<10x32x128xf32, #tpu.memory_space<vmem>>, vector<16xf32>,
      tpu.vector_store %arg9[%parallel_loop3A_373, %parallel_loop3A_374, %parallel_loop3A_375], %parallel_loop3A_176 {strides = array<i32>} : memref<10x32x128xf32, #tpu.memory_space<vmem>>, vector<16xf32>,
      %parallel_loop3A_377 = arith.constant 16 : i32
      %parallel_loop3A_378 = arith.muli %parallel_loop3A_71, %parallel_loop3A_377 : i32
      %parallel_loop3A_379 = arith.constant 24 : i32
      %parallel_loop3A_380 = arith.index_cast %parallel_loop3A_68 : i32 to index
      %parallel_loop3A_381 = arith.index_cast %parallel_loop3A_379 : i32 to index
      %parallel_loop3A_382 = arith.index_cast %parallel_loop3A_378 : i32 to index
      %parallel_loop3A_383 = tpu.vector_load %arg9[%parallel_loop3A_380, %parallel_loop3A_381, %parallel_loop3A_382] {strides = array<i32>} : memref<10x32x128xf32, #tpu.memory_space<vmem>>, vector<16xf32>,
      tpu.vector_store %arg9[%parallel_loop3A_380, %parallel_loop3A_381, %parallel_loop3A_382], %parallel_loop3A_180 {strides = array<i32>} : memref<10x32x128xf32, #tpu.memory_space<vmem>>, vector<16xf32>,
      %parallel_loop3A_384 = arith.constant 16 : i32
      %parallel_loop3A_385 = arith.muli %parallel_loop3A_71, %parallel_loop3A_384 : i32
      %parallel_loop3A_386 = arith.constant 25 : i32
      %parallel_loop3A_387 = arith.index_cast %parallel_loop3A_68 : i32 to index
      %parallel_loop3A_388 = arith.index_cast %parallel_loop3A_386 : i32 to index
      %parallel_loop3A_389 = arith.index_cast %parallel_loop3A_385 : i32 to index
      %parallel_loop3A_390 = tpu.vector_load %arg9[%parallel_loop3A_387, %parallel_loop3A_388, %parallel_loop3A_389] {strides = array<i32>} : memref<10x32x128xf32, #tpu.memory_space<vmem>>, vector<16xf32>,
      tpu.vector_store %arg9[%parallel_loop3A_387, %parallel_loop3A_388, %parallel_loop3A_389], %parallel_loop3A_184 {strides = array<i32>} : memref<10x32x128xf32, #tpu.memory_space<vmem>>, vector<16xf32>,
      %parallel_loop3A_391 = arith.constant 16 : i32
      %parallel_loop3A_392 = arith.muli %parallel_loop3A_71, %parallel_loop3A_391 : i32
      %parallel_loop3A_393 = arith.constant 26 : i32
      %parallel_loop3A_394 = arith.index_cast %parallel_loop3A_68 : i32 to index
      %parallel_loop3A_395 = arith.index_cast %parallel_loop3A_393 : i32 to index
      %parallel_loop3A_396 = arith.index_cast %parallel_loop3A_392 : i32 to index
      %parallel_loop3A_397 = tpu.vector_load %arg9[%parallel_loop3A_394, %parallel_loop3A_395, %parallel_loop3A_396] {strides = array<i32>} : memref<10x32x128xf32, #tpu.memory_space<vmem>>, vector<16xf32>,
      tpu.vector_store %arg9[%parallel_loop3A_394, %parallel_loop3A_395, %parallel_loop3A_396], %parallel_loop3A_188 {strides = array<i32>} : memref<10x32x128xf32, #tpu.memory_space<vmem>>, vector<16xf32>,
      %parallel_loop3A_398 = arith.constant 16 : i32
      %parallel_loop3A_399 = arith.muli %parallel_loop3A_71, %parallel_loop3A_398 : i32
      %parallel_loop3A_400 = arith.constant 27 : i32
      %parallel_loop3A_401 = arith.index_cast %parallel_loop3A_68 : i32 to index
      %parallel_loop3A_402 = arith.index_cast %parallel_loop3A_400 : i32 to index
      %parallel_loop3A_403 = arith.index_cast %parallel_loop3A_399 : i32 to index
      %parallel_loop3A_404 = tpu.vector_load %arg9[%parallel_loop3A_401, %parallel_loop3A_402, %parallel_loop3A_403] {strides = array<i32>} : memref<10x32x128xf32, #tpu.memory_space<vmem>>, vector<16xf32>,
      tpu.vector_store %arg9[%parallel_loop3A_401, %parallel_loop3A_402, %parallel_loop3A_403], %parallel_loop3A_192 {strides = array<i32>} : memref<10x32x128xf32, #tpu.memory_space<vmem>>, vector<16xf32>,
      %parallel_loop3A_405 = arith.constant 16 : i32
      %parallel_loop3A_406 = arith.muli %parallel_loop3A_71, %parallel_loop3A_405 : i32
      %parallel_loop3A_407 = arith.constant 28 : i32
      %parallel_loop3A_408 = arith.index_cast %parallel_loop3A_68 : i32 to index
      %parallel_loop3A_409 = arith.index_cast %parallel_loop3A_407 : i32 to index
      %parallel_loop3A_410 = arith.index_cast %parallel_loop3A_406 : i32 to index
      %parallel_loop3A_411 = tpu.vector_load %arg9[%parallel_loop3A_408, %parallel_loop3A_409, %parallel_loop3A_410] {strides = array<i32>} : memref<10x32x128xf32, #tpu.memory_space<vmem>>, vector<16xf32>,
      tpu.vector_store %arg9[%parallel_loop3A_408, %parallel_loop3A_409, %parallel_loop3A_410], %parallel_loop3A_196 {strides = array<i32>} : memref<10x32x128xf32, #tpu.memory_space<vmem>>, vector<16xf32>,
      %parallel_loop3A_412 = arith.constant 16 : i32
      %parallel_loop3A_413 = arith.muli %parallel_loop3A_71, %parallel_loop3A_412 : i32
      %parallel_loop3A_414 = arith.constant 29 : i32
      %parallel_loop3A_415 = arith.index_cast %parallel_loop3A_68 : i32 to index
      %parallel_loop3A_416 = arith.index_cast %parallel_loop3A_414 : i32 to index
      %parallel_loop3A_417 = arith.index_cast %parallel_loop3A_413 : i32 to index
      %parallel_loop3A_418 = tpu.vector_load %arg9[%parallel_loop3A_415, %parallel_loop3A_416, %parallel_loop3A_417] {strides = array<i32>} : memref<10x32x128xf32, #tpu.memory_space<vmem>>, vector<16xf32>,
      tpu.vector_store %arg9[%parallel_loop3A_415, %parallel_loop3A_416, %parallel_loop3A_417], %parallel_loop3A_200 {strides = array<i32>} : memref<10x32x128xf32, #tpu.memory_space<vmem>>, vector<16xf32>,
      %parallel_loop3A_419 = arith.constant 16 : i32
      %parallel_loop3A_420 = arith.muli %parallel_loop3A_71, %parallel_loop3A_419 : i32
      %parallel_loop3A_421 = arith.constant 30 : i32
      %parallel_loop3A_422 = arith.index_cast %parallel_loop3A_68 : i32 to index
      %parallel_loop3A_423 = arith.index_cast %parallel_loop3A_421 : i32 to index
      %parallel_loop3A_424 = arith.index_cast %parallel_loop3A_420 : i32 to index
      %parallel_loop3A_425 = tpu.vector_load %arg9[%parallel_loop3A_422, %parallel_loop3A_423, %parallel_loop3A_424] {strides = array<i32>} : memref<10x32x128xf32, #tpu.memory_space<vmem>>, vector<16xf32>,
      tpu.vector_store %arg9[%parallel_loop3A_422, %parallel_loop3A_423, %parallel_loop3A_424], %parallel_loop3A_204 {strides = array<i32>} : memref<10x32x128xf32, #tpu.memory_space<vmem>>, vector<16xf32>,
      %parallel_loop3A_426 = arith.constant 16 : i32
      %parallel_loop3A_427 = arith.muli %parallel_loop3A_71, %parallel_loop3A_426 : i32
      %parallel_loop3A_428 = arith.constant 31 : i32
      %parallel_loop3A_429 = arith.index_cast %parallel_loop3A_68 : i32 to index
      %parallel_loop3A_430 = arith.index_cast %parallel_loop3A_428 : i32 to index
      %parallel_loop3A_431 = arith.index_cast %parallel_loop3A_427 : i32 to index
      %parallel_loop3A_432 = tpu.vector_load %arg9[%parallel_loop3A_429, %parallel_loop3A_430, %parallel_loop3A_431] {strides = array<i32>} : memref<10x32x128xf32, #tpu.memory_space<vmem>>, vector<16xf32>,
      tpu.vector_store %arg9[%parallel_loop3A_429, %parallel_loop3A_430, %parallel_loop3A_431], %parallel_loop3A_208 {strides = array<i32>} : memref<10x32x128xf32, #tpu.memory_space<vmem>>, vector<16xf32>,
    } {sc.loop_unroll_factor = 2 : i64, sc.parallel_access}
    %dma_wait3A = arith.constant 180 : i32
    %dma_wait3A_27 = arith.constant 0 : i32
    %dma_wait3A_28 = tpu.memref_slice %arg4[%dma_wait3A, %dma_wait3A_27, %mul3A_2] : memref<200x32x4096xf32, #tpu.memory_space<hbm>> -> memref<10x32x128xf32, #tpu.memory_space<hbm>>
    %dma_wait3A_29 = arith.constant 180 : i32
    %dma_wait3A_30 = arith.constant 0 : i32
    %dma_wait3A_31 = tpu.memref_slice %arg4[%dma_wait3A_29, %dma_wait3A_30, %mul3A_2] : memref<200x32x4096xf32, #tpu.memory_space<hbm>> -> memref<10x32x128xf32, #tpu.memory_space<hbm>>
    tpu.wait_dma2 semaphore(%arg10 : memref<!tpu.dma_semaphore, #tpu.memory_space<semaphore_mem>>) src(%arg8 : memref<10x32x128xf32, #tpu.memory_space<vmem>>) dst(%dma_wait3A_31 : memref<10x32x128xf32, #tpu.memory_space<hbm>>)
    %dma_start3A_32 = arith.constant 190 : i32
    %dma_start3A_33 = arith.constant 0 : i32
    %dma_start3A_34 = tpu.memref_slice %arg4[%dma_start3A_32, %dma_start3A_33, %mul3A_2] : memref<200x32x4096xf32, #tpu.memory_space<hbm>> -> memref<10x32x128xf32, #tpu.memory_space<hbm>>
    %dma_start3A_35 = arith.constant 190 : i32
    %dma_start3A_36 = arith.constant 0 : i32
    %dma_start3A_37 = tpu.memref_slice %arg4[%dma_start3A_35, %dma_start3A_36, %mul3A_2] : memref<200x32x4096xf32, #tpu.memory_space<hbm>> -> memref<10x32x128xf32, #tpu.memory_space<hbm>>
    tpu.enqueue_dma source(%arg9 : memref<10x32x128xf32, #tpu.memory_space<vmem>>) target(%dma_start3A_37 : memref<10x32x128xf32, #tpu.memory_space<hbm>>) target_semaphore(%arg11 : memref<!tpu.dma_semaphore, #tpu.memory_space<semaphore_mem>>)
    %dma_wait3A_38 = arith.constant 190 : i32
    %dma_wait3A_39 = arith.constant 0 : i32
    %dma_wait3A_40 = tpu.memref_slice %arg4[%dma_wait3A_38, %dma_wait3A_39, %mul3A_2] : memref<200x32x4096xf32, #tpu.memory_space<hbm>> -> memref<10x32x128xf32, #tpu.memory_space<hbm>>
    %dma_wait3A_41 = arith.constant 190 : i32
    %dma_wait3A_42 = arith.constant 0 : i32
    %dma_wait3A_43 = tpu.memref_slice %arg4[%dma_wait3A_41, %dma_wait3A_42, %mul3A_2] : memref<200x32x4096xf32, #tpu.memory_space<hbm>> -> memref<10x32x128xf32, #tpu.memory_space<hbm>>
    tpu.wait_dma2 semaphore(%arg11 : memref<!tpu.dma_semaphore, #tpu.memory_space<semaphore_mem>>) src(%arg9 : memref<10x32x128xf32, #tpu.memory_space<vmem>>) dst(%dma_wait3A_43 : memref<10x32x128xf32, #tpu.memory_space<hbm>>)
    return
  }
}

module attributes {stable_mosaic.version = 14 : i64} {
  func.func @_table_body(%arg0: memref<32x8xf32, #tpu.memory_space<vmem>>, %arg1: memref<8x33xf32, #tpu.memory_space<vmem>>, %arg2: memref<1x33xf32, #tpu.memory_space<vmem>>, %arg3: memref<32x33xf32, #tpu.memory_space<vmem>>) attributes {dimension_semantics = [], scalar_prefetch = 0 : i64, scratch_operands = 0 : i64, tpu.core_type = #tpu.core_type<tc>} {
    %get3A = arith.constant 0 : index
    %get3A_0 = arith.constant 0 : index
    %get3A_1 = vector.load %arg0[%get3A, %get3A_0] : memref<32x8xf32, #tpu.memory_space<vmem>>, vector<32x8xf32>
    %get3A_2 = arith.constant 0 : index
    %get3A_3 = arith.constant 0 : index
    %get3A_4 = vector.load %arg1[%get3A_2, %get3A_3] : memref<8x33xf32, #tpu.memory_space<vmem>>, vector<8x33xf32>
    %dot_general3A = arith.constant dense<0.000000e+00> : vector<32x33xf32>
    %dot_general3A_5 = tpu.matmul %get3A_1, %get3A_4, %dot_general3A {dimension_numbers = #tpu.dot_dimension_numbers<[1], [0], [0], [1], [0, 0, 1, 1], [], []>, transpose_lhs_hint = false} : vector<32x8xf32>, vector<8x33xf32>, vector<32x33xf32> -> vector<32x33xf32>
    %get3A_6 = arith.constant 0 : index
    %get3A_7 = arith.constant 0 : index
    %get3A_8 = vector.load %arg2[%get3A_6, %get3A_7] : memref<1x33xf32, #tpu.memory_space<vmem>>, vector<1x33xf32>
    %add3A = vector.broadcast %get3A_8 : vector<1x33xf32> to vector<32x33xf32>
    %add3A_9 = arith.addf %dot_general3A_5, %add3A : vector<32x33xf32>
    %swap3A = arith.constant 0 : index
    %swap3A_10 = arith.constant 0 : index
    %swap3A_11 = vector.load %arg3[%swap3A, %swap3A_10] : memref<32x33xf32, #tpu.memory_space<vmem>>, vector<32x33xf32>
    tpu.vector_store %arg3[%swap3A, %swap3A_10], %add3A_9 {strides = array<i32>} : memref<32x33xf32, #tpu.memory_space<vmem>>, vector<32x33xf32>,
    return
  }
}

</mosaic_0001>

<sc_bundles>
// kernel: kernel.4.cloned.1.call-start
scs
__scs_entry_jumppad:
0x0: {  	(pc) =	sbr.rel $0x88, $3  }
0x1: {  	(tag) =	ssettag $0x0;
	lr =	simm.s32 $0x1  }
0x2: {  	[smem:$0x3F9D] =	sst lr;
	_ =	strace $0xD0000000  }
0x3: {  	_ = 	snop  }
0x4: {  	_ = 	snop  }
0x5: {  	_ = 	snop  }
0x6: {  	_ = 	snop  }
0x7: {  	_ = 	snop  }
__scs_overlays_trampoline_lowered:
0x8: {  	[smem:$0x3FAC] =	sst s0  }
0x9: {  	[smem:$0x3FAD] =	sst s1  }
0xa: {  	[smem:$0x3FAE] =	sst s2  }
0xb: {  	[smem:$0x3FAF] =	sst s3  }
0xc: {  	[smem:$0x3FB0] =	sst s4  }
0xd: {  	[smem:$0x3FB1] =	sst s5  }
0xe: {  	[smem:$0x3FB2] =	sst s6  }
0xf: {  	[smem:$0x3FB3] =	sst s7  }
0x10: {  	[smem:$0x3FB4] =	sst s8  }
0x11: {  	[smem:$0x3FB5] =	sst s9;
	s0 =	simm.s32 @!p0 $0x0  }
0x12: {  	s1 =	sld [smem:$0x3F9B];
	s0 =	simm.s32 @p0 $0x1  }
0x13: {  	[smem:$0x3FB6] =	sst s0;
	s0 =	simm.s32 @!p1 $0x0  }
0x14: {  	s2 =	sld [smem:$0x3F9A];
	s0 =	simm.s32 @p1 $0x1  }
0x15: {  	[smem:$0x3FB7] =	sst s0;
	s0 =	simm.s32 @!p2 $0x0  }
0x16: {  	s3 =	sld [smem:$0x3FDB];
	s0 =	simm.s32 @p2 $0x1  }
0x17: {  	s4 =	simm.s32 $0x1BF5;
	[smem:$0x3FB9] =	sst s0  }
0x18: {  	s0 =	sld [smem:$0x3F9C];
	_ =	swait.ge [sflag:s4], $0x0  }
0x19: {  	s7 =	sld [smem:$0x3F9D]  }
0x1a: {  	s8 =	sadd.s32 $0xFFFFE003, lr  }
0x1b: {  	s9 =	sadd.s32 $0xFFFFFEF7, lr;
	s5 =	simm.s32 $0xFFFFFFFF;
	p2 =	slt.u32 s8, $0xFFFFF086  }
0x1c: {  	p1 =	slt.u32 s9, $0xF7A;
	s5 =	simm.s32 @!p2 $0x0  }
0x1d: {  	s5 =	simm.s32 @p1 $0x1;
	p0 =	seq.s32 s7, s2  }
0x1e: {  	s7 =	smul.u32 @!p0 $0xF7A, s2;
	p2 =	seq.s32 @!p0 s5, $0x0  }
0x1f: {  	s9 =	smul.u32 $0xF7A, s1;
	s8 =	simm.s32 @!p0 $0x1BF5;
	p2 =	por !p2, p0  }
0x20: {  	[sflag:s8] =	ssyncset.s32 @!p0 $0xFFFFF086;
	s6 =	sadd.s32 @!p0 s3, s7;
	s7 =	simm.s32 @!p0 $0x108  }
0x21: {  	s3 =	sadd.s32 s3, s9;
	s6 =	sadd.s32 @!p0 $0x88, s6;
	s7 =	simm.s32 @p2 $0x1082  }
0x22: {  	[simem:s7], [sflag:s8] =	dma.local @!p0 [hbm:s6], $0xF7A  }
0x23: {  	s9 =	sor.u32 $0xD0000000, s2;
	s6 =	simm.s32 $0x108;
	_ =	swait.ge @!p0 [sflag:s8], $0x0  }
0x24: {  	s3 =	sadd.s32 $0x88, s3;
	s6 =	simm.s32 @!p1 $0x1082;
	[sflag:s4] =	ssyncset.s32 $0xFFFFF086  }
0x25: {  	[simem:s6], [sflag:s4] =	dma.local [hbm:s3], $0xF7A  }
0x26: {  	[smem:$0x3F9D] =	sst s1;
	(tag) =	ssettag s2;
	_ =	strace s9  }
0x27: {  	s1 =	sld [smem:$0x3FAD]  }
0x28: {  	s2 =	sld [smem:$0x3FAE]  }
0x29: {  	s4 =	sld [smem:$0x3FB0]  }
0x2a: {  	p0 =	seq.s32 s5, $0x0;
	s5 =	sld [smem:$0x3FB1]  }
0x2b: {  	s6 =	sld [smem:$0x3FB2]  }
0x2c: {  	s7 =	sld [smem:$0x3FB3]  }
0x2d: {  	s3 =	simm.s32 $0x108;
	s8 =	sld [smem:$0x3FB4]  }
0x2e: {  	s3 =	simm.s32 @!p0 $0x1082;
	s9 =	sld [smem:$0x3FB5]  }
0x2f: {  	lr =	sadd.s32 s0, s3;
	s0 =	sld [smem:$0x3FAC]  }
0x30: {  	s3 =	sld [smem:$0x3FAF]  }
0x31: {  	[smem:$0x3FB8] =	sst s10  }
0x32: {  	s10 =	sld [smem:$0x3FB6];
	_ =	sdelay $0x3  }
0x33: {  	p0 =	seq.s32 s10, $0x1;
	s10 =	sld [smem:$0x3FB8];
	_ =	sdelay $0x3  }
0x34: {  	[smem:$0x3FB8] =	sst s10  }
0x35: {  	s10 =	sld [smem:$0x3FB7];
	_ =	sdelay $0x3  }
0x36: {  	p1 =	seq.s32 s10, $0x1;
	s10 =	sld [smem:$0x3FB8];
	_ =	sdelay $0x3  }
0x37: {  	[smem:$0x3FB8] =	sst s10  }
0x38: {  	s10 =	sld [smem:$0x3FB9]  }
0x39: {  	_ = 	snop;
	(pc) =	sbr.ind lr, $3  }
0x3a: {  	_ = 	snop  }
0x3b: {  	_ = 	snop  }
0x3c: {  	p2 =	seq.s32 s10, $0x1;
	s10 =	sld [smem:$0x3FB8]  }
0x3d: {  	_ =	shalt  }
0x3e: {  	_ =	shalt  }
0x3f: {  	_ =	shalt  }
0x40: {  	_ =	shalt  }
0x41: {  	_ =	shalt  }
0x42: {  	_ =	shalt  }
0x43: {  	_ =	shalt  }
0x44: {  	_ =	shalt  }
0x45: {  	_ =	shalt  }
0x46: {  	_ =	shalt  }
0x47: {  	_ =	shalt  }
0x48: {  	_ =	shalt  }
0x49: {  	_ =	shalt  }
0x4a: {  	_ =	shalt  }
0x4b: {  	_ =	shalt  }
0x4c: {  	_ =	shalt  }
0x4d: {  	_ =	shalt  }
0x4e: {  	_ =	shalt  }
0x4f: {  	_ =	shalt  }
0x50: {  	_ =	shalt  }
0x51: {  	_ =	shalt  }
0x52: {  	_ =	shalt  }
0x53: {  	_ =	shalt  }
0x54: {  	_ =	shalt  }
0x55: {  	_ =	shalt  }
0x56: {  	_ =	shalt  }
0x57: {  	_ =	shalt  }
0x58: {  	_ =	shalt  }
0x59: {  	_ =	shalt  }
0x5a: {  	_ =	shalt  }
0x5b: {  	_ =	shalt  }
0x5c: {  	_ =	shalt  }
0x5d: {  	_ =	shalt  }
0x5e: {  	_ =	shalt  }
0x5f: {  	_ =	shalt  }
0x60: {  	_ =	shalt  }
0x61: {  	_ =	shalt  }
0x62: {  	_ =	shalt  }
0x63: {  	_ =	shalt  }
0x64: {  	_ =	shalt  }
0x65: {  	_ =	shalt  }
0x66: {  	_ =	shalt  }
0x67: {  	_ =	shalt  }
0x68: {  	_ =	shalt  }
0x69: {  	_ =	shalt  }
0x6a: {  	_ =	shalt  }
0x6b: {  	_ =	shalt  }
0x6c: {  	_ =	shalt  }
0x6d: {  	_ =	shalt  }
0x6e: {  	_ =	shalt  }
0x6f: {  	_ =	shalt  }
0x70: {  	_ =	shalt  }
0x71: {  	_ =	shalt  }
0x72: {  	_ =	shalt  }
0x73: {  	_ =	shalt  }
0x74: {  	_ =	shalt  }
0x75: {  	_ =	shalt  }
0x76: {  	_ =	shalt  }
0x77: {  	_ =	shalt  }
0x78: {  	_ =	shalt  }
0x79: {  	_ =	shalt  }
0x7a: {  	_ =	shalt  }
0x7b: {  	_ =	shalt  }
0x7c: {  	_ =	shalt  }
0x7d: {  	_ =	shalt  }
0x7e: {  	_ =	shalt  }
0x7f: {  	_ =	shalt  }
0x80: {  	_ =	shalt  }
0x81: {  	_ =	shalt  }
0x82: {  	_ =	shalt  }
0x83: {  	_ =	shalt  }
0x84: {  	_ =	shalt  }
0x85: {  	_ =	shalt  }
0x86: {  	_ =	shalt  }
0x87: {  	_ =	shalt  }
.Lfunc_end0:
.L_simem_size_0:
called_computation_lowered:
.L_overlay_start_0:
0x88: {  	s2 =	sld [smem:$0x3FD9]  }
0x89: {  	s3 =	sld [smem:$0x3FFE];
	_ =	sdelay $0x1  }
0x8a: {  	s1 =	srdreg.scid  }
0x8b: {  	s0 =	sand.u32 $0x1, s1  }
0x8c: {  	s17 =	sshll.u32 s0, $0xA;
	s2 =	sadd.s32 s3, s2  }
0x8d: {  	s2 =	sadd.s32 s2, s17  }
0x8e: {  	[smem:$0x3FC4] =	sst s2  }
0x8f: {  	_ = 	snop  }
0x90: {  	s2 =	sld [smem:$0x3FD0];
	(tm) =	ssettm $0x1  }
0x91: {  	s18 =	sld [smem:$0x3FFB];
	_ =	sdelay $0x3  }
0x92: {  	_ =	strace s18  }
0x93: {  	s3 =	sld [smem:$0x3FFC];
	_ =	sdelay $0x3  }
0x94: {  	_ =	strace s3  }
0x95: {  	s3 =	sld [smem:$0x3FFD];
	_ =	sdelay $0x3  }
0x96: {  	_ =	strace s3  }
0x97: {  	_ =	strace $0x8FFFFFFF  }
0x98: {  	s19 =	sld [smem:$0x3FDB];
	_ =	sdelay $0x1  }
0x99: {  	s4 =	simm.s32 $_scs_section_size  }
0x9a: {  	s5 =	simm.s32 $_size__tile_overlayer_lowered;
	s6 =	simm.s32 $_tile_overlayer_lowered  }
0x9b: {  	s22 =	simm.s32 $0x1BFF;
	s21 =	sshll.u32 s6, $0x1;
	s3 =	sadd.s32 s4, s19  }
0x9c: {  	s7 =	simm.s32 $0x0;
	s20 =	sshll.u32 s5, $0x1;
	s5 =	sadd.s32 s21, s3  }
0x9d: {  	[timem:s7], [sflag:s22] =	dma.local [hbm:s5], s20  }
0x9e: {  	_ =	swait.ge [sflag:s22], s20  }
0x9f: {  	s4 =	ssub.s32 $0x0, s20;
	[sflag:s22] =	ssyncset.done $0x0  }
0xa0: {  	[sflag:s22] =	ssyncadd.s32 s4;
	_ =	sdelay $0x1  }
0xa1: {  	s23 =	simm.s32 $0x1B8B  }
0xa2: {  	_ =	swait.ge [sflag:s23], $0x1  }
0xa3: {  	[sflag:s23] =	ssyncset.done $0x0  }
0xa4: {  	s25 =	simm.s32 $0x1B8E;
	s24 =	sld [smem:$0x3FFE];
	[sflag:s23] =	ssyncadd.s32 $0xFFFFFFFF  }
0xa5: {  	s26 =	simm.s32 $execute0_lowered;
	[smem:$0x3FD2] =	sst s25  }
0xa6: {  	s5 =	sshll.u32 s26, $0x1;
	_ =	strace $0x80000046;
	[dreg:$0x1] =	wrdreg $0xFFFFFFFF  }
0xa7: {  	s28 =	simm.s32 $_size_execute0_lowered;
	s3 =	sadd.s32 s3, s5;
	[dreg:$0x0] =	wrdreg $0x0  }
0xa8: {  	s5 =	sshll.u32 s28, $0x1;
	[dreg:$0x2] =	wrdreg s3  }
0xa9: {  	[dreg:$0x3] =	wrdreg s5  }
0xaa: {  	[dreg:$0x4] =	wrdreg $0xC0  }
0xab: {  	_ =	task [dreg:s7], $0x5FFFF  }
0xac: {  	[dreg:$0x1] =	wrdreg $0xFFFFFFFF  }
0xad: {  	[dreg:$0x0] =	wrdreg $0x60  }
0xae: {  	[dreg:$0x2] =	wrdreg s24  }
0xaf: {  	[dreg:$0x3] =	wrdreg s2  }
0xb0: {  	[dreg:$0x4] =	wrdreg $0x9  }
0xb1: {  	_ =	task.clear_ibuf [dreg:s7], $0x5FFFF;
	_ =	strace $0x90000046  }
0xb2: {  	s29 =	simm.s32 $0x9;
	_ =	strace $0x80000048  }
0xb3: {  	_ =	swait.ge [sflag:s29], $0x1  }
0xb4: {  	[sflag:s29] =	ssyncadd.s32 $0xFFFFFFFF  }
0xb5: {  	_ =	strace $0x90000048  }
0xb6: {  	_ =	sfence  }
0xb7: {  	s30 =	sld [smem:$0x0];
	_ =	sdelay $0x2  }
0xb8: {  	s31 =	sshll.u32 s1, $0xD;
	s1 =	sshrl.u32 s1, $0x2  }
0xb9: {  	s3 =	sand.u32 $0x4000, s31;
	s1 =	sadd.s32 s1, s30  }
0xba: {  	s0 =	sor.u32 s3, s0;
	s1 =	sshll.u32 s1, $0x11  }
0xbb: {  	s0 =	sor.u32 s1, s0  }
0xbc: {  	s0 =	sadd.s32 $0x8F2B, s0  }
0xbd: {  	[sflag:s0] =	ssyncadd.remote.s32 $0x1  }
0xbe: {  	_ =	sfence.sel $0xFFFF  }
0xbf: {  	[dreg:$0x0] =	wrdreg $0xFFFFFFFF;
	(pc) =	sbr.abs _section_cstart, $3  }
0xc0: {  	[dreg:$0x1] =	wrdreg $0xFFFFFFFF  }
0xc1: {  	_ =	task.clear_ibuf [dreg:s7], $0x2FFFF;
	_ =	strace $0x9FFFFFFF  }
0xc2: {  	(tm) =	ssettm $0x7FFFFFFF  }
0xc3: {  	_ =	shalt  }
tec
execute0_lowered:
.L_overlay_start_1:
0x0: {  	(tag) =	ssettag $0x1  }
0x1: {  	s0 =	rddreg [dreg:$0x0]  }
0x2: {  	s1 =	rddreg [dreg:$0x1]  }
0x3: {  	s7 =	simm.s32 $0x0;
	s2 =	srdreg.scid;
	s4 =	stileid.u32  }
0x4: {  	[smem:$0x7FF] =	sst s7;
	s2 =	sand.u32 $0x1, s2;
	s4 =	sshll.u32 s4, $0x8  }
0x5: {  	s28 =	sadd.s32 $0x400, s0;
	s9 =	sadd.s32 $0x600, s0;
	s3 =	ssub.s32 $0x2, s2  }
0x6: {  	s2 =	sshll.u32 s2, $0x7;
	_ =	strace $0x80000047;
	[smem:$0x7F8] =	sst s28  }
0x7: {  	[smem:$0x7FD] =	sst s9;
	s8 =	sor.u32 s2, s4  }
0x8: {  	v0 =	vlaneseq.u32;
	s5 =	sshrl.u32 s3, $0x1;
	s1 =	sadd.s32 s1, s8;
	[smem:$0x7FC] =	sst s8  }
0x9: {  	v12 =	vmul.u32 $0xC8, v0;
	s29 =	ssub.s32 s3, s5;
	[smem:$0x7F9] =	sst s1;
	s30 =	sadd.s32 $0x2F8000, s1  }
0xa: {  	s10 =	simm.s32 $0x3;
	s31 =	smax.u32 s29, $0x1;
	[smem:$0x7FA] =	sst s30  }
0xb: {  	s11 =	simm.s32 $0x480;
	s2 =	simm.s32 $0x0;
	[tilespmem:$0x1FFF0] =	vst v12;
	[smem:$0x7FB] =	sst s31  }
.LBB2_1:
0xc: {  	s0 =	sld [smem:$0x7F8];
	_ =	sdelay $0x1  }
0xd: {  	[smem:$0x7F7] =	sst s2  }
0xe: {  	[tilespmem:s7], [sflag:$0x3] =	stream.linear.gather [hbm4b:s0+s7], $0x480, $0x38;
	[tilespmem:$0x1B500] =	vst v63  }
0xf: {  	_ =	swait.ge [sflag:s10], $0x480  }
0x10: {  	[sflag:s10] =	ssyncset.done $0x0  }
0x11: {  	s1 =	simm.s32 $0x0;
	s0 =	simm.s32 $0x1200;
	[sflag:s10] =	ssyncadd.s32 $0xFFFFFB80  }
.LBB2_2:
0x12: {  	s2 =	sshll.u32 s1, $0x4  }
0x13: {  	s2 =	sadd.s32 s8, s2  }
0x14: {  	s2 =	smul.u32 $0x19, s2  }
0x15: {  	s3 =	simm.s32 $0x0;
	s21 =	simm.s32 $0x3  }
0x16: {  	s4 =	simm.s32 $0x1;
	s22 =	simm.s32 $0x2;
	v0 =	vadd.s32 s21, v12;
	s2 =	sadd.s32 s9, s2  }
0x17: {  	v1 =	vadd.s32 s4, v12;
	[tilespmem:s11], [sflag:$0x3] =	stream.linear.gather [hbm4b:s2+s3], $0xC80, $0x38;
	[tilespmem:$0x1B500] =	vst v63  }
0x18: {  	v2 =	vadd.s32 s22, v12;
	_ =	swait.ge [sflag:s10], $0xC80  }
0x19: {  	v3 =	vadd.s32 s3, v12;
	[sflag:s10] =	ssyncset.done $0x0  }
0x1a: {  	[sflag:s10] =	ssyncadd.s32 $0xFFFFF380  }
0x1b: {  	v0 =	vld.idx.msk [tilespmem:v0+s11+$0x0], $0xffff  }
0x1c: {  	s23 =	simm.s32 $0x7;
	v1 =	vld.idx.msk [tilespmem:v1+s11+$0x0], $0xffff  }
0x1d: {  	s24 =	simm.s32 $0x5;
	v4 =	vadd.s32 s23, v12;
	v2 =	vld.idx.msk [tilespmem:v2+s11+$0x0], $0xffff  }
0x1e: {  	s25 =	simm.s32 $0x6;
	v5 =	vadd.s32 s24, v12;
	v3 =	vld.idx.msk [tilespmem:v3+s11+$0x0], $0xffff  }
0x1f: {  	s26 =	simm.s32 $0x4;
	v6 =	vadd.s32 s25, v12  }
0x20: {  	v8 =	vadd.s32 s26, v12;
	v7 =	vmul.u32 $0x21, v0  }
0x21: {  	s28 =	simm.s32 $0xB;
	v9 =	vmul.u32 $0x21, v1  }
0x22: {  	s29 =	simm.s32 $0x9;
	v0 =	vld.idx.msk [tilespmem:v4+s11+$0x0], $0xffff;
	v10 =	vmul.u32 $0x21, v2;
	[tilespmem:s0+$0x80] =	vst v7;
	v7 =	vadd.s32 s28, v12  }
0x23: {  	s31 =	simm.s32 $0xA;
	v1 =	vld.idx.msk [tilespmem:v5+s11+$0x0], $0xffff;
	v11 =	vmul.u32 $0x21, v3;
	v4 =	vadd.s32 s29, v12;
	[tilespmem:s0+$0xFFFFFF80] =	vst v9  }
0x24: {  	s30 =	simm.s32 $0x8;
	v2 =	vld.idx.msk [tilespmem:v6+s11+$0x0], $0xffff;
	v6 =	vadd.s32 s31, v12;
	[tilespmem:s0+$0x0] =	vst v10  }
0x25: {  	s3 =	simm.s32 $0xC;
	s2 =	smov.u32 s0;
	v3 =	vld.idx.msk [tilespmem:v8+s11+$0x0], $0xffff;
	v5 =	vadd.s32 s30, v12;
	[tilespmem:s0+$0xFFFFFF00] =	vst v11  }
.LBB2_3:
0x26: {  	s4 =	sadd.s32 $0x3, s3  }
0x27: {  	p0 =	slt.u32 s3, $0xC4;
	v8 =	vmul.u32 $0x21, v0;
	v0 =	vld.idx.msk [tilespmem:v7+s11+$0x0], $0xffff;
	s5 =	smov.u32 s3;
	s3 =	sadd.s32 $0x4, s3  }
.Ltmp0:
0x28: {  	v9 =	vmul.u32 $0x21, v1;
	s2 =	sadd.s32 $0x200, s2;
	s6 =	sadd.s32 $0x1, s5;
	v7 =	vadd.s32 s4, v12;
	v1 =	vld.idx.msk [tilespmem:v4+s11+$0x0], $0xffff;
	(pc) =	sbr.rel @p0 .LBB2_3-.Ltmp0, $4  }
0x29: {  	s4 =	sadd.s32 $0x2, s5;
	v10 =	vmul.u32 $0x21, v2;
	v4 =	vadd.s32 s6, v12;
	v2 =	vld.idx.msk [tilespmem:v6+s11+$0x0], $0xffff;
	[tilespmem:s2+$0x80] =	vst v8  }
0x2a: {  	v6 =	vadd.s32 s4, v12;
	v8 =	vmul.u32 $0x21, v3;
	v3 =	vld.idx.msk [tilespmem:v5+s11+$0x0], $0xffff;
	[tilespmem:s2+$0xFFFFFF80] =	vst v9  }
0x2b: {  	v5 =	vadd.s32 s5, v12;
	[tilespmem:s2+$0x0] =	vst v10  }
0x2c: {  	[tilespmem:s2+$0xFFFFFF00] =	vst v8  }
0x2d: {  	_ =	sdelay $0x3  }
0x2e: {  	v7 =	vld.idx.msk [tilespmem:v7+s11+$0x0], $0xffff  }
0x2f: {  	v0 =	vmul.u32 $0x21, v0;
	v4 =	vld.idx.msk [tilespmem:v4+s11+$0x0], $0xffff  }
0x30: {  	v1 =	vmul.u32 $0x21, v1;
	s2 =	sadd.s32 $0x200, s2;
	v6 =	vld.idx.msk [tilespmem:v6+s11+$0x0], $0xffff  }
0x31: {  	v60 =	vld.idx.msk [tilespmem:v5+s11+$0x0], $0xffff;
	v2 =	vmul.u32 $0x21, v2;
	[tilespmem:s2+$0x80] =	vst v0  }
0x32: {  	s1 =	sadd.s32 $0x1, s1;
	v3 =	vmul.u32 $0x21, v3;
	[tilespmem:s2+$0xFFFFFF80] =	vst v1  }
0x33: {  	p0 =	sne.s32 s1, $0x8;
	[tilespmem:s2+$0x0] =	vst v2;
	v61 =	vmul.u32 $0x21, v7  }
.Ltmp1:
0x34: {  	[tilespmem:s2+$0xFFFFFF00] =	vst v3;
	s2 =	sadd.s32 $0x200, s2;
	v62 =	vmul.u32 $0x21, v4;
	(pc) =	sbr.rel @p0 .LBB2_2-.Ltmp1, $4  }
0x35: {  	v63 =	vmul.u32 $0x21, v6;
	[tilespmem:s2+$0x80] =	vst v61  }
0x36: {  	v0 =	vmul.u32 $0x21, v60;
	[tilespmem:s2+$0xFFFFFF80] =	vst v62  }
0x37: {  	[tilespmem:s2+$0x0] =	vst v63  }
0x38: {  	s0 =	sadd.s32 $0x10, s0;
	[tilespmem:s2+$0xFFFFFF00] =	vst v0  }
0x39: {  	s1 =	simm.s32 $0x0  }
0x3a: {  	s0 =	sand.u32 $0x60, s1;
	s1 =	sand.u32 $0x780, s1  }
0x3b: {  	s2 =	sadd.s32 $0x1100, s1;
	s1 =	sor.u32 $0x10, s0  }
0x3c: {  	s3 =	sor.u32 s1, s2  }
0x3d: {  	v2 =	vld [tilespmem:s3+$0x0];
	_ =	sdelay $0x4  }
0x3e: {  	v1 =	vadd.s32 $0x1, v2  }
0x3f: {  	v3 =	vadd.s32 $0x2, v2  }
0x40: {  	s2 =	sor.u32 s0, s2;
	v4 =	vadd.s32 $0x3, v2  }
0x41: {  	v0 =	vld [tilespmem:s2+$0x0];
	v5 =	vadd.s32 $0x4, v2  }
0x42: {  	v7 =	vadd.s32 $0x5, v2;
	v6 =	vld.idx.msk [tilespmem:v2+s7+$0x0], $0xffff  }
0x43: {  	v45 =	vadd.s32 $0x8, v2;
	v10 =	vld.idx.msk [tilespmem:v1+s7+$0x0], $0xffff  }
0x44: {  	v46 =	vadd.s32 $0x9, v2;
	v12 =	vld.idx.msk [tilespmem:v3+s7+$0x0], $0xffff  }
0x45: {  	v47 =	vadd.s32 $0xA, v2;
	v15 =	vld.idx.msk [tilespmem:v4+s7+$0x0], $0xffff  }
0x46: {  	v3 =	vadd.s32 $0x7, v2;
	v17 =	vld.idx.msk [tilespmem:v5+s7+$0x0], $0xffff  }
0x47: {  	v48 =	vadd.s32 $0xD, v2;
	v18 =	vld.idx.msk [tilespmem:v7+s7+$0x0], $0xffff  }
0x48: {  	v49 =	vadd.s32 $0xE, v2;
	v22 =	vld.idx.msk [tilespmem:v45+s7+$0x0], $0xffff  }
0x49: {  	v50 =	vadd.s32 $0xF, v2;
	v24 =	vld.idx.msk [tilespmem:v46+s7+$0x0], $0xffff  }
0x4a: {  	v51 =	vadd.s32 $0x12, v2;
	v41 =	vld.idx.msk [tilespmem:v47+s7+$0x0], $0xffff  }
0x4b: {  	v21 =	vld.idx.msk [tilespmem:v3+s7+$0x0], $0xffff;
	v3 =	vadd.s32 $0xC, v2  }
0x4c: {  	v52 =	vadd.s32 $0x13, v2;
	v13 =	vld.idx.msk [tilespmem:v48+s7+$0x0], $0xffff  }
0x4d: {  	v53 =	vadd.s32 $0x14, v2;
	v16 =	vld.idx.msk [tilespmem:v49+s7+$0x0], $0xffff  }
0x4e: {  	v8 =	vadd.s32 $0x15, v2;
	v34 =	vld.idx.msk [tilespmem:v50+s7+$0x0], $0xffff  }
0x4f: {  	v54 =	vadd.s32 $0x17, v2;
	v31 =	vld.idx.msk [tilespmem:v51+s7+$0x0], $0xffff  }
0x50: {  	v43 =	vld.idx.msk [tilespmem:v3+s7+$0x0], $0xffff;
	v3 =	vadd.s32 $0x11, v2  }
0x51: {  	v55 =	vadd.s32 $0x18, v2;
	v40 =	vld.idx.msk [tilespmem:v52+s7+$0x0], $0xffff  }
0x52: {  	v56 =	vadd.s32 $0x19, v2;
	v39 =	vld.idx.msk [tilespmem:v53+s7+$0x0], $0xffff  }
0x53: {  	v1 =	vadd.s32 $0x6, v2;
	v38 =	vld.idx.msk [tilespmem:v8+s7+$0x0], $0xffff  }
0x54: {  	v57 =	vadd.s32 $0x1C, v2;
	v36 =	vld.idx.msk [tilespmem:v54+s7+$0x0], $0xffff  }
0x55: {  	v30 =	vld.idx.msk [tilespmem:v3+s7+$0x0], $0xffff;
	v3 =	vadd.s32 $0x16, v2  }
0x56: {  	v58 =	vadd.s32 $0x1D, v2;
	v35 =	vld.idx.msk [tilespmem:v55+s7+$0x0], $0xffff  }
0x57: {  	v59 =	vadd.s32 $0x1E, v2;
	v33 =	vld.idx.msk [tilespmem:v56+s7+$0x0], $0xffff  }
0x58: {  	v19 =	vld.idx.msk [tilespmem:v1+s7+$0x0], $0xffff;
	v1 =	vadd.s32 $0xB, v2  }
0x59: {  	v8 =	vadd.s32 $0x1A, v2;
	v28 =	vld.idx.msk [tilespmem:v57+s7+$0x0], $0xffff  }
0x5a: {  	v37 =	vld.idx.msk [tilespmem:v3+s7+$0x0], $0xffff;
	v3 =	vadd.s32 $0x1B, v2  }
0x5b: {  	v60 =	vadd.s32 $0x3, v0;
	v27 =	vld.idx.msk [tilespmem:v58+s7+$0x0], $0xffff  }
0x5c: {  	v9 =	vadd.s32 $0x5, v0;
	v26 =	vld.idx.msk [tilespmem:v59+s7+$0x0], $0xffff  }
0x5d: {  	v42 =	vld.idx.msk [tilespmem:v1+s7+$0x0], $0xffff;
	v1 =	vadd.s32 $0x10, v2;
	v2 =	vadd.s32 $0x1F, v2  }
0x5e: {  	v32 =	vld.idx.msk [tilespmem:v8+s7+$0x0], $0xffff;
	v8 =	vadd.s32 $0x1, v0  }
0x5f: {  	v29 =	vld.idx.msk [tilespmem:v3+s7+$0x0], $0xffff;
	v3 =	vadd.s32 $0x2, v0  }
0x60: {  	v61 =	vadd.s32 $0x4, v0;
	v7 =	vld.idx.msk [tilespmem:v60+s7+$0x0], $0xffff  }
0x61: {  	s17 =	simm.s32 $0x0;
	v9 =	vld.idx.msk [tilespmem:v9+s7+$0x0], $0xffff  }
0x62: {  	s2 =	sand.u32 $0xFFFFFF80, s17;
	v20 =	vld.idx.msk [tilespmem:v2+s7+$0x0], $0xffff;
	v2 =	vadd.s32 $0x6, v0  }
0x63: {  	s18 =	simm.s32 $0x0;
	s2 =	ssub.s32 $0x0, s2;
	v23 =	vadd.s32 $0x7, v0;
	v14 =	vld.idx.msk [tilespmem:v8+s7+$0x0], $0xffff  }
0x64: {  	s3 =	sand.u32 $0x3FFFF000, s18;
	s2 =	sand.u32 $0xFFFFFF80, s2;
	v11 =	vld.idx.msk [tilespmem:v3+s7+$0x0], $0xffff;
	v3 =	vadd.s32 $0x8, v0  }
0x65: {  	s12 =	sadd.s32 s2, s3;
	v8 =	vld.idx.msk [tilespmem:v61+s7+$0x0], $0xffff  }
0x66: {  	s2 =	sadd.s32 $0x7500, s12;
	v62 =	vadd.s32 $0x9, v0;
	v1 =	vld.idx.msk [tilespmem:v1+s7+$0x0], $0xffff  }
0x67: {  	s3 =	sadd.s32 $0x7580, s12;
	v5 =	vld.idx.msk [tilespmem:v2+s7+$0x0], $0xffff;
	[smem:$0x7EB] =	sst s2  }
0x68: {  	s4 =	sadd.s32 $0x7600, s12;
	v25 =	vadd.s32 $0xA, v0;
	v2 =	vld.idx.msk [tilespmem:v23+s7+$0x0], $0xffff;
	[smem:$0x7EC] =	sst s3  }
0x69: {  	s2 =	sor.u32 s1, s2;
	v3 =	vld.idx.msk [tilespmem:v3+s7+$0x0], $0xffff;
	[smem:$0x7ED] =	sst s4  }
0x6a: {  	s20 =	sadd.s32 $0x7680, s12;
	v44 =	vadd.s32 $0xB, v0;
	[tilespmem:s2+$0x0] =	vst v6  }
0x6b: {  	s19 =	sor.u32 s1, s3;
	v4 =	vld.idx.msk [tilespmem:v62+s7+$0x0], $0xffff;
	[smem:$0x7EE] =	sst s20  }
0x6c: {  	s22 =	sadd.s32 $0x7700, s12;
	v45 =	vadd.s32 $0xC, v0;
	[tilespmem:s19+$0x0] =	vst v10  }
0x6d: {  	s21 =	sor.u32 s1, s4;
	v6 =	vld.idx.msk [tilespmem:v25+s7+$0x0], $0xffff;
	[smem:$0x7EF] =	sst s22  }
0x6e: {  	s24 =	sadd.s32 $0x7780, s12;
	[tilespmem:s21+$0x0] =	vst v12  }
0x6f: {  	s23 =	sor.u32 s1, s20;
	v10 =	vld.idx.msk [tilespmem:v44+s7+$0x0], $0xffff;
	[smem:$0x7F0] =	sst s24  }
0x70: {  	s26 =	sadd.s32 $0x7800, s12;
	v23 =	vadd.s32 $0xD, v0;
	[tilespmem:s23+$0x0] =	vst v15  }
0x71: {  	s25 =	sor.u32 s1, s22;
	v46 =	vadd.s32 $0xE, v0;
	v12 =	vld.idx.msk [tilespmem:v45+s7+$0x0], $0xffff;
	[smem:$0x7F1] =	sst s26  }
0x72: {  	s5 =	sor.u32 s1, s24;
	v25 =	vadd.s32 $0x10, v0;
	[tilespmem:s25+$0x0] =	vst v17  }
0x73: {  	s10 =	sadd.s32 $0x7880, s12;
	s6 =	sor.u32 s1, s26;
	v52 =	vadd.s32 $0x12, v0;
	[tilespmem:s5+$0x0] =	vst v18  }
0x74: {  	s11 =	sadd.s32 $0x7900, s12;
	s8 =	sor.u32 s1, s10;
	v47 =	vadd.s32 $0xF, v0;
	[tilespmem:s6+$0x0] =	vst v19  }
0x75: {  	s13 =	sadd.s32 $0x7980, s12;
	v63 =	vadd.s32 $0x11, v0;
	s9 =	sor.u32 s1, s11;
	v15 =	vld.idx.msk [tilespmem:v23+s7+$0x0], $0xffff;
	[tilespmem:s8+$0x0] =	vst v21  }
0x76: {  	s14 =	sadd.s32 $0x7A00, s12;
	s15 =	sor.u32 s1, s13;
	v53 =	vadd.s32 $0x15, v0;
	v17 =	vld.idx.msk [tilespmem:v46+s7+$0x0], $0xffff;
	[tilespmem:s9+$0x0] =	vst v22  }
0x77: {  	s16 =	sor.u32 s1, s14;
	v48 =	vadd.s32 $0x13, v0;
	s20 =	sadd.s32 $0x7A80, s12;
	v23 =	vld.idx.msk [tilespmem:v25+s7+$0x0], $0xffff;
	[tilespmem:s15+$0x0] =	vst v24  }
0x78: {  	s17 =	sor.u32 s1, s20;
	v25 =	vld.idx.msk [tilespmem:v52+s7+$0x0], $0xffff;
	v18 =	vadd.s32 $0x14, v0;
	s15 =	sadd.s32 $0x7B00, s12;
	[tilespmem:s16+$0x0] =	vst v41  }
0x79: {  	v54 =	vadd.s32 $0x16, v0;
	v19 =	vld.idx.msk [tilespmem:v47+s7+$0x0], $0xffff;
	s16 =	sadd.s32 $0x7B80, s12;
	s18 =	sor.u32 s1, s15;
	[tilespmem:s17+$0x0] =	vst v42  }
0x7a: {  	v55 =	vadd.s32 $0x17, v0;
	s22 =	simm.s32 $0x20;
	v21 =	vld.idx.msk [tilespmem:v63+s7+$0x0], $0xffff;
	s9 =	sadd.s32 $0x7C00, s12;
	s19 =	sor.u32 s1, s16;
	[tilespmem:s18+$0x0] =	vst v43  }
0x7b: {  	s21 =	sadd.s32 $0x7C80, s12;
	s23 =	sand.u32 $0x780, s22;
	v22 =	vld.idx.msk [tilespmem:v53+s7+$0x0], $0xffff;
	s24 =	sor.u32 s1, s9;
	[tilespmem:s19+$0x0] =	vst v13  }
0x7c: {  	s25 =	sor.u32 s1, s21;
	v24 =	vld.idx.msk [tilespmem:v48+s7+$0x0], $0xffff;
	s18 =	sand.u32 $0x60, s22;
	s22 =	sadd.s32 $0x7D00, s12;
	[tilespmem:s24+$0x0] =	vst v16  }
0x7d: {  	s3 =	sadd.s32 $0x1100, s23;
	s23 =	sadd.s32 $0x7D80, s12;
	v18 =	vld.idx.msk [tilespmem:v18+s7+$0x0], $0xffff;
	s5 =	sor.u32 s1, s22;
	[tilespmem:s25+$0x0] =	vst v34  }
0x7e: {  	s6 =	sor.u32 s1, s23;
	v13 =	vld.idx.msk [tilespmem:v54+s7+$0x0], $0xffff;
	s19 =	sor.u32 $0x10, s18;
	s24 =	sadd.s32 $0x7E00, s12;
	[tilespmem:s5+$0x0] =	vst v1  }
0x7f: {  	v16 =	vld.idx.msk [tilespmem:v55+s7+$0x0], $0xffff;
	s26 =	sor.u32 s19, s3;
	s25 =	sadd.s32 $0x7E80, s12;
	s7 =	sor.u32 s1, s24;
	[tilespmem:s6+$0x0] =	vst v30  }
0x80: {  	s3 =	sor.u32 s18, s3;
	v34 =	vld [tilespmem:s26+$0x0];
	s26 =	sadd.s32 $0x7F00, s12;
	s8 =	sor.u32 s1, s25;
	[tilespmem:s7+$0x0] =	vst v31  }
0x81: {  	s28 =	sadd.s32 $0x7F80, s12;
	v1 =	vld [tilespmem:s3+$0x0];
	s3 =	sor.u32 s1, s26;
	[tilespmem:s8+$0x0] =	vst v40  }
0x82: {  	s30 =	sadd.s32 $0x8000, s12;
	s4 =	sor.u32 s1, s28;
	[tilespmem:s3+$0x0] =	vst v39  }
0x83: {  	s29 =	sadd.s32 $0x8080, s12;
	s5 =	sor.u32 s1, s30;
	[tilespmem:s4+$0x0] =	vst v38  }
0x84: {  	s6 =	sor.u32 s1, s29;
	s7 =	sadd.s32 $0x8100, s12;
	[tilespmem:s5+$0x0] =	vst v37  }
0x85: {  	v58 =	vadd.s32 $0x1A, v0;
	s8 =	sor.u32 s1, s7;
	[tilespmem:s6+$0x0] =	vst v36;
	s6 =	sadd.s32 $0x8180, s12  }
0x86: {  	s31 =	sadd.s32 $0x8200, s12;
	v59 =	vadd.s32 $0x1B, v0;
	[tilespmem:s8+$0x0] =	vst v35;
	s3 =	sor.u32 s1, s6  }
0x87: {  	v60 =	vadd.s32 $0x1C, v0;
	s4 =	sor.u32 s1, s31;
	s8 =	sadd.s32 $0x8280, s12;
	[tilespmem:s3+$0x0] =	vst v33  }
0x88: {  	s5 =	sor.u32 s1, s8;
	[tilespmem:s4+$0x0] =	vst v32;
	s4 =	sadd.s32 $0x8300, s12  }
0x89: {  	v61 =	vadd.s32 $0x1D, v0;
	s17 =	simm.s32 $0x0;
	[tilespmem:s5+$0x0] =	vst v29;
	s5 =	sadd.s32 $0x8380, s12;
	s3 =	sor.u32 s1, s4  }
0x8a: {  	v62 =	vadd.s32 $0x1E, v0;
	v49 =	vld.idx.msk [tilespmem:v58+s17+$0x0], $0xffff;
	[tilespmem:s3+$0x0] =	vst v28;
	s3 =	sadd.s32 $0x8400, s12;
	s2 =	sor.u32 s1, s5  }
0x8b: {  	v56 =	vadd.s32 $0x18, v0;
	v50 =	vld.idx.msk [tilespmem:v59+s17+$0x0], $0xffff;
	s12 =	sadd.s32 $0x8480, s12;
	[tilespmem:s2+$0x0] =	vst v27;
	s2 =	sor.u32 s1, s3  }
0x8c: {  	v63 =	vadd.s32 $0x1F, v0;
	v53 =	vld.idx.msk [tilespmem:v60+s17+$0x0], $0xffff;
	s1 =	sor.u32 s1, s12;
	[tilespmem:s2+$0x0] =	vst v26  }
0x8d: {  	v57 =	vadd.s32 $0x19, v0;
	v0 =	vld.idx.msk [tilespmem:v0+s17+$0x0], $0xffff;
	[tilespmem:s1+$0x0] =	vst v20  }
0x8e: {  	v54 =	vld.idx.msk [tilespmem:v61+s17+$0x0], $0xffff;
	s1 =	sld [smem:$0x7EB]  }
0x8f: {  	v55 =	vld.idx.msk [tilespmem:v62+s17+$0x0], $0xffff  }
0x90: {  	v30 =	vld.idx.msk [tilespmem:v56+s17+$0x0], $0xffff  }
0x91: {  	v56 =	vld.idx.msk [tilespmem:v63+s17+$0x0], $0xffff;
	s1 =	sor.u32 s0, s1  }
0x92: {  	v31 =	vld.idx.msk [tilespmem:v57+s17+$0x0], $0xffff;
	[tilespmem:s1+$0x0] =	vst v0  }
0x93: {  	s1 =	sld [smem:$0x7EC];
	_ =	sdelay $0x2  }
0x94: {  	s1 =	sor.u32 s0, s1  }
0x95: {  	[tilespmem:s1+$0x0] =	vst v14  }
0x96: {  	s1 =	sld [smem:$0x7ED];
	_ =	sdelay $0x2  }
0x97: {  	s1 =	sor.u32 s0, s1  }
0x98: {  	[tilespmem:s1+$0x0] =	vst v11  }
0x99: {  	s1 =	sld [smem:$0x7EE];
	_ =	sdelay $0x2  }
0x9a: {  	s1 =	sor.u32 s0, s1  }
0x9b: {  	v42 =	vadd.s32 $0x1, v34;
	[tilespmem:s1+$0x0] =	vst v7  }
0x9c: {  	v43 =	vadd.s32 $0x2, v34;
	s1 =	sld [smem:$0x7EF]  }
0x9d: {  	v48 =	vadd.s32 $0x3, v34  }
0x9e: {  	v51 =	vadd.s32 $0x4, v34  }
0x9f: {  	v57 =	vadd.s32 $0x5, v34;
	v52 =	vld.idx.msk [tilespmem:v34+s17+$0x0], $0xffff;
	s1 =	sor.u32 s0, s1  }
0xa0: {  	v58 =	vld.idx.msk [tilespmem:v42+s17+$0x0], $0xffff;
	v20 =	vadd.s32 $0xA, v34;
	[tilespmem:s1+$0x0] =	vst v8  }
0xa1: {  	v44 =	vld.idx.msk [tilespmem:v43+s17+$0x0], $0xffff;
	v11 =	vadd.s32 $0xD, v34;
	s1 =	sld [smem:$0x7F0]  }
0xa2: {  	v45 =	vld.idx.msk [tilespmem:v48+s17+$0x0], $0xffff;
	v29 =	vadd.s32 $0x6, v34  }
0xa3: {  	v43 =	vld.idx.msk [tilespmem:v51+s17+$0x0], $0xffff;
	v28 =	vadd.s32 $0x7, v34  }
0xa4: {  	v42 =	vld.idx.msk [tilespmem:v57+s17+$0x0], $0xffff;
	v27 =	vadd.s32 $0x8, v34;
	s1 =	sor.u32 s0, s1  }
0xa5: {  	v36 =	vld.idx.msk [tilespmem:v20+s17+$0x0], $0xffff;
	v20 =	vadd.s32 $0xF, v34;
	[tilespmem:s1+$0x0] =	vst v9  }
0xa6: {  	v33 =	vld.idx.msk [tilespmem:v11+s17+$0x0], $0xffff;
	v11 =	vadd.s32 $0x15, v34;
	s1 =	sld [smem:$0x7F1]  }
0xa7: {  	v26 =	vadd.s32 $0x9, v34;
	v41 =	vld.idx.msk [tilespmem:v29+s17+$0x0], $0xffff  }
0xa8: {  	v40 =	vld.idx.msk [tilespmem:v28+s17+$0x0], $0xffff;
	v0 =	vadd.s32 $0xB, v34  }
0xa9: {  	v39 =	vld.idx.msk [tilespmem:v27+s17+$0x0], $0xffff;
	v14 =	vadd.s32 $0xC, v34;
	s1 =	sor.u32 s0, s1  }
0xaa: {  	v59 =	vadd.s32 $0xE, v34;
	s2 =	sor.u32 s0, s10;
	v38 =	vld.idx.msk [tilespmem:v20+s17+$0x0], $0xffff;
	[tilespmem:s1+$0x0] =	vst v5  }
0xab: {  	s10 =	sor.u32 s0, s11;
	v20 =	vld.idx.msk [tilespmem:v11+s17+$0x0], $0xffff;
	v11 =	vadd.s32 $0x1A, v34;
	[tilespmem:s2+$0x0] =	vst v2  }
0xac: {  	v60 =	vadd.s32 $0x11, v34;
	s11 =	sor.u32 s0, s13;
	v37 =	vld.idx.msk [tilespmem:v26+s17+$0x0], $0xffff;
	[tilespmem:s10+$0x0] =	vst v3  }
0xad: {  	s13 =	sor.u32 s0, s14;
	v35 =	vld.idx.msk [tilespmem:v0+s17+$0x0], $0xffff;
	v0 =	vadd.s32 $0x10, v34;
	[tilespmem:s11+$0x0] =	vst v4  }
0xae: {  	s14 =	sor.u32 s0, s20;
	v32 =	vld.idx.msk [tilespmem:v14+s17+$0x0], $0xffff;
	v2 =	vadd.s32 $0x12, v34;
	[tilespmem:s13+$0x0] =	vst v6  }
0xaf: {  	s15 =	sor.u32 s0, s15;
	v8 =	vld.idx.msk [tilespmem:v59+s17+$0x0], $0xffff;
	v9 =	vadd.s32 $0x14, v34;
	[tilespmem:s14+$0x0] =	vst v10  }
0xb0: {  	v61 =	vadd.s32 $0x13, v34;
	s20 =	sor.u32 s0, s16;
	v26 =	vld.idx.msk [tilespmem:v11+s17+$0x0], $0xffff;
	[tilespmem:s15+$0x0] =	vst v12  }
0xb1: {  	v3 =	vld.idx.msk [tilespmem:v60+s17+$0x0], $0xffff;
	s10 =	sor.u32 s0, s9;
	v10 =	vadd.s32 $0x16, v34;
	[tilespmem:s20+$0x0] =	vst v15  }
0xb2: {  	v62 =	vadd.s32 $0x18, v34;
	v4 =	vld.idx.msk [tilespmem:v0+s17+$0x0], $0xffff;
	s11 =	sor.u32 s0, s21;
	[tilespmem:s10+$0x0] =	vst v17  }
0xb3: {  	s13 =	sor.u32 s0, s22;
	v5 =	vld.idx.msk [tilespmem:v2+s17+$0x0], $0xffff;
	v2 =	vadd.s32 $0x17, v34;
	[tilespmem:s11+$0x0] =	vst v19  }
0xb4: {  	v0 =	vld.idx.msk [tilespmem:v9+s17+$0x0], $0xffff;
	v9 =	vadd.s32 $0x19, v34;
	s14 =	sor.u32 s0, s23;
	[tilespmem:s13+$0x0] =	vst v23  }
0xb5: {  	v6 =	vld.idx.msk [tilespmem:v61+s17+$0x0], $0xffff;
	s15 =	sor.u32 s0, s24;
	[tilespmem:s14+$0x0] =	vst v21  }
0xb6: {  	s16 =	sor.u32 s0, s25;
	v19 =	vld.idx.msk [tilespmem:v10+s17+$0x0], $0xffff;
	v10 =	vadd.s32 $0x1B, v34;
	[tilespmem:s15+$0x0] =	vst v25  }
0xb7: {  	s20 =	sor.u32 s0, s26;
	v23 =	vld.idx.msk [tilespmem:v62+s17+$0x0], $0xffff;
	[tilespmem:s16+$0x0] =	vst v24  }
0xb8: {  	s7 =	sor.u32 s0, s7;
	s26 =	sor.u32 s0, s31;
	v21 =	vld.idx.msk [tilespmem:v2+s17+$0x0], $0xffff;
	v2 =	vadd.s32 $0x1C, v34;
	[tilespmem:s20+$0x0] =	vst v18  }
0xb9: {  	v63 =	vadd.s32 $0x1D, v34;
	s21 =	sor.u32 s0, s28;
	s23 =	simm.s32 $0x20;
	v24 =	vld.idx.msk [tilespmem:v9+s17+$0x0], $0xffff;
	[dreg:$0x4] =	wrdreg s26  }
0xba: {  	s8 =	sor.u32 s0, s8;
	s25 =	simm.s32 $0x400;
	s2 =	sand.u32 $0xFFFFFF80, s23;
	v9 =	vadd.s32 $0x1E, v34;
	[tilespmem:s21+$0x0] =	vst v22  }
0xbb: {  	v11 =	vadd.s32 $0x1F, v34;
	s22 =	sor.u32 s0, s30;
	s2 =	ssub.s32 $0x20, s2;
	v27 =	vld.idx.msk [tilespmem:v10+s17+$0x0], $0xffff;
	[dreg:$0x5] =	wrdreg s8  }
0xbc: {  	s24 =	sor.u32 s0, s29;
	s14 =	sand.u32 $0xFFFFFF80, s2;
	s15 =	sand.u32 $0x3FFFF000, s25;
	[tilespmem:s22+$0x0] =	vst v13  }
0xbd: {  	s6 =	sor.u32 s0, s6;
	v48 =	vadd.s32 $0x3, v1;
	s28 =	sor.u32 s0, s4;
	s9 =	sadd.s32 s14, s15;
	v28 =	vld.idx.msk [tilespmem:v2+s17+$0x0], $0xffff;
	[tilespmem:s24+$0x0] =	vst v16  }
0xbe: {  	s30 =	sor.u32 s0, s3;
	s11 =	sor.u32 s0, s12;
	s1 =	sadd.s32 $0x7500, s9;
	v10 =	vadd.s32 $0x1, v1;
	v29 =	vld.idx.msk [tilespmem:v63+s17+$0x0], $0xffff;
	[tilespmem:s7+$0x0] =	vst v30  }
0xbf: {  	s16 =	sadd.s32 $0x7580, s9;
	s12 =	sor.u32 s18, s1;
	s1 =	sor.u32 s19, s1;
	v2 =	vadd.s32 $0x2, v1;
	v30 =	vld.idx.msk [tilespmem:v9+s17+$0x0], $0xffff;
	[tilespmem:s6+$0x0] =	vst v31  }
0xc0: {  	v12 =	vadd.s32 $0x5, v1;
	s31 =	sor.u32 s0, s5;
	s2 =	sadd.s32 $0x7600, s9;
	s0 =	sor.u32 s19, s16;
	v31 =	vld.idx.msk [tilespmem:v11+s17+$0x0], $0xffff;
	[tilespmem:s1+$0x0] =	vst v52  }
0xc1: {  	s20 =	sadd.s32 $0x7680, s9;
	s21 =	sor.u32 s19, s2;
	v13 =	vadd.s32 $0x6, v1;
	[tilespmem:s0+$0x0] =	vst v58  }
0xc2: {  	s23 =	sor.u32 s19, s20;
	s22 =	sadd.s32 $0x7700, s9;
	v51 =	vld.idx.msk [tilespmem:v48+s17+$0x0], $0xffff;
	v9 =	vadd.s32 $0x4, v1;
	[tilespmem:s21+$0x0] =	vst v44  }
0xc3: {  	s24 =	sadd.s32 $0x7780, s9;
	s25 =	sor.u32 s19, s22;
	v52 =	vld.idx.msk [tilespmem:v10+s17+$0x0], $0xffff;
	v10 =	vadd.s32 $0x7, v1;
	[tilespmem:s23+$0x0] =	vst v45  }
0xc4: {  	s3 =	sadd.s32 $0x7880, s9;
	s26 =	sadd.s32 $0x7800, s9;
	s1 =	sor.u32 s19, s24;
	v57 =	vld.idx.msk [tilespmem:v2+s17+$0x0], $0xffff;
	v2 =	vadd.s32 $0x8, v1;
	[tilespmem:s25+$0x0] =	vst v43  }
0xc5: {  	s13 =	sadd.s32 $0x7A00, s9;
	s14 =	sor.u32 s18, s16;
	s4 =	sor.u32 s19, s26;
	v12 =	vld.idx.msk [tilespmem:v12+s17+$0x0], $0xffff;
	[tilespmem:s1+$0x0] =	vst v42  }
0xc6: {  	v60 =	vadd.s32 $0x9, v1;
	s8 =	sadd.s32 $0x7980, s9;
	s7 =	sor.u32 s19, s3;
	s6 =	sadd.s32 $0x7900, s9;
	v13 =	vld.idx.msk [tilespmem:v13+s17+$0x0], $0xffff;
	[tilespmem:s4+$0x0] =	vst v41  }
0xc7: {  	s16 =	sor.u32 s18, s20;
	s15 =	sor.u32 s19, s8;
	s10 =	sor.u32 s19, s6;
	v11 =	vld.idx.msk [tilespmem:v9+s17+$0x0], $0xffff;
	[tilespmem:s7+$0x0] =	vst v40  }
0xc8: {  	s20 =	sor.u32 s18, s22;
	s21 =	sor.u32 s18, s24;
	s24 =	sor.u32 s18, s13;
	v9 =	vadd.s32 $0xA, v1;
	v14 =	vld.idx.msk [tilespmem:v10+s17+$0x0], $0xffff;
	[tilespmem:s10+$0x0] =	vst v39  }
0xc9: {  	s22 =	sor.u32 s18, s26;
	s25 =	sadd.s32 $0x7A80, s9;
	v15 =	vld.idx.msk [tilespmem:v2+s17+$0x0], $0xffff;
	[dreg:$0x15] =	wrdreg s24  }
0xca: {  	v18 =	vadd.s32 $0xB, v1;
	s26 =	sor.u32 s18, s6;
	s6 =	sadd.s32 $0x7B00, s9;
	s4 =	sor.u32 s18, s25;
	[tilespmem:s15+$0x0] =	vst v37  }
0xcb: {  	s23 =	sor.u32 s18, s3;
	s3 =	sor.u32 s19, s13;
	v16 =	vld.idx.msk [tilespmem:v60+s17+$0x0], $0xffff;
	[dreg:$0x17] =	wrdreg s4  }
0xcc: {  	v22 =	vadd.s32 $0xC, v1;
	s29 =	sor.u32 s18, s8;
	s8 =	sor.u32 s18, s6;
	[tilespmem:s3+$0x0] =	vst v36  }
0xcd: {  	s7 =	sor.u32 s19, s25;
	s10 =	sadd.s32 $0x7B80, s9;
	v17 =	vld.idx.msk [tilespmem:v9+s17+$0x0], $0xffff;
	[dreg:$0x19] =	wrdreg s8  }
0xce: {  	v10 =	vadd.s32 $0xD, v1;
	s15 =	sor.u32 s18, s10;
	[tilespmem:s7+$0x0] =	vst v35  }
0xcf: {  	s13 =	sor.u32 s19, s6;
	s24 =	sadd.s32 $0x7C00, s9;
	v18 =	vld.idx.msk [tilespmem:v18+s17+$0x0], $0xffff;
	[dreg:$0x1b] =	wrdreg s15  }
0xd0: {  	v2 =	vadd.s32 $0xE, v1;
	s3 =	sor.u32 s18, s24;
	[tilespmem:s13+$0x0] =	vst v32  }
0xd1: {  	s25 =	sor.u32 s19, s10;
	s4 =	sadd.s32 $0x7C80, s9;
	v22 =	vld.idx.msk [tilespmem:v22+s17+$0x0], $0xffff;
	[dreg:$0x1d] =	wrdreg s3  }
0xd2: {  	v61 =	vadd.s32 $0xF, v1;
	s7 =	sor.u32 s18, s4;
	[tilespmem:s25+$0x0] =	vst v33  }
0xd3: {  	s6 =	sor.u32 s19, s24;
	s8 =	sadd.s32 $0x7D00, s9;
	v25 =	vld.idx.msk [tilespmem:v10+s17+$0x0], $0xffff;
	[dreg:$0x1f] =	wrdreg s7  }
0xd4: {  	v9 =	vadd.s32 $0x10, v1;
	s13 =	sor.u32 s18, s8;
	[tilespmem:s6+$0x0] =	vst v8  }
0xd5: {  	s10 =	sor.u32 s19, s4;
	s15 =	sadd.s32 $0x7D80, s9;
	v32 =	vld.idx.msk [tilespmem:v2+s17+$0x0], $0xffff;
	[smem:$0x7F2] =	sst s13  }
0xd6: {  	v62 =	vadd.s32 $0x11, v1;
	s25 =	sor.u32 s18, s15;
	[tilespmem:s10+$0x0] =	vst v38  }
0xd7: {  	s24 =	sor.u32 s19, s8;
	s3 =	sadd.s32 $0x7E00, s9;
	v33 =	vld.idx.msk [tilespmem:v61+s17+$0x0], $0xffff;
	[smem:$0x7F3] =	sst s25  }
0xd8: {  	v63 =	vadd.s32 $0x12, v1;
	s6 =	sor.u32 s18, s3;
	[tilespmem:s24+$0x0] =	vst v4  }
0xd9: {  	s4 =	sor.u32 s19, s15;
	s7 =	sadd.s32 $0x7E80, s9;
	v8 =	vadd.s32 $0x13, v1;
	v34 =	vld.idx.msk [tilespmem:v9+s17+$0x0], $0xffff;
	[smem:$0x7F4] =	sst s6  }
0xda: {  	v2 =	vadd.s32 $0x14, v1;
	s10 =	sor.u32 s18, s7;
	[tilespmem:s4+$0x0] =	vst v3  }
0xdb: {  	s8 =	sor.u32 s19, s3;
	s13 =	sadd.s32 $0x7F00, s9;
	v36 =	vld.idx.msk [tilespmem:v62+s17+$0x0], $0xffff;
	[smem:$0x7F5] =	sst s10  }
0xdc: {  	v46 =	vadd.s32 $0x16, v1;
	s5 =	sor.u32 s18, s2;
	v48 =	vadd.s32 $0x15, v1;
	s24 =	sor.u32 s18, s13;
	[tilespmem:s8+$0x0] =	vst v5  }
0xdd: {  	v47 =	vadd.s32 $0x17, v1;
	s0 =	sadd.s32 $0x7F80, s9;
	v44 =	vadd.s32 $0x19, v1;
	v45 =	vadd.s32 $0x18, v1;
	s15 =	sor.u32 s19, s7;
	v40 =	vld.idx.msk [tilespmem:v63+s17+$0x0], $0xffff;
	[smem:$0x7F6] =	sst s24  }
0xde: {  	s1 =	sadd.s32 $0x8000, s9;
	v41 =	vadd.s32 $0x1A, v1;
	v39 =	vadd.s32 $0x1B, v1;
	v37 =	vadd.s32 $0x1C, v1;
	s3 =	simm.s32 $0x40;
	s25 =	sor.u32 s19, s13;
	[tilespmem:s15+$0x0] =	vst v6;
	v42 =	vld.idx.msk [tilespmem:v8+s17+$0x0], $0xffff  }
0xdf: {  	v35 =	vadd.s32 $0x1E, v1;
	v38 =	vadd.s32 $0x1D, v1;
	s13 =	simm.s32 $0x2;
	s10 =	sor.u32 s19, s0;
	s15 =	simm.s32 $0x2;
	v43 =	vld.idx.msk [tilespmem:v2+s17+$0x0], $0xffff;
	[tilespmem:s25+$0x0] =	vst v0;
	v0 =	vadd.s32 $0x1F, v1  }
.LBB2_6:
0xe0: {  	_ = 	snop  }
0xe1: {  	v2 =	vld.idx.msk [tilespmem:v48+s17+$0x0], $0xffff;
	_ =	sdelay $0x4  }
0xe2: {  	[tilespmem:$0x1FE10] =	vst v2;
	v2 =	vld.idx.msk [tilespmem:v46+s17+$0x0], $0xffff;
	_ =	sdelay $0x3  }
0xe3: {  	[smem:$0x7E7] =	sst s22  }
0xe4: {  	[smem:$0x7E8] =	sst s23;
	[tilespmem:$0x1FE20] =	vst v2;
	v2 =	vld.idx.msk [tilespmem:v47+s17+$0x0], $0xffff  }
0xe5: {  	[smem:$0x7EA] =	sst s29  }
0xe6: {  	[smem:$0x7E9] =	sst s26;
	s2 =	sand.u32 $0x60, s3  }
0xe7: {  	s25 =	sadd.s32 $0x8080, s9;
	s7 =	sor.u32 s19, s1;
	s24 =	sand.u32 $0x780, s3  }
0xe8: {  	[tilespmem:s10+$0x0] =	vst v20;
	s26 =	sadd.s32 $0x8100, s9;
	s6 =	smov.u32 s28;
	s28 =	sadd.s32 $0x8180, s9  }
0xe9: {  	s22 =	smov.u32 s20;
	s20 =	smov.u32 s5;
	s5 =	smov.u32 s14;
	[tilespmem:$0x1FE30] =	vst v2;
	v2 =	vld.idx.msk [tilespmem:v45+s17+$0x0], $0xffff  }
0xea: {  	s14 =	smov.u32 s11;
	s11 =	smov.u32 s30;
	[tilespmem:s7+$0x0] =	vst v19;
	s8 =	sor.u32 s19, s25  }
0xeb: {  	s30 =	sadd.s32 $0x8200, s9;
	s23 =	smov.u32 s21;
	v4 =	vld.idx.msk [tilespmem:v39+s17+$0x0], $0xffff;
	s29 =	sor.u32 s19, s26;
	[tilespmem:s8+$0x0] =	vst v21  }
0xec: {  	s21 =	smov.u32 s16;
	s16 =	smov.u32 s12;
	v5 =	vld.idx.msk [tilespmem:v37+s17+$0x0], $0xffff;
	[tilespmem:s29+$0x0] =	vst v23;
	s29 =	sor.u32 s19, s28  }
0xed: {  	s12 =	smov.u32 s31;
	s24 =	sadd.s32 $0x1100, s24;
	s10 =	sor.u32 $0x10, s2;
	[tilespmem:s29+$0x0] =	vst v24  }
0xee: {  	s4 =	sadd.s32 $0x8280, s9;
	s31 =	sor.u32 s10, s24;
	s29 =	sor.u32 s19, s30;
	[tilespmem:$0x1FE40] =	vst v2;
	v2 =	vld.idx.msk [tilespmem:v44+s17+$0x0], $0xffff  }
0xef: {  	v8 =	vld [tilespmem:s31+$0x0];
	[tilespmem:s29+$0x0] =	vst v26;
	s29 =	sor.u32 s19, s4  }
0xf0: {  	v4 =	vmov v4;
	[tilespmem:s29+$0x0] =	vst v27  }
0xf1: {  	s26 =	sor.u32 s18, s26;
	s24 =	sor.u32 s2, s24;
	s31 =	sadd.s32 $0x8300, s9;
	v26 =	vmov v5;
	[tilespmem:$0x1FF20] =	vst v4  }
0xf2: {  	s4 =	sor.u32 s18, s4;
	s7 =	sor.u32 s19, s31;
	s29 =	sor.u32 s18, s1;
	[tilespmem:$0x1FFE0] =	vst v26  }
0xf3: {  	s1 =	sadd.s32 $0x8400, s9;
	[tilespmem:$0x1FE50] =	vst v2;
	v2 =	vld [tilespmem:s24+$0x0];
	s24 =	sor.u32 s18, s0;
	s0 =	sadd.s32 $0x8380, s9  }
0xf4: {  	[tilespmem:s7+$0x0] =	vst v28;
	s7 =	sor.u32 s18, s25;
	s25 =	sor.u32 s18, s28;
	s8 =	sor.u32 s19, s0  }
0xf5: {  	s28 =	sor.u32 s18, s30;
	s9 =	sadd.s32 $0x8480, s9;
	[tilespmem:s8+$0x0] =	vst v29;
	s8 =	sor.u32 s19, s1  }
0xf6: {  	v3 =	vld.idx.msk [tilespmem:v41+s17+$0x0], $0xffff;
	s30 =	sor.u32 s18, s31;
	s0 =	sor.u32 s18, s0;
	s19 =	sor.u32 s19, s9;
	[tilespmem:s8+$0x0] =	vst v30  }
0xf7: {  	v7 =	vld.idx.msk [tilespmem:v38+s17+$0x0], $0xffff;
	s1 =	sor.u32 s18, s1;
	s8 =	sor.u32 s18, s9;
	s18 =	rddreg [dreg:$0x4];
	[tilespmem:s19+$0x0] =	vst v31  }
0xf8: {  	v10 =	vld.idx.msk [tilespmem:v35+s17+$0x0], $0xffff;
	[tilespmem:s18+$0x0] =	vst v49;
	s19 =	rddreg [dreg:$0x5]  }
0xf9: {  	v9 =	vadd.s32 $0x2, v2;
	v0 =	vld.idx.msk [tilespmem:v0+s17+$0x0], $0xffff;
	[tilespmem:s19+$0x0] =	vst v50  }
0xfa: {  	v19 =	vadd.s32 $0x3, v2;
	[tilespmem:$0x1FE60] =	vst v9  }
0xfb: {  	v20 =	vadd.s32 $0x5, v2;
	[tilespmem:$0x1FE70] =	vst v19  }
0xfc: {  	[tilespmem:$0x1FE90] =	vst v20  }
0xfd: {  	v19 =	vadd.s32 $0x4, v2;
	v21 =	vld.idx.msk [tilespmem:v1+s17+$0x0], $0xffff;
	[tilespmem:s6+$0x0] =	vst v53  }
0xfe: {  	v20 =	vadd.s32 $0x6, v2;
	[tilespmem:$0x1FE80] =	vst v19  }
0xff: {  	v23 =	vmovc v52;
	v52 =	vadd.s32 $0x1, v2;
	v1 =	vmov v2;
	v2 =	vmov v3;
	[tilespmem:$0x1FEA0] =	vst v20  }
0x100: {  	[tilespmem:$0x1FF00] =	vst v2  }
0x101: {  	v3 =	vmov v7;
	[tilespmem:s12+$0x0] =	vst v54  }
0x102: {  	v2 =	vadd.s32 $0x7, v1;
	[tilespmem:$0x1FFC0] =	vst v3  }
0x103: {  	[tilespmem:$0x1FEB0] =	vst v2  }
0x104: {  	v26 =	vadd.s32 $0xB, v1;
	[tilespmem:s11+$0x0] =	vst v55  }
0x105: {  	v3 =	vadd.s32 $0xD, v1;
	[tilespmem:$0x1FEF0] =	vst v26  }
0x106: {  	v58 =	vadd.s32 $0xF, v1;
	[tilespmem:$0x1FF30] =	vst v3  }
0x107: {  	v60 =	vadd.s32 $0x10, v1;
	[tilespmem:$0x1FF50] =	vst v58  }
0x108: {  	v2 =	vadd.s32 $0x8, v1;
	[tilespmem:$0x1FF60] =	vst v60  }
0x109: {  	[tilespmem:$0x1FEC0] =	vst v2  }
0x10a: {  	v3 =	vadd.s32 $0xE, v1;
	[tilespmem:s14+$0x0] =	vst v56  }
0x10b: {  	[tilespmem:$0x1FF40] =	vst v3;
	v56 =	vmov v10  }
0x10c: {  	v6 =	vadd.s32 $0x1, v8;
	[tilespmem:$0x1FFA0] =	vst v56  }
0x10d: {  	v9 =	vadd.s32 $0x2, v8;
	[tilespmem:s16+$0x0] =	vst v21  }
0x10e: {  	v19 =	vadd.s32 $0x3, v8;
	[tilespmem:s5+$0x0] =	vst v23  }
0x10f: {  	v20 =	vadd.s32 $0x4, v8;
	[tilespmem:s20+$0x0] =	vst v57  }
0x110: {  	v59 =	vld.idx.msk [tilespmem:v8+s17+$0x0], $0xffff;
	v2 =	vadd.s32 $0x5, v8;
	[tilespmem:s21+$0x0] =	vst v51  }
0x111: {  	v61 =	vld.idx.msk [tilespmem:v6+s17+$0x0], $0xffff;
	v54 =	vadd.s32 $0x6, v8;
	[tilespmem:s22+$0x0] =	vst v11  }
0x112: {  	s9 =	smov.u32 s28;
	v62 =	vmov v0;
	v63 =	vld.idx.msk [tilespmem:v9+s17+$0x0], $0xffff;
	[tilespmem:s23+$0x0] =	vst v12;
	v12 =	vadd.s32 $0x10, v8  }
0x113: {  	s28 =	smov.u32 s30;
	s30 =	smov.u32 s1;
	s1 =	rddreg [dreg:$0x15];
	v0 =	vadd.s32 $0x11, v1;
	v9 =	vadd.s32 $0x7, v8;
	[tilespmem:$0x1FF80] =	vst v62;
	v3 =	vld.idx.msk [tilespmem:v19+s17+$0x0], $0xffff  }
0x114: {  	[dreg:$0x4] =	wrdreg s9;
	v10 =	vadd.s32 $0x9, v8;
	[tilespmem:$0x1FF70] =	vst v0;
	v0 =	vadd.s32 $0x12, v1;
	v4 =	vld.idx.msk [tilespmem:v20+s17+$0x0], $0xffff  }
0x115: {  	v21 =	vadd.s32 $0xC, v8;
	[tilespmem:$0x1FF90] =	vst v0;
	s20 =	sld [smem:$0x7E7];
	v5 =	vld.idx.msk [tilespmem:v2+s17+$0x0], $0xffff;
	v2 =	vadd.s32 $0x13, v1  }
0x116: {  	v6 =	vld.idx.msk [tilespmem:v54+s17+$0x0], $0xffff;
	v20 =	vadd.s32 $0xB, v8;
	s21 =	sld [smem:$0x7E8];
	[tilespmem:$0x1FFB0] =	vst v2;
	v2 =	vadd.s32 $0x14, v1  }
0x117: {  	s22 =	sld [smem:$0x7E9];
	[tilespmem:$0x1FFD0] =	vst v2;
	v57 =	vld.idx.msk [tilespmem:v12+s17+$0x0], $0xffff;
	v12 =	vadd.s32 $0x15, v8  }
0x118: {  	v19 =	vadd.s32 $0x8, v8;
	v7 =	vld.idx.msk [tilespmem:v9+s17+$0x0], $0xffff;
	s23 =	sld [smem:$0x7EA];
	[tilespmem:s20+$0x0] =	vst v13  }
0x119: {  	s18 =	smov.u32 s2;
	s2 =	rddreg [dreg:$0x17];
	v0 =	vadd.s32 $0xA, v8;
	v2 =	vld.idx.msk [tilespmem:v10+s17+$0x0], $0xffff;
	[tilespmem:s21+$0x0] =	vst v14  }
0x11a: {  	s9 =	sld [smem:$0x7F2];
	v23 =	vadd.s32 $0xE, v8;
	v50 =	vld.idx.msk [tilespmem:v21+s17+$0x0], $0xffff;
	[tilespmem:s22+$0x0] =	vst v15  }
0x11b: {  	s19 =	smov.u32 s10;
	s10 =	smov.u32 s4;
	s4 =	rddreg [dreg:$0x19];
	v11 =	vadd.s32 $0xF, v8;
	v49 =	vld.idx.msk [tilespmem:v20+s17+$0x0], $0xffff;
	[tilespmem:s23+$0x0] =	vst v16  }
0x11c: {  	[dreg:$0x5] =	wrdreg s10;
	[tilespmem:s1+$0x0] =	vst v17;
	v20 =	vld.idx.msk [tilespmem:v12+s17+$0x0], $0xffff;
	v12 =	vadd.s32 $0x1A, v8  }
0x11d: {  	s6 =	rddreg [dreg:$0x1d];
	v9 =	vld.idx.msk [tilespmem:v19+s17+$0x0], $0xffff;
	[tilespmem:s2+$0x0] =	vst v18  }
0x11e: {  	s5 =	rddreg [dreg:$0x1b];
	v19 =	vadd.s32 $0xD, v8;
	v10 =	vld.idx.msk [tilespmem:v0+s17+$0x0], $0xffff;
	[tilespmem:s4+$0x0] =	vst v22  }
0x11f: {  	s10 =	sld [smem:$0x7F3];
	v13 =	vadd.s32 $0x11, v8;
	v60 =	vld.idx.msk [tilespmem:v23+s17+$0x0], $0xffff;
	[tilespmem:s5+$0x0] =	vst v25  }
0x120: {  	s11 =	smov.u32 s8;
	s8 =	rddreg [dreg:$0x1f];
	v14 =	vadd.s32 $0x12, v8;
	v58 =	vld.idx.msk [tilespmem:v11+s17+$0x0], $0xffff;
	[tilespmem:s6+$0x0] =	vst v32  }
0x121: {  	s12 =	sld [smem:$0x7F4];
	v11 =	vadd.s32 $0x14, v8;
	[tilespmem:s8+$0x0] =	vst v33;
	v26 =	vld.idx.msk [tilespmem:v12+s17+$0x0], $0xffff  }
0x122: {  	s16 =	sld [smem:$0x7F5];
	[tilespmem:s9+$0x0] =	vst v34;
	v12 =	vld [tilespmem:$0x1FE10]  }
0x123: {  	s20 =	sld [smem:$0x7F6];
	v15 =	vadd.s32 $0x13, v8;
	v62 =	vld.idx.msk [tilespmem:v19+s17+$0x0], $0xffff;
	[tilespmem:s10+$0x0] =	vst v36  }
0x124: {  	v56 =	vld.idx.msk [tilespmem:v13+s17+$0x0], $0xffff;
	v13 =	vadd.s32 $0x16, v8;
	[tilespmem:s12+$0x0] =	vst v40  }
0x125: {  	v55 =	vld.idx.msk [tilespmem:v14+s17+$0x0], $0xffff;
	v14 =	vadd.s32 $0x17, v8;
	[tilespmem:s16+$0x0] =	vst v42  }
0x126: {  	v53 =	vld.idx.msk [tilespmem:v11+s17+$0x0], $0xffff;
	v11 =	vadd.s32 $0x19, v8;
	[tilespmem:s20+$0x0] =	vst v43  }
0x127: {  	[tilespmem:s24+$0x0] =	vst v12;
	v12 =	vld [tilespmem:$0x1FE20]  }
0x128: {  	v54 =	vld.idx.msk [tilespmem:v15+s17+$0x0], $0xffff;
	v15 =	vadd.s32 $0x18, v8  }
0x129: {  	v24 =	vadd.s32 $0x9, v1;
	v19 =	vld.idx.msk [tilespmem:v13+s17+$0x0], $0xffff;
	v13 =	vadd.s32 $0x1B, v8  }
0x12a: {  	[tilespmem:$0x1FED0] =	vst v24;
	v24 =	vadd.s32 $0xC, v1;
	v21 =	vld.idx.msk [tilespmem:v14+s17+$0x0], $0xffff;
	v14 =	vadd.s32 $0x1C, v8  }
0x12b: {  	[tilespmem:$0x1FF10] =	vst v24;
	v24 =	vld.idx.msk [tilespmem:v11+s17+$0x0], $0xffff;
	v11 =	vadd.s32 $0x1E, v8  }
0x12c: {  	s13 =	sadd.s32 $0x2, s13;
	[tilespmem:s29+$0x0] =	vst v12;
	v12 =	vld [tilespmem:$0x1FE30]  }
0x12d: {  	v27 =	vadd.s32 $0xA, v1;
	s14 =	sshll.u32 s13, $0x4;
	v23 =	vld.idx.msk [tilespmem:v15+s17+$0x0], $0xffff  }
0x12e: {  	s15 =	sadd.s32 $0x2, s15;
	s31 =	smov.u32 s0;
	[tilespmem:$0x1FEE0] =	vst v27;
	s0 =	sand.u32 $0xFFFFFF80, s14;
	v15 =	vadd.s32 $0x1D, v8;
	v27 =	vld.idx.msk [tilespmem:v13+s17+$0x0], $0xffff  }
0x12f: {  	s0 =	ssub.s32 s3, s0;
	s21 =	sshll.u32 s15, $0x9;
	v8 =	vadd.s32 $0x1F, v8;
	v28 =	vld.idx.msk [tilespmem:v14+s17+$0x0], $0xffff  }
0x130: {  	s0 =	sand.u32 $0xFFFFFF80, s0;
	s1 =	sand.u32 $0x3FFFF000, s21;
	v30 =	vld.idx.msk [tilespmem:v11+s17+$0x0], $0xffff  }
0x131: {  	s9 =	sadd.s32 s0, s1;
	[tilespmem:s7+$0x0] =	vst v12;
	v12 =	vld [tilespmem:$0x1FE40]  }
0x132: {  	s0 =	sadd.s32 $0x7500, s9;
	v11 =	vld [tilespmem:$0x1FE50]  }
0x133: {  	s1 =	sadd.s32 $0x7580, s9;
	s12 =	sor.u32 s18, s0;
	s0 =	sor.u32 s19, s0;
	v29 =	vld.idx.msk [tilespmem:v15+s17+$0x0], $0xffff  }
0x134: {  	s23 =	sor.u32 s19, s1;
	v31 =	vld.idx.msk [tilespmem:v8+s17+$0x0], $0xffff;
	[tilespmem:s0+$0x0] =	vst v59  }
0x135: {  	[tilespmem:s23+$0x0] =	vst v61  }
0x136: {  	s22 =	sadd.s32 $0x7600, s9;
	[tilespmem:s26+$0x0] =	vst v12  }
0x137: {  	s24 =	sadd.s32 $0x7680, s9;
	[tilespmem:s25+$0x0] =	vst v11;
	s25 =	sor.u32 s19, s22  }
0x138: {  	s14 =	sor.u32 s18, s1;
	s1 =	sor.u32 s19, s24;
	s26 =	sadd.s32 $0x7700, s9;
	[tilespmem:s25+$0x0] =	vst v63  }
0x139: {  	s4 =	sadd.s32 $0x7780, s9;
	s6 =	sor.u32 s19, s26;
	[tilespmem:s1+$0x0] =	vst v3  }
0x13a: {  	s10 =	sadd.s32 $0x7880, s9;
	s8 =	sor.u32 s19, s4;
	s7 =	sadd.s32 $0x7800, s9;
	[tilespmem:s6+$0x0] =	vst v4  }
0x13b: {  	s5 =	sor.u32 s18, s22;
	s16 =	sor.u32 s18, s24;
	s24 =	sor.u32 s19, s7;
	[tilespmem:s8+$0x0] =	vst v5  }
0x13c: {  	s21 =	sor.u32 s18, s4;
	s4 =	sor.u32 s19, s10;
	s25 =	sadd.s32 $0x7900, s9;
	[tilespmem:s24+$0x0] =	vst v6  }
0x13d: {  	s22 =	sor.u32 s18, s7;
	s7 =	sor.u32 s19, s25;
	s6 =	sadd.s32 $0x7980, s9;
	[tilespmem:s4+$0x0] =	vst v7  }
0x13e: {  	s23 =	sor.u32 s18, s10;
	s10 =	sor.u32 s19, s6;
	[tilespmem:s7+$0x0] =	vst v9  }
0x13f: {  	[tilespmem:s10+$0x0] =	vst v2;
	v2 =	vld [tilespmem:$0x1FEE0];
	_ =	sdelay $0x7  }
0x140: {  	v17 =	vld.idx.msk [tilespmem:v2+s17+$0x0], $0xffff  }
0x141: {  	v2 =	vld [tilespmem:$0x1FEF0];
	_ =	sdelay $0x7  }
0x142: {  	v18 =	vld.idx.msk [tilespmem:v2+s17+$0x0], $0xffff  }
0x143: {  	v2 =	vld [tilespmem:$0x1FF10];
	_ =	sdelay $0x7  }
0x144: {  	v22 =	vld.idx.msk [tilespmem:v2+s17+$0x0], $0xffff  }
0x145: {  	v2 =	vld [tilespmem:$0x1FF30];
	_ =	sdelay $0x7  }
0x146: {  	v25 =	vld.idx.msk [tilespmem:v2+s17+$0x0], $0xffff  }
0x147: {  	v2 =	vld [tilespmem:$0x1FF40];
	_ =	sdelay $0x5  }
0x148: {  	v11 =	vld [tilespmem:$0x1FE70]  }
0x149: {  	v3 =	vld [tilespmem:$0x1FE80]  }
0x14a: {  	v32 =	vld.idx.msk [tilespmem:v2+s17+$0x0], $0xffff  }
0x14b: {  	v2 =	vld [tilespmem:$0x1FF50];
	_ =	sdelay $0x4  }
0x14c: {  	v51 =	vld.idx.msk [tilespmem:v11+s17+$0x0], $0xffff  }
0x14d: {  	v11 =	vld.idx.msk [tilespmem:v3+s17+$0x0], $0xffff  }
0x14e: {  	v3 =	vld [tilespmem:$0x1FE90]  }
0x14f: {  	v33 =	vld.idx.msk [tilespmem:v2+s17+$0x0], $0xffff  }
0x150: {  	v2 =	vld [tilespmem:$0x1FF60];
	_ =	sdelay $0x5  }
0x151: {  	v12 =	vld.idx.msk [tilespmem:v3+s17+$0x0], $0xffff  }
0x152: {  	v3 =	vld [tilespmem:$0x1FEA0]  }
0x153: {  	v34 =	vld.idx.msk [tilespmem:v2+s17+$0x0], $0xffff  }
0x154: {  	v2 =	vld [tilespmem:$0x1FF70];
	_ =	sdelay $0x5  }
0x155: {  	v13 =	vld.idx.msk [tilespmem:v3+s17+$0x0], $0xffff  }
0x156: {  	v3 =	vld [tilespmem:$0x1FEB0]  }
0x157: {  	v36 =	vld.idx.msk [tilespmem:v2+s17+$0x0], $0xffff  }
0x158: {  	v2 =	vld [tilespmem:$0x1FF90];
	_ =	sdelay $0x4  }
0x159: {  	v8 =	vld [tilespmem:$0x1FE60]  }
0x15a: {  	v14 =	vld.idx.msk [tilespmem:v3+s17+$0x0], $0xffff  }
0x15b: {  	v3 =	vld [tilespmem:$0x1FEC0]  }
0x15c: {  	v40 =	vld.idx.msk [tilespmem:v2+s17+$0x0], $0xffff  }
0x15d: {  	s20 =	sor.u32 s18, s26;
	s26 =	sor.u32 s18, s25;
	s25 =	sadd.s32 $0x7A80, s9;
	v2 =	vld [tilespmem:$0x1FFB0]  }
0x15e: {  	s29 =	sor.u32 s18, s6;
	s8 =	sadd.s32 $0x7A00, s9;
	s6 =	sor.u32 s18, s25  }
0x15f: {  	p0 =	slt.u32 s15, $0x4E;
	s24 =	sor.u32 s18, s8;
	[dreg:$0x17] =	wrdreg s6  }
0x160: {  	s6 =	sadd.s32 $0x7C00, s9;
	[dreg:$0x15] =	wrdreg s24;
	s4 =	sor.u32 s19, s8  }
0x161: {  	v52 =	vld.idx.msk [tilespmem:v52+s17+$0x0], $0xffff;
	s8 =	sor.u32 s19, s25;
	s24 =	sadd.s32 $0x7B80, s9;
	s7 =	sadd.s32 $0x7B00, s9  }
0x162: {  	v8 =	vld.idx.msk [tilespmem:v8+s17+$0x0], $0xffff;
	s10 =	sor.u32 s18, s7;
	s25 =	sor.u32 s19, s7;
	s7 =	sor.u32 s19, s24;
	[tilespmem:s4+$0x0] =	vst v10  }
0x163: {  	[dreg:$0x19] =	wrdreg s10;
	s4 =	sor.u32 s18, s24;
	s10 =	sadd.s32 $0x7C80, s9;
	[tilespmem:s8+$0x0] =	vst v49;
	v15 =	vld.idx.msk [tilespmem:v3+s17+$0x0], $0xffff  }
0x164: {  	s24 =	sor.u32 s19, s6;
	[dreg:$0x1b] =	wrdreg s4;
	s8 =	sor.u32 s18, s6;
	[tilespmem:s25+$0x0] =	vst v50;
	v3 =	vld [tilespmem:$0x1FED0]  }
0x165: {  	s4 =	sadd.s32 $0x7D00, s9;
	s6 =	sor.u32 s19, s10;
	[dreg:$0x1d] =	wrdreg s8;
	[tilespmem:s7+$0x0] =	vst v62;
	v42 =	vld.idx.msk [tilespmem:v2+s17+$0x0], $0xffff  }
0x166: {  	s25 =	sor.u32 s18, s10;
	s8 =	sadd.s32 $0x7D80, s9;
	s10 =	sor.u32 s19, s4;
	[tilespmem:s24+$0x0] =	vst v60;
	v2 =	vld [tilespmem:$0x1FFD0]  }
0x167: {  	v49 =	vld [tilespmem:$0x1FF00];
	[dreg:$0x1f] =	wrdreg s25;
	s7 =	sor.u32 s18, s4;
	s25 =	sadd.s32 $0x7E00, s9;
	[tilespmem:s6+$0x0] =	vst v58  }
0x168: {  	v50 =	vld [tilespmem:$0x1FF20];
	s4 =	sor.u32 s19, s8;
	[smem:$0x7F2] =	sst s7;
	s24 =	sor.u32 s18, s8;
	[tilespmem:s10+$0x0] =	vst v57  }
0x169: {  	s7 =	sadd.s32 $0x7E80, s9;
	s8 =	sor.u32 s19, s25;
	[smem:$0x7F3] =	sst s24;
	[tilespmem:s4+$0x0] =	vst v56;
	v56 =	vld [tilespmem:$0x1FF80]  }
.Ltmp2:
0x16a: {  	s24 =	sadd.s32 $0x7F00, s9;
	s1 =	sor.u32 s19, s7;
	[tilespmem:s8+$0x0] =	vst v55;
	v55 =	vld [tilespmem:$0x1FFA0];
	(pc) =	sbr.rel @p0 .LBB2_6-.Ltmp2, $4  }
0x16b: {  	v48 =	vadd.s32 $0x15, v1;
	v46 =	vadd.s32 $0x16, v1;
	s6 =	sor.u32 s18, s25;
	s2 =	sor.u32 s19, s24;
	[tilespmem:s1+$0x0] =	vst v54;
	v54 =	vld [tilespmem:$0x1FFC0]  }
0x16c: {  	v47 =	vadd.s32 $0x17, v1;
	v45 =	vadd.s32 $0x18, v1;
	v44 =	vadd.s32 $0x19, v1;
	s3 =	sadd.s32 $0x20, s3;
	[smem:$0x7F4] =	sst s6;
	s10 =	sor.u32 s18, s7;
	[tilespmem:s2+$0x0] =	vst v53;
	v53 =	vld [tilespmem:$0x1FFE0]  }
0x16d: {  	v41 =	vadd.s32 $0x1A, v1;
	v39 =	vadd.s32 $0x1B, v1;
	v37 =	vadd.s32 $0x1C, v1;
	s0 =	sadd.s32 $0x7F80, s9;
	s25 =	sor.u32 s18, s24;
	[smem:$0x7F5] =	sst s10;
	v16 =	vld.idx.msk [tilespmem:v3+s17+$0x0], $0xffff  }
0x16e: {  	v38 =	vadd.s32 $0x1D, v1;
	v35 =	vadd.s32 $0x1E, v1;
	v0 =	vadd.s32 $0x1F, v1;
	v57 =	vmovc v8;
	[smem:$0x7F6] =	sst s25;
	s10 =	sor.u32 s19, s0;
	s1 =	sadd.s32 $0x8000, s9;
	v43 =	vld.idx.msk [tilespmem:v2+s17+$0x0], $0xffff  }
0x16f: {  	_ =	sdelay $0x1  }
0x170: {  	[tilespmem:s10+$0x0] =	vst v20;
	s2 =	sadd.s32 $0x8080, s9;
	s3 =	sor.u32 s19, s1  }
0x171: {  	[tilespmem:s3+$0x0] =	vst v19;
	s3 =	sadd.s32 $0x8100, s9;
	s4 =	sor.u32 s19, s2  }
0x172: {  	s10 =	sadd.s32 $0x8180, s9;
	v2 =	vld.idx.msk [tilespmem:v48+s17+$0x0], $0xffff;
	[tilespmem:s4+$0x0] =	vst v21;
	s24 =	sor.u32 s19, s3  }
0x173: {  	s13 =	sadd.s32 $0x8200, s9;
	v3 =	vld.idx.msk [tilespmem:v46+s17+$0x0], $0xffff;
	s25 =	sor.u32 s19, s10;
	[tilespmem:s24+$0x0] =	vst v23  }
0x174: {  	s15 =	sadd.s32 $0x8280, s9;
	v4 =	vld.idx.msk [tilespmem:v47+s17+$0x0], $0xffff;
	s6 =	sor.u32 s19, s13;
	[tilespmem:s25+$0x0] =	vst v24  }
0x175: {  	v5 =	vld.idx.msk [tilespmem:v45+s17+$0x0], $0xffff;
	s7 =	sor.u32 s19, s15;
	s24 =	sadd.s32 $0x8300, s9;
	[tilespmem:s6+$0x0] =	vst v26  }
0x176: {  	v6 =	vld.idx.msk [tilespmem:v44+s17+$0x0], $0xffff;
	s25 =	sadd.s32 $0x8380, s9;
	s8 =	sor.u32 s19, s24;
	[tilespmem:s7+$0x0] =	vst v27  }
0x177: {  	v7 =	vld.idx.msk [tilespmem:v41+s17+$0x0], $0xffff;
	s4 =	sadd.s32 $0x8400, s9;
	s7 =	sor.u32 s19, s25;
	[tilespmem:s8+$0x0] =	vst v28  }
0x178: {  	v1 =	vld.idx.msk [tilespmem:v1+s17+$0x0], $0xffff;
	s8 =	sor.u32 s19, s4;
	[tilespmem:s7+$0x0] =	vst v29;
	s7 =	sadd.s32 $0x8480, s9  }
0x179: {  	v8 =	vld.idx.msk [tilespmem:v39+s17+$0x0], $0xffff;
	[tilespmem:s8+$0x0] =	vst v30;
	s9 =	sor.u32 s19, s7  }
0x17a: {  	v9 =	vld.idx.msk [tilespmem:v37+s17+$0x0], $0xffff;
	[tilespmem:s9+$0x0] =	vst v31  }
0x17b: {  	v10 =	vld.idx.msk [tilespmem:v38+s17+$0x0], $0xffff;
	s6 =	rddreg [dreg:$0x4]  }
0x17c: {  	v63 =	vld.idx.msk [tilespmem:v35+s17+$0x0], $0xffff;
	[tilespmem:s6+$0x0] =	vst v49  }
0x17d: {  	v0 =	vld.idx.msk [tilespmem:v0+s17+$0x0], $0xffff;
	s6 =	rddreg [dreg:$0x5];
	[tilespmem:s12+$0x0] =	vst v1  }
0x17e: {  	[tilespmem:s6+$0x0] =	vst v50  }
0x17f: {  	[tilespmem:s14+$0x0] =	vst v52  }
0x180: {  	[tilespmem:s28+$0x0] =	vst v53  }
0x181: {  	[tilespmem:s5+$0x0] =	vst v57  }
0x182: {  	[tilespmem:s31+$0x0] =	vst v54  }
0x183: {  	[tilespmem:s16+$0x0] =	vst v51  }
0x184: {  	[tilespmem:s30+$0x0] =	vst v55  }
0x185: {  	[tilespmem:s20+$0x0] =	vst v11  }
0x186: {  	[tilespmem:s11+$0x0] =	vst v56  }
0x187: {  	[tilespmem:s21+$0x0] =	vst v12  }
0x188: {  	[tilespmem:s22+$0x0] =	vst v13  }
0x189: {  	[tilespmem:s23+$0x0] =	vst v14  }
0x18a: {  	[tilespmem:s26+$0x0] =	vst v15  }
0x18b: {  	[tilespmem:s29+$0x0] =	vst v16  }
0x18c: {  	s5 =	rddreg [dreg:$0x15]  }
0x18d: {  	[tilespmem:s5+$0x0] =	vst v17  }
0x18e: {  	s5 =	rddreg [dreg:$0x17]  }
0x18f: {  	[tilespmem:s5+$0x0] =	vst v18  }
0x190: {  	s5 =	rddreg [dreg:$0x19]  }
0x191: {  	[tilespmem:s5+$0x0] =	vst v22  }
0x192: {  	s5 =	rddreg [dreg:$0x1b]  }
0x193: {  	[tilespmem:s5+$0x0] =	vst v25  }
0x194: {  	s5 =	rddreg [dreg:$0x1d]  }
0x195: {  	[tilespmem:s5+$0x0] =	vst v32  }
0x196: {  	s5 =	rddreg [dreg:$0x1f]  }
0x197: {  	[tilespmem:s5+$0x0] =	vst v33  }
0x198: {  	s5 =	sld [smem:$0x7F2];
	_ =	sdelay $0x2  }
0x199: {  	[tilespmem:s5+$0x0] =	vst v34  }
0x19a: {  	s5 =	sld [smem:$0x7F3];
	_ =	sdelay $0x2  }
0x19b: {  	[tilespmem:s5+$0x0] =	vst v36  }
0x19c: {  	s5 =	sld [smem:$0x7F4];
	_ =	sdelay $0x2  }
0x19d: {  	[tilespmem:s5+$0x0] =	vst v40  }
0x19e: {  	s5 =	sld [smem:$0x7F5];
	_ =	sdelay $0x2  }
0x19f: {  	[tilespmem:s5+$0x0] =	vst v42  }
0x1a0: {  	s5 =	sld [smem:$0x7F6];
	_ =	sdelay $0x2  }
0x1a1: {  	s0 =	sor.u32 s18, s0;
	[tilespmem:s5+$0x0] =	vst v43  }
0x1a2: {  	s16 =	sor.u32 s18, s1;
	[tilespmem:s0+$0x0] =	vst v2  }
0x1a3: {  	s17 =	sor.u32 s18, s2;
	[tilespmem:s16+$0x0] =	vst v3  }
0x1a4: {  	s19 =	sor.u32 s18, s3;
	[tilespmem:s17+$0x0] =	vst v4  }
0x1a5: {  	s20 =	sor.u32 s18, s10;
	[tilespmem:s19+$0x0] =	vst v5  }
0x1a6: {  	s21 =	sor.u32 s18, s13;
	[tilespmem:s20+$0x0] =	vst v6  }
0x1a7: {  	s22 =	sor.u32 s18, s15;
	[tilespmem:s21+$0x0] =	vst v7  }
0x1a8: {  	s23 =	sor.u32 s18, s24;
	[tilespmem:s22+$0x0] =	vst v8  }
0x1a9: {  	s24 =	sor.u32 s18, s25;
	[tilespmem:s23+$0x0] =	vst v9  }
0x1aa: {  	s25 =	sor.u32 s18, s4;
	[tilespmem:s24+$0x0] =	vst v10  }
0x1ab: {  	s26 =	sor.u32 s18, s7;
	[tilespmem:s25+$0x0] =	vst v63  }
0x1ac: {  	[tilespmem:s26+$0x0] =	vst v0  }
0x1ad: {  	s28 =	simm.s32 $0x400;
	s0 =	sld [smem:$0x7F9]  }
0x1ae: {  	s31 =	simm.s32 $0x0;
	s1 =	simm.s32 $0x0;
	s30 =	simm.s32 $0x7500  }
0x1af: {  	s29 =	simm.s32 $0x8000;
	s23 =	simm.s32 $0x0;
	[dreg:$0x3] =	wrdreg s31  }
0x1b0: {  	[hbm4b:s0+s28] =	stream.strided.scatter [tilespmem:s30], [sflag:$0x1], $0xA000, s29, s28, $0x38;
	[tilespmem:$0x1B500] =	vst v63  }
.LBB2_8:
0x1b1: {  	s5 =	rddreg [dreg:$0x3]  }
0x1b2: {  	s0 =	sadd.s32 $0x0, s5  }
0x1b3: {  	s4 =	simm.s32 $0x10;
	s2 =	sadd.s32 $0x510, s0  }
0x1b4: {  	[smem:$0x7E3] =	sst s1;
	s1 =	sand.u32 $0x70, s4;
	s2 =	sand.u32 $0xFFFFFF80, s2  }
0x1b5: {  	s2 =	sor.u32 s1, s2  }
0x1b6: {  	v14 =	vld [tilespmem:s2+$0x1100];
	_ =	sdelay $0x4  }
0x1b7: {  	s7 =	simm.s32 $0x0;
	s6 =	sadd.s32 $0x500, s0;
	v1 =	vadd.s32 $0x1, v14  }
0x1b8: {  	s0 =	sand.u32 $0x60, s7;
	s2 =	sand.u32 $0xFFFFFF80, s6;
	v2 =	vadd.s32 $0x2, v14  }
0x1b9: {  	s2 =	sor.u32 s0, s2;
	v3 =	vadd.s32 $0x3, v14  }
0x1ba: {  	v0 =	vld [tilespmem:s2+$0x1100];
	v4 =	vadd.s32 $0x4, v14  }
0x1bb: {  	v5 =	vadd.s32 $0x5, v14;
	v15 =	vld.idx.msk [tilespmem:v14+s23+$0x0], $0xffff  }
0x1bc: {  	v7 =	vadd.s32 $0xD, v14;
	v17 =	vld.idx.msk [tilespmem:v1+s23+$0x0], $0xffff  }
0x1bd: {  	v8 =	vadd.s32 $0xE, v14;
	v18 =	vld.idx.msk [tilespmem:v2+s23+$0x0], $0xffff  }
0x1be: {  	v9 =	vadd.s32 $0x10, v14;
	v19 =	vld.idx.msk [tilespmem:v3+s23+$0x0], $0xffff  }
0x1bf: {  	v20 =	vadd.s32 $0x14, v14;
	v39 =	vld.idx.msk [tilespmem:v4+s23+$0x0], $0xffff  }
0x1c0: {  	v23 =	vadd.s32 $0x17, v14;
	v40 =	vld.idx.msk [tilespmem:v5+s23+$0x0], $0xffff  }
0x1c1: {  	v24 =	vadd.s32 $0x18, v14;
	v16 =	vld.idx.msk [tilespmem:v7+s23+$0x0], $0xffff  }
0x1c2: {  	v1 =	vadd.s32 $0x6, v14;
	v11 =	vld.idx.msk [tilespmem:v8+s23+$0x0], $0xffff  }
0x1c3: {  	v2 =	vadd.s32 $0x7, v14;
	v12 =	vld.idx.msk [tilespmem:v9+s23+$0x0], $0xffff  }
0x1c4: {  	v3 =	vadd.s32 $0x8, v14;
	v9 =	vld.idx.msk [tilespmem:v20+s23+$0x0], $0xffff  }
0x1c5: {  	v4 =	vadd.s32 $0x9, v14;
	v37 =	vld.idx.msk [tilespmem:v23+s23+$0x0], $0xffff  }
0x1c6: {  	v5 =	vadd.s32 $0xA, v14;
	v36 =	vld.idx.msk [tilespmem:v24+s23+$0x0], $0xffff  }
0x1c7: {  	v8 =	vadd.s32 $0x13, v14;
	v41 =	vld.idx.msk [tilespmem:v1+s23+$0x0], $0xffff  }
0x1c8: {  	v21 =	vadd.s32 $0x15, v14;
	v42 =	vld.idx.msk [tilespmem:v2+s23+$0x0], $0xffff  }
0x1c9: {  	v20 =	vadd.s32 $0x19, v14;
	v10 =	vld.idx.msk [tilespmem:v3+s23+$0x0], $0xffff  }
0x1ca: {  	v1 =	vadd.s32 $0xB, v14;
	v4 =	vld.idx.msk [tilespmem:v4+s23+$0x0], $0xffff  }
0x1cb: {  	v2 =	vld.idx.msk [tilespmem:v5+s23+$0x0], $0xffff;
	v5 =	vadd.s32 $0xF, v14  }
0x1cc: {  	v7 =	vadd.s32 $0x12, v14;
	v38 =	vld.idx.msk [tilespmem:v8+s23+$0x0], $0xffff  }
0x1cd: {  	v22 =	vadd.s32 $0x16, v14;
	v8 =	vld.idx.msk [tilespmem:v21+s23+$0x0], $0xffff  }
0x1ce: {  	v6 =	vadd.s32 $0xC, v14;
	v35 =	vld.idx.msk [tilespmem:v20+s23+$0x0], $0xffff  }
0x1cf: {  	v23 =	vadd.s32 $0x1C, v14;
	v3 =	vld.idx.msk [tilespmem:v1+s23+$0x0], $0xffff  }
0x1d0: {  	v24 =	vadd.s32 $0x1D, v14;
	v13 =	vld.idx.msk [tilespmem:v5+s23+$0x0], $0xffff  }
0x1d1: {  	v21 =	vadd.s32 $0x1A, v14;
	v5 =	vld.idx.msk [tilespmem:v7+s23+$0x0], $0xffff  }
0x1d2: {  	v7 =	vld.idx.msk [tilespmem:v22+s23+$0x0], $0xffff;
	v22 =	vadd.s32 $0x1B, v14  }
0x1d3: {  	v1 =	vld.idx.msk [tilespmem:v6+s23+$0x0], $0xffff;
	v6 =	vadd.s32 $0x11, v14  }
0x1d4: {  	v20 =	vadd.s32 $0x1E, v14;
	v30 =	vld.idx.msk [tilespmem:v23+s23+$0x0], $0xffff  }
0x1d5: {  	s8 =	simm.s32 $0x0;
	v32 =	vld.idx.msk [tilespmem:v24+s23+$0x0], $0xffff;
	v14 =	vadd.s32 $0x1F, v14  }
0x1d6: {  	s9 =	simm.s32 $0x0;
	s2 =	sand.u32 $0xFFFFFF80, s8;
	v34 =	vld.idx.msk [tilespmem:v21+s23+$0x0], $0xffff;
	v21 =	vadd.s32 $0x1, v0  }
0x1d7: {  	s9 =	sand.u32 $0x3FFFF000, s9;
	s3 =	ssub.s32 $0x0, s2;
	v33 =	vld.idx.msk [tilespmem:v22+s23+$0x0], $0xffff;
	v22 =	vadd.s32 $0x2, v0  }
0x1d8: {  	s7 =	sadd.s32 $0x11580, s9;
	v23 =	vadd.s32 $0x3, v0;
	v6 =	vld.idx.msk [tilespmem:v6+s23+$0x0], $0xffff;
	[smem:$0x7D5] =	sst s3  }
0x1d9: {  	s6 =	sadd.s32 $0x11500, s9;
	s8 =	sadd.s32 $0x11600, s9;
	v24 =	vadd.s32 $0x4, v0;
	s3 =	sadd.s32 $0x10, s3;
	v31 =	vld.idx.msk [tilespmem:v20+s23+$0x0], $0xffff  }
0x1da: {  	v20 =	vadd.s32 $0x5, v0;
	v29 =	vld.idx.msk [tilespmem:v14+s23+$0x0], $0xffff;
	[smem:$0x7D6] =	sst s6;
	s12 =	sand.u32 $0xFFFFFF80, s3;
	s3 =	sadd.s32 $0x20, s5  }
0x1db: {  	v28 =	vld.idx.msk [tilespmem:v21+s23+$0x0], $0xffff;
	[smem:$0x7D7] =	sst s7;
	s10 =	sadd.s32 s12, s6;
	s11 =	sadd.s32 s12, s7  }
0x1dc: {  	v14 =	vadd.s32 $0x6, v0;
	s5 =	sor.u32 s1, s10;
	s10 =	sadd.s32 $0x11680, s9;
	v27 =	vld.idx.msk [tilespmem:v22+s23+$0x0], $0xffff;
	[smem:$0x7D8] =	sst s8  }
0x1dd: {  	s6 =	sor.u32 s1, s11;
	s11 =	sadd.s32 $0x11700, s9;
	v26 =	vld.idx.msk [tilespmem:v23+s23+$0x0], $0xffff;
	[smem:$0x7D9] =	sst s10  }
0x1de: {  	s15 =	sadd.s32 $0x11780, s9;
	v21 =	vadd.s32 $0x7, v0;
	v25 =	vld.idx.msk [tilespmem:v24+s23+$0x0], $0xffff;
	[smem:$0x7DA] =	sst s11  }
0x1df: {  	v24 =	vld.idx.msk [tilespmem:v20+s23+$0x0], $0xffff;
	[smem:$0x7DB] =	sst s15  }
0x1e0: {  	s17 =	sadd.s32 $0x11800, s9;
	v22 =	vadd.s32 $0x8, v0;
	[tilespmem:s5+$0x0] =	vst v15  }
0x1e1: {  	s13 =	sadd.s32 s12, s8;
	v20 =	vld.idx.msk [tilespmem:v14+s23+$0x0], $0xffff;
	[smem:$0x7DC] =	sst s17  }
0x1e2: {  	s7 =	sor.u32 s1, s13;
	s13 =	sadd.s32 $0x11880, s9;
	v23 =	vadd.s32 $0x9, v0;
	[tilespmem:s6+$0x0] =	vst v17  }
0x1e3: {  	v21 =	vld.idx.msk [tilespmem:v21+s23+$0x0], $0xffff;
	[smem:$0x7DD] =	sst s13  }
0x1e4: {  	s20 =	sadd.s32 $0x11900, s9;
	v43 =	vadd.s32 $0xA, v0;
	s14 =	sadd.s32 s12, s10;
	[tilespmem:s7+$0x0] =	vst v18  }
0x1e5: {  	s8 =	sor.u32 s1, s14;
	v22 =	vld.idx.msk [tilespmem:v22+s23+$0x0], $0xffff;
	[smem:$0x7DE] =	sst s20  }
0x1e6: {  	s4 =	simm.s32 $0x30;
	s22 =	sadd.s32 $0x11980, s9;
	v44 =	vadd.s32 $0xB, v0;
	s16 =	sadd.s32 s12, s11;
	[tilespmem:s8+$0x0] =	vst v19  }
0x1e7: {  	s26 =	sadd.s32 $0x11A00, s9;
	v14 =	vadd.s32 $0xC, v0;
	s5 =	sor.u32 s1, s16;
	v23 =	vld.idx.msk [tilespmem:v23+s23+$0x0], $0xffff;
	[smem:$0x7DF] =	sst s22  }
0x1e8: {  	s30 =	sadd.s32 $0x11A80, s9;
	s2 =	simm.s32 $0x20;
	s10 =	sadd.s32 s12, s15;
	v15 =	vadd.s32 $0xD, v0;
	[tilespmem:s5+$0x0] =	vst v39  }
0x1e9: {  	v45 =	vadd.s32 $0xE, v0;
	s21 =	sadd.s32 s12, s13;
	s18 =	sor.u32 s1, s10;
	v19 =	vld.idx.msk [tilespmem:v43+s23+$0x0], $0xffff;
	[smem:$0x7E0] =	sst s26  }
0x1ea: {  	v50 =	vadd.s32 $0x10, v0;
	s19 =	sadd.s32 s12, s17;
	s28 =	sadd.s32 s12, s22;
	s24 =	sor.u32 s1, s21;
	[tilespmem:s18+$0x0] =	vst v40  }
0x1eb: {  	v46 =	vadd.s32 $0xF, v0;
	s21 =	sadd.s32 $0x11B00, s9;
	s7 =	sor.u32 s1, s19;
	v18 =	vld.idx.msk [tilespmem:v44+s23+$0x0], $0xffff;
	[smem:$0x7E1] =	sst s30  }
0x1ec: {  	s25 =	sadd.s32 s12, s20;
	s31 =	sor.u32 s1, s28;
	s14 =	sadd.s32 s12, s21;
	v17 =	vld.idx.msk [tilespmem:v14+s23+$0x0], $0xffff;
	[tilespmem:s7+$0x0] =	vst v41  }
0x1ed: {  	s10 =	sadd.s32 s12, s26;
	s15 =	sadd.s32 $0x510, s3;
	s5 =	sor.u32 s1, s25;
	v15 =	vld.idx.msk [tilespmem:v15+s23+$0x0], $0xffff;
	[tilespmem:s24+$0x0] =	vst v42  }
0x1ee: {  	s3 =	sadd.s32 $0x500, s3;
	s16 =	sadd.s32 $0x11C00, s9;
	s26 =	simm.s32 $0x0;
	v14 =	vld.idx.msk [tilespmem:v45+s23+$0x0], $0xffff;
	[tilespmem:s5+$0x0] =	vst v10  }
0x1ef: {  	s11 =	sadd.s32 s12, s30;
	s3 =	sand.u32 $0xFFFFFF80, s3;
	s28 =	sadd.s32 s12, s16;
	v61 =	vld.idx.msk [tilespmem:v50+s26+$0x0], $0xffff;
	[tilespmem:s31+$0x0] =	vst v4  }
0x1f0: {  	s13 =	sor.u32 s1, s11;
	s7 =	sor.u32 s1, s10;
	v10 =	vld.idx.msk [tilespmem:v46+s23+$0x0], $0xffff;
	[smem:$0x7E2] =	sst s16  }
0x1f1: {  	v51 =	vadd.s32 $0x11, v0;
	s22 =	sand.u32 $0x60, s2;
	s18 =	sor.u32 s1, s14;
	s24 =	sadd.s32 $0x11B80, s9;
	[tilespmem:s7+$0x0] =	vst v2  }
0x1f2: {  	s14 =	sadd.s32 $0x11D00, s9;
	s23 =	sand.u32 $0x70, s4;
	s19 =	sadd.s32 s12, s24;
	[tilespmem:s13+$0x0] =	vst v3  }
0x1f3: {  	s4 =	sand.u32 $0xFFFFFF80, s15;
	s15 =	sadd.s32 $0x11C80, s9;
	s25 =	sor.u32 s1, s19;
	[tilespmem:s18+$0x0] =	vst v1  }
0x1f4: {  	v56 =	vadd.s32 $0x17, v0;
	s30 =	sor.u32 s1, s28;
	s5 =	sadd.s32 s12, s14;
	s31 =	sadd.s32 s12, s15;
	[tilespmem:s25+$0x0] =	vst v16  }
0x1f5: {  	v52 =	vadd.s32 $0x12, v0;
	s17 =	sor.u32 s23, s4;
	s4 =	sor.u32 s1, s31;
	s25 =	sadd.s32 $0x11D80, s9;
	[tilespmem:s30+$0x0] =	vst v11  }
0x1f6: {  	v4 =	vadd.s32 $0x13, v0;
	s6 =	sor.u32 s1, s5;
	v2 =	vld.idx.msk [tilespmem:v51+s26+$0x0], $0xffff;
	s13 =	sadd.s32 $0x11E00, s9;
	s7 =	sadd.s32 s12, s25;
	[tilespmem:s4+$0x0] =	vst v13  }
0x1f7: {  	v55 =	vadd.s32 $0x16, v0;
	s20 =	sor.u32 s22, s3;
	v3 =	vld [tilespmem:s17+$0x1100];
	s10 =	sadd.s32 s12, s13;
	s8 =	sor.u32 s1, s7;
	[tilespmem:s6+$0x0] =	vst v12  }
0x1f8: {  	v53 =	vadd.s32 $0x14, v0;
	v1 =	vld [tilespmem:s20+$0x1100];
	s11 =	sor.u32 s1, s10;
	[tilespmem:s8+$0x0] =	vst v6  }
0x1f9: {  	v54 =	vadd.s32 $0x15, v0;
	[tilespmem:s11+$0x0] =	vst v5;
	v5 =	vld.idx.msk [tilespmem:v56+s26+$0x0], $0xffff  }
0x1fa: {  	v57 =	vadd.s32 $0x18, v0;
	v16 =	vld.idx.msk [tilespmem:v52+s26+$0x0], $0xffff  }
0x1fb: {  	v11 =	vld.idx.msk [tilespmem:v4+s26+$0x0], $0xffff  }
0x1fc: {  	v4 =	vld.idx.msk [tilespmem:v55+s26+$0x0], $0xffff  }
0x1fd: {  	v13 =	vld.idx.msk [tilespmem:v53+s26+$0x0], $0xffff  }
0x1fe: {  	v12 =	vld.idx.msk [tilespmem:v54+s26+$0x0], $0xffff;
	[tilespmem:$0x1FDE0] =	vst v5  }
0x1ff: {  	v5 =	vld.idx.msk [tilespmem:v57+s26+$0x0], $0xffff  }
0x200: {  	v58 =	vadd.s32 $0x19, v0;
	s30 =	sadd.s32 $0x11E80, s9  }
0x201: {  	s16 =	sadd.s32 s12, s30  }
0x202: {  	s17 =	sor.u32 s1, s16  }
0x203: {  	[tilespmem:s17+$0x0] =	vst v38  }
0x204: {  	[tilespmem:$0x1FD60] =	vst v5  }
0x205: {  	v5 =	vld.idx.msk [tilespmem:v58+s26+$0x0], $0xffff  }
0x206: {  	s29 =	sadd.s32 $0x11F00, s9;
	v59 =	vadd.s32 $0x1A, v0  }
0x207: {  	s18 =	sadd.s32 s12, s29  }
0x208: {  	s19 =	sor.u32 s1, s18  }
0x209: {  	[tilespmem:s19+$0x0] =	vst v9  }
0x20a: {  	[tilespmem:$0x1FD70] =	vst v5  }
0x20b: {  	v5 =	vld.idx.msk [tilespmem:v59+s26+$0x0], $0xffff  }
0x20c: {  	s28 =	sadd.s32 $0x11F80, s9;
	v6 =	vadd.s32 $0x1B, v0  }
0x20d: {  	s31 =	sadd.s32 s12, s28  }
0x20e: {  	s4 =	sor.u32 s1, s31  }
0x20f: {  	[tilespmem:s4+$0x0] =	vst v8  }
0x210: {  	[tilespmem:$0x1FD80] =	vst v5  }
0x211: {  	v5 =	vld.idx.msk [tilespmem:v6+s26+$0x0], $0xffff  }
0x212: {  	v60 =	vadd.s32 $0x1C, v0;
	s20 =	sadd.s32 $0x12000, s9  }
0x213: {  	s5 =	sadd.s32 s12, s20  }
0x214: {  	s6 =	sor.u32 s1, s5  }
0x215: {  	[tilespmem:s6+$0x0] =	vst v7  }
0x216: {  	[tilespmem:$0x1FD90] =	vst v5  }
0x217: {  	v5 =	vld.idx.msk [tilespmem:v60+s26+$0x0], $0xffff  }
0x218: {  	v62 =	vadd.s32 $0x1D, v0;
	s31 =	sadd.s32 $0x12080, s9  }
0x219: {  	s7 =	sadd.s32 s12, s31  }
0x21a: {  	s8 =	sor.u32 s1, s7  }
0x21b: {  	[tilespmem:s8+$0x0] =	vst v37  }
0x21c: {  	[tilespmem:$0x1FDA0] =	vst v5  }
0x21d: {  	v5 =	vld.idx.msk [tilespmem:v62+s26+$0x0], $0xffff  }
0x21e: {  	s18 =	sadd.s32 $0x12100, s9;
	v9 =	vadd.s32 $0x1E, v0  }
0x21f: {  	s10 =	sadd.s32 s12, s18  }
0x220: {  	s11 =	sor.u32 s1, s10  }
0x221: {  	[tilespmem:s11+$0x0] =	vst v36  }
0x222: {  	[tilespmem:$0x1FDB0] =	vst v5  }
0x223: {  	v5 =	vld.idx.msk [tilespmem:v9+s26+$0x0], $0xffff  }
0x224: {  	s19 =	sadd.s32 $0x12180, s9;
	v8 =	vadd.s32 $0x1F, v0  }
0x225: {  	s16 =	sadd.s32 s12, s19  }
0x226: {  	s3 =	sor.u32 s1, s16  }
0x227: {  	[tilespmem:s3+$0x0] =	vst v35  }
0x228: {  	[tilespmem:$0x1FDC0] =	vst v5  }
0x229: {  	v5 =	vld.idx.msk [tilespmem:v8+s26+$0x0], $0xffff  }
0x22a: {  	s17 =	sadd.s32 $0x12200, s9  }
0x22b: {  	s4 =	sadd.s32 s12, s17  }
0x22c: {  	s16 =	sadd.s32 $0x12280, s9;
	s5 =	sor.u32 s1, s4  }
0x22d: {  	s10 =	sadd.s32 $0x12300, s9;
	s6 =	sadd.s32 s12, s16;
	[tilespmem:s5+$0x0] =	vst v34  }
0x22e: {  	s7 =	sor.u32 s1, s6;
	s8 =	sadd.s32 s12, s10;
	s11 =	sadd.s32 $0x12380, s9;
	[tilespmem:$0x1FDD0] =	vst v5  }
0x22f: {  	s4 =	sadd.s32 s12, s11;
	s3 =	sor.u32 s1, s8;
	s8 =	sadd.s32 $0x12400, s9;
	[tilespmem:s7+$0x0] =	vst v33  }
0x230: {  	s2 =	sor.u32 s1, s4;
	s5 =	sadd.s32 s12, s8;
	[tilespmem:s3+$0x0] =	vst v30  }
0x231: {  	s9 =	sadd.s32 $0x12480, s9;
	s6 =	sor.u32 s1, s5;
	[tilespmem:s2+$0x0] =	vst v32  }
0x232: {  	s7 =	sadd.s32 s12, s9;
	s12 =	sld [smem:$0x7D5];
	[tilespmem:s6+$0x0] =	vst v31  }
0x233: {  	v0 =	vld.idx.msk [tilespmem:v0+s26+$0x0], $0xffff;
	s2 =	sld [smem:$0x7D6];
	_ =	sdelay $0x1  }
0x234: {  	s1 =	sor.u32 s1, s7;
	s12 =	sand.u32 $0xFFFFFF80, s12  }
0x235: {  	[tilespmem:s1+$0x0] =	vst v29;
	s2 =	sadd.s32 s12, s2  }
0x236: {  	s1 =	sld [smem:$0x7D7];
	s2 =	sor.u32 s0, s2  }
0x237: {  	v6 =	vadd.s32 $0x1, v3;
	[tilespmem:s2+$0x0] =	vst v0  }
0x238: {  	v7 =	vadd.s32 $0x2, v3;
	s2 =	sld [smem:$0x7D8]  }
0x239: {  	v8 =	vadd.s32 $0x3, v3;
	s1 =	sadd.s32 s12, s1  }
0x23a: {  	v9 =	vadd.s32 $0x4, v3;
	s1 =	sor.u32 s0, s1;
	s4 =	sld [smem:$0x7D9]  }
0x23b: {  	v63 =	vadd.s32 $0x5, v3;
	[tilespmem:s1+$0x0] =	vst v28;
	s2 =	sadd.s32 s12, s2  }
0x23c: {  	v33 =	vld.idx.msk [tilespmem:v6+s26+$0x0], $0xffff;
	s1 =	sld [smem:$0x7DA];
	s2 =	sor.u32 s0, s2  }
0x23d: {  	v6 =	vadd.s32 $0x6, v3;
	v35 =	vld.idx.msk [tilespmem:v7+s26+$0x0], $0xffff;
	s5 =	sld [smem:$0x7DB];
	s3 =	sadd.s32 s12, s4;
	[tilespmem:s2+$0x0] =	vst v27  }
0x23e: {  	v7 =	vadd.s32 $0x7, v3;
	v37 =	vld.idx.msk [tilespmem:v8+s26+$0x0], $0xffff;
	s3 =	sor.u32 s0, s3;
	s2 =	sld [smem:$0x7DC]  }
0x23f: {  	v8 =	vadd.s32 $0x8, v3;
	v40 =	vld.idx.msk [tilespmem:v9+s26+$0x0], $0xffff;
	s1 =	sadd.s32 s12, s1;
	s6 =	sld [smem:$0x7DD];
	[tilespmem:s3+$0x0] =	vst v26  }
0x240: {  	v42 =	vld.idx.msk [tilespmem:v63+s26+$0x0], $0xffff;
	v9 =	vadd.s32 $0xA, v3;
	s4 =	sadd.s32 s12, s5;
	s1 =	sor.u32 s0, s1;
	s7 =	sld [smem:$0x7DF]  }
0x241: {  	v30 =	vld.idx.msk [tilespmem:v3+s26+$0x0], $0xffff;
	s21 =	sadd.s32 s12, s21;
	v0 =	vadd.s32 $0x9, v3;
	s4 =	sor.u32 s0, s4;
	s3 =	sld [smem:$0x7DE];
	[tilespmem:s1+$0x0] =	vst v25  }
0x242: {  	v44 =	vld.idx.msk [tilespmem:v6+s26+$0x0], $0xffff;
	v6 =	vadd.s32 $0xB, v3;
	s1 =	sld [smem:$0x7E0];
	s2 =	sadd.s32 s12, s2;
	s5 =	sadd.s32 s12, s6  }
0x243: {  	v46 =	vld.idx.msk [tilespmem:v7+s26+$0x0], $0xffff;
	v7 =	vadd.s32 $0xC, v3;
	s6 =	sadd.s32 s12, s7;
	s7 =	sld [smem:$0x7E1];
	[tilespmem:s4+$0x0] =	vst v24;
	s2 =	sor.u32 s0, s2  }
0x244: {  	v48 =	vld.idx.msk [tilespmem:v8+s26+$0x0], $0xffff;
	v8 =	vadd.s32 $0xD, v3;
	s24 =	sadd.s32 s12, s24;
	s3 =	sadd.s32 s12, s3;
	s5 =	sor.u32 s0, s5;
	[tilespmem:s2+$0x0] =	vst v20  }
0x245: {  	v51 =	vld.idx.msk [tilespmem:v9+s26+$0x0], $0xffff;
	v9 =	vadd.s32 $0xF, v3;
	s14 =	sadd.s32 s12, s14;
	s3 =	sor.u32 s0, s3;
	s2 =	sld [smem:$0x7E2];
	[tilespmem:s5+$0x0] =	vst v21  }
0x246: {  	s18 =	sadd.s32 s12, s18;
	v50 =	vld.idx.msk [tilespmem:v0+s26+$0x0], $0xffff;
	v0 =	vadd.s32 $0xE, v3;
	s1 =	sadd.s32 s12, s1;
	s6 =	sor.u32 s0, s6;
	[tilespmem:s3+$0x0] =	vst v22  }
0x247: {  	s19 =	sadd.s32 s12, s19;
	v52 =	vld.idx.msk [tilespmem:v6+s26+$0x0], $0xffff;
	v6 =	vadd.s32 $0x10, v3;
	s1 =	sor.u32 s0, s1;
	s7 =	sadd.s32 s12, s7;
	[tilespmem:s6+$0x0] =	vst v23  }
0x248: {  	s17 =	sadd.s32 s12, s17;
	v53 =	vld.idx.msk [tilespmem:v7+s26+$0x0], $0xffff;
	v7 =	vadd.s32 $0x11, v3;
	s7 =	sor.u32 s0, s7;
	s6 =	sld [smem:$0x7E3];
	[tilespmem:s1+$0x0] =	vst v19  }
0x249: {  	v54 =	vld.idx.msk [tilespmem:v8+s26+$0x0], $0xffff;
	v8 =	vadd.s32 $0x12, v3;
	s3 =	sadd.s32 s12, s13;
	s1 =	sadd.s32 s12, s28;
	s28 =	sor.u32 s0, s21;
	[tilespmem:s7+$0x0] =	vst v18  }
0x24a: {  	v56 =	vld.idx.msk [tilespmem:v9+s26+$0x0], $0xffff;
	s13 =	sadd.s32 s12, s30;
	s30 =	sor.u32 s0, s24;
	s4 =	sadd.s32 s12, s2;
	[tilespmem:s28+$0x0] =	vst v17  }
0x24b: {  	s16 =	sadd.s32 s12, s16;
	v55 =	vld.idx.msk [tilespmem:v0+s26+$0x0], $0xffff;
	v0 =	vadd.s32 $0x13, v3;
	s2 =	sadd.s32 s12, s15;
	s4 =	sor.u32 s0, s4;
	[tilespmem:s30+$0x0] =	vst v15  }
0x24c: {  	v9 =	vadd.s32 $0x14, v3;
	v57 =	vld.idx.msk [tilespmem:v6+s26+$0x0], $0xffff;
	s5 =	sadd.s32 s12, s25;
	s2 =	sor.u32 s0, s2;
	s25 =	smul.u32 $0x14, s6;
	[tilespmem:s4+$0x0] =	vst v14  }
0x24d: {  	s10 =	sadd.s32 s12, s10;
	s11 =	sadd.s32 s12, s11;
	s9 =	sadd.s32 s12, s9;
	v6 =	vadd.s32 $0x15, v3;
	v58 =	vld.idx.msk [tilespmem:v7+s26+$0x0], $0xffff;
	[tilespmem:s2+$0x0] =	vst v10  }
0x24e: {  	v7 =	vadd.s32 $0x16, v3;
	v59 =	vld.idx.msk [tilespmem:v8+s26+$0x0], $0xffff;
	s7 =	sadd.s32 s12, s31;
	s4 =	sadd.s32 $0xA, s25;
	[smem:$0x7E4] =	sst s25  }
0x24f: {  	s31 =	sadd.s32 s12, s8;
	s8 =	sor.u32 s0, s14;
	[smem:$0x7E5] =	sst s4  }
0x250: {  	s15 =	sadd.s32 s12, s29;
	s6 =	sadd.s32 s12, s20;
	s12 =	sor.u32 s0, s5;
	v60 =	vld.idx.msk [tilespmem:v0+s26+$0x0], $0xffff;
	[tilespmem:s8+$0x0] =	vst v61  }
0x251: {  	s3 =	sor.u32 s0, s3;
	v61 =	vld.idx.msk [tilespmem:v9+s26+$0x0], $0xffff;
	[tilespmem:s12+$0x0] =	vst v2  }
0x252: {  	v8 =	vadd.s32 $0x17, v3;
	s21 =	sor.u32 s0, s16;
	v63 =	vld.idx.msk [tilespmem:v6+s26+$0x0], $0xffff;
	[tilespmem:s3+$0x0] =	vst v16  }
0x253: {  	s10 =	sor.u32 s0, s10;
	v0 =	vld.idx.msk [tilespmem:v7+s26+$0x0], $0xffff;
	[dreg:$0xe] =	wrdreg s21  }
0x254: {  	s13 =	sor.u32 s0, s13;
	[dreg:$0xc] =	wrdreg s10  }
0x255: {  	s14 =	sor.u32 s0, s15;
	v10 =	vadd.s32 $0x18, v3;
	[tilespmem:s13+$0x0] =	vst v11  }
0x256: {  	s24 =	sor.u32 s0, s11;
	s1 =	sor.u32 s0, s1;
	[tilespmem:s14+$0x0] =	vst v13  }
0x257: {  	v49 =	vadd.s32 $0x1, v1;
	v45 =	vadd.s32 $0x2, v1;
	s15 =	sor.u32 s0, s7;
	s25 =	sor.u32 s0, s31;
	v62 =	vld.idx.msk [tilespmem:v8+s26+$0x0], $0xffff;
	[dreg:$0xa] =	wrdreg s24  }
0x258: {  	v47 =	vadd.s32 $0x3, v1;
	v41 =	vadd.s32 $0x4, v1;
	v43 =	vadd.s32 $0x5, v1;
	s7 =	sor.u32 s0, s19;
	s6 =	sor.u32 s0, s6;
	[dreg:$0x8] =	wrdreg s25  }
0x259: {  	v39 =	vadd.s32 $0x7, v1;
	v38 =	vadd.s32 $0x6, v1;
	v36 =	vadd.s32 $0x9, v1;
	s4 =	sor.u32 s0, s18;
	s8 =	sor.u32 s0, s17;
	s0 =	sor.u32 s0, s9;
	[tilespmem:s1+$0x0] =	vst v12  }
0x25a: {  	v34 =	vadd.s32 $0x8, v1;
	v5 =	vadd.s32 $0x1B, v3;
	v32 =	vadd.s32 $0xB, v1;
	v2 =	vld.idx.msk [tilespmem:v10+s26+$0x0], $0xffff;
	[smem:$0x7E6] =	sst s0  }
0x25b: {  	v31 =	vadd.s32 $0xA, v1;
	v29 =	vadd.s32 $0xD, v1;
	v14 =	vadd.s32 $0x19, v3;
	[tilespmem:s6+$0x0] =	vst v4  }
0x25c: {  	v28 =	vadd.s32 $0xC, v1;
	v27 =	vadd.s32 $0xF, v1;
	v15 =	vadd.s32 $0x1A, v3;
	v10 =	vld [tilespmem:$0x1FDE0]  }
0x25d: {  	v26 =	vadd.s32 $0x15, v1;
	v25 =	vadd.s32 $0xE, v1;
	v24 =	vadd.s32 $0x11, v1  }
0x25e: {  	v20 =	vadd.s32 $0x16, v1;
	v21 =	vadd.s32 $0x13, v1;
	v22 =	vadd.s32 $0x10, v1  }
0x25f: {  	v23 =	vadd.s32 $0x17, v1;
	v19 =	vadd.s32 $0x12, v1;
	v9 =	vadd.s32 $0x1D, v3  }
0x260: {  	s28 =	simm.s32 $0x20;
	v7 =	vadd.s32 $0x1E, v3;
	v6 =	vadd.s32 $0x1F, v3;
	v8 =	vadd.s32 $0x1C, v3;
	v3 =	vld.idx.msk [tilespmem:v14+s26+$0x0], $0xffff  }
0x261: {  	s29 =	simm.s32 $0x40;
	v18 =	vadd.s32 $0x18, v1;
	v17 =	vadd.s32 $0x19, v1;
	s30 =	sand.u32 $0xFFFFFF80, s28;
	v4 =	vld.idx.msk [tilespmem:v15+s26+$0x0], $0xffff;
	[tilespmem:s15+$0x0] =	vst v10;
	v10 =	vadd.s32 $0x1E, v1  }
0x262: {  	s16 =	ssub.s32 $0x20, s30;
	s2 =	simm.s32 $0x2;
	s31 =	simm.s32 $0x400;
	v16 =	vadd.s32 $0x14, v1;
	v13 =	vadd.s32 $0x1D, v1;
	v5 =	vld.idx.msk [tilespmem:v5+s26+$0x0], $0xffff;
	[tilespmem:$0x1FDF0] =	vst v10;
	v10 =	vadd.s32 $0x1F, v1  }
0x263: {  	s3 =	sand.u32 $0x3FFFF000, s31;
	s1 =	simm.s32 $0x2;
	v12 =	vadd.s32 $0x1C, v1;
	s0 =	sadd.s32 $0x10, s16;
	v14 =	vadd.s32 $0x1A, v1;
	v15 =	vadd.s32 $0x1B, v1;
	[tilespmem:$0x1FE00] =	vst v10  }
.LBB2_9:
0x264: {  	v10 =	vld [tilespmem:$0x1FD60];
	_ =	sdelay $0x4  }
0x265: {  	[tilespmem:s4+$0x0] =	vst v10;
	v10 =	vld [tilespmem:$0x1FD70];
	_ =	sdelay $0x4  }
0x266: {  	[tilespmem:s7+$0x0] =	vst v10;
	v10 =	vld [tilespmem:$0x1FD80]  }
0x267: {  	s9 =	sadd.s32 $0x11500, s3;
	v8 =	vld.idx.msk [tilespmem:v8+s26+$0x0], $0xffff;
	s15 =	sand.u32 $0xFFFFFF80, s0  }
0x268: {  	v9 =	vld.idx.msk [tilespmem:v9+s26+$0x0], $0xffff;
	s30 =	sadd.s32 s15, s9  }
0x269: {  	s19 =	sadd.s32 $0x11580, s3;
	v7 =	vld.idx.msk [tilespmem:v7+s26+$0x0], $0xffff;
	s0 =	sor.u32 s23, s30  }
0x26a: {  	[dreg:$0x12] =	wrdreg s2;
	s31 =	sadd.s32 $0x11600, s3;
	v6 =	vld.idx.msk [tilespmem:v6+s26+$0x0], $0xffff;
	s2 =	sadd.s32 s15, s19;
	[tilespmem:s0+$0x0] =	vst v30  }
0x26b: {  	s6 =	sadd.s32 $0x11680, s3;
	s7 =	sor.u32 s23, s2;
	[tilespmem:s8+$0x0] =	vst v10;
	s8 =	sadd.s32 s15, s31  }
0x26c: {  	s10 =	sadd.s32 $0x11700, s3;
	s12 =	sadd.s32 s15, s6;
	[tilespmem:s7+$0x0] =	vst v33;
	v10 =	vld.idx.msk [tilespmem:v49+s26+$0x0], $0xffff;
	s11 =	sor.u32 s23, s8  }
0x26d: {  	s13 =	sadd.s32 $0x11780, s3;
	s18 =	sadd.s32 s15, s10;
	s14 =	sor.u32 s23, s12;
	[tilespmem:s11+$0x0] =	vst v35  }
0x26e: {  	s21 =	sadd.s32 s15, s13;
	s20 =	sor.u32 s23, s18;
	v28 =	vld.idx.msk [tilespmem:v28+s26+$0x0], $0xffff;
	[tilespmem:s14+$0x0] =	vst v37  }
0x26f: {  	s25 =	sadd.s32 $0x10, s29;
	s17 =	sadd.s32 $0x11800, s3;
	s24 =	sor.u32 s23, s21;
	v25 =	vld.idx.msk [tilespmem:v25+s26+$0x0], $0xffff;
	[tilespmem:s20+$0x0] =	vst v40  }
0x270: {  	[smem:$0x7BB] =	sst s25;
	s25 =	sadd.s32 s15, s17;
	v22 =	vld.idx.msk [tilespmem:v22+s26+$0x0], $0xffff;
	[tilespmem:s24+$0x0] =	vst v42  }
0x271: {  	s30 =	sor.u32 s23, s25;
	v19 =	vld.idx.msk [tilespmem:v19+s26+$0x0], $0xffff;
	[tilespmem:$0x1FC10] =	vst v10  }
0x272: {  	[dreg:$0x10] =	wrdreg s1;
	v16 =	vld.idx.msk [tilespmem:v16+s26+$0x0], $0xffff;
	[tilespmem:s30+$0x0] =	vst v44  }
0x273: {  	s28 =	rddreg [dreg:$0x3];
	[tilespmem:$0x1FCA0] =	vst v28  }
0x274: {  	[smem:$0x7BC] =	sst s31;
	[tilespmem:$0x1FCC0] =	vst v25  }
0x275: {  	s5 =	sadd.s32 s29, s28;
	[smem:$0x7BD] =	sst s6;
	s18 =	sadd.s32 $0x11880, s3;
	[tilespmem:$0x1FCE0] =	vst v22  }
0x276: {  	[smem:$0x7BE] =	sst s10;
	s28 =	sadd.s32 $0x11900, s3;
	s31 =	sadd.s32 s15, s18;
	[tilespmem:$0x1FD00] =	vst v19  }
0x277: {  	s6 =	sadd.s32 s15, s28;
	s4 =	sor.u32 s23, s31;
	s24 =	sadd.s32 $0x11980, s3;
	v10 =	vld.idx.msk [tilespmem:v45+s26+$0x0], $0xffff;
	[tilespmem:$0x1FD20] =	vst v16  }
0x278: {  	s25 =	sadd.s32 $0x11A00, s3;
	s7 =	sor.u32 s23, s6;
	s8 =	sadd.s32 s15, s24;
	[tilespmem:s4+$0x0] =	vst v46  }
0x279: {  	[smem:$0x7BF] =	sst s13;
	s12 =	sadd.s32 s15, s25;
	s11 =	sor.u32 s23, s8;
	[tilespmem:s7+$0x0] =	vst v48  }
0x27a: {  	s10 =	sadd.s32 $0x11A80, s3;
	[smem:$0x7C0] =	sst s28;
	s13 =	sor.u32 s23, s12;
	[tilespmem:s11+$0x0] =	vst v50  }
0x27b: {  	[smem:$0x7C1] =	sst s10;
	s21 =	sadd.s32 $0x11B00, s3;
	s14 =	sadd.s32 s15, s10;
	[tilespmem:s13+$0x0] =	vst v51  }
0x27c: {  	s20 =	sadd.s32 $0x11B80, s3;
	s28 =	sor.u32 s23, s14;
	s30 =	sadd.s32 s15, s21;
	[tilespmem:$0x1FC20] =	vst v10  }
0x27d: {  	s31 =	sadd.s32 $0x11C00, s3;
	s6 =	sor.u32 s23, s30;
	s7 =	sadd.s32 s15, s20;
	v10 =	vld.idx.msk [tilespmem:v47+s26+$0x0], $0xffff;
	[tilespmem:s28+$0x0] =	vst v52  }
0x27e: {  	s8 =	sadd.s32 $0x11C80, s3;
	s10 =	sor.u32 s23, s7;
	s11 =	sadd.s32 s15, s31;
	[tilespmem:s6+$0x0] =	vst v53  }
0x27f: {  	[smem:$0x7C3] =	sst s31;
	s14 =	sadd.s32 s15, s8;
	s13 =	sor.u32 s23, s11;
	[tilespmem:s10+$0x0] =	vst v54  }
0x280: {  	s12 =	sadd.s32 $0x11D00, s3;
	[smem:$0x7C2] =	sst s20;
	s28 =	sor.u32 s23, s14;
	[tilespmem:s13+$0x0] =	vst v55  }
0x281: {  	s30 =	sadd.s32 s15, s12;
	[smem:$0x7C4] =	sst s8;
	s20 =	sadd.s32 $0x11D80, s3;
	[tilespmem:s28+$0x0] =	vst v56  }
0x282: {  	s1 =	sor.u32 s23, s30;
	s31 =	sadd.s32 $0x11E00, s3;
	s4 =	sadd.s32 s15, s20;
	[tilespmem:$0x1FC30] =	vst v10  }
0x283: {  	s7 =	sor.u32 s23, s4;
	s8 =	sadd.s32 s15, s31;
	s6 =	sadd.s32 $0x11E80, s3;
	v10 =	vld.idx.msk [tilespmem:v41+s26+$0x0], $0xffff;
	[tilespmem:s1+$0x0] =	vst v57  }
0x284: {  	s30 =	sadd.s32 $0x11F00, s3;
	s10 =	sor.u32 s23, s8;
	s11 =	sadd.s32 s15, s6;
	[tilespmem:s7+$0x0] =	vst v58  }
0x285: {  	[smem:$0x7C5] =	sst s12;
	s12 =	sor.u32 s23, s11;
	s13 =	sadd.s32 s15, s30;
	[tilespmem:s10+$0x0] =	vst v59  }
0x286: {  	v16 =	vld.idx.msk [tilespmem:v26+s26+$0x0], $0xffff;
	[smem:$0x7C6] =	sst s20;
	s20 =	sadd.s32 $0x11F80, s3;
	s14 =	sor.u32 s23, s13;
	[tilespmem:s12+$0x0] =	vst v60  }
0x287: {  	[smem:$0x7C7] =	sst s31;
	s31 =	sadd.s32 $0x12000, s3;
	s28 =	sadd.s32 s15, s20;
	[tilespmem:s14+$0x0] =	vst v61  }
0x288: {  	v11 =	vld.idx.msk [tilespmem:v36+s26+$0x0], $0xffff;
	s2 =	sadd.s32 s15, s31;
	s1 =	sor.u32 s23, s28;
	[tilespmem:$0x1FC40] =	vst v10  }
0x289: {  	s4 =	sor.u32 s23, s2;
	s10 =	sadd.s32 $0x12080, s3;
	v10 =	vld.idx.msk [tilespmem:v43+s26+$0x0], $0xffff;
	[tilespmem:s1+$0x0] =	vst v63  }
0x28a: {  	[smem:$0x7C8] =	sst s6;
	s6 =	sadd.s32 $0x12100, s3;
	s7 =	sadd.s32 s15, s10;
	[tilespmem:s4+$0x0] =	vst v0;
	v0 =	vld.idx.msk [tilespmem:v23+s26+$0x0], $0xffff  }
0x28b: {  	v30 =	vld.idx.msk [tilespmem:v32+s26+$0x0], $0xffff;
	[tilespmem:$0x1FD30] =	vst v16;
	s13 =	sadd.s32 s15, s6;
	s8 =	sor.u32 s23, s7  }
0x28c: {  	v28 =	vld.idx.msk [tilespmem:v29+s26+$0x0], $0xffff;
	s14 =	sor.u32 s23, s13;
	[tilespmem:s8+$0x0] =	vst v62  }
0x28d: {  	v25 =	vld.idx.msk [tilespmem:v27+s26+$0x0], $0xffff;
	s11 =	sadd.s32 $0x12180, s3;
	[tilespmem:s14+$0x0] =	vst v2  }
0x28e: {  	s28 =	sadd.s32 s15, s11;
	s12 =	sadd.s32 $0x12200, s3;
	[tilespmem:$0x1FC50] =	vst v10;
	v10 =	vld.idx.msk [tilespmem:v38+s26+$0x0], $0xffff  }
0x28f: {  	s2 =	sor.u32 s23, s28;
	s13 =	sadd.s32 $0x12280, s3;
	s4 =	sadd.s32 s15, s12;
	[tilespmem:$0x1FD50] =	vst v0;
	v0 =	vld.idx.msk [tilespmem:v18+s26+$0x0], $0xffff  }
0x290: {  	v22 =	vld.idx.msk [tilespmem:v24+s26+$0x0], $0xffff;
	s7 =	sor.u32 s23, s4;
	s8 =	sadd.s32 s15, s13;
	[tilespmem:s2+$0x0] =	vst v3  }
0x291: {  	v19 =	vld.idx.msk [tilespmem:v21+s26+$0x0], $0xffff;
	s1 =	sor.u32 s23, s8;
	[tilespmem:s7+$0x0] =	vst v4  }
0x292: {  	s14 =	sadd.s32 $0x12300, s3;
	v4 =	vld [tilespmem:$0x1FDF0];
	[tilespmem:s1+$0x0] =	vst v5  }
0x293: {  	s2 =	sadd.s32 $0x12380, s3;
	s28 =	sadd.s32 s15, s14;
	[tilespmem:$0x1FC60] =	vst v10;
	v10 =	vld.idx.msk [tilespmem:v39+s26+$0x0], $0xffff  }
0x294: {  	s0 =	sadd.s32 $0x12400, s3;
	s4 =	sor.u32 s23, s28;
	s7 =	sadd.s32 s15, s2;
	[tilespmem:$0x1FD60] =	vst v0;
	v0 =	vld.idx.msk [tilespmem:v17+s26+$0x0], $0xffff  }
0x295: {  	s28 =	sadd.s32 s15, s0;
	s8 =	sor.u32 s23, s7;
	v5 =	vld [tilespmem:$0x1FE00];
	[tilespmem:s4+$0x0] =	vst v8  }
0x296: {  	v16 =	vld.idx.msk [tilespmem:v20+s26+$0x0], $0xffff;
	[tilespmem:s8+$0x0] =	vst v9;
	s8 =	sor.u32 s23, s28  }
0x297: {  	v2 =	vld.idx.msk [tilespmem:v12+s26+$0x0], $0xffff;
	s3 =	sadd.s32 $0x12480, s3;
	[tilespmem:s8+$0x0] =	vst v7  }
0x298: {  	s28 =	sadd.s32 s15, s3;
	[tilespmem:$0x1FC70] =	vst v10;
	v10 =	vld.idx.msk [tilespmem:v34+s26+$0x0], $0xffff  }
0x299: {  	s8 =	sor.u32 s23, s28;
	[tilespmem:$0x1FD70] =	vst v0;
	v0 =	vld.idx.msk [tilespmem:v14+s26+$0x0], $0xffff  }
0x29a: {  	[tilespmem:s8+$0x0] =	vst v6;
	v6 =	vld [tilespmem:$0x1FD90]  }
0x29b: {  	v3 =	vld.idx.msk [tilespmem:v13+s26+$0x0], $0xffff  }
0x29c: {  	v4 =	vld.idx.msk [tilespmem:v4+s26+$0x0], $0xffff  }
0x29d: {  	v7 =	vld.idx.msk [tilespmem:v5+s26+$0x0], $0xffff;
	[tilespmem:$0x1FC80] =	vst v10  }
0x29e: {  	s1 =	sand.u32 $0xFFFFFF80, s16;
	s16 =	rddreg [dreg:$0xe];
	v10 =	vld.idx.msk [tilespmem:v31+s26+$0x0], $0xffff;
	[tilespmem:$0x1FD80] =	vst v0  }
0x29f: {  	v0 =	vld.idx.msk [tilespmem:v15+s26+$0x0], $0xffff;
	[tilespmem:s16+$0x0] =	vst v6  }
0x2a0: {  	v6 =	vld.idx.msk [tilespmem:v1+s26+$0x0], $0xffff  }
0x2a1: {  	v1 =	vld [tilespmem:$0x1FDA0]  }
0x2a2: {  	s7 =	smov.u32 s5  }
0x2a3: {  	s15 =	sadd.s32 $0x500, s7;
	s28 =	sand.u32 $0x60, s29  }
0x2a4: {  	s4 =	sand.u32 $0xFFFFFF80, s15;
	[smem:$0x7D4] =	sst s28  }
0x2a5: {  	s4 =	sor.u32 s28, s4;
	s28 =	rddreg [dreg:$0xc]  }
0x2a6: {  	[tilespmem:s28+$0x0] =	vst v1;
	v1 =	vmov v0;
	v0 =	vld [tilespmem:$0x1FDB0];
	_ =	sdelay $0x3  }
0x2a7: {  	s16 =	rddreg [dreg:$0xa];
	[tilespmem:$0x1FD90] =	vst v1  }
0x2a8: {  	v1 =	vld [tilespmem:s4+$0x1100];
	[tilespmem:s16+$0x0] =	vst v0;
	v0 =	vmov v2  }
0x2a9: {  	s23 =	sld [smem:$0x7BB];
	[tilespmem:$0x1FDA0] =	vst v0;
	v0 =	vld [tilespmem:$0x1FDC0];
	_ =	sdelay $0x1  }
0x2aa: {  	s5 =	sadd.s32 $0x510, s5  }
0x2ab: {  	s5 =	sand.u32 $0xFFFFFF80, s5;
	s23 =	sand.u32 $0x70, s23  }
0x2ac: {  	s5 =	sor.u32 s23, s5;
	s28 =	rddreg [dreg:$0x8]  }
0x2ad: {  	v5 =	vld [tilespmem:s5+$0x1100];
	[tilespmem:s28+$0x0] =	vst v0;
	v0 =	vmov v3  }
0x2ae: {  	s5 =	sld [smem:$0x7BC];
	[tilespmem:$0x1FDB0] =	vst v0;
	v0 =	vld [tilespmem:$0x1FDD0]  }
0x2af: {  	s8 =	sadd.s32 s1, s19;
	s19 =	sld [smem:$0x7BF]  }
0x2b0: {  	s28 =	sld [smem:$0x7E6]  }
0x2b1: {  	s4 =	sadd.s32 s1, s5  }
0x2b2: {  	s5 =	sadd.s32 s1, s19;
	s19 =	sadd.s32 s1, s17;
	s17 =	sld [smem:$0x7C0];
	v2 =	vmov v7;
	v7 =	vadd.s32 $0x5, v5  }
0x2b3: {  	[tilespmem:s28+$0x0] =	vst v0;
	s28 =	sld [smem:$0x7C1];
	_ =	sdelay $0x2  }
0x2b4: {  	s16 =	sadd.s32 s1, s17;
	s17 =	sadd.s32 s1, s28;
	s28 =	sld [smem:$0x7C2]  }
0x2b5: {  	s21 =	sadd.s32 s1, s21;
	v42 =	vld.idx.msk [tilespmem:v7+s26+$0x0], $0xffff  }
0x2b6: {  	[smem:$0x7C9] =	sst s21;
	v7 =	vld [tilespmem:$0x1FC10]  }
0x2b7: {  	s21 =	sadd.s32 s1, s28;
	s28 =	sld [smem:$0x7C3]  }
0x2b8: {  	s7 =	sadd.s32 s1, s9  }
0x2b9: {  	s7 =	sor.u32 s22, s7;
	[smem:$0x7CA] =	sst s21  }
0x2ba: {  	s8 =	sor.u32 s22, s8;
	[tilespmem:s7+$0x0] =	vst v6;
	s21 =	sadd.s32 s1, s28;
	s28 =	sld [smem:$0x7C4]  }
0x2bb: {  	[tilespmem:s8+$0x0] =	vst v7;
	v7 =	vld [tilespmem:$0x1FC20];
	_ =	sdelay $0x1  }
0x2bc: {  	s28 =	sadd.s32 s1, s28  }
0x2bd: {  	[smem:$0x7CB] =	sst s28  }
0x2be: {  	s4 =	sor.u32 s22, s4;
	s28 =	sld [smem:$0x7C5]  }
0x2bf: {  	s9 =	sld [smem:$0x7BD];
	[tilespmem:s4+$0x0] =	vst v7;
	v7 =	vld [tilespmem:$0x1FC30];
	_ =	sdelay $0x1  }
0x2c0: {  	s28 =	sadd.s32 s1, s28  }
0x2c1: {  	s9 =	sadd.s32 s1, s9;
	[smem:$0x7CC] =	sst s28  }
0x2c2: {  	s9 =	sor.u32 s22, s9;
	s28 =	sld [smem:$0x7C6]  }
0x2c3: {  	s15 =	sld [smem:$0x7BE];
	[tilespmem:s9+$0x0] =	vst v7;
	v7 =	vld [tilespmem:$0x1FC40]  }
0x2c4: {  	s20 =	sadd.s32 s1, s20  }
0x2c5: {  	[smem:$0x7D0] =	sst s20;
	s28 =	sadd.s32 s1, s28  }
0x2c6: {  	s15 =	sadd.s32 s1, s15;
	[smem:$0x7CD] =	sst s28  }
0x2c7: {  	s20 =	sadd.s32 s1, s10;
	s10 =	sor.u32 s22, s15;
	s28 =	sld [smem:$0x7C7]  }
0x2c8: {  	[tilespmem:s10+$0x0] =	vst v7;
	v7 =	vld [tilespmem:$0x1FC50];
	_ =	sdelay $0x1  }
0x2c9: {  	s28 =	sadd.s32 s1, s28  }
0x2ca: {  	[smem:$0x7CE] =	sst s28  }
0x2cb: {  	s5 =	sor.u32 s22, s5;
	s28 =	sld [smem:$0x7C8]  }
0x2cc: {  	[tilespmem:s5+$0x0] =	vst v7;
	v7 =	vld [tilespmem:$0x1FC60];
	_ =	sdelay $0x1  }
0x2cd: {  	s28 =	sadd.s32 s1, s28  }
0x2ce: {  	[smem:$0x7CF] =	sst s28;
	s28 =	sadd.s32 s1, s11  }
0x2cf: {  	[smem:$0x7D1] =	sst s28;
	s28 =	sadd.s32 s1, s13;
	s13 =	sor.u32 s22, s19  }
0x2d0: {  	[tilespmem:s13+$0x0] =	vst v7;
	v7 =	vld [tilespmem:$0x1FC70];
	_ =	sdelay $0x2  }
0x2d1: {  	s18 =	sadd.s32 s1, s18  }
0x2d2: {  	s8 =	sor.u32 s22, s18  }
0x2d3: {  	[tilespmem:s8+$0x0] =	vst v7;
	v7 =	vadd.s32 $0x1E, v1  }
0x2d4: {  	[tilespmem:$0x1FDF0] =	vst v7;
	v7 =	vld [tilespmem:$0x1FC80];
	_ =	sdelay $0x2  }
0x2d5: {  	[tilespmem:$0x1FC90] =	vst v30;
	s0 =	sadd.s32 s1, s0;
	v0 =	vmov v4  }
0x2d6: {  	[smem:$0x7D2] =	sst s0;
	s0 =	sor.u32 s22, s16;
	[tilespmem:$0x1FDC0] =	vst v0  }
0x2d7: {  	v0 =	vadd.s32 $0x1, v5;
	[tilespmem:s0+$0x0] =	vst v7;
	v7 =	vadd.s32 $0x1F, v1  }
0x2d8: {  	[tilespmem:$0x1FE00] =	vst v7;
	v7 =	vld [tilespmem:$0x1FC90]  }
0x2d9: {  	s24 =	sadd.s32 s1, s24  }
0x2da: {  	s25 =	sadd.s32 s1, s25;
	[tilespmem:$0x1FDD0] =	vst v2;
	s11 =	sadd.s32 s1, s2;
	s2 =	sor.u32 s22, s24  }
0x2db: {  	v2 =	vadd.s32 $0x2, v5;
	s24 =	sor.u32 s22, s25;
	[tilespmem:s2+$0x0] =	vst v11  }
0x2dc: {  	s18 =	sor.u32 s22, s17;
	v33 =	vld.idx.msk [tilespmem:v0+s26+$0x0], $0xffff;
	v0 =	vadd.s32 $0x6, v5;
	[tilespmem:s24+$0x0] =	vst v10  }
0x2dd: {  	[tilespmem:s18+$0x0] =	vst v7;
	v7 =	vld [tilespmem:$0x1FCA0]  }
0x2de: {  	s17 =	sld [smem:$0x7C9];
	_ =	sdelay $0x1  }
0x2df: {  	v35 =	vld.idx.msk [tilespmem:v2+s26+$0x0], $0xffff;
	v2 =	vadd.s32 $0x7, v5  }
0x2e0: {  	[tilespmem:$0x1FCB0] =	vst v28;
	v44 =	vld.idx.msk [tilespmem:v0+s26+$0x0], $0xffff;
	v0 =	vadd.s32 $0xB, v5;
	s25 =	sor.u32 s22, s17  }
0x2e1: {  	[tilespmem:s25+$0x0] =	vst v7;
	v7 =	vld [tilespmem:$0x1FCB0]  }
0x2e2: {  	v3 =	vadd.s32 $0x3, v5;
	s19 =	sld [smem:$0x7CA]  }
0x2e3: {  	v4 =	vadd.s32 $0x4, v5  }
0x2e4: {  	v46 =	vld.idx.msk [tilespmem:v2+s26+$0x0], $0xffff;
	v2 =	vadd.s32 $0xC, v5  }
0x2e5: {  	v52 =	vld.idx.msk [tilespmem:v0+s26+$0x0], $0xffff;
	v0 =	vadd.s32 $0x10, v5;
	s19 =	sor.u32 s22, s19  }
0x2e6: {  	[tilespmem:s19+$0x0] =	vst v7;
	v7 =	vld [tilespmem:$0x1FCC0]  }
0x2e7: {  	v37 =	vld.idx.msk [tilespmem:v3+s26+$0x0], $0xffff;
	v3 =	vadd.s32 $0x8, v5  }
0x2e8: {  	v40 =	vld.idx.msk [tilespmem:v4+s26+$0x0], $0xffff;
	v4 =	vadd.s32 $0x9, v5  }
0x2e9: {  	v53 =	vld.idx.msk [tilespmem:v2+s26+$0x0], $0xffff;
	v2 =	vadd.s32 $0x11, v5  }
0x2ea: {  	[tilespmem:$0x1FCD0] =	vst v25;
	s15 =	sor.u32 s22, s21;
	v57 =	vld.idx.msk [tilespmem:v0+s26+$0x0], $0xffff;
	v0 =	vadd.s32 $0x15, v5  }
0x2eb: {  	[tilespmem:s15+$0x0] =	vst v7;
	v7 =	vld [tilespmem:$0x1FCD0]  }
0x2ec: {  	v48 =	vld.idx.msk [tilespmem:v3+s26+$0x0], $0xffff;
	s21 =	sld [smem:$0x7CB]  }
0x2ed: {  	v50 =	vld.idx.msk [tilespmem:v4+s26+$0x0], $0xffff  }
0x2ee: {  	v6 =	vadd.s32 $0xA, v5;
	v58 =	vld.idx.msk [tilespmem:v2+s26+$0x0], $0xffff  }
0x2ef: {  	[tilespmem:$0x1FCF0] =	vst v22;
	v3 =	vadd.s32 $0xD, v5;
	s21 =	sor.u32 s22, s21;
	v63 =	vld.idx.msk [tilespmem:v0+s26+$0x0], $0xffff  }
0x2f0: {  	v4 =	vadd.s32 $0xE, v5;
	[tilespmem:s21+$0x0] =	vst v7;
	v7 =	vld [tilespmem:$0x1FCE0]  }
0x2f1: {  	v2 =	vadd.s32 $0x16, v5;
	s4 =	sld [smem:$0x7CC];
	v0 =	vld [tilespmem:$0x1FCF0]  }
0x2f2: {  	s7 =	sld [smem:$0x7CD]  }
0x2f3: {  	s30 =	sadd.s32 s1, s30;
	s31 =	sadd.s32 s1, s31;
	v51 =	vld.idx.msk [tilespmem:v6+s26+$0x0], $0xffff  }
0x2f4: {  	s6 =	sadd.s32 s1, s6;
	s12 =	sadd.s32 s1, s12;
	v6 =	vadd.s32 $0xF, v5;
	v54 =	vld.idx.msk [tilespmem:v3+s26+$0x0], $0xffff;
	s16 =	sor.u32 s22, s4  }
0x2f5: {  	s14 =	sadd.s32 s1, s14;
	s3 =	sadd.s32 s1, s3;
	v3 =	vadd.s32 $0x12, v5;
	v55 =	vld.idx.msk [tilespmem:v4+s26+$0x0], $0xffff;
	s1 =	sor.u32 s22, s7;
	[tilespmem:s16+$0x0] =	vst v7  }
0x2f6: {  	v4 =	vadd.s32 $0x13, v5;
	[tilespmem:s1+$0x0] =	vst v0;
	v0 =	vld.idx.msk [tilespmem:v2+s26+$0x0], $0xffff  }
0x2f7: {  	v2 =	vld [tilespmem:$0x1FD00]  }
0x2f8: {  	s9 =	sld [smem:$0x7CE]  }
0x2f9: {  	v56 =	vld.idx.msk [tilespmem:v6+s26+$0x0], $0xffff;
	v6 =	vadd.s32 $0x14, v5  }
0x2fa: {  	v59 =	vld.idx.msk [tilespmem:v3+s26+$0x0], $0xffff;
	v3 =	vadd.s32 $0x17, v5  }
0x2fb: {  	[tilespmem:$0x1FD10] =	vst v19;
	v60 =	vld.idx.msk [tilespmem:v4+s26+$0x0], $0xffff;
	s17 =	sor.u32 s22, s9  }
0x2fc: {  	v4 =	vadd.s32 $0x18, v5;
	[tilespmem:s17+$0x0] =	vst v2;
	v2 =	vld [tilespmem:$0x1FD10]  }
0x2fd: {  	s10 =	sld [smem:$0x7CF]  }
0x2fe: {  	[smem:$0x7D3] =	sst s3;
	s3 =	sor.u32 s22, s31;
	s31 =	sor.u32 s22, s14;
	v61 =	vld.idx.msk [tilespmem:v6+s26+$0x0], $0xffff  }
0x2ff: {  	[dreg:$0xc] =	wrdreg s31;
	v62 =	vld.idx.msk [tilespmem:v3+s26+$0x0], $0xffff  }
0x300: {  	s14 =	sld [smem:$0x7D3];
	v6 =	vadd.s32 $0x19, v5;
	v3 =	vld [tilespmem:$0x1FD20];
	s5 =	sor.u32 s22, s10  }
0x301: {  	s4 =	sor.u32 s22, s6;
	s6 =	sor.u32 s22, s11;
	s11 =	rddreg [dreg:$0x12];
	[tilespmem:s5+$0x0] =	vst v2;
	v2 =	vld.idx.msk [tilespmem:v4+s26+$0x0], $0xffff  }
0x302: {  	v8 =	vadd.s32 $0x1C, v5;
	s13 =	sld [smem:$0x7D0];
	v10 =	vadd.s32 $0x1A, v5;
	v4 =	vld [tilespmem:$0x1FD30]  }
0x303: {  	v9 =	vadd.s32 $0x1D, v5;
	v49 =	vadd.s32 $0x1, v1;
	v45 =	vadd.s32 $0x2, v1;
	s9 =	sor.u32 s22, s20;
	s20 =	sld [smem:$0x7D1]  }
0x304: {  	[tilespmem:$0x1FD40] =	vst v16;
	v30 =	vld.idx.msk [tilespmem:v5+s26+$0x0], $0xffff;
	v47 =	vadd.s32 $0x3, v1;
	v41 =	vadd.s32 $0x4, v1;
	v43 =	vadd.s32 $0x5, v1;
	[dreg:$0xa] =	wrdreg s6;
	s10 =	sor.u32 s22, s30  }
0x305: {  	v38 =	vadd.s32 $0x6, v1;
	v39 =	vadd.s32 $0x7, v1;
	v34 =	vadd.s32 $0x8, v1;
	s30 =	sor.u32 s22, s28;
	s28 =	rddreg [dreg:$0x10];
	[tilespmem:s10+$0x0] =	vst v3;
	v3 =	vld.idx.msk [tilespmem:v6+s26+$0x0], $0xffff  }
0x306: {  	s13 =	sor.u32 s22, s13;
	s8 =	sor.u32 s22, s12;
	s12 =	sld [smem:$0x7D2];
	v11 =	vadd.s32 $0x1B, v5;
	v7 =	vadd.s32 $0x1E, v5;
	v6 =	vadd.s32 $0x1F, v5;
	v5 =	vld [tilespmem:$0x1FD40]  }
0x307: {  	v36 =	vadd.s32 $0x9, v1;
	v31 =	vadd.s32 $0xA, v1;
	v32 =	vadd.s32 $0xB, v1;
	[dreg:$0xe] =	wrdreg s30;
	s2 =	sadd.s32 $0x2, s11;
	[tilespmem:s13+$0x0] =	vst v4;
	v4 =	vld.idx.msk [tilespmem:v10+s26+$0x0], $0xffff  }
0x308: {  	v28 =	vadd.s32 $0xC, v1;
	v29 =	vadd.s32 $0xD, v1;
	v25 =	vadd.s32 $0xE, v1;
	s7 =	sor.u32 s22, s20;
	s20 =	sld [smem:$0x7D4];
	p0 =	slt.u32 s2, $0x4E;
	v10 =	vld [tilespmem:$0x1FD50]  }
.Ltmp3:
0x309: {  	v27 =	vadd.s32 $0xF, v1;
	v22 =	vadd.s32 $0x10, v1;
	v24 =	vadd.s32 $0x11, v1;
	s0 =	sor.u32 s22, s12;
	s1 =	sadd.s32 $0x2, s28;
	(pc) =	sbr.rel @p0 .LBB2_9-.Ltmp3, $4  }
0x30a: {  	v19 =	vadd.s32 $0x12, v1;
	v21 =	vadd.s32 $0x13, v1;
	v16 =	vadd.s32 $0x14, v1;
	[dreg:$0x8] =	wrdreg s0;
	s0 =	sor.u32 s22, s14;
	s30 =	sshll.u32 s1, $0x4  }
0x30b: {  	v26 =	vadd.s32 $0x15, v1;
	v20 =	vadd.s32 $0x16, v1;
	v23 =	vadd.s32 $0x17, v1;
	[smem:$0x7E6] =	sst s0;
	s0 =	sand.u32 $0xFFFFFF80, s30  }
0x30c: {  	v18 =	vadd.s32 $0x18, v1;
	v17 =	vadd.s32 $0x19, v1;
	v14 =	vadd.s32 $0x1A, v1;
	s22 =	smov.u32 s20;
	s31 =	sshll.u32 s2, $0x9;
	s16 =	ssub.s32 s29, s0;
	[tilespmem:s3+$0x0] =	vst v5  }
0x30d: {  	v15 =	vadd.s32 $0x1B, v1;
	v12 =	vadd.s32 $0x1C, v1;
	v13 =	vadd.s32 $0x1D, v1;
	s29 =	sadd.s32 $0x20, s29;
	s0 =	sadd.s32 $0x10, s16;
	s3 =	sand.u32 $0x3FFFF000, s31;
	v5 =	vld.idx.msk [tilespmem:v11+s26+$0x0], $0xffff;
	[tilespmem:s9+$0x0] =	vst v10  }
0x30e: {  	_ =	sdelay $0x2  }
0x30f: {  	v10 =	vld [tilespmem:$0x1FD60]  }
0x310: {  	v9 =	vld.idx.msk [tilespmem:v9+s26+$0x0], $0xffff;
	_ =	sdelay $0x3  }
0x311: {  	v8 =	vld.idx.msk [tilespmem:v8+s26+$0x0], $0xffff;
	[tilespmem:s4+$0x0] =	vst v10  }
0x312: {  	[tilespmem:$0x1FB40] =	vst v9;
	v9 =	vld [tilespmem:$0x1FD70];
	_ =	sdelay $0x4  }
0x313: {  	[tilespmem:s7+$0x0] =	vst v9  }
0x314: {  	v9 =	vld [tilespmem:$0x1FD80];
	_ =	sdelay $0x2  }
0x315: {  	s1 =	sadd.s32 $0x11580, s3  }
0x316: {  	s30 =	sadd.s32 $0x11500, s3;
	s15 =	sand.u32 $0xFFFFFF80, s0;
	[smem:$0x7A5] =	sst s1  }
0x317: {  	s24 =	sadd.s32 $0x11600, s3;
	s0 =	sadd.s32 s15, s30;
	[tilespmem:s8+$0x0] =	vst v9  }
0x318: {  	s0 =	sor.u32 s23, s0;
	v7 =	vld.idx.msk [tilespmem:v7+s26+$0x0], $0xffff;
	[smem:$0x7A6] =	sst s24  }
0x319: {  	s2 =	sadd.s32 $0x11680, s3;
	s1 =	sadd.s32 s15, s1;
	v9 =	vld.idx.msk [tilespmem:v6+s26+$0x0], $0xffff;
	[tilespmem:s0+$0x0] =	vst v30  }
0x31a: {  	s25 =	sor.u32 s23, s1;
	[smem:$0x7A7] =	sst s2  }
0x31b: {  	s31 =	sadd.s32 $0x11700, s3;
	s29 =	sadd.s32 s15, s24;
	[tilespmem:s25+$0x0] =	vst v33  }
0x31c: {  	s5 =	sor.u32 s23, s29;
	[smem:$0x7A8] =	sst s31  }
0x31d: {  	s6 =	sadd.s32 s15, s2;
	s7 =	sadd.s32 $0x11780, s3;
	[tilespmem:s5+$0x0] =	vst v35  }
0x31e: {  	s9 =	sadd.s32 s15, s31;
	s8 =	sor.u32 s23, s6;
	[smem:$0x7A9] =	sst s7  }
0x31f: {  	s10 =	sor.u32 s23, s9;
	[tilespmem:s8+$0x0] =	vst v37  }
0x320: {  	s12 =	sadd.s32 $0x11880, s3;
	s17 =	sadd.s32 $0x11900, s3;
	[tilespmem:s10+$0x0] =	vst v40  }
0x321: {  	s11 =	sadd.s32 s15, s7;
	s8 =	sadd.s32 $0x11800, s3;
	[smem:$0x7AA] =	sst s12  }
0x322: {  	s13 =	sor.u32 s23, s11;
	s14 =	sadd.s32 s15, s8;
	v30 =	vld.idx.msk [tilespmem:v49+s26+$0x0], $0xffff;
	[smem:$0x7AB] =	sst s17  }
0x323: {  	s19 =	sadd.s32 s15, s12;
	s18 =	sor.u32 s23, s14;
	[tilespmem:s13+$0x0] =	vst v42  }
0x324: {  	s21 =	sadd.s32 s15, s17;
	s20 =	sor.u32 s23, s19;
	s10 =	sadd.s32 $0x11980, s3;
	[tilespmem:s18+$0x0] =	vst v44  }
0x325: {  	s24 =	sor.u32 s23, s21;
	s25 =	sadd.s32 s15, s10;
	v33 =	vld.idx.msk [tilespmem:v45+s26+$0x0], $0xffff;
	[tilespmem:s20+$0x0] =	vst v46  }
0x326: {  	s14 =	sadd.s32 $0x11A80, s3;
	s29 =	sor.u32 s23, s25;
	v45 =	vld.idx.msk [tilespmem:v47+s26+$0x0], $0xffff;
	s13 =	sadd.s32 $0x11A00, s3;
	[tilespmem:s24+$0x0] =	vst v48  }
0x327: {  	s2 =	sadd.s32 s15, s14;
	v47 =	vld.idx.msk [tilespmem:v41+s26+$0x0], $0xffff;
	s31 =	sadd.s32 s15, s13;
	[tilespmem:s29+$0x0] =	vst v50  }
0x328: {  	v49 =	vld.idx.msk [tilespmem:v43+s26+$0x0], $0xffff;
	s1 =	sor.u32 s23, s31;
	[smem:$0x7A4] =	sst s16;
	s16 =	sadd.s32 $0x11B00, s3  }
0x329: {  	s17 =	sadd.s32 $0x11B80, s3;
	s4 =	sor.u32 s23, s2;
	[tilespmem:s1+$0x0] =	vst v51;
	s5 =	sadd.s32 s15, s16  }
0x32a: {  	s7 =	sadd.s32 s15, s17;
	s18 =	sadd.s32 $0x11C00, s3;
	[tilespmem:s4+$0x0] =	vst v52;
	s6 =	sor.u32 s23, s5  }
0x32b: {  	s19 =	sadd.s32 $0x11C80, s3;
	s9 =	sor.u32 s23, s7;
	s11 =	sadd.s32 s15, s18;
	[tilespmem:s6+$0x0] =	vst v53  }
0x32c: {  	s21 =	sadd.s32 s15, s19;
	s20 =	sadd.s32 $0x11D00, s3;
	s12 =	sor.u32 s23, s11;
	[tilespmem:s9+$0x0] =	vst v54  }
0x32d: {  	s24 =	sor.u32 s23, s21;
	s21 =	sadd.s32 $0x11D80, s3;
	s25 =	sadd.s32 s15, s20;
	[tilespmem:s12+$0x0] =	vst v55  }
0x32e: {  	s29 =	sor.u32 s23, s25;
	s31 =	sadd.s32 s15, s21;
	[tilespmem:s24+$0x0] =	vst v56;
	s24 =	sadd.s32 $0x11E00, s3  }
0x32f: {  	s2 =	sor.u32 s23, s31;
	s9 =	sadd.s32 $0x11E80, s3;
	[tilespmem:s29+$0x0] =	vst v57;
	s4 =	sadd.s32 s15, s24  }
0x330: {  	s25 =	sadd.s32 $0x11F00, s3;
	s6 =	sadd.s32 s15, s9;
	[tilespmem:s2+$0x0] =	vst v58;
	s5 =	sor.u32 s23, s4  }
0x331: {  	s11 =	sadd.s32 s15, s25;
	s12 =	sadd.s32 $0x11F80, s3;
	s7 =	sor.u32 s23, s6;
	[tilespmem:s5+$0x0] =	vst v59  }
0x332: {  	s28 =	sadd.s32 $0x12000, s3;
	s31 =	sadd.s32 s15, s12;
	s29 =	sor.u32 s23, s11;
	[tilespmem:s7+$0x0] =	vst v60  }
0x333: {  	s1 =	sor.u32 s23, s31;
	s2 =	sadd.s32 s15, s28;
	[tilespmem:s29+$0x0] =	vst v61;
	s29 =	sadd.s32 $0x12080, s3  }
0x334: {  	s11 =	sadd.s32 $0x12100, s3;
	s4 =	sor.u32 s23, s2;
	[tilespmem:s1+$0x0] =	vst v63;
	s5 =	sadd.s32 s15, s29  }
0x335: {  	s31 =	sadd.s32 $0x12180, s3;
	s7 =	sadd.s32 s15, s11;
	[tilespmem:s4+$0x0] =	vst v0;
	s6 =	sor.u32 s23, s5  }
0x336: {  	s2 =	sadd.s32 s15, s31;
	s1 =	sor.u32 s23, s7;
	s7 =	sadd.s32 $0x12200, s3;
	[tilespmem:s6+$0x0] =	vst v62  }
0x337: {  	s4 =	sor.u32 s23, s2;
	s5 =	sadd.s32 s15, s7;
	s6 =	sadd.s32 $0x12280, s3;
	[tilespmem:s1+$0x0] =	vst v2  }
0x338: {  	s2 =	sor.u32 s23, s5;
	s5 =	sadd.s32 $0x12300, s3;
	[tilespmem:s4+$0x0] =	vst v3;
	s4 =	sadd.s32 s15, s6  }
0x339: {  	s1 =	sadd.s32 s15, s5;
	[tilespmem:s2+$0x0] =	vst v4;
	s2 =	sor.u32 s23, s4  }
0x33a: {  	[tilespmem:s2+$0x0] =	vst v5;
	s2 =	sor.u32 s23, s1  }
0x33b: {  	v2 =	vld.idx.msk [tilespmem:v16+s26+$0x0], $0xffff;
	[tilespmem:s2+$0x0] =	vst v8  }
0x33c: {  	v16 =	vld [tilespmem:$0x1FB40];
	_ =	sdelay $0x1  }
0x33d: {  	s4 =	sadd.s32 $0x12380, s3  }
0x33e: {  	s1 =	sadd.s32 $0x12400, s3;
	s0 =	sadd.s32 s15, s4  }
0x33f: {  	s3 =	sadd.s32 $0x12480, s3;
	s0 =	sor.u32 s23, s0;
	s2 =	sadd.s32 s15, s1  }
0x340: {  	s15 =	sadd.s32 s15, s3;
	s2 =	sor.u32 s23, s2;
	[tilespmem:s0+$0x0] =	vst v16  }
0x341: {  	[tilespmem:s2+$0x0] =	vst v7;
	s2 =	sor.u32 s23, s15  }
0x342: {  	v7 =	vld.idx.msk [tilespmem:v14+s26+$0x0], $0xffff;
	[tilespmem:s2+$0x0] =	vst v9  }
0x343: {  	v14 =	vld [tilespmem:$0x1FD90];
	_ =	sdelay $0x3  }
0x344: {  	s0 =	rddreg [dreg:$0xe]  }
0x345: {  	[tilespmem:s0+$0x0] =	vst v14  }
0x346: {  	v14 =	vld [tilespmem:$0x1FDA0];
	_ =	sdelay $0x2  }
0x347: {  	v38 =	vld.idx.msk [tilespmem:v38+s26+$0x0], $0xffff  }
0x348: {  	v39 =	vld.idx.msk [tilespmem:v39+s26+$0x0], $0xffff;
	s0 =	rddreg [dreg:$0xc]  }
0x349: {  	v34 =	vld.idx.msk [tilespmem:v34+s26+$0x0], $0xffff;
	[tilespmem:s0+$0x0] =	vst v14  }
0x34a: {  	v14 =	vld [tilespmem:$0x1FDB0]  }
0x34b: {  	v36 =	vld.idx.msk [tilespmem:v36+s26+$0x0], $0xffff  }
0x34c: {  	v31 =	vld.idx.msk [tilespmem:v31+s26+$0x0], $0xffff  }
0x34d: {  	v6 =	vld.idx.msk [tilespmem:v32+s26+$0x0], $0xffff  }
0x34e: {  	v10 =	vld.idx.msk [tilespmem:v28+s26+$0x0], $0xffff;
	s0 =	rddreg [dreg:$0xa]  }
0x34f: {  	v11 =	vld.idx.msk [tilespmem:v29+s26+$0x0], $0xffff;
	[tilespmem:s0+$0x0] =	vst v14  }
0x350: {  	v14 =	vld [tilespmem:$0x1FDC0]  }
0x351: {  	v25 =	vld.idx.msk [tilespmem:v25+s26+$0x0], $0xffff  }
0x352: {  	v27 =	vld.idx.msk [tilespmem:v27+s26+$0x0], $0xffff  }
0x353: {  	v22 =	vld.idx.msk [tilespmem:v22+s26+$0x0], $0xffff;
	s0 =	sld [smem:$0x7A4]  }
0x354: {  	v24 =	vld.idx.msk [tilespmem:v24+s26+$0x0], $0xffff;
	s15 =	rddreg [dreg:$0x8]  }
0x355: {  	v9 =	vld.idx.msk [tilespmem:v15+s26+$0x0], $0xffff;
	[tilespmem:s15+$0x0] =	vst v14  }
0x356: {  	v15 =	vld [tilespmem:$0x1FDD0]  }
0x357: {  	v1 =	vld.idx.msk [tilespmem:v1+s26+$0x0], $0xffff;
	s2 =	sand.u32 $0xFFFFFF80, s0  }
0x358: {  	v12 =	vld.idx.msk [tilespmem:v12+s26+$0x0], $0xffff;
	s23 =	sadd.s32 s2, s30;
	s30 =	sld [smem:$0x7E6]  }
0x359: {  	v13 =	vld.idx.msk [tilespmem:v13+s26+$0x0], $0xffff  }
0x35a: {  	v0 =	vld.idx.msk [tilespmem:v19+s26+$0x0], $0xffff  }
0x35b: {  	v14 =	vld [tilespmem:$0x1FDF0];
	[tilespmem:s30+$0x0] =	vst v15  }
0x35c: {  	v15 =	vld [tilespmem:$0x1FE00]  }
0x35d: {  	v19 =	vld.idx.msk [tilespmem:v21+s26+$0x0], $0xffff  }
0x35e: {  	v3 =	vld.idx.msk [tilespmem:v26+s26+$0x0], $0xffff  }
0x35f: {  	v4 =	vld.idx.msk [tilespmem:v20+s26+$0x0], $0xffff  }
0x360: {  	v5 =	vld.idx.msk [tilespmem:v23+s26+$0x0], $0xffff;
	s15 =	sld [smem:$0x7A5]  }
0x361: {  	v8 =	vld.idx.msk [tilespmem:v18+s26+$0x0], $0xffff  }
0x362: {  	v16 =	vld.idx.msk [tilespmem:v17+s26+$0x0], $0xffff  }
0x363: {  	s0 =	sor.u32 s22, s23;
	v14 =	vld.idx.msk [tilespmem:v14+s26+$0x0], $0xffff;
	s15 =	sadd.s32 s2, s15  }
0x364: {  	s15 =	sor.u32 s22, s15;
	v15 =	vld.idx.msk [tilespmem:v15+s26+$0x0], $0xffff;
	[tilespmem:s0+$0x0] =	vst v1  }
0x365: {  	s0 =	sld [smem:$0x7A6];
	[tilespmem:s15+$0x0] =	vst v30  }
0x366: {  	s15 =	sld [smem:$0x7A7];
	_ =	sdelay $0x1  }
0x367: {  	s0 =	sadd.s32 s2, s0  }
0x368: {  	s15 =	sadd.s32 s2, s15;
	s0 =	sor.u32 s22, s0  }
0x369: {  	[tilespmem:s0+$0x0] =	vst v33;
	s15 =	sor.u32 s22, s15  }
0x36a: {  	s0 =	sld [smem:$0x7A8];
	[tilespmem:s15+$0x0] =	vst v45  }
0x36b: {  	s15 =	sld [smem:$0x7A9];
	_ =	sdelay $0x1  }
0x36c: {  	s0 =	sadd.s32 s2, s0  }
0x36d: {  	s15 =	sadd.s32 s2, s15;
	s0 =	sor.u32 s22, s0  }
0x36e: {  	s23 =	sadd.s32 s2, s8;
	[tilespmem:s0+$0x0] =	vst v47;
	s30 =	sor.u32 s22, s15  }
0x36f: {  	s0 =	sor.u32 s22, s23;
	[tilespmem:s30+$0x0] =	vst v49  }
0x370: {  	s8 =	sld [smem:$0x7AA];
	[tilespmem:s0+$0x0] =	vst v38  }
0x371: {  	s0 =	sld [smem:$0x7AB];
	_ =	sdelay $0x1  }
0x372: {  	s8 =	sadd.s32 s2, s8  }
0x373: {  	s0 =	sadd.s32 s2, s0;
	s8 =	sor.u32 s22, s8  }
0x374: {  	s10 =	sadd.s32 s2, s10;
	[tilespmem:s8+$0x0] =	vst v39;
	s0 =	sor.u32 s22, s0  }
0x375: {  	s13 =	sadd.s32 s2, s13;
	s8 =	sor.u32 s22, s10;
	[tilespmem:s0+$0x0] =	vst v34  }
0x376: {  	s15 =	sadd.s32 s2, s14;
	s0 =	sor.u32 s22, s13;
	[tilespmem:s8+$0x0] =	vst v36  }
0x377: {  	s23 =	sadd.s32 s2, s16;
	s8 =	sor.u32 s22, s15;
	[tilespmem:s0+$0x0] =	vst v31  }
0x378: {  	s30 =	sadd.s32 s2, s17;
	s10 =	sor.u32 s22, s23;
	[tilespmem:s8+$0x0] =	vst v6  }
0x379: {  	s13 =	sadd.s32 s2, s18;
	s0 =	sor.u32 s22, s30;
	[tilespmem:s10+$0x0] =	vst v10  }
0x37a: {  	s14 =	sadd.s32 s2, s19;
	s8 =	sor.u32 s22, s13;
	[tilespmem:s0+$0x0] =	vst v11  }
0x37b: {  	s15 =	sadd.s32 s2, s20;
	s10 =	sor.u32 s22, s14;
	[tilespmem:s8+$0x0] =	vst v25  }
0x37c: {  	s16 =	sadd.s32 s2, s21;
	s0 =	sor.u32 s22, s15;
	[tilespmem:s10+$0x0] =	vst v27  }
0x37d: {  	s17 =	sadd.s32 s2, s24;
	s8 =	sor.u32 s22, s16;
	[tilespmem:s0+$0x0] =	vst v22  }
0x37e: {  	s19 =	sor.u32 s22, s17;
	s18 =	sadd.s32 s2, s9;
	[tilespmem:s8+$0x0] =	vst v24  }
0x37f: {  	s20 =	sadd.s32 s2, s25;
	s0 =	sor.u32 s22, s18;
	[tilespmem:s19+$0x0] =	vst v0  }
0x380: {  	s21 =	sadd.s32 s2, s12;
	s8 =	sor.u32 s22, s20;
	[tilespmem:s0+$0x0] =	vst v19  }
0x381: {  	s23 =	sadd.s32 s2, s28;
	s9 =	sor.u32 s22, s21;
	[tilespmem:s8+$0x0] =	vst v2  }
0x382: {  	s24 =	sadd.s32 s2, s29;
	s0 =	sor.u32 s22, s23;
	[tilespmem:s9+$0x0] =	vst v3  }
0x383: {  	s25 =	sadd.s32 s2, s11;
	s8 =	sor.u32 s22, s24;
	[tilespmem:s0+$0x0] =	vst v4  }
0x384: {  	s29 =	sadd.s32 s2, s31;
	s9 =	sor.u32 s22, s25;
	[tilespmem:s8+$0x0] =	vst v5  }
0x385: {  	s7 =	sadd.s32 s2, s7;
	s0 =	sor.u32 s22, s29;
	[tilespmem:s9+$0x0] =	vst v8  }
0x386: {  	s6 =	sadd.s32 s2, s6;
	s7 =	sor.u32 s22, s7;
	[tilespmem:s0+$0x0] =	vst v16  }
0x387: {  	s31 =	sor.u32 s22, s6;
	s30 =	sadd.s32 s2, s5;
	[tilespmem:s7+$0x0] =	vst v7  }
0x388: {  	s4 =	sadd.s32 s2, s4;
	s0 =	sor.u32 s22, s30;
	[tilespmem:s31+$0x0] =	vst v9  }
0x389: {  	s1 =	sadd.s32 s2, s1;
	s4 =	sor.u32 s22, s4;
	[tilespmem:s0+$0x0] =	vst v12  }
0x38a: {  	s1 =	sor.u32 s22, s1;
	s6 =	sadd.s32 s2, s3;
	[tilespmem:s4+$0x0] =	vst v13  }
0x38b: {  	s0 =	sor.u32 s22, s6;
	[tilespmem:s1+$0x0] =	vst v14  }
0x38c: {  	s7 =	simm.s32 $0x1;
	[tilespmem:s0+$0x0] =	vst v15  }
0x38d: {  	_ =	swait.ge [sflag:s7], $0xA000  }
0x38e: {  	s8 =	sld [smem:$0x7E5]  }
0x38f: {  	s12 =	simm.s32 $0x11500;
	s11 =	simm.s32 $0x8000;
	s13 =	rddreg [dreg:$0x3]  }
0x390: {  	s15 =	simm.s32 $0x10;
	s9 =	sld [smem:$0x7F9];
	s14 =	sadd.s32 $0x0, s13  }
0x391: {  	s10 =	simm.s32 $0x400;
	s1 =	sand.u32 $0x70, s15;
	s16 =	sadd.s32 $0xA10, s14  }
0x392: {  	[sflag:s7] =	ssyncset.done $0x0;
	s0 =	sshll.u32 s8, $0xE;
	s2 =	sand.u32 $0xFFFFFF80, s16  }
0x393: {  	[sflag:s7] =	ssyncadd.s32 $0xFFFF6000;
	s0 =	sadd.s32 s0, s9;
	s2 =	sor.u32 s1, s2  }
0x394: {  	[hbm4b:s0+s10] =	stream.strided.scatter [tilespmem:s12], [sflag:$0x2], $0xA000, s11, s10, $0x38;
	[tilespmem:$0x1B500] =	vst v63  }
0x395: {  	v12 =	vld [tilespmem:s2+$0x1100];
	_ =	sdelay $0x4  }
0x396: {  	s17 =	simm.s32 $0x0;
	s18 =	sadd.s32 $0xA00, s14;
	v1 =	vadd.s32 $0x1, v12  }
0x397: {  	s19 =	sand.u32 $0xFFFFFF80, s18;
	s0 =	sand.u32 $0x60, s17;
	v2 =	vadd.s32 $0x2, v12  }
0x398: {  	s2 =	sor.u32 s0, s19;
	v3 =	vadd.s32 $0x3, v12  }
0x399: {  	v0 =	vld [tilespmem:s2+$0x1100];
	v4 =	vadd.s32 $0x4, v12  }
0x39a: {  	v5 =	vadd.s32 $0x5, v12;
	v14 =	vld.idx.msk [tilespmem:v12+s26+$0x0], $0xffff  }
0x39b: {  	v7 =	vadd.s32 $0xC, v12;
	v16 =	vld.idx.msk [tilespmem:v1+s26+$0x0], $0xffff  }
0x39c: {  	v8 =	vadd.s32 $0xD, v12;
	v18 =	vld.idx.msk [tilespmem:v2+s26+$0x0], $0xffff  }
0x39d: {  	v9 =	vadd.s32 $0x10, v12;
	v19 =	vld.idx.msk [tilespmem:v3+s26+$0x0], $0xffff  }
0x39e: {  	v20 =	vadd.s32 $0x13, v12;
	v56 =	vld.idx.msk [tilespmem:v4+s26+$0x0], $0xffff  }
0x39f: {  	v21 =	vadd.s32 $0x14, v12;
	v57 =	vld.idx.msk [tilespmem:v5+s26+$0x0], $0xffff  }
0x3a0: {  	v23 =	vadd.s32 $0x17, v12;
	v17 =	vld.idx.msk [tilespmem:v7+s26+$0x0], $0xffff  }
0x3a1: {  	v24 =	vadd.s32 $0x1B, v12;
	v15 =	vld.idx.msk [tilespmem:v8+s26+$0x0], $0xffff  }
0x3a2: {  	v2 =	vadd.s32 $0x7, v12;
	v11 =	vld.idx.msk [tilespmem:v9+s26+$0x0], $0xffff  }
0x3a3: {  	v3 =	vadd.s32 $0x8, v12;
	v38 =	vld.idx.msk [tilespmem:v20+s26+$0x0], $0xffff  }
0x3a4: {  	v6 =	vadd.s32 $0x9, v12;
	v9 =	vld.idx.msk [tilespmem:v21+s26+$0x0], $0xffff  }
0x3a5: {  	v5 =	vadd.s32 $0xA, v12;
	v37 =	vld.idx.msk [tilespmem:v23+s26+$0x0], $0xffff  }
0x3a6: {  	v1 =	vadd.s32 $0x6, v12;
	v33 =	vld.idx.msk [tilespmem:v24+s26+$0x0], $0xffff  }
0x3a7: {  	v20 =	vadd.s32 $0x18, v12;
	v59 =	vld.idx.msk [tilespmem:v2+s26+$0x0], $0xffff  }
0x3a8: {  	v21 =	vadd.s32 $0x19, v12;
	v4 =	vld.idx.msk [tilespmem:v3+s26+$0x0], $0xffff  }
0x3a9: {  	v2 =	vld.idx.msk [tilespmem:v6+s26+$0x0], $0xffff;
	v6 =	vadd.s32 $0xE, v12  }
0x3aa: {  	v3 =	vld.idx.msk [tilespmem:v5+s26+$0x0], $0xffff;
	v5 =	vadd.s32 $0xF, v12  }
0x3ab: {  	v8 =	vadd.s32 $0x12, v12;
	v58 =	vld.idx.msk [tilespmem:v1+s26+$0x0], $0xffff  }
0x3ac: {  	v22 =	vadd.s32 $0x15, v12;
	v36 =	vld.idx.msk [tilespmem:v20+s26+$0x0], $0xffff  }
0x3ad: {  	v7 =	vadd.s32 $0x11, v12;
	v35 =	vld.idx.msk [tilespmem:v21+s26+$0x0], $0xffff  }
0x3ae: {  	v23 =	vadd.s32 $0x1C, v12;
	v10 =	vld.idx.msk [tilespmem:v6+s26+$0x0], $0xffff  }
0x3af: {  	v1 =	vadd.s32 $0xB, v12;
	v13 =	vld.idx.msk [tilespmem:v5+s26+$0x0], $0xffff  }
0x3b0: {  	v20 =	vadd.s32 $0x1D, v12;
	v5 =	vld.idx.msk [tilespmem:v8+s26+$0x0], $0xffff  }
0x3b1: {  	v8 =	vld.idx.msk [tilespmem:v22+s26+$0x0], $0xffff;
	v22 =	vadd.s32 $0x1A, v12  }
0x3b2: {  	v6 =	vld.idx.msk [tilespmem:v7+s26+$0x0], $0xffff;
	v7 =	vadd.s32 $0x16, v12  }
0x3b3: {  	v21 =	vadd.s32 $0x1E, v12;
	v31 =	vld.idx.msk [tilespmem:v23+s26+$0x0], $0xffff  }
0x3b4: {  	s20 =	simm.s32 $0x0;
	v1 =	vld.idx.msk [tilespmem:v1+s26+$0x0], $0xffff;
	v12 =	vadd.s32 $0x1F, v12  }
0x3b5: {  	s2 =	sand.u32 $0xFFFFFF80, s20;
	v24 =	vadd.s32 $0x2, v0;
	v32 =	vld.idx.msk [tilespmem:v20+s26+$0x0], $0xffff  }
0x3b6: {  	s22 =	simm.s32 $0x0;
	s21 =	ssub.s32 $0x0, s2;
	v34 =	vld.idx.msk [tilespmem:v22+s26+$0x0], $0xffff;
	v22 =	vadd.s32 $0x1, v0  }
0x3b7: {  	s12 =	sand.u32 $0x3FFFF000, s22;
	v7 =	vld.idx.msk [tilespmem:v7+s26+$0x0], $0xffff;
	[smem:$0x7AC] =	sst s21  }
0x3b8: {  	s23 =	sadd.s32 $0x7500, s12;
	v23 =	vadd.s32 $0x3, v0;
	v30 =	vld.idx.msk [tilespmem:v21+s26+$0x0], $0xffff  }
0x3b9: {  	v20 =	vadd.s32 $0x4, v0;
	v29 =	vld.idx.msk [tilespmem:v12+s26+$0x0], $0xffff;
	[smem:$0x7AD] =	sst s23  }
0x3ba: {  	s25 =	sadd.s32 $0x7580, s12;
	v21 =	vadd.s32 $0x5, v0;
	v27 =	vld.idx.msk [tilespmem:v24+s26+$0x0], $0xffff  }
0x3bb: {  	s29 =	sadd.s32 $0x7600, s12;
	v28 =	vld.idx.msk [tilespmem:v22+s26+$0x0], $0xffff;
	[smem:$0x7AE] =	sst s25  }
0x3bc: {  	s30 =	sadd.s32 $0x7680, s12;
	s3 =	sadd.s32 $0x10, s21;
	v12 =	vadd.s32 $0x6, v0;
	[smem:$0x7AF] =	sst s29  }
0x3bd: {  	s8 =	sadd.s32 $0x7700, s12;
	s11 =	sand.u32 $0xFFFFFF80, s3;
	v26 =	vld.idx.msk [tilespmem:v23+s26+$0x0], $0xffff;
	[smem:$0x7B0] =	sst s30  }
0x3be: {  	s14 =	sadd.s32 $0x7780, s12;
	s24 =	sadd.s32 s11, s23;
	v22 =	vadd.s32 $0x7, v0;
	v25 =	vld.idx.msk [tilespmem:v20+s26+$0x0], $0xffff;
	[smem:$0x7B1] =	sst s8  }
0x3bf: {  	s5 =	sor.u32 s1, s24;
	v24 =	vld.idx.msk [tilespmem:v21+s26+$0x0], $0xffff;
	[smem:$0x7B2] =	sst s14  }
0x3c0: {  	s17 =	sadd.s32 $0x7800, s12;
	s6 =	sadd.s32 s11, s25;
	v60 =	vadd.s32 $0x8, v0;
	[tilespmem:s5+$0x0] =	vst v14  }
0x3c1: {  	s6 =	sor.u32 s1, s6;
	v20 =	vld.idx.msk [tilespmem:v12+s26+$0x0], $0xffff;
	[smem:$0x7B3] =	sst s17  }
0x3c2: {  	s20 =	sadd.s32 $0x7880, s12;
	s31 =	sadd.s32 s11, s29;
	v23 =	vadd.s32 $0x9, v0;
	[tilespmem:s6+$0x0] =	vst v16  }
0x3c3: {  	s4 =	simm.s32 $0x30;
	s7 =	sor.u32 s1, s31;
	v21 =	vld.idx.msk [tilespmem:v22+s26+$0x0], $0xffff;
	[smem:$0x7B4] =	sst s20  }
0x3c4: {  	s22 =	sadd.s32 $0x7900, s12;
	s3 =	sadd.s32 $0x20, s13;
	s13 =	sadd.s32 s11, s30;
	v61 =	vadd.s32 $0xA, v0;
	[tilespmem:s7+$0x0] =	vst v18  }
0x3c5: {  	s2 =	simm.s32 $0x20;
	s16 =	sor.u32 s1, s13;
	v22 =	vld.idx.msk [tilespmem:v60+s26+$0x0], $0xffff;
	[smem:$0x7B5] =	sst s22  }
0x3c6: {  	s15 =	sadd.s32 s11, s8;
	s19 =	sadd.s32 s11, s14;
	v62 =	vadd.s32 $0xB, v0;
	s25 =	sadd.s32 $0x7980, s12;
	[tilespmem:s16+$0x0] =	vst v19  }
0x3c7: {  	s18 =	sor.u32 s1, s15;
	s24 =	sadd.s32 s11, s20;
	v12 =	vadd.s32 $0xC, v0;
	v23 =	vld.idx.msk [tilespmem:v23+s26+$0x0], $0xffff;
	[smem:$0x7B6] =	sst s25  }
0x3c8: {  	s13 =	sadd.s32 $0x7B00, s12;
	s21 =	sadd.s32 s11, s17;
	s30 =	sadd.s32 $0x7A00, s12;
	v14 =	vadd.s32 $0xD, v0;
	[tilespmem:s18+$0x0] =	vst v56  }
0x3c9: {  	v63 =	vadd.s32 $0xE, v0;
	s29 =	sadd.s32 s11, s22;
	s6 =	sor.u32 s1, s19;
	v19 =	vld.idx.msk [tilespmem:v61+s26+$0x0], $0xffff;
	[smem:$0x7B7] =	sst s30  }
0x3ca: {  	v55 =	vadd.s32 $0x16, v0;
	s23 =	sor.u32 s1, s21;
	s21 =	sadd.s32 $0x7B80, s12;
	s31 =	sor.u32 s1, s29;
	[tilespmem:s6+$0x0] =	vst v57  }
0x3cb: {  	v48 =	vadd.s32 $0xF, v0;
	s9 =	sadd.s32 s11, s25;
	s29 =	sadd.s32 s11, s21;
	s10 =	sadd.s32 s11, s30;
	v18 =	vld.idx.msk [tilespmem:v62+s26+$0x0], $0xffff;
	[tilespmem:s23+$0x0] =	vst v58  }
0x3cc: {  	v49 =	vadd.s32 $0x10, v0;
	s5 =	sor.u32 s1, s24;
	s24 =	sadd.s32 $0x7A80, s12;
	v16 =	vld.idx.msk [tilespmem:v12+s26+$0x0], $0xffff;
	[smem:$0x7B8] =	sst s13  }
0x3cd: {  	s14 =	sor.u32 s1, s10;
	s15 =	sadd.s32 s11, s24;
	s19 =	sadd.s32 s11, s13;
	v14 =	vld.idx.msk [tilespmem:v14+s26+$0x0], $0xffff;
	[tilespmem:s5+$0x0] =	vst v59  }
0x3ce: {  	s16 =	sadd.s32 $0xA10, s3;
	s3 =	sadd.s32 $0xA00, s3;
	s6 =	sor.u32 s1, s9;
	v12 =	vld.idx.msk [tilespmem:v63+s26+$0x0], $0xffff;
	[tilespmem:s31+$0x0] =	vst v4  }
0x3cf: {  	v50 =	vadd.s32 $0x11, v0;
	s22 =	sand.u32 $0x60, s2;
	s3 =	sand.u32 $0xFFFFFF80, s3;
	s25 =	sor.u32 s1, s19;
	v60 =	vld.idx.msk [tilespmem:v55+s26+$0x0], $0xffff;
	[tilespmem:s6+$0x0] =	vst v2  }
0x3d0: {  	v51 =	vadd.s32 $0x12, v0;
	s18 =	sor.u32 s1, s15;
	s23 =	sand.u32 $0x70, s4;
	s4 =	sand.u32 $0xFFFFFF80, s16;
	v4 =	vld.idx.msk [tilespmem:v48+s26+$0x0], $0xffff;
	[tilespmem:s14+$0x0] =	vst v3  }
0x3d1: {  	v52 =	vadd.s32 $0x13, v0;
	s19 =	sadd.s32 $0x7C80, s12;
	s17 =	sor.u32 s23, s4;
	s13 =	sadd.s32 $0x7C00, s12;
	v2 =	vld.idx.msk [tilespmem:v49+s26+$0x0], $0xffff;
	[tilespmem:s18+$0x0] =	vst v1  }
0x3d2: {  	v53 =	vadd.s32 $0x14, v0;
	s20 =	sor.u32 s22, s3;
	s30 =	sor.u32 s1, s29;
	s31 =	sadd.s32 s11, s13;
	v3 =	vld [tilespmem:s17+$0x1100];
	[tilespmem:s25+$0x0] =	vst v17  }
0x3d3: {  	v54 =	vadd.s32 $0x15, v0;
	s5 =	sadd.s32 s11, s19;
	s4 =	sor.u32 s1, s31;
	v1 =	vld [tilespmem:s20+$0x1100];
	s20 =	sadd.s32 $0x7D00, s12;
	[tilespmem:s30+$0x0] =	vst v15  }
0x3d4: {  	v56 =	vadd.s32 $0x17, v0;
	s6 =	sor.u32 s1, s5;
	v17 =	vld.idx.msk [tilespmem:v50+s26+$0x0], $0xffff;
	s25 =	sadd.s32 $0x7D80, s12;
	s7 =	sadd.s32 s11, s20;
	[tilespmem:s4+$0x0] =	vst v10  }
0x3d5: {  	v15 =	vld.idx.msk [tilespmem:v51+s26+$0x0], $0xffff;
	s8 =	sor.u32 s1, s7;
	s9 =	sadd.s32 s11, s25;
	[tilespmem:s6+$0x0] =	vst v13  }
0x3d6: {  	s28 =	sadd.s32 $0x7E00, s12;
	v10 =	vld.idx.msk [tilespmem:v52+s26+$0x0], $0xffff;
	s10 =	sor.u32 s1, s9;
	[tilespmem:s8+$0x0] =	vst v11  }
0x3d7: {  	s15 =	sadd.s32 s11, s28;
	v13 =	vld.idx.msk [tilespmem:v53+s26+$0x0], $0xffff;
	[tilespmem:s10+$0x0] =	vst v6  }
0x3d8: {  	s16 =	sor.u32 s1, s15;
	v11 =	vld.idx.msk [tilespmem:v54+s26+$0x0], $0xffff;
	[tilespmem:$0x1FBD0] =	vst v60  }
0x3d9: {  	[tilespmem:s16+$0x0] =	vst v5;
	v5 =	vld.idx.msk [tilespmem:v56+s26+$0x0], $0xffff  }
0x3da: {  	v57 =	vadd.s32 $0x18, v0;
	_ =	sdelay $0x3  }
0x3db: {  	[tilespmem:$0x1FBE0] =	vst v5  }
0x3dc: {  	v5 =	vld.idx.msk [tilespmem:v57+s26+$0x0], $0xffff  }
0x3dd: {  	v58 =	vadd.s32 $0x19, v0;
	s14 =	sadd.s32 $0x7E80, s12  }
0x3de: {  	s17 =	sadd.s32 s11, s14  }
0x3df: {  	s18 =	sor.u32 s1, s17  }
0x3e0: {  	[tilespmem:s18+$0x0] =	vst v38  }
0x3e1: {  	[tilespmem:$0x1FB50] =	vst v5  }
0x3e2: {  	v5 =	vld.idx.msk [tilespmem:v58+s26+$0x0], $0xffff  }
0x3e3: {  	v59 =	vadd.s32 $0x1A, v0;
	s30 =	sadd.s32 $0x7F00, s12  }
0x3e4: {  	s31 =	sadd.s32 s11, s30  }
0x3e5: {  	s4 =	sor.u32 s1, s31  }
0x3e6: {  	[tilespmem:s4+$0x0] =	vst v9  }
0x3e7: {  	[tilespmem:$0x1FB60] =	vst v5  }
0x3e8: {  	v5 =	vld.idx.msk [tilespmem:v59+s26+$0x0], $0xffff  }
0x3e9: {  	s29 =	sadd.s32 $0x7F80, s12;
	v6 =	vadd.s32 $0x1B, v0  }
0x3ea: {  	s5 =	sadd.s32 s11, s29  }
0x3eb: {  	s6 =	sor.u32 s1, s5  }
0x3ec: {  	[tilespmem:s6+$0x0] =	vst v8  }
0x3ed: {  	[tilespmem:$0x1FB70] =	vst v5  }
0x3ee: {  	v5 =	vld.idx.msk [tilespmem:v6+s26+$0x0], $0xffff  }
0x3ef: {  	v61 =	vadd.s32 $0x1C, v0;
	s18 =	sadd.s32 $0x8000, s12  }
0x3f0: {  	s7 =	sadd.s32 s11, s18  }
0x3f1: {  	s8 =	sor.u32 s1, s7  }
0x3f2: {  	[tilespmem:s8+$0x0] =	vst v7  }
0x3f3: {  	[tilespmem:$0x1FB80] =	vst v5  }
0x3f4: {  	v5 =	vld.idx.msk [tilespmem:v61+s26+$0x0], $0xffff  }
0x3f5: {  	v62 =	vadd.s32 $0x1D, v0;
	s31 =	sadd.s32 $0x8080, s12  }
0x3f6: {  	s9 =	sadd.s32 s11, s31  }
0x3f7: {  	s10 =	sor.u32 s1, s9  }
0x3f8: {  	[tilespmem:s10+$0x0] =	vst v37  }
0x3f9: {  	[tilespmem:$0x1FB90] =	vst v5  }
0x3fa: {  	v5 =	vld.idx.msk [tilespmem:v62+s26+$0x0], $0xffff  }
0x3fb: {  	s17 =	sadd.s32 $0x8100, s12;
	v9 =	vadd.s32 $0x1E, v0  }
0x3fc: {  	s15 =	sadd.s32 s11, s17  }
0x3fd: {  	s3 =	sor.u32 s1, s15  }
0x3fe: {  	[tilespmem:s3+$0x0] =	vst v36  }
0x3ff: {  	[tilespmem:$0x1FBA0] =	vst v5  }
0x400: {  	v5 =	vld.idx.msk [tilespmem:v9+s26+$0x0], $0xffff  }
0x401: {  	s16 =	sadd.s32 $0x8180, s12;
	v8 =	vadd.s32 $0x1F, v0  }
0x402: {  	s4 =	sadd.s32 s11, s16  }
0x403: {  	s5 =	sor.u32 s1, s4  }
0x404: {  	[tilespmem:s5+$0x0] =	vst v35  }
0x405: {  	[tilespmem:$0x1FBB0] =	vst v5  }
0x406: {  	v5 =	vld.idx.msk [tilespmem:v8+s26+$0x0], $0xffff  }
0x407: {  	s15 =	sadd.s32 $0x8200, s12  }
0x408: {  	s6 =	sadd.s32 s11, s15  }
0x409: {  	s7 =	sor.u32 s1, s6;
	s10 =	sadd.s32 $0x8280, s12  }
0x40a: {  	s8 =	sadd.s32 $0x8300, s12;
	s9 =	sadd.s32 s11, s10;
	[tilespmem:s7+$0x0] =	vst v34  }
0x40b: {  	s4 =	sor.u32 s1, s9;
	s9 =	sadd.s32 $0x8380, s12;
	s5 =	sadd.s32 s11, s8;
	[tilespmem:$0x1FBC0] =	vst v5  }
0x40c: {  	s6 =	sadd.s32 s11, s9;
	s3 =	sor.u32 s1, s5;
	s7 =	sadd.s32 $0x8400, s12;
	[tilespmem:s4+$0x0] =	vst v33  }
0x40d: {  	s2 =	sor.u32 s1, s6;
	s4 =	sadd.s32 s11, s7;
	[tilespmem:s3+$0x0] =	vst v31  }
0x40e: {  	s12 =	sadd.s32 $0x8480, s12;
	s5 =	sor.u32 s1, s4;
	[tilespmem:s2+$0x0] =	vst v32  }
0x40f: {  	s6 =	sadd.s32 s11, s12;
	s11 =	sld [smem:$0x7AC];
	[tilespmem:s5+$0x0] =	vst v30  }
0x410: {  	v0 =	vld.idx.msk [tilespmem:v0+s26+$0x0], $0xffff;
	s1 =	sor.u32 s1, s6;
	s2 =	sld [smem:$0x7AD]  }
0x411: {  	[tilespmem:s1+$0x0] =	vst v29  }
0x412: {  	s1 =	sld [smem:$0x7AE];
	s11 =	sand.u32 $0xFFFFFF80, s11  }
0x413: {  	s2 =	sadd.s32 s11, s2  }
0x414: {  	s2 =	sor.u32 s0, s2  }
0x415: {  	s1 =	sadd.s32 s11, s1;
	[tilespmem:s2+$0x0] =	vst v0  }
0x416: {  	s1 =	sor.u32 s0, s1;
	s2 =	sld [smem:$0x7AF]  }
0x417: {  	[tilespmem:s1+$0x0] =	vst v28  }
0x418: {  	s1 =	sld [smem:$0x7B0]  }
0x419: {  	s2 =	sadd.s32 s11, s2  }
0x41a: {  	v6 =	vadd.s32 $0x1, v3;
	s4 =	sld [smem:$0x7B1];
	s2 =	sor.u32 s0, s2  }
0x41b: {  	v7 =	vadd.s32 $0x2, v3;
	s1 =	sadd.s32 s11, s1;
	[tilespmem:s2+$0x0] =	vst v27  }
0x41c: {  	v8 =	vadd.s32 $0x3, v3;
	s1 =	sor.u32 s0, s1;
	s2 =	sld [smem:$0x7B2]  }
0x41d: {  	v9 =	vadd.s32 $0x4, v3;
	s3 =	sadd.s32 s11, s4;
	s5 =	sld [smem:$0x7B3];
	[tilespmem:s1+$0x0] =	vst v26  }
0x41e: {  	v63 =	vadd.s32 $0x5, v3;
	s3 =	sor.u32 s0, s3;
	s1 =	sld [smem:$0x7B4]  }
0x41f: {  	v34 =	vld.idx.msk [tilespmem:v6+s26+$0x0], $0xffff;
	s6 =	sld [smem:$0x7B5];
	[tilespmem:s3+$0x0] =	vst v25  }
0x420: {  	v6 =	vadd.s32 $0x6, v3;
	v35 =	vld.idx.msk [tilespmem:v7+s26+$0x0], $0xffff;
	s3 =	sld [smem:$0x7B6];
	s2 =	sadd.s32 s11, s2  }
0x421: {  	v7 =	vadd.s32 $0x7, v3;
	v38 =	vld.idx.msk [tilespmem:v8+s26+$0x0], $0xffff;
	s4 =	sadd.s32 s11, s5;
	s1 =	sadd.s32 s11, s1;
	s2 =	sor.u32 s0, s2  }
0x422: {  	v8 =	vadd.s32 $0x8, v3;
	v40 =	vld.idx.msk [tilespmem:v9+s26+$0x0], $0xffff;
	s5 =	sadd.s32 s11, s6;
	s6 =	sld [smem:$0x7B7];
	s4 =	sor.u32 s0, s4;
	[tilespmem:s2+$0x0] =	vst v24  }
0x423: {  	v43 =	vld.idx.msk [tilespmem:v63+s26+$0x0], $0xffff;
	v0 =	vadd.s32 $0x9, v3;
	s3 =	sadd.s32 s11, s3;
	s1 =	sor.u32 s0, s1;
	s2 =	sld [smem:$0x7B8];
	[tilespmem:s4+$0x0] =	vst v20  }
0x424: {  	v9 =	vadd.s32 $0xA, v3;
	v31 =	vld.idx.msk [tilespmem:v3+s26+$0x0], $0xffff;
	s4 =	sadd.s32 s11, s13;
	s13 =	sadd.s32 s11, s20;
	s20 =	sor.u32 s0, s5;
	[tilespmem:s1+$0x0] =	vst v21  }
0x425: {  	v45 =	vld.idx.msk [tilespmem:v6+s26+$0x0], $0xffff;
	v6 =	vadd.s32 $0xB, v3;
	s3 =	sor.u32 s0, s3;
	s6 =	sadd.s32 s11, s6;
	[tilespmem:s20+$0x0] =	vst v22  }
0x426: {  	v47 =	vld.idx.msk [tilespmem:v7+s26+$0x0], $0xffff;
	v7 =	vadd.s32 $0xC, v3;
	s24 =	sadd.s32 s11, s24;
	s6 =	sor.u32 s0, s6;
	s2 =	sadd.s32 s11, s2;
	[tilespmem:s3+$0x0] =	vst v23  }
0x427: {  	v48 =	vld.idx.msk [tilespmem:v8+s26+$0x0], $0xffff;
	v8 =	vadd.s32 $0xD, v3;
	s3 =	sadd.s32 s11, s14;
	s14 =	sadd.s32 s11, s30;
	s30 =	sor.u32 s0, s24;
	[tilespmem:s6+$0x0] =	vst v19  }
0x428: {  	s21 =	sadd.s32 s11, s21;
	v50 =	vld.idx.msk [tilespmem:v0+s26+$0x0], $0xffff;
	v0 =	vadd.s32 $0xE, v3;
	s2 =	sor.u32 s0, s2;
	[tilespmem:s30+$0x0] =	vst v18  }
0x429: {  	v51 =	vld.idx.msk [tilespmem:v9+s26+$0x0], $0xffff;
	v9 =	vadd.s32 $0xF, v3;
	s1 =	sadd.s32 s11, s25;
	s25 =	sor.u32 s0, s21;
	[tilespmem:s2+$0x0] =	vst v16  }
0x42a: {  	s19 =	sadd.s32 s11, s19;
	v52 =	vld.idx.msk [tilespmem:v6+s26+$0x0], $0xffff;
	v6 =	vadd.s32 $0x10, v3;
	s4 =	sor.u32 s0, s4;
	[tilespmem:s25+$0x0] =	vst v14  }
0x42b: {  	v53 =	vld.idx.msk [tilespmem:v7+s26+$0x0], $0xffff;
	v7 =	vadd.s32 $0x11, v3;
	s20 =	sadd.s32 s11, s31;
	s31 =	sor.u32 s0, s19;
	[tilespmem:s4+$0x0] =	vst v12  }
0x42c: {  	v54 =	vld.idx.msk [tilespmem:v8+s26+$0x0], $0xffff;
	v8 =	vadd.s32 $0x12, v3;
	[tilespmem:s31+$0x0] =	vst v4  }
0x42d: {  	v55 =	vld.idx.msk [tilespmem:v0+s26+$0x0], $0xffff;
	v0 =	vadd.s32 $0x13, v3;
	s4 =	sld [smem:$0x7E4]  }
0x42e: {  	s18 =	sadd.s32 s11, s18;
	v56 =	vld.idx.msk [tilespmem:v9+s26+$0x0], $0xffff;
	v9 =	vadd.s32 $0x14, v3  }
0x42f: {  	s17 =	sadd.s32 s11, s17;
	s15 =	sadd.s32 s11, s15;
	s10 =	sadd.s32 s11, s10;
	v57 =	vld.idx.msk [tilespmem:v6+s26+$0x0], $0xffff;
	v6 =	vadd.s32 $0x15, v3  }
0x430: {  	s9 =	sadd.s32 s11, s9;
	v58 =	vld.idx.msk [tilespmem:v7+s26+$0x0], $0xffff;
	v7 =	vadd.s32 $0x16, v3;
	s5 =	sadd.s32 s11, s28;
	s4 =	sadd.s32 $0x14, s4  }
0x431: {  	v59 =	vld.idx.msk [tilespmem:v8+s26+$0x0], $0xffff;
	s30 =	sadd.s32 s11, s7;
	s7 =	sor.u32 s0, s13;
	[smem:$0x7B9] =	sst s4  }
0x432: {  	s1 =	sor.u32 s0, s1;
	s19 =	sor.u32 s0, s10;
	s24 =	sadd.s32 s11, s16;
	v60 =	vld.idx.msk [tilespmem:v0+s26+$0x0], $0xffff;
	[tilespmem:s7+$0x0] =	vst v2  }
0x433: {  	s6 =	sadd.s32 s11, s29;
	s29 =	sadd.s32 s11, s8;
	s8 =	sor.u32 s0, s5;
	v61 =	vld.idx.msk [tilespmem:v9+s26+$0x0], $0xffff;
	[tilespmem:s1+$0x0] =	vst v17  }
0x434: {  	v8 =	vadd.s32 $0x17, v3;
	s11 =	sadd.s32 s11, s12;
	s12 =	sor.u32 s0, s14;
	s14 =	sor.u32 s0, s18;
	v63 =	vld.idx.msk [tilespmem:v6+s26+$0x0], $0xffff;
	[tilespmem:s8+$0x0] =	vst v15  }
0x435: {  	s18 =	sor.u32 s0, s20;
	s20 =	sor.u32 s0, s29;
	v0 =	vld.idx.msk [tilespmem:v7+s26+$0x0], $0xffff;
	[dreg:$0xf] =	wrdreg s19  }
0x436: {  	s3 =	sor.u32 s0, s3;
	v4 =	vadd.s32 $0x18, v3;
	[dreg:$0xd] =	wrdreg s20  }
0x437: {  	[tilespmem:s3+$0x0] =	vst v10  }
0x438: {  	s7 =	sor.u32 s0, s24;
	s24 =	sor.u32 s0, s9;
	[tilespmem:s12+$0x0] =	vst v13  }
0x439: {  	s25 =	sor.u32 s0, s30;
	v62 =	vld.idx.msk [tilespmem:v8+s26+$0x0], $0xffff;
	[dreg:$0xb] =	wrdreg s24  }
0x43a: {  	s13 =	sor.u32 s0, s6;
	[dreg:$0x9] =	wrdreg s25  }
0x43b: {  	v2 =	vld.idx.msk [tilespmem:v4+s26+$0x0], $0xffff;
	[tilespmem:s13+$0x0] =	vst v11  }
0x43c: {  	v4 =	vld [tilespmem:$0x1FBD0]  }
0x43d: {  	v49 =	vadd.s32 $0x1, v1;
	v44 =	vadd.s32 $0x2, v1  }
0x43e: {  	v46 =	vadd.s32 $0x3, v1;
	v41 =	vadd.s32 $0x4, v1;
	v42 =	vadd.s32 $0x5, v1  }
0x43f: {  	v39 =	vadd.s32 $0x7, v1;
	v37 =	vadd.s32 $0x6, v1;
	v36 =	vadd.s32 $0x9, v1;
	s4 =	sor.u32 s0, s17;
	s8 =	sor.u32 s0, s15;
	s0 =	sor.u32 s0, s11  }
0x440: {  	v5 =	vadd.s32 $0x1B, v3;
	v33 =	vadd.s32 $0x8, v1;
	v32 =	vadd.s32 $0xB, v1;
	[smem:$0x7BA] =	sst s0  }
0x441: {  	v30 =	vadd.s32 $0xA, v1;
	v29 =	vadd.s32 $0xD, v1;
	v12 =	vadd.s32 $0x19, v3;
	[tilespmem:s14+$0x0] =	vst v4  }
0x442: {  	v28 =	vadd.s32 $0xC, v1;
	v27 =	vadd.s32 $0xF, v1;
	v26 =	vadd.s32 $0x15, v1;
	v10 =	vld [tilespmem:$0x1FBE0]  }
0x443: {  	v25 =	vadd.s32 $0xE, v1;
	v24 =	vadd.s32 $0x11, v1;
	v14 =	vadd.s32 $0x1A, v3  }
0x444: {  	v20 =	vadd.s32 $0x16, v1;
	v21 =	vadd.s32 $0x13, v1;
	v22 =	vadd.s32 $0x10, v1  }
0x445: {  	v23 =	vadd.s32 $0x17, v1;
	v19 =	vadd.s32 $0x12, v1;
	v9 =	vadd.s32 $0x1D, v3  }
0x446: {  	s29 =	simm.s32 $0x20;
	v7 =	vadd.s32 $0x1E, v3;
	v6 =	vadd.s32 $0x1F, v3;
	v8 =	vadd.s32 $0x1C, v3;
	v3 =	vld.idx.msk [tilespmem:v12+s26+$0x0], $0xffff  }
0x447: {  	s28 =	simm.s32 $0x40;
	v18 =	vadd.s32 $0x18, v1;
	v16 =	vadd.s32 $0x14, v1;
	s30 =	sand.u32 $0xFFFFFF80, s29;
	v5 =	vld.idx.msk [tilespmem:v5+s26+$0x0], $0xffff;
	[tilespmem:s18+$0x0] =	vst v10;
	v10 =	vadd.s32 $0x1E, v1  }
0x448: {  	s2 =	simm.s32 $0x2;
	s16 =	ssub.s32 $0x20, s30;
	s31 =	simm.s32 $0x400;
	v17 =	vadd.s32 $0x19, v1;
	v15 =	vadd.s32 $0x1B, v1;
	v4 =	vld.idx.msk [tilespmem:v14+s26+$0x0], $0xffff;
	[tilespmem:$0x1FBF0] =	vst v10;
	v10 =	vadd.s32 $0x1F, v1  }
0x449: {  	s1 =	simm.s32 $0x2;
	s3 =	sand.u32 $0x3FFFF000, s31;
	v13 =	vadd.s32 $0x1D, v1;
	s0 =	sadd.s32 $0x10, s16;
	v12 =	vadd.s32 $0x1C, v1;
	v14 =	vadd.s32 $0x1A, v1;
	[tilespmem:$0x1FC00] =	vst v10  }
.LBB2_11:
0x44a: {  	v10 =	vld [tilespmem:$0x1FB50];
	_ =	sdelay $0x4  }
0x44b: {  	[tilespmem:s4+$0x0] =	vst v10;
	v10 =	vld [tilespmem:$0x1FB60];
	_ =	sdelay $0x3  }
0x44c: {  	v8 =	vld.idx.msk [tilespmem:v8+s26+$0x0], $0xffff  }
0x44d: {  	s9 =	sadd.s32 $0x7500, s3;
	s15 =	sand.u32 $0xFFFFFF80, s0;
	[tilespmem:s7+$0x0] =	vst v10;
	v10 =	vld [tilespmem:$0x1FB70]  }
0x44e: {  	[dreg:$0x11] =	wrdreg s2;
	s19 =	sadd.s32 $0x7580, s3;
	v9 =	vld.idx.msk [tilespmem:v9+s26+$0x0], $0xffff;
	s29 =	sadd.s32 s15, s9  }
0x44f: {  	s25 =	rddreg [dreg:$0x3];
	v7 =	vld.idx.msk [tilespmem:v7+s26+$0x0], $0xffff;
	s30 =	sadd.s32 s15, s19;
	s0 =	sor.u32 s23, s29  }
0x450: {  	v6 =	vld.idx.msk [tilespmem:v6+s26+$0x0], $0xffff;
	s5 =	sadd.s32 s28, s25;
	s25 =	sadd.s32 $0x7600, s3;
	s2 =	sor.u32 s23, s30;
	[tilespmem:s0+$0x0] =	vst v31  }
0x451: {  	s24 =	sadd.s32 $0x10, s28;
	s31 =	sadd.s32 $0x7680, s3;
	s6 =	sadd.s32 s15, s25;
	[tilespmem:s2+$0x0] =	vst v34  }
0x452: {  	s10 =	sadd.s32 s15, s31;
	s7 =	sadd.s32 $0x7700, s3;
	[tilespmem:s8+$0x0] =	vst v10;
	s8 =	sor.u32 s23, s6  }
0x453: {  	s11 =	sadd.s32 $0x7780, s3;
	s12 =	sor.u32 s23, s10;
	s13 =	sadd.s32 s15, s7;
	v10 =	vld.idx.msk [tilespmem:v49+s26+$0x0], $0xffff;
	[tilespmem:s8+$0x0] =	vst v35  }
0x454: {  	s17 =	sadd.s32 $0x7800, s3;
	s20 =	sadd.s32 s15, s11;
	s14 =	sor.u32 s23, s13;
	[tilespmem:s12+$0x0] =	vst v38  }
0x455: {  	[smem:$0x789] =	sst s24;
	s24 =	sadd.s32 s15, s17;
	s21 =	sor.u32 s23, s20;
	v28 =	vld.idx.msk [tilespmem:v28+s26+$0x0], $0xffff;
	[tilespmem:s14+$0x0] =	vst v40  }
0x456: {  	s18 =	sadd.s32 $0x7880, s3;
	s30 =	sor.u32 s23, s24;
	v25 =	vld.idx.msk [tilespmem:v25+s26+$0x0], $0xffff;
	[tilespmem:s21+$0x0] =	vst v43  }
0x457: {  	[smem:$0x78A] =	sst s31;
	s31 =	sadd.s32 s15, s18;
	v22 =	vld.idx.msk [tilespmem:v22+s26+$0x0], $0xffff;
	[tilespmem:s30+$0x0] =	vst v45  }
0x458: {  	[dreg:$0x13] =	wrdreg s1;
	s1 =	sor.u32 s23, s31;
	v19 =	vld.idx.msk [tilespmem:v19+s26+$0x0], $0xffff;
	[tilespmem:$0x1F9F0] =	vst v10  }
0x459: {  	v16 =	vld.idx.msk [tilespmem:v16+s26+$0x0], $0xffff;
	[tilespmem:s1+$0x0] =	vst v47  }
0x45a: {  	[tilespmem:$0x1FA80] =	vst v28  }
0x45b: {  	[smem:$0x78C] =	sst s11;
	s29 =	sadd.s32 $0x7900, s3;
	s24 =	sadd.s32 $0x7980, s3;
	[tilespmem:$0x1FAA0] =	vst v25  }
0x45c: {  	s10 =	sadd.s32 $0x7A80, s3;
	s20 =	sadd.s32 $0x7B80, s3;
	[smem:$0x78D] =	sst s29;
	[tilespmem:$0x1FAC0] =	vst v22  }
0x45d: {  	s31 =	sadd.s32 $0x7C00, s3;
	s4 =	sadd.s32 s15, s29;
	[smem:$0x78B] =	sst s7;
	[tilespmem:$0x1FAE0] =	vst v19  }
0x45e: {  	s7 =	sor.u32 s23, s4;
	s6 =	sadd.s32 $0x7A00, s3;
	s8 =	sadd.s32 s15, s24;
	v10 =	vld.idx.msk [tilespmem:v44+s26+$0x0], $0xffff;
	[tilespmem:$0x1FB00] =	vst v16  }
0x45f: {  	[smem:$0x78F] =	sst s10;
	s11 =	sor.u32 s23, s8;
	s12 =	sadd.s32 s15, s6;
	[tilespmem:s7+$0x0] =	vst v48  }
0x460: {  	[smem:$0x790] =	sst s20;
	s13 =	sor.u32 s23, s12;
	s14 =	sadd.s32 s15, s10;
	[tilespmem:s11+$0x0] =	vst v50  }
0x461: {  	[smem:$0x791] =	sst s31;
	s21 =	sadd.s32 $0x7B00, s3;
	s29 =	sor.u32 s23, s14;
	[tilespmem:s13+$0x0] =	vst v51  }
0x462: {  	[smem:$0x78E] =	sst s6;
	s8 =	sadd.s32 $0x7C80, s3;
	s30 =	sadd.s32 s15, s21;
	[tilespmem:s29+$0x0] =	vst v52  }
0x463: {  	[smem:$0x792] =	sst s8;
	s6 =	sor.u32 s23, s30;
	s7 =	sadd.s32 s15, s20;
	[tilespmem:$0x1FA00] =	vst v10  }
0x464: {  	s12 =	sadd.s32 $0x7D00, s3;
	s10 =	sor.u32 s23, s7;
	s11 =	sadd.s32 s15, s31;
	v10 =	vld.idx.msk [tilespmem:v46+s26+$0x0], $0xffff;
	[tilespmem:s6+$0x0] =	vst v53  }
0x465: {  	[smem:$0x793] =	sst s12;
	s14 =	sadd.s32 s15, s8;
	s13 =	sor.u32 s23, s11;
	[tilespmem:s10+$0x0] =	vst v54  }
0x466: {  	s30 =	sadd.s32 s15, s12;
	s20 =	sadd.s32 $0x7D80, s3;
	s29 =	sor.u32 s23, s14;
	[tilespmem:s13+$0x0] =	vst v55  }
0x467: {  	s1 =	sor.u32 s23, s30;
	[smem:$0x794] =	sst s20;
	s31 =	sadd.s32 $0x7E00, s3;
	[tilespmem:s29+$0x0] =	vst v56  }
0x468: {  	s4 =	sadd.s32 s15, s20;
	[smem:$0x795] =	sst s31;
	[tilespmem:s1+$0x0] =	vst v57  }
0x469: {  	s7 =	sor.u32 s23, s4;
	s8 =	sadd.s32 s15, s31;
	s6 =	sadd.s32 $0x7E80, s3;
	[tilespmem:$0x1FA10] =	vst v10  }
0x46a: {  	s31 =	sadd.s32 $0x7F00, s3;
	s10 =	sor.u32 s23, s8;
	s11 =	sadd.s32 s15, s6;
	v10 =	vld.idx.msk [tilespmem:v41+s26+$0x0], $0xffff;
	[tilespmem:s7+$0x0] =	vst v58  }
0x46b: {  	s20 =	sadd.s32 $0x7F80, s3;
	s12 =	sor.u32 s23, s11;
	s13 =	sadd.s32 s15, s31;
	[tilespmem:s10+$0x0] =	vst v59  }
0x46c: {  	v16 =	vld.idx.msk [tilespmem:v26+s26+$0x0], $0xffff;
	s14 =	sor.u32 s23, s13;
	s29 =	sadd.s32 s15, s20;
	[tilespmem:s12+$0x0] =	vst v60  }
0x46d: {  	s30 =	sadd.s32 $0x8000, s3;
	s1 =	sor.u32 s23, s29;
	[tilespmem:s14+$0x0] =	vst v61  }
0x46e: {  	v11 =	vld.idx.msk [tilespmem:v36+s26+$0x0], $0xffff;
	s2 =	sadd.s32 s15, s30;
	[tilespmem:s1+$0x0] =	vst v63  }
0x46f: {  	s4 =	sor.u32 s23, s2;
	s10 =	sadd.s32 $0x8080, s3;
	[tilespmem:$0x1FA20] =	vst v10;
	v10 =	vld.idx.msk [tilespmem:v42+s26+$0x0], $0xffff  }
0x470: {  	[smem:$0x796] =	sst s6;
	s6 =	sadd.s32 $0x8100, s3;
	s7 =	sadd.s32 s15, s10;
	[tilespmem:s4+$0x0] =	vst v0;
	v0 =	vld.idx.msk [tilespmem:v23+s26+$0x0], $0xffff  }
0x471: {  	v28 =	vld.idx.msk [tilespmem:v29+s26+$0x0], $0xffff;
	[tilespmem:$0x1FB10] =	vst v16;
	s13 =	sadd.s32 s15, s6;
	s8 =	sor.u32 s23, s7  }
0x472: {  	v25 =	vld.idx.msk [tilespmem:v27+s26+$0x0], $0xffff;
	s14 =	sor.u32 s23, s13;
	[tilespmem:s8+$0x0] =	vst v62  }
0x473: {  	v22 =	vld.idx.msk [tilespmem:v24+s26+$0x0], $0xffff;
	s11 =	sadd.s32 $0x8180, s3;
	[tilespmem:s14+$0x0] =	vst v2  }
0x474: {  	s29 =	sadd.s32 s15, s11;
	s12 =	sadd.s32 $0x8200, s3;
	[tilespmem:$0x1FA30] =	vst v10;
	v10 =	vld.idx.msk [tilespmem:v37+s26+$0x0], $0xffff  }
0x475: {  	s13 =	sadd.s32 $0x8280, s3;
	s1 =	sor.u32 s23, s29;
	s4 =	sadd.s32 s15, s12;
	[tilespmem:$0x1FB30] =	vst v0;
	v0 =	vld.idx.msk [tilespmem:v18+s26+$0x0], $0xffff  }
0x476: {  	v19 =	vld.idx.msk [tilespmem:v21+s26+$0x0], $0xffff;
	s7 =	sor.u32 s23, s4;
	s8 =	sadd.s32 s15, s13;
	[tilespmem:s1+$0x0] =	vst v3  }
0x477: {  	s1 =	sor.u32 s23, s8;
	[tilespmem:s7+$0x0] =	vst v4;
	v4 =	vld [tilespmem:$0x1FBF0]  }
0x478: {  	s2 =	sadd.s32 $0x8300, s3;
	[tilespmem:s1+$0x0] =	vst v5;
	v5 =	vld [tilespmem:$0x1FC00]  }
0x479: {  	s29 =	sadd.s32 s15, s2;
	s14 =	sadd.s32 $0x8380, s3;
	[tilespmem:$0x1FA40] =	vst v10;
	v10 =	vld.idx.msk [tilespmem:v39+s26+$0x0], $0xffff  }
0x47a: {  	s0 =	sadd.s32 $0x8400, s3;
	s4 =	sor.u32 s23, s29;
	s7 =	sadd.s32 s15, s14;
	[tilespmem:$0x1FB50] =	vst v0;
	v0 =	vld.idx.msk [tilespmem:v17+s26+$0x0], $0xffff  }
0x47b: {  	v16 =	vld.idx.msk [tilespmem:v20+s26+$0x0], $0xffff;
	s29 =	sadd.s32 s15, s0;
	s8 =	sor.u32 s23, s7;
	[tilespmem:s4+$0x0] =	vst v8  }
0x47c: {  	v2 =	vld.idx.msk [tilespmem:v12+s26+$0x0], $0xffff;
	[tilespmem:s8+$0x0] =	vst v9;
	s8 =	sor.u32 s23, s29  }
0x47d: {  	s3 =	sadd.s32 $0x8480, s3;
	v3 =	vld.idx.msk [tilespmem:v13+s26+$0x0], $0xffff;
	[tilespmem:s8+$0x0] =	vst v7  }
0x47e: {  	s29 =	sadd.s32 s15, s3;
	[tilespmem:$0x1FA50] =	vst v10;
	v10 =	vld.idx.msk [tilespmem:v33+s26+$0x0], $0xffff  }
0x47f: {  	s1 =	sor.u32 s23, s29;
	[tilespmem:$0x1FB60] =	vst v0;
	v0 =	vld.idx.msk [tilespmem:v14+s26+$0x0], $0xffff  }
0x480: {  	[tilespmem:s1+$0x0] =	vst v6;
	v6 =	vld [tilespmem:$0x1FB80]  }
0x481: {  	v4 =	vld.idx.msk [tilespmem:v4+s26+$0x0], $0xffff  }
0x482: {  	v7 =	vld.idx.msk [tilespmem:v5+s26+$0x0], $0xffff  }
0x483: {  	s7 =	smov.u32 s5;
	[tilespmem:$0x1FA60] =	vst v10;
	v10 =	vld.idx.msk [tilespmem:v30+s26+$0x0], $0xffff  }
0x484: {  	s29 =	sadd.s32 $0xA00, s7;
	s7 =	rddreg [dreg:$0xf];
	v30 =	vld.idx.msk [tilespmem:v32+s26+$0x0], $0xffff;
	[tilespmem:$0x1FB70] =	vst v0  }
0x485: {  	v0 =	vld.idx.msk [tilespmem:v15+s26+$0x0], $0xffff;
	[tilespmem:s7+$0x0] =	vst v6  }
0x486: {  	v6 =	vld.idx.msk [tilespmem:v1+s26+$0x0], $0xffff  }
0x487: {  	v1 =	vld [tilespmem:$0x1FB90];
	_ =	sdelay $0x2  }
0x488: {  	s1 =	sand.u32 $0xFFFFFF80, s16  }
0x489: {  	s7 =	sadd.s32 s1, s9;
	s9 =	rddreg [dreg:$0xd]  }
0x48a: {  	[tilespmem:s9+$0x0] =	vst v1;
	v1 =	vmov v0;
	v0 =	vld [tilespmem:$0x1FBA0]  }
0x48b: {  	s8 =	sld [smem:$0x789]  }
0x48c: {  	s15 =	sand.u32 $0x60, s28;
	s4 =	sand.u32 $0xFFFFFF80, s29  }
0x48d: {  	s4 =	sor.u32 s15, s4  }
0x48e: {  	s23 =	sand.u32 $0x70, s8;
	s8 =	sadd.s32 s1, s19;
	s19 =	rddreg [dreg:$0xb];
	[tilespmem:$0x1FB80] =	vst v1  }
0x48f: {  	v1 =	vld [tilespmem:s4+$0x1100];
	[tilespmem:s19+$0x0] =	vst v0;
	v0 =	vmov v2  }
0x490: {  	[tilespmem:$0x1FB90] =	vst v0;
	v0 =	vld [tilespmem:$0x1FBB0];
	_ =	sdelay $0x3  }
0x491: {  	s29 =	rddreg [dreg:$0x9]  }
0x492: {  	[tilespmem:s29+$0x0] =	vst v0;
	v0 =	vmov v3  }
0x493: {  	[smem:$0x7A3] =	sst s15;
	[tilespmem:$0x1FBA0] =	vst v0;
	v0 =	vld [tilespmem:$0x1FBC0]  }
0x494: {  	s16 =	sld [smem:$0x78B]  }
0x495: {  	s29 =	sld [smem:$0x7BA]  }
0x496: {  	s15 =	sld [smem:$0x78A]  }
0x497: {  	s19 =	sadd.s32 s1, s17;
	s17 =	sld [smem:$0x78D]  }
0x498: {  	s5 =	sadd.s32 $0xA10, s5;
	[tilespmem:s29+$0x0] =	vst v0;
	s29 =	sld [smem:$0x78F]  }
0x499: {  	s5 =	sand.u32 $0xFFFFFF80, s5  }
0x49a: {  	s5 =	sor.u32 s23, s5;
	s9 =	sadd.s32 s1, s15;
	s15 =	sadd.s32 s1, s16  }
0x49b: {  	v5 =	vld [tilespmem:s5+$0x1100];
	s16 =	sadd.s32 s1, s17;
	s17 =	sadd.s32 s1, s29;
	s29 =	sld [smem:$0x790]  }
0x49c: {  	s21 =	sadd.s32 s1, s21  }
0x49d: {  	[smem:$0x797] =	sst s21  }
0x49e: {  	s21 =	sadd.s32 s1, s29;
	s29 =	sld [smem:$0x791];
	_ =	sdelay $0x1  }
0x49f: {  	v2 =	vmov v7;
	v7 =	vadd.s32 $0x5, v5;
	[smem:$0x798] =	sst s21  }
0x4a0: {  	s21 =	sadd.s32 s1, s29;
	s29 =	sld [smem:$0x792];
	_ =	sdelay $0x2  }
0x4a1: {  	s29 =	sadd.s32 s1, s29  }
0x4a2: {  	v43 =	vld.idx.msk [tilespmem:v7+s26+$0x0], $0xffff;
	[smem:$0x799] =	sst s29  }
0x4a3: {  	v7 =	vld [tilespmem:$0x1F9F0];
	s29 =	sld [smem:$0x793];
	_ =	sdelay $0x2  }
0x4a4: {  	s7 =	sor.u32 s22, s7;
	s29 =	sadd.s32 s1, s29  }
0x4a5: {  	s8 =	sor.u32 s22, s8;
	[tilespmem:s7+$0x0] =	vst v6;
	[smem:$0x79A] =	sst s29  }
0x4a6: {  	[tilespmem:s8+$0x0] =	vst v7;
	v7 =	vld [tilespmem:$0x1FA00];
	s29 =	sld [smem:$0x794];
	_ =	sdelay $0x2  }
0x4a7: {  	s4 =	sadd.s32 s1, s25;
	s29 =	sadd.s32 s1, s29  }
0x4a8: {  	s4 =	sor.u32 s22, s4;
	[smem:$0x79B] =	sst s29  }
0x4a9: {  	[tilespmem:s4+$0x0] =	vst v7;
	v7 =	vld [tilespmem:$0x1FA10];
	s29 =	sld [smem:$0x795];
	_ =	sdelay $0x1  }
0x4aa: {  	s20 =	sadd.s32 s1, s20  }
0x4ab: {  	[smem:$0x79E] =	sst s20;
	s29 =	sadd.s32 s1, s29  }
0x4ac: {  	s20 =	sadd.s32 s1, s10;
	s10 =	sor.u32 s22, s9;
	[smem:$0x79C] =	sst s29  }
0x4ad: {  	[tilespmem:s10+$0x0] =	vst v7;
	v7 =	vld [tilespmem:$0x1FA20];
	s29 =	sld [smem:$0x796];
	_ =	sdelay $0x2  }
0x4ae: {  	s29 =	sadd.s32 s1, s29  }
0x4af: {  	[smem:$0x79D] =	sst s29;
	s29 =	sadd.s32 s1, s13;
	s13 =	sor.u32 s22, s15  }
0x4b0: {  	s25 =	sld [smem:$0x78C];
	[tilespmem:s13+$0x0] =	vst v7;
	v7 =	vld [tilespmem:$0x1FA30];
	_ =	sdelay $0x2  }
0x4b1: {  	s5 =	sadd.s32 s1, s25  }
0x4b2: {  	s5 =	sor.u32 s22, s5  }
0x4b3: {  	[tilespmem:s5+$0x0] =	vst v7;
	v7 =	vld [tilespmem:$0x1FA40];
	_ =	sdelay $0x1  }
0x4b4: {  	s6 =	sadd.s32 s1, s6  }
0x4b5: {  	[smem:$0x79F] =	sst s6  }
0x4b6: {  	s6 =	sadd.s32 s1, s11;
	s11 =	sadd.s32 s1, s14;
	s14 =	sor.u32 s22, s19  }
0x4b7: {  	[tilespmem:s14+$0x0] =	vst v7;
	v7 =	vld [tilespmem:$0x1FA50];
	_ =	sdelay $0x2  }
0x4b8: {  	s18 =	sadd.s32 s1, s18;
	s0 =	sadd.s32 s1, s0  }
0x4b9: {  	[smem:$0x7A1] =	sst s0;
	s0 =	sor.u32 s22, s18  }
0x4ba: {  	[tilespmem:s0+$0x0] =	vst v7;
	v7 =	vadd.s32 $0x1E, v1  }
0x4bb: {  	[tilespmem:$0x1FBF0] =	vst v7;
	v7 =	vld [tilespmem:$0x1FA60];
	_ =	sdelay $0x2  }
0x4bc: {  	s2 =	sadd.s32 s1, s2;
	[tilespmem:$0x1FA70] =	vst v30;
	v0 =	vmov v4  }
0x4bd: {  	[smem:$0x7A0] =	sst s2;
	s2 =	sor.u32 s22, s16;
	[tilespmem:$0x1FBB0] =	vst v0  }
0x4be: {  	s25 =	sld [smem:$0x78E];
	v0 =	vadd.s32 $0x1, v5;
	[tilespmem:s2+$0x0] =	vst v7;
	v7 =	vadd.s32 $0x1F, v1  }
0x4bf: {  	[tilespmem:$0x1FC00] =	vst v7;
	v7 =	vld [tilespmem:$0x1FA70]  }
0x4c0: {  	s24 =	sadd.s32 s1, s24;
	s3 =	sadd.s32 s1, s3  }
0x4c1: {  	[smem:$0x7A2] =	sst s3;
	s3 =	sor.u32 s22, s24;
	s25 =	sadd.s32 s1, s25;
	[tilespmem:$0x1FBC0] =	vst v2  }
0x4c2: {  	s24 =	sor.u32 s22, s25;
	v2 =	vadd.s32 $0x2, v5;
	[tilespmem:s3+$0x0] =	vst v11  }
0x4c3: {  	s18 =	sor.u32 s22, s17;
	v34 =	vld.idx.msk [tilespmem:v0+s26+$0x0], $0xffff;
	v0 =	vadd.s32 $0x6, v5;
	[tilespmem:s24+$0x0] =	vst v10  }
0x4c4: {  	[tilespmem:s18+$0x0] =	vst v7;
	v7 =	vld [tilespmem:$0x1FA80]  }
0x4c5: {  	s17 =	sld [smem:$0x797];
	_ =	sdelay $0x1  }
0x4c6: {  	v35 =	vld.idx.msk [tilespmem:v2+s26+$0x0], $0xffff;
	v2 =	vadd.s32 $0x7, v5  }
0x4c7: {  	[tilespmem:$0x1FA90] =	vst v28;
	s25 =	sor.u32 s22, s17;
	v45 =	vld.idx.msk [tilespmem:v0+s26+$0x0], $0xffff;
	v0 =	vadd.s32 $0xB, v5  }
0x4c8: {  	[tilespmem:s25+$0x0] =	vst v7;
	v7 =	vld [tilespmem:$0x1FA90]  }
0x4c9: {  	v3 =	vadd.s32 $0x3, v5;
	s19 =	sld [smem:$0x798]  }
0x4ca: {  	v4 =	vadd.s32 $0x4, v5  }
0x4cb: {  	v47 =	vld.idx.msk [tilespmem:v2+s26+$0x0], $0xffff;
	v2 =	vadd.s32 $0xC, v5  }
0x4cc: {  	s19 =	sor.u32 s22, s19;
	v52 =	vld.idx.msk [tilespmem:v0+s26+$0x0], $0xffff;
	v0 =	vadd.s32 $0x10, v5  }
0x4cd: {  	[tilespmem:s19+$0x0] =	vst v7;
	v7 =	vld [tilespmem:$0x1FAA0]  }
0x4ce: {  	v38 =	vld.idx.msk [tilespmem:v3+s26+$0x0], $0xffff;
	v3 =	vadd.s32 $0x8, v5  }
0x4cf: {  	v40 =	vld.idx.msk [tilespmem:v4+s26+$0x0], $0xffff;
	v4 =	vadd.s32 $0x9, v5  }
0x4d0: {  	v53 =	vld.idx.msk [tilespmem:v2+s26+$0x0], $0xffff;
	v2 =	vadd.s32 $0x11, v5  }
0x4d1: {  	[tilespmem:$0x1FAB0] =	vst v25;
	v57 =	vld.idx.msk [tilespmem:v0+s26+$0x0], $0xffff;
	v0 =	vadd.s32 $0x15, v5;
	s15 =	sor.u32 s22, s21  }
0x4d2: {  	[tilespmem:s15+$0x0] =	vst v7;
	v7 =	vld [tilespmem:$0x1FAB0]  }
0x4d3: {  	v48 =	vld.idx.msk [tilespmem:v3+s26+$0x0], $0xffff;
	s4 =	sld [smem:$0x799]  }
0x4d4: {  	v50 =	vld.idx.msk [tilespmem:v4+s26+$0x0], $0xffff  }
0x4d5: {  	v6 =	vadd.s32 $0xA, v5;
	v58 =	vld.idx.msk [tilespmem:v2+s26+$0x0], $0xffff  }
0x4d6: {  	[tilespmem:$0x1FAD0] =	vst v22;
	v3 =	vadd.s32 $0xD, v5;
	v63 =	vld.idx.msk [tilespmem:v0+s26+$0x0], $0xffff;
	s21 =	sor.u32 s22, s4  }
0x4d7: {  	v4 =	vadd.s32 $0xE, v5;
	[tilespmem:s21+$0x0] =	vst v7;
	v7 =	vld [tilespmem:$0x1FAC0]  }
0x4d8: {  	v2 =	vadd.s32 $0x16, v5;
	s8 =	sld [smem:$0x79A];
	v0 =	vld [tilespmem:$0x1FAD0]  }
0x4d9: {  	s9 =	sld [smem:$0x79B]  }
0x4da: {  	v51 =	vld.idx.msk [tilespmem:v6+s26+$0x0], $0xffff  }
0x4db: {  	s31 =	sadd.s32 s1, s31;
	v6 =	vadd.s32 $0xF, v5;
	v54 =	vld.idx.msk [tilespmem:v3+s26+$0x0], $0xffff;
	s16 =	sor.u32 s22, s8  }
0x4dc: {  	s30 =	sadd.s32 s1, s30;
	s12 =	sadd.s32 s1, s12;
	v3 =	vadd.s32 $0x12, v5;
	v55 =	vld.idx.msk [tilespmem:v4+s26+$0x0], $0xffff;
	s1 =	sor.u32 s22, s9;
	[tilespmem:s16+$0x0] =	vst v7  }
0x4dd: {  	v4 =	vadd.s32 $0x13, v5;
	[tilespmem:s1+$0x0] =	vst v0;
	v0 =	vld.idx.msk [tilespmem:v2+s26+$0x0], $0xffff  }
0x4de: {  	v2 =	vld [tilespmem:$0x1FAE0]  }
0x4df: {  	s10 =	sld [smem:$0x79C]  }
0x4e0: {  	v56 =	vld.idx.msk [tilespmem:v6+s26+$0x0], $0xffff;
	v6 =	vadd.s32 $0x14, v5  }
0x4e1: {  	v59 =	vld.idx.msk [tilespmem:v3+s26+$0x0], $0xffff;
	v3 =	vadd.s32 $0x17, v5  }
0x4e2: {  	[tilespmem:$0x1FAF0] =	vst v19;
	v60 =	vld.idx.msk [tilespmem:v4+s26+$0x0], $0xffff;
	s17 =	sor.u32 s22, s10  }
0x4e3: {  	v4 =	vadd.s32 $0x18, v5;
	[tilespmem:s17+$0x0] =	vst v2;
	v2 =	vld [tilespmem:$0x1FAF0]  }
0x4e4: {  	s13 =	sld [smem:$0x79D]  }
0x4e5: {  	s7 =	sor.u32 s22, s6;
	s6 =	sor.u32 s22, s11;
	s11 =	sld [smem:$0x7A1];
	v61 =	vld.idx.msk [tilespmem:v6+s26+$0x0], $0xffff  }
0x4e6: {  	[dreg:$0xb] =	wrdreg s6;
	v62 =	vld.idx.msk [tilespmem:v3+s26+$0x0], $0xffff  }
0x4e7: {  	v6 =	vadd.s32 $0x19, v5;
	v3 =	vld [tilespmem:$0x1FB00];
	s8 =	sor.u32 s22, s12;
	s12 =	sld [smem:$0x7A2];
	s5 =	sor.u32 s22, s13  }
0x4e8: {  	s9 =	sor.u32 s22, s20;
	s20 =	sld [smem:$0x79F];
	[tilespmem:s5+$0x0] =	vst v2;
	v2 =	vld.idx.msk [tilespmem:v4+s26+$0x0], $0xffff  }
0x4e9: {  	v8 =	vadd.s32 $0x1C, v5;
	s13 =	sor.u32 s22, s31;
	s31 =	sld [smem:$0x7A0];
	v10 =	vadd.s32 $0x1A, v5;
	v4 =	vld [tilespmem:$0x1FB10]  }
0x4ea: {  	v9 =	vadd.s32 $0x1D, v5;
	v49 =	vadd.s32 $0x1, v1;
	v44 =	vadd.s32 $0x2, v1;
	s14 =	sld [smem:$0x79E]  }
0x4eb: {  	[tilespmem:$0x1FB20] =	vst v16;
	v31 =	vld.idx.msk [tilespmem:v5+s26+$0x0], $0xffff;
	v46 =	vadd.s32 $0x3, v1;
	v41 =	vadd.s32 $0x4, v1;
	v42 =	vadd.s32 $0x5, v1;
	s10 =	sor.u32 s22, s30;
	s30 =	sor.u32 s22, s29;
	s29 =	rddreg [dreg:$0x13]  }
0x4ec: {  	v37 =	vadd.s32 $0x6, v1;
	v39 =	vadd.s32 $0x7, v1;
	v33 =	vadd.s32 $0x8, v1;
	[dreg:$0xf] =	wrdreg s30;
	s4 =	sor.u32 s22, s20;
	[tilespmem:s13+$0x0] =	vst v3;
	v3 =	vld.idx.msk [tilespmem:v6+s26+$0x0], $0xffff  }
0x4ed: {  	s20 =	sld [smem:$0x7A3];
	s14 =	sor.u32 s22, s14;
	s0 =	sor.u32 s22, s31;
	v11 =	vadd.s32 $0x1B, v5;
	v7 =	vadd.s32 $0x1E, v5;
	v6 =	vadd.s32 $0x1F, v5;
	v5 =	vld [tilespmem:$0x1FB20]  }
0x4ee: {  	v36 =	vadd.s32 $0x9, v1;
	v30 =	vadd.s32 $0xA, v1;
	v32 =	vadd.s32 $0xB, v1;
	[dreg:$0xd] =	wrdreg s0;
	s1 =	sadd.s32 $0x2, s29;
	[tilespmem:s14+$0x0] =	vst v4;
	v4 =	vld.idx.msk [tilespmem:v10+s26+$0x0], $0xffff  }
0x4ef: {  	v28 =	vadd.s32 $0xC, v1;
	v29 =	vadd.s32 $0xD, v1;
	v25 =	vadd.s32 $0xE, v1;
	s2 =	rddreg [dreg:$0x11];
	p0 =	slt.u32 s1, $0x4E;
	v10 =	vld [tilespmem:$0x1FB30]  }
.Ltmp4:
0x4f0: {  	v27 =	vadd.s32 $0xF, v1;
	v22 =	vadd.s32 $0x10, v1;
	v24 =	vadd.s32 $0x11, v1;
	s0 =	sor.u32 s22, s11;
	s2 =	sadd.s32 $0x2, s2;
	(pc) =	sbr.rel @p0 .LBB2_11-.Ltmp4, $4  }
0x4f1: {  	v19 =	vadd.s32 $0x12, v1;
	v21 =	vadd.s32 $0x13, v1;
	v16 =	vadd.s32 $0x14, v1;
	[dreg:$0x9] =	wrdreg s0;
	s0 =	sor.u32 s22, s12;
	s30 =	sshll.u32 s2, $0x4  }
0x4f2: {  	v26 =	vadd.s32 $0x15, v1;
	v20 =	vadd.s32 $0x16, v1;
	v23 =	vadd.s32 $0x17, v1;
	[smem:$0x7BA] =	sst s0;
	s0 =	sand.u32 $0xFFFFFF80, s30  }
0x4f3: {  	v18 =	vadd.s32 $0x18, v1;
	v17 =	vadd.s32 $0x19, v1;
	v14 =	vadd.s32 $0x1A, v1;
	s22 =	smov.u32 s20;
	s16 =	ssub.s32 s28, s0;
	s31 =	sshll.u32 s1, $0x9;
	[tilespmem:s10+$0x0] =	vst v5  }
0x4f4: {  	v15 =	vadd.s32 $0x1B, v1;
	v12 =	vadd.s32 $0x1C, v1;
	v13 =	vadd.s32 $0x1D, v1;
	s28 =	sadd.s32 $0x20, s28;
	s0 =	sadd.s32 $0x10, s16;
	s3 =	sand.u32 $0x3FFFF000, s31;
	v5 =	vld.idx.msk [tilespmem:v11+s26+$0x0], $0xffff;
	[tilespmem:s9+$0x0] =	vst v10  }
0x4f5: {  	_ =	sdelay $0x2  }
0x4f6: {  	v10 =	vld [tilespmem:$0x1FB50]  }
0x4f7: {  	v9 =	vld.idx.msk [tilespmem:v9+s26+$0x0], $0xffff;
	_ =	sdelay $0x3  }
0x4f8: {  	v8 =	vld.idx.msk [tilespmem:v8+s26+$0x0], $0xffff;
	[tilespmem:s4+$0x0] =	vst v10  }
0x4f9: {  	[tilespmem:$0x1F9E0] =	vst v9;
	v9 =	vld [tilespmem:$0x1FB60];
	_ =	sdelay $0x4  }
0x4fa: {  	[tilespmem:s7+$0x0] =	vst v9  }
0x4fb: {  	v9 =	vld [tilespmem:$0x1FB70];
	_ =	sdelay $0x2  }
0x4fc: {  	s1 =	sadd.s32 $0x7580, s3  }
0x4fd: {  	s31 =	sadd.s32 $0x7500, s3;
	s14 =	sand.u32 $0xFFFFFF80, s0;
	[smem:$0x782] =	sst s1  }
0x4fe: {  	s0 =	sadd.s32 s14, s31;
	[tilespmem:s8+$0x0] =	vst v9;
	s8 =	sadd.s32 $0x7600, s3  }
0x4ff: {  	s0 =	sor.u32 s23, s0;
	v7 =	vld.idx.msk [tilespmem:v7+s26+$0x0], $0xffff;
	[smem:$0x783] =	sst s8  }
0x500: {  	s2 =	sadd.s32 $0x7680, s3;
	s1 =	sadd.s32 s14, s1;
	v9 =	vld.idx.msk [tilespmem:v6+s26+$0x0], $0xffff;
	[tilespmem:s0+$0x0] =	vst v31  }
0x501: {  	s9 =	sor.u32 s23, s1;
	[smem:$0x784] =	sst s2  }
0x502: {  	s11 =	sadd.s32 $0x7700, s3;
	s10 =	sadd.s32 s14, s8;
	[tilespmem:s9+$0x0] =	vst v34  }
0x503: {  	s12 =	sor.u32 s23, s10;
	[smem:$0x785] =	sst s11  }
0x504: {  	s15 =	sadd.s32 $0x7780, s3;
	s13 =	sadd.s32 s14, s2;
	[tilespmem:s12+$0x0] =	vst v35  }
0x505: {  	s18 =	sadd.s32 s14, s11;
	s17 =	sor.u32 s23, s13;
	[smem:$0x786] =	sst s15  }
0x506: {  	s19 =	sor.u32 s23, s18;
	[tilespmem:s17+$0x0] =	vst v38  }
0x507: {  	s21 =	sadd.s32 $0x7880, s3;
	s20 =	sadd.s32 s14, s15;
	[tilespmem:s19+$0x0] =	vst v40  }
0x508: {  	s24 =	sor.u32 s23, s20;
	s8 =	sadd.s32 $0x7800, s3;
	[smem:$0x787] =	sst s21  }
0x509: {  	s28 =	sadd.s32 $0x7900, s3;
	s25 =	sadd.s32 s14, s8;
	[tilespmem:s24+$0x0] =	vst v43  }
0x50a: {  	s30 =	sadd.s32 s14, s21;
	s29 =	sor.u32 s23, s25;
	v31 =	vld.idx.msk [tilespmem:v49+s26+$0x0], $0xffff;
	[smem:$0x788] =	sst s28  }
0x50b: {  	s1 =	sor.u32 s23, s30;
	s2 =	sadd.s32 s14, s28;
	s12 =	sadd.s32 $0x7980, s3;
	[tilespmem:s29+$0x0] =	vst v45  }
0x50c: {  	s13 =	sadd.s32 $0x7A00, s3;
	s4 =	sor.u32 s23, s2;
	s5 =	sadd.s32 s14, s12;
	v44 =	vld.idx.msk [tilespmem:v44+s26+$0x0], $0xffff;
	[tilespmem:s1+$0x0] =	vst v47  }
0x50d: {  	s7 =	sadd.s32 s14, s13;
	s6 =	sor.u32 s23, s5;
	v45 =	vld.idx.msk [tilespmem:v46+s26+$0x0], $0xffff;
	[tilespmem:s4+$0x0] =	vst v48  }
0x50e: {  	s9 =	sor.u32 s23, s7;
	s15 =	sadd.s32 $0x7A80, s3;
	v46 =	vld.idx.msk [tilespmem:v41+s26+$0x0], $0xffff;
	[tilespmem:s6+$0x0] =	vst v50  }
0x50f: {  	s10 =	sadd.s32 s14, s15;
	v47 =	vld.idx.msk [tilespmem:v42+s26+$0x0], $0xffff;
	[smem:$0x781] =	sst s16;
	s16 =	sadd.s32 $0x7B00, s3  }
0x510: {  	s17 =	sadd.s32 $0x7B80, s3;
	s11 =	sor.u32 s23, s10;
	[tilespmem:s9+$0x0] =	vst v51;
	s18 =	sadd.s32 s14, s16  }
0x511: {  	s20 =	sadd.s32 s14, s17;
	[tilespmem:s11+$0x0] =	vst v52;
	s19 =	sor.u32 s23, s18;
	s18 =	sadd.s32 $0x7C00, s3  }
0x512: {  	s21 =	sor.u32 s23, s20;
	[tilespmem:s19+$0x0] =	vst v53;
	s19 =	sadd.s32 $0x7C80, s3;
	s24 =	sadd.s32 s14, s18  }
0x513: {  	s20 =	sadd.s32 $0x7D00, s3;
	[tilespmem:s21+$0x0] =	vst v54;
	s25 =	sor.u32 s23, s24;
	s28 =	sadd.s32 s14, s19  }
0x514: {  	s30 =	sadd.s32 s14, s20;
	s21 =	sadd.s32 $0x7D80, s3;
	[tilespmem:s25+$0x0] =	vst v55;
	s29 =	sor.u32 s23, s28  }
0x515: {  	s1 =	sor.u32 s23, s30;
	s24 =	sadd.s32 $0x7E00, s3;
	s2 =	sadd.s32 s14, s21;
	[tilespmem:s29+$0x0] =	vst v56  }
0x516: {  	s25 =	sadd.s32 $0x7E80, s3;
	s5 =	sadd.s32 s14, s24;
	s4 =	sor.u32 s23, s2;
	[tilespmem:s1+$0x0] =	vst v57  }
0x517: {  	s11 =	sadd.s32 $0x7F00, s3;
	s6 =	sor.u32 s23, s5;
	s7 =	sadd.s32 s14, s25;
	[tilespmem:s4+$0x0] =	vst v58  }
0x518: {  	s10 =	sadd.s32 $0x7F80, s3;
	s28 =	sadd.s32 s14, s11;
	s9 =	sor.u32 s23, s7;
	[tilespmem:s6+$0x0] =	vst v59  }
0x519: {  	s30 =	sadd.s32 s14, s10;
	s29 =	sor.u32 s23, s28;
	s28 =	sadd.s32 $0x8000, s3;
	[tilespmem:s9+$0x0] =	vst v60  }
0x51a: {  	s1 =	sor.u32 s23, s30;
	s2 =	sadd.s32 s14, s28;
	[tilespmem:s29+$0x0] =	vst v61;
	s29 =	sadd.s32 $0x8080, s3  }
0x51b: {  	s30 =	sadd.s32 $0x8100, s3;
	s4 =	sor.u32 s23, s2;
	[tilespmem:s1+$0x0] =	vst v63;
	s5 =	sadd.s32 s14, s29  }
0x51c: {  	s7 =	sadd.s32 s14, s30;
	s9 =	sadd.s32 $0x8180, s3;
	[tilespmem:s4+$0x0] =	vst v0;
	s6 =	sor.u32 s23, s5  }
0x51d: {  	s2 =	sadd.s32 s14, s9;
	s1 =	sor.u32 s23, s7;
	s7 =	sadd.s32 $0x8200, s3;
	[tilespmem:s6+$0x0] =	vst v62  }
0x51e: {  	s4 =	sor.u32 s23, s2;
	s5 =	sadd.s32 s14, s7;
	s6 =	sadd.s32 $0x8280, s3;
	[tilespmem:s1+$0x0] =	vst v2  }
0x51f: {  	s2 =	sor.u32 s23, s5;
	s5 =	sadd.s32 $0x8300, s3;
	[tilespmem:s4+$0x0] =	vst v3;
	s4 =	sadd.s32 s14, s6  }
0x520: {  	s1 =	sadd.s32 s14, s5;
	[tilespmem:s2+$0x0] =	vst v4;
	s2 =	sor.u32 s23, s4  }
0x521: {  	[tilespmem:s2+$0x0] =	vst v5;
	s2 =	sor.u32 s23, s1  }
0x522: {  	[tilespmem:s2+$0x0] =	vst v8  }
0x523: {  	v58 =	vld [tilespmem:$0x1F9E0];
	_ =	sdelay $0x1  }
0x524: {  	s4 =	sadd.s32 $0x8380, s3  }
0x525: {  	s1 =	sadd.s32 $0x8400, s3;
	s0 =	sadd.s32 s14, s4  }
0x526: {  	s3 =	sadd.s32 $0x8480, s3;
	s0 =	sor.u32 s23, s0;
	s2 =	sadd.s32 s14, s1  }
0x527: {  	s14 =	sadd.s32 s14, s3;
	s2 =	sor.u32 s23, s2;
	[tilespmem:s0+$0x0] =	vst v58  }
0x528: {  	s14 =	sor.u32 s23, s14;
	[tilespmem:s2+$0x0] =	vst v7  }
0x529: {  	[tilespmem:s14+$0x0] =	vst v9  }
0x52a: {  	v62 =	vld [tilespmem:$0x1FB80];
	_ =	sdelay $0x3  }
0x52b: {  	s0 =	rddreg [dreg:$0xf]  }
0x52c: {  	v60 =	vld.idx.msk [tilespmem:v14+s26+$0x0], $0xffff;
	[tilespmem:s0+$0x0] =	vst v62  }
0x52d: {  	v14 =	vld [tilespmem:$0x1FB90];
	_ =	sdelay $0x1  }
0x52e: {  	v37 =	vld.idx.msk [tilespmem:v37+s26+$0x0], $0xffff  }
0x52f: {  	v39 =	vld.idx.msk [tilespmem:v39+s26+$0x0], $0xffff  }
0x530: {  	v33 =	vld.idx.msk [tilespmem:v33+s26+$0x0], $0xffff;
	s0 =	rddreg [dreg:$0xd]  }
0x531: {  	v36 =	vld.idx.msk [tilespmem:v36+s26+$0x0], $0xffff;
	[tilespmem:s0+$0x0] =	vst v14  }
0x532: {  	v14 =	vld [tilespmem:$0x1FBA0]  }
0x533: {  	v48 =	vld.idx.msk [tilespmem:v30+s26+$0x0], $0xffff  }
0x534: {  	v49 =	vld.idx.msk [tilespmem:v32+s26+$0x0], $0xffff  }
0x535: {  	v11 =	vld.idx.msk [tilespmem:v28+s26+$0x0], $0xffff  }
0x536: {  	v50 =	vld.idx.msk [tilespmem:v29+s26+$0x0], $0xffff;
	s0 =	rddreg [dreg:$0xb]  }
0x537: {  	v25 =	vld.idx.msk [tilespmem:v25+s26+$0x0], $0xffff;
	[tilespmem:s0+$0x0] =	vst v14  }
0x538: {  	v14 =	vld [tilespmem:$0x1FBB0]  }
0x539: {  	v27 =	vld.idx.msk [tilespmem:v27+s26+$0x0], $0xffff  }
0x53a: {  	v22 =	vld.idx.msk [tilespmem:v22+s26+$0x0], $0xffff  }
0x53b: {  	v24 =	vld.idx.msk [tilespmem:v24+s26+$0x0], $0xffff  }
0x53c: {  	v51 =	vld.idx.msk [tilespmem:v19+s26+$0x0], $0xffff;
	s23 =	rddreg [dreg:$0x9]  }
0x53d: {  	v1 =	vld.idx.msk [tilespmem:v1+s26+$0x0], $0xffff;
	s0 =	sld [smem:$0x781];
	[tilespmem:s23+$0x0] =	vst v14  }
0x53e: {  	v63 =	vld [tilespmem:$0x1FBC0]  }
0x53f: {  	v12 =	vld.idx.msk [tilespmem:v12+s26+$0x0], $0xffff  }
0x540: {  	v13 =	vld.idx.msk [tilespmem:v13+s26+$0x0], $0xffff;
	s23 =	sld [smem:$0x7BA]  }
0x541: {  	v52 =	vld.idx.msk [tilespmem:v21+s26+$0x0], $0xffff  }
0x542: {  	v61 =	vld.idx.msk [tilespmem:v15+s26+$0x0], $0xffff  }
0x543: {  	v14 =	vld [tilespmem:$0x1FBF0];
	[tilespmem:s23+$0x0] =	vst v63  }
0x544: {  	v15 =	vld [tilespmem:$0x1FC00]  }
0x545: {  	v53 =	vld.idx.msk [tilespmem:v16+s26+$0x0], $0xffff  }
0x546: {  	v54 =	vld.idx.msk [tilespmem:v26+s26+$0x0], $0xffff  }
0x547: {  	v55 =	vld.idx.msk [tilespmem:v20+s26+$0x0], $0xffff  }
0x548: {  	v56 =	vld.idx.msk [tilespmem:v23+s26+$0x0], $0xffff;
	s14 =	sld [smem:$0x782]  }
0x549: {  	v57 =	vld.idx.msk [tilespmem:v18+s26+$0x0], $0xffff;
	s2 =	sand.u32 $0xFFFFFF80, s0  }
0x54a: {  	v59 =	vld.idx.msk [tilespmem:v17+s26+$0x0], $0xffff;
	s31 =	sadd.s32 s2, s31  }
0x54b: {  	s0 =	sor.u32 s22, s31;
	v14 =	vld.idx.msk [tilespmem:v14+s26+$0x0], $0xffff;
	s14 =	sadd.s32 s2, s14  }
0x54c: {  	s14 =	sor.u32 s22, s14;
	v15 =	vld.idx.msk [tilespmem:v15+s26+$0x0], $0xffff;
	[tilespmem:s0+$0x0] =	vst v1  }
0x54d: {  	s0 =	sld [smem:$0x783];
	[tilespmem:s14+$0x0] =	vst v31  }
0x54e: {  	s14 =	sld [smem:$0x784];
	_ =	sdelay $0x1  }
0x54f: {  	s0 =	sadd.s32 s2, s0  }
0x550: {  	s14 =	sadd.s32 s2, s14;
	s0 =	sor.u32 s22, s0  }
0x551: {  	[tilespmem:s0+$0x0] =	vst v44;
	s14 =	sor.u32 s22, s14  }
0x552: {  	s0 =	sld [smem:$0x785];
	[tilespmem:s14+$0x0] =	vst v45  }
0x553: {  	s14 =	sld [smem:$0x786];
	_ =	sdelay $0x1  }
0x554: {  	s0 =	sadd.s32 s2, s0  }
0x555: {  	s14 =	sadd.s32 s2, s14;
	s0 =	sor.u32 s22, s0  }
0x556: {  	s26 =	sadd.s32 s2, s8;
	[tilespmem:s0+$0x0] =	vst v46;
	s31 =	sor.u32 s22, s14  }
0x557: {  	s0 =	sor.u32 s22, s26;
	[tilespmem:s31+$0x0] =	vst v47  }
0x558: {  	s8 =	sld [smem:$0x787];
	[tilespmem:s0+$0x0] =	vst v37  }
0x559: {  	s0 =	sld [smem:$0x788];
	_ =	sdelay $0x1  }
0x55a: {  	s8 =	sadd.s32 s2, s8  }
0x55b: {  	s0 =	sadd.s32 s2, s0;
	s8 =	sor.u32 s22, s8  }
0x55c: {  	s12 =	sadd.s32 s2, s12;
	[tilespmem:s8+$0x0] =	vst v39;
	s0 =	sor.u32 s22, s0  }
0x55d: {  	s14 =	sadd.s32 s2, s13;
	s8 =	sor.u32 s22, s12;
	[tilespmem:s0+$0x0] =	vst v33  }
0x55e: {  	s15 =	sadd.s32 s2, s15;
	s0 =	sor.u32 s22, s14;
	[tilespmem:s8+$0x0] =	vst v36  }
0x55f: {  	s16 =	sadd.s32 s2, s16;
	s8 =	sor.u32 s22, s15;
	[tilespmem:s0+$0x0] =	vst v48  }
0x560: {  	s17 =	sadd.s32 s2, s17;
	s0 =	sor.u32 s22, s16;
	[tilespmem:s8+$0x0] =	vst v49  }
0x561: {  	s18 =	sadd.s32 s2, s18;
	s8 =	sor.u32 s22, s17;
	[tilespmem:s0+$0x0] =	vst v11  }
0x562: {  	s19 =	sadd.s32 s2, s19;
	s0 =	sor.u32 s22, s18;
	[tilespmem:s8+$0x0] =	vst v50  }
0x563: {  	s20 =	sadd.s32 s2, s20;
	s8 =	sor.u32 s22, s19;
	[tilespmem:s0+$0x0] =	vst v25  }
0x564: {  	s23 =	sadd.s32 s2, s21;
	s0 =	sor.u32 s22, s20;
	[tilespmem:s8+$0x0] =	vst v27  }
0x565: {  	s24 =	sadd.s32 s2, s24;
	s8 =	sor.u32 s22, s23;
	[tilespmem:s0+$0x0] =	vst v22  }
0x566: {  	s26 =	sadd.s32 s2, s25;
	s0 =	sor.u32 s22, s24;
	[tilespmem:s8+$0x0] =	vst v24  }
0x567: {  	s31 =	sadd.s32 s2, s11;
	s8 =	sor.u32 s22, s26;
	[tilespmem:s0+$0x0] =	vst v51  }
0x568: {  	s11 =	sadd.s32 s2, s10;
	s0 =	sor.u32 s22, s31;
	[tilespmem:s8+$0x0] =	vst v52  }
0x569: {  	s12 =	sadd.s32 s2, s28;
	s8 =	sor.u32 s22, s11;
	[tilespmem:s0+$0x0] =	vst v53  }
0x56a: {  	s13 =	sadd.s32 s2, s29;
	s0 =	sor.u32 s22, s12;
	[tilespmem:s8+$0x0] =	vst v54  }
0x56b: {  	s14 =	sadd.s32 s2, s30;
	s8 =	sor.u32 s22, s13;
	[tilespmem:s0+$0x0] =	vst v55  }
0x56c: {  	s15 =	sadd.s32 s2, s9;
	s0 =	sor.u32 s22, s14;
	[tilespmem:s8+$0x0] =	vst v56  }
0x56d: {  	s16 =	sadd.s32 s2, s7;
	s17 =	sor.u32 s22, s15;
	[tilespmem:s0+$0x0] =	vst v57  }
0x56e: {  	s6 =	sadd.s32 s2, s6;
	s0 =	sor.u32 s22, s16;
	[tilespmem:s17+$0x0] =	vst v59  }
0x56f: {  	s18 =	sadd.s32 s2, s5;
	s19 =	sor.u32 s22, s6;
	[tilespmem:s0+$0x0] =	vst v60  }
0x570: {  	s4 =	sadd.s32 s2, s4;
	s0 =	sor.u32 s22, s18;
	[tilespmem:s19+$0x0] =	vst v61  }
0x571: {  	s21 =	sor.u32 s22, s4;
	s20 =	sadd.s32 s2, s1;
	[tilespmem:s0+$0x0] =	vst v12  }
0x572: {  	s2 =	sadd.s32 s2, s3;
	s0 =	sor.u32 s22, s20;
	[tilespmem:s21+$0x0] =	vst v13  }
0x573: {  	s22 =	sor.u32 s22, s2;
	[tilespmem:s0+$0x0] =	vst v14  }
0x574: {  	s23 =	simm.s32 $0x2;
	[tilespmem:s22+$0x0] =	vst v15  }
0x575: {  	_ =	swait.ge [sflag:s23], $0xA000  }
0x576: {  	s30 =	sld [smem:$0x7E3];
	_ =	sdelay $0x1  }
0x577: {  	s24 =	sld [smem:$0x7B9]  }
0x578: {  	s29 =	simm.s32 $0x7500;
	s25 =	sld [smem:$0x7F9];
	s1 =	sadd.s32 $0x1, s30  }
0x579: {  	s28 =	simm.s32 $0x8000;
	s26 =	simm.s32 $0x400;
	p0 =	sne.s32 s1, $0x9  }
.Ltmp5:
0x57a: {  	[sflag:s23] =	ssyncset.done $0x0;
	s0 =	sshll.u32 s24, $0xE;
	(pc) =	sbr.rel @p0 .LBB2_8-.Ltmp5, $4  }
0x57b: {  	s31 =	rddreg [dreg:$0x3];
	[sflag:s23] =	ssyncadd.s32 $0xFFFF6000;
	s0 =	sadd.s32 s0, s25  }
0x57c: {  	[hbm4b:s0+s26] =	stream.strided.scatter [tilespmem:s29], [sflag:$0x1], $0xA000, s28, s26, $0x38;
	[tilespmem:$0x1B500] =	vst v63  }
0x57d: {  	s0 =	sadd.s32 $0xA00, s31  }
0x57e: {  	s23 =	simm.s32 $0x0;
	[dreg:$0x3] =	wrdreg s0  }
0x57f: {  	s0 =	simm.s32 $0x0;
	s1 =	simm.s32 $0x5F00  }
0x580: {  	s4 =	sand.u32 $0x60, s0;
	s2 =	sand.u32 $0x7F80, s1  }
0x581: {  	s1 =	sor.u32 $0x10, s4;
	s2 =	sadd.s32 $0x1100, s2  }
0x582: {  	s3 =	sor.u32 s1, s2  }
0x583: {  	v2 =	vld [tilespmem:s3+$0x0];
	_ =	sdelay $0x4  }
0x584: {  	v1 =	vadd.s32 $0x1, v2  }
0x585: {  	v3 =	vadd.s32 $0x2, v2  }
0x586: {  	s2 =	sor.u32 s4, s2;
	v4 =	vadd.s32 $0x3, v2  }
0x587: {  	v0 =	vld [tilespmem:s2+$0x0];
	v5 =	vadd.s32 $0x4, v2  }
0x588: {  	v7 =	vadd.s32 $0x5, v2;
	v6 =	vld.idx.msk [tilespmem:v2+s23+$0x0], $0xffff  }
0x589: {  	v45 =	vadd.s32 $0x8, v2;
	v10 =	vld.idx.msk [tilespmem:v1+s23+$0x0], $0xffff  }
0x58a: {  	v46 =	vadd.s32 $0x9, v2;
	v12 =	vld.idx.msk [tilespmem:v3+s23+$0x0], $0xffff  }
0x58b: {  	v47 =	vadd.s32 $0xA, v2;
	v14 =	vld.idx.msk [tilespmem:v4+s23+$0x0], $0xffff  }
0x58c: {  	v3 =	vadd.s32 $0x7, v2;
	v15 =	vld.idx.msk [tilespmem:v5+s23+$0x0], $0xffff  }
0x58d: {  	v48 =	vadd.s32 $0xD, v2;
	v18 =	vld.idx.msk [tilespmem:v7+s23+$0x0], $0xffff  }
0x58e: {  	v49 =	vadd.s32 $0xE, v2;
	v22 =	vld.idx.msk [tilespmem:v45+s23+$0x0], $0xffff  }
0x58f: {  	v50 =	vadd.s32 $0xF, v2;
	v24 =	vld.idx.msk [tilespmem:v46+s23+$0x0], $0xffff  }
0x590: {  	v51 =	vadd.s32 $0x12, v2;
	v25 =	vld.idx.msk [tilespmem:v47+s23+$0x0], $0xffff  }
0x591: {  	v20 =	vld.idx.msk [tilespmem:v3+s23+$0x0], $0xffff;
	v3 =	vadd.s32 $0xC, v2  }
0x592: {  	v52 =	vadd.s32 $0x13, v2;
	v16 =	vld.idx.msk [tilespmem:v48+s23+$0x0], $0xffff  }
0x593: {  	v53 =	vadd.s32 $0x14, v2;
	v17 =	vld.idx.msk [tilespmem:v49+s23+$0x0], $0xffff  }
0x594: {  	v8 =	vadd.s32 $0x15, v2;
	v34 =	vld.idx.msk [tilespmem:v50+s23+$0x0], $0xffff  }
0x595: {  	v54 =	vadd.s32 $0x17, v2;
	v32 =	vld.idx.msk [tilespmem:v51+s23+$0x0], $0xffff  }
0x596: {  	v26 =	vld.idx.msk [tilespmem:v3+s23+$0x0], $0xffff;
	v3 =	vadd.s32 $0x11, v2  }
0x597: {  	v55 =	vadd.s32 $0x18, v2;
	v40 =	vld.idx.msk [tilespmem:v52+s23+$0x0], $0xffff  }
0x598: {  	v56 =	vadd.s32 $0x19, v2;
	v39 =	vld.idx.msk [tilespmem:v53+s23+$0x0], $0xffff  }
0x599: {  	v1 =	vadd.s32 $0x6, v2;
	v38 =	vld.idx.msk [tilespmem:v8+s23+$0x0], $0xffff  }
0x59a: {  	v57 =	vadd.s32 $0x1C, v2;
	v36 =	vld.idx.msk [tilespmem:v54+s23+$0x0], $0xffff  }
0x59b: {  	v31 =	vld.idx.msk [tilespmem:v3+s23+$0x0], $0xffff;
	v3 =	vadd.s32 $0x16, v2  }
0x59c: {  	v58 =	vadd.s32 $0x1D, v2;
	v35 =	vld.idx.msk [tilespmem:v55+s23+$0x0], $0xffff  }
0x59d: {  	v59 =	vadd.s32 $0x1E, v2;
	v33 =	vld.idx.msk [tilespmem:v56+s23+$0x0], $0xffff  }
0x59e: {  	v19 =	vld.idx.msk [tilespmem:v1+s23+$0x0], $0xffff;
	v1 =	vadd.s32 $0xB, v2  }
0x59f: {  	v8 =	vadd.s32 $0x1A, v2;
	v28 =	vld.idx.msk [tilespmem:v57+s23+$0x0], $0xffff  }
0x5a0: {  	v37 =	vld.idx.msk [tilespmem:v3+s23+$0x0], $0xffff;
	v3 =	vadd.s32 $0x1B, v2  }
0x5a1: {  	v60 =	vadd.s32 $0x3, v0;
	v27 =	vld.idx.msk [tilespmem:v58+s23+$0x0], $0xffff  }
0x5a2: {  	v9 =	vadd.s32 $0x5, v0;
	v23 =	vld.idx.msk [tilespmem:v59+s23+$0x0], $0xffff  }
0x5a3: {  	v41 =	vld.idx.msk [tilespmem:v1+s23+$0x0], $0xffff;
	v1 =	vadd.s32 $0x10, v2;
	v2 =	vadd.s32 $0x1F, v2  }
0x5a4: {  	v30 =	vld.idx.msk [tilespmem:v8+s23+$0x0], $0xffff;
	v8 =	vadd.s32 $0x1, v0  }
0x5a5: {  	v29 =	vld.idx.msk [tilespmem:v3+s23+$0x0], $0xffff;
	v3 =	vadd.s32 $0x2, v0  }
0x5a6: {  	v61 =	vadd.s32 $0x4, v0;
	v7 =	vld.idx.msk [tilespmem:v60+s23+$0x0], $0xffff  }
0x5a7: {  	s3 =	simm.s32 $0x0;
	v9 =	vld.idx.msk [tilespmem:v9+s23+$0x0], $0xffff  }
0x5a8: {  	s2 =	sand.u32 $0xFFFFFF80, s3;
	v21 =	vld.idx.msk [tilespmem:v2+s23+$0x0], $0xffff;
	v2 =	vadd.s32 $0x6, v0  }
0x5a9: {  	s5 =	simm.s32 $0x0;
	s2 =	ssub.s32 $0x0, s2;
	v42 =	vadd.s32 $0x7, v0;
	v13 =	vld.idx.msk [tilespmem:v8+s23+$0x0], $0xffff  }
0x5aa: {  	s3 =	sand.u32 $0x3FFFF000, s5;
	s2 =	sand.u32 $0xFFFFFF80, s2;
	v11 =	vld.idx.msk [tilespmem:v3+s23+$0x0], $0xffff;
	v3 =	vadd.s32 $0x8, v0  }
0x5ab: {  	s12 =	sadd.s32 s2, s3;
	v8 =	vld.idx.msk [tilespmem:v61+s23+$0x0], $0xffff  }
0x5ac: {  	v62 =	vadd.s32 $0x9, v0;
	s2 =	sadd.s32 $0x11500, s12;
	v1 =	vld.idx.msk [tilespmem:v1+s23+$0x0], $0xffff  }
0x5ad: {  	s6 =	sadd.s32 $0x11580, s12;
	v5 =	vld.idx.msk [tilespmem:v2+s23+$0x0], $0xffff;
	[smem:$0x775] =	sst s2  }
0x5ae: {  	v43 =	vadd.s32 $0xA, v0;
	s3 =	sadd.s32 $0x11600, s12;
	v2 =	vld.idx.msk [tilespmem:v42+s23+$0x0], $0xffff;
	[smem:$0x776] =	sst s6  }
0x5af: {  	s2 =	sor.u32 s1, s2;
	v3 =	vld.idx.msk [tilespmem:v3+s23+$0x0], $0xffff;
	[smem:$0x777] =	sst s3  }
0x5b0: {  	v44 =	vadd.s32 $0xB, v0;
	s8 =	sadd.s32 $0x11680, s12;
	[tilespmem:s2+$0x0] =	vst v6  }
0x5b1: {  	s7 =	sor.u32 s1, s6;
	v4 =	vld.idx.msk [tilespmem:v62+s23+$0x0], $0xffff;
	[smem:$0x778] =	sst s8  }
0x5b2: {  	s10 =	sadd.s32 $0x11700, s12;
	v45 =	vadd.s32 $0xC, v0;
	[tilespmem:s7+$0x0] =	vst v10  }
0x5b3: {  	s9 =	sor.u32 s1, s3;
	v6 =	vld.idx.msk [tilespmem:v43+s23+$0x0], $0xffff;
	[smem:$0x779] =	sst s10  }
0x5b4: {  	v63 =	vadd.s32 $0xD, v0;
	s13 =	sadd.s32 $0x11780, s12;
	[tilespmem:s9+$0x0] =	vst v12  }
0x5b5: {  	s11 =	sor.u32 s1, s8;
	v46 =	vadd.s32 $0xE, v0;
	v10 =	vld.idx.msk [tilespmem:v44+s23+$0x0], $0xffff;
	[smem:$0x77A] =	sst s13  }
0x5b6: {  	s15 =	sadd.s32 $0x11800, s12;
	v47 =	vadd.s32 $0xF, v0;
	[tilespmem:s11+$0x0] =	vst v14  }
0x5b7: {  	s14 =	sor.u32 s1, s10;
	v52 =	vadd.s32 $0x14, v0;
	v12 =	vld.idx.msk [tilespmem:v45+s23+$0x0], $0xffff;
	[smem:$0x77B] =	sst s15  }
0x5b8: {  	s16 =	sor.u32 s1, s13;
	v48 =	vadd.s32 $0x10, v0;
	[tilespmem:s14+$0x0] =	vst v15  }
0x5b9: {  	s17 =	sor.u32 s1, s15;
	v49 =	vadd.s32 $0x11, v0;
	s10 =	sadd.s32 $0x11880, s12;
	v14 =	vld.idx.msk [tilespmem:v63+s23+$0x0], $0xffff;
	[tilespmem:s16+$0x0] =	vst v18  }
0x5ba: {  	v50 =	vadd.s32 $0x12, v0;
	s18 =	sor.u32 s1, s10;
	s11 =	sadd.s32 $0x11900, s12;
	v15 =	vld.idx.msk [tilespmem:v46+s23+$0x0], $0xffff;
	[tilespmem:s17+$0x0] =	vst v19  }
0x5bb: {  	v51 =	vadd.s32 $0x13, v0;
	s13 =	sadd.s32 $0x11980, s12;
	s19 =	sor.u32 s1, s11;
	v18 =	vld.idx.msk [tilespmem:v47+s23+$0x0], $0xffff;
	[tilespmem:s18+$0x0] =	vst v20  }
0x5bc: {  	v53 =	vadd.s32 $0x15, v0;
	s20 =	sor.u32 s1, s13;
	s16 =	sadd.s32 $0x11A00, s12;
	v19 =	vld.idx.msk [tilespmem:v52+s23+$0x0], $0xffff;
	[tilespmem:s19+$0x0] =	vst v22  }
0x5bd: {  	v54 =	vadd.s32 $0x16, v0;
	s15 =	sadd.s32 $0x11A80, s12;
	s21 =	sor.u32 s1, s16;
	v20 =	vld.idx.msk [tilespmem:v48+s23+$0x0], $0xffff;
	[tilespmem:s20+$0x0] =	vst v24  }
0x5be: {  	v55 =	vadd.s32 $0x17, v0;
	s22 =	sor.u32 s1, s15;
	s17 =	sadd.s32 $0x11B00, s12;
	v22 =	vld.idx.msk [tilespmem:v49+s23+$0x0], $0xffff;
	[tilespmem:s21+$0x0] =	vst v25  }
0x5bf: {  	s24 =	sor.u32 s1, s17;
	v24 =	vld.idx.msk [tilespmem:v50+s23+$0x0], $0xffff;
	s20 =	sadd.s32 $0x11B80, s12;
	[tilespmem:s22+$0x0] =	vst v41  }
0x5c0: {  	s5 =	simm.s32 $0x5F20;
	s9 =	sadd.s32 $0x11C00, s12;
	v25 =	vld.idx.msk [tilespmem:v51+s23+$0x0], $0xffff;
	s25 =	sor.u32 s1, s20;
	[tilespmem:s24+$0x0] =	vst v26  }
0x5c1: {  	s0 =	sand.u32 $0x7F80, s5;
	s5 =	sor.u32 s1, s9;
	s21 =	sadd.s32 $0x11C80, s12;
	v26 =	vld.idx.msk [tilespmem:v53+s23+$0x0], $0xffff;
	[tilespmem:s25+$0x0] =	vst v16  }
0x5c2: {  	s22 =	sadd.s32 $0x11D00, s12;
	s6 =	sor.u32 s1, s21;
	v16 =	vld.idx.msk [tilespmem:v54+s23+$0x0], $0xffff;
	[tilespmem:s5+$0x0] =	vst v17  }
0x5c3: {  	s8 =	sor.u32 s1, s22;
	v17 =	vld.idx.msk [tilespmem:v55+s23+$0x0], $0xffff;
	s23 =	sadd.s32 $0x11D80, s12;
	[tilespmem:s6+$0x0] =	vst v34  }
0x5c4: {  	s26 =	simm.s32 $0x20;
	s24 =	sadd.s32 $0x11E00, s12;
	s14 =	sor.u32 s1, s23;
	[tilespmem:s8+$0x0] =	vst v1  }
0x5c5: {  	s18 =	sand.u32 $0x60, s26;
	s25 =	sadd.s32 $0x11E80, s12;
	s26 =	sor.u32 s1, s24;
	[tilespmem:s14+$0x0] =	vst v31  }
0x5c6: {  	s28 =	sadd.s32 $0x11F80, s12;
	s3 =	sor.u32 s1, s25;
	[tilespmem:s26+$0x0] =	vst v32;
	s26 =	sadd.s32 $0x11F00, s12  }
0x5c7: {  	s2 =	sadd.s32 $0x1100, s0;
	s19 =	sor.u32 $0x10, s18;
	[tilespmem:s3+$0x0] =	vst v40;
	s5 =	sor.u32 s1, s26  }
0x5c8: {  	s30 =	sadd.s32 $0x12000, s12;
	s7 =	sor.u32 s19, s2;
	s6 =	sor.u32 s1, s28;
	[tilespmem:s5+$0x0] =	vst v39  }
0x5c9: {  	s29 =	sadd.s32 $0x12080, s12;
	v34 =	vld [tilespmem:s7+$0x0];
	s7 =	sor.u32 s1, s30;
	[tilespmem:s6+$0x0] =	vst v38  }
0x5ca: {  	s8 =	sor.u32 s1, s29;
	[tilespmem:s7+$0x0] =	vst v37;
	s7 =	sadd.s32 $0x12100, s12  }
0x5cb: {  	s6 =	sadd.s32 $0x12180, s12;
	[tilespmem:s8+$0x0] =	vst v36;
	s14 =	sor.u32 s1, s7  }
0x5cc: {  	s31 =	sadd.s32 $0x12200, s12;
	v60 =	vadd.s32 $0x1C, v0;
	s3 =	sor.u32 s1, s6;
	[tilespmem:s14+$0x0] =	vst v35  }
0x5cd: {  	v58 =	vadd.s32 $0x1A, v0;
	s5 =	sor.u32 s1, s31;
	s14 =	sadd.s32 $0x12280, s12;
	[tilespmem:s3+$0x0] =	vst v33  }
0x5ce: {  	v56 =	vadd.s32 $0x18, v0;
	v57 =	vadd.s32 $0x19, v0;
	v59 =	vadd.s32 $0x1B, v0;
	s0 =	simm.s32 $0x0;
	s8 =	sor.u32 s1, s14;
	[tilespmem:s5+$0x0] =	vst v30;
	s5 =	sadd.s32 $0x12300, s12  }
0x5cf: {  	v61 =	vadd.s32 $0x1D, v0;
	v62 =	vadd.s32 $0x1E, v0;
	v63 =	vadd.s32 $0x1F, v0;
	v0 =	vld.idx.msk [tilespmem:v0+s0+$0x0], $0xffff;
	s2 =	sor.u32 s18, s2;
	[tilespmem:s8+$0x0] =	vst v29;
	s8 =	sadd.s32 $0x12380, s12;
	s3 =	sor.u32 s1, s5  }
0x5d0: {  	v1 =	vld [tilespmem:s2+$0x0];
	[tilespmem:s3+$0x0] =	vst v28;
	s3 =	sadd.s32 $0x12400, s12;
	s2 =	sor.u32 s1, s8  }
0x5d1: {  	v52 =	vld.idx.msk [tilespmem:v60+s0+$0x0], $0xffff;
	s12 =	sadd.s32 $0x12480, s12;
	[tilespmem:s2+$0x0] =	vst v27;
	s2 =	sor.u32 s1, s3  }
0x5d2: {  	v50 =	vld.idx.msk [tilespmem:v58+s0+$0x0], $0xffff;
	s1 =	sor.u32 s1, s12;
	[tilespmem:s2+$0x0] =	vst v23  }
0x5d3: {  	v51 =	vld.idx.msk [tilespmem:v59+s0+$0x0], $0xffff;
	[tilespmem:s1+$0x0] =	vst v21  }
0x5d4: {  	v53 =	vld.idx.msk [tilespmem:v61+s0+$0x0], $0xffff;
	s1 =	sld [smem:$0x775]  }
0x5d5: {  	v55 =	vld.idx.msk [tilespmem:v62+s0+$0x0], $0xffff  }
0x5d6: {  	v31 =	vld.idx.msk [tilespmem:v56+s0+$0x0], $0xffff  }
0x5d7: {  	v56 =	vld.idx.msk [tilespmem:v63+s0+$0x0], $0xffff;
	s1 =	sor.u32 s4, s1  }
0x5d8: {  	v32 =	vld.idx.msk [tilespmem:v57+s0+$0x0], $0xffff;
	[tilespmem:s1+$0x0] =	vst v0  }
0x5d9: {  	s1 =	sld [smem:$0x776];
	_ =	sdelay $0x2  }
0x5da: {  	s1 =	sor.u32 s4, s1  }
0x5db: {  	[tilespmem:s1+$0x0] =	vst v13  }
0x5dc: {  	s1 =	sld [smem:$0x777];
	_ =	sdelay $0x2  }
0x5dd: {  	s1 =	sor.u32 s4, s1  }
0x5de: {  	[tilespmem:s1+$0x0] =	vst v11  }
0x5df: {  	s1 =	sld [smem:$0x778];
	_ =	sdelay $0x2  }
0x5e0: {  	s1 =	sor.u32 s4, s1  }
0x5e1: {  	v43 =	vadd.s32 $0x1, v34;
	[tilespmem:s1+$0x0] =	vst v7  }
0x5e2: {  	v48 =	vadd.s32 $0x2, v34;
	s1 =	sld [smem:$0x779]  }
0x5e3: {  	v49 =	vadd.s32 $0x3, v34  }
0x5e4: {  	v54 =	vadd.s32 $0x4, v34  }
0x5e5: {  	v62 =	vadd.s32 $0xE, v34;
	v57 =	vld.idx.msk [tilespmem:v34+s0+$0x0], $0xffff;
	s1 =	sor.u32 s4, s1  }
0x5e6: {  	v46 =	vld.idx.msk [tilespmem:v43+s0+$0x0], $0xffff;
	v30 =	vadd.s32 $0x5, v34;
	[tilespmem:s1+$0x0] =	vst v8  }
0x5e7: {  	v44 =	vld.idx.msk [tilespmem:v48+s0+$0x0], $0xffff;
	v29 =	vadd.s32 $0x6, v34;
	s1 =	sld [smem:$0x77A]  }
0x5e8: {  	v61 =	vld.idx.msk [tilespmem:v49+s0+$0x0], $0xffff;
	v28 =	vadd.s32 $0x7, v34  }
0x5e9: {  	v43 =	vld.idx.msk [tilespmem:v54+s0+$0x0], $0xffff;
	v21 =	vadd.s32 $0xA, v34  }
0x5ea: {  	v38 =	vld.idx.msk [tilespmem:v62+s0+$0x0], $0xffff;
	v0 =	vadd.s32 $0xB, v34;
	s1 =	sor.u32 s4, s1  }
0x5eb: {  	v27 =	vadd.s32 $0x8, v34;
	v42 =	vld.idx.msk [tilespmem:v30+s0+$0x0], $0xffff;
	[tilespmem:s1+$0x0] =	vst v9  }
0x5ec: {  	v41 =	vld.idx.msk [tilespmem:v29+s0+$0x0], $0xffff;
	v11 =	vadd.s32 $0xD, v34;
	s1 =	sld [smem:$0x77B]  }
0x5ed: {  	v23 =	vadd.s32 $0x9, v34;
	v40 =	vld.idx.msk [tilespmem:v28+s0+$0x0], $0xffff  }
0x5ee: {  	v36 =	vld.idx.msk [tilespmem:v21+s0+$0x0], $0xffff;
	v21 =	vadd.s32 $0xF, v34  }
0x5ef: {  	v35 =	vld.idx.msk [tilespmem:v0+s0+$0x0], $0xffff;
	v0 =	vadd.s32 $0x10, v34;
	s1 =	sor.u32 s4, s1  }
0x5f0: {  	s2 =	sor.u32 s4, s10;
	v54 =	vld.idx.msk [tilespmem:v27+s0+$0x0], $0xffff;
	v13 =	vadd.s32 $0xC, v34;
	[tilespmem:s1+$0x0] =	vst v5  }
0x5f1: {  	s10 =	sor.u32 s4, s11;
	v33 =	vld.idx.msk [tilespmem:v11+s0+$0x0], $0xffff;
	v11 =	vadd.s32 $0x14, v34;
	[tilespmem:s2+$0x0] =	vst v2  }
0x5f2: {  	s11 =	sor.u32 s4, s13;
	v37 =	vld.idx.msk [tilespmem:v23+s0+$0x0], $0xffff;
	v9 =	vadd.s32 $0x11, v34;
	[tilespmem:s10+$0x0] =	vst v3  }
0x5f3: {  	s13 =	sor.u32 s4, s16;
	v48 =	vld.idx.msk [tilespmem:v21+s0+$0x0], $0xffff;
	v2 =	vadd.s32 $0x12, v34;
	[tilespmem:s11+$0x0] =	vst v4  }
0x5f4: {  	s15 =	sor.u32 s4, s15;
	v63 =	vadd.s32 $0x13, v34;
	v49 =	vld.idx.msk [tilespmem:v0+s0+$0x0], $0xffff;
	[tilespmem:s13+$0x0] =	vst v6  }
0x5f5: {  	s16 =	sor.u32 s4, s17;
	v8 =	vld.idx.msk [tilespmem:v13+s0+$0x0], $0xffff;
	v13 =	vadd.s32 $0x15, v34;
	[tilespmem:s15+$0x0] =	vst v10  }
0x5f6: {  	s17 =	sor.u32 s4, s20;
	v23 =	vld.idx.msk [tilespmem:v11+s0+$0x0], $0xffff;
	v11 =	vadd.s32 $0x1A, v34;
	[tilespmem:s16+$0x0] =	vst v12  }
0x5f7: {  	s20 =	sor.u32 s4, s9;
	v6 =	vld.idx.msk [tilespmem:v9+s0+$0x0], $0xffff;
	v9 =	vadd.s32 $0x16, v34;
	[tilespmem:s17+$0x0] =	vst v14  }
0x5f8: {  	s21 =	sor.u32 s4, s21;
	v3 =	vld.idx.msk [tilespmem:v2+s0+$0x0], $0xffff;
	v2 =	vadd.s32 $0x17, v34;
	[tilespmem:s20+$0x0] =	vst v15  }
0x5f9: {  	s22 =	sor.u32 s4, s22;
	v58 =	vadd.s32 $0x18, v34;
	v0 =	vld.idx.msk [tilespmem:v63+s0+$0x0], $0xffff;
	[tilespmem:s21+$0x0] =	vst v18  }
0x5fa: {  	s9 =	sor.u32 s4, s23;
	s23 =	simm.s32 $0x0;
	v21 =	vld.idx.msk [tilespmem:v13+s0+$0x0], $0xffff;
	v10 =	vadd.s32 $0x19, v34;
	[tilespmem:s22+$0x0] =	vst v20  }
0x5fb: {  	v27 =	vld.idx.msk [tilespmem:v11+s23+$0x0], $0xffff;
	s10 =	sor.u32 s4, s24;
	[tilespmem:s9+$0x0] =	vst v22  }
0x5fc: {  	s11 =	sor.u32 s4, s25;
	v20 =	vld.idx.msk [tilespmem:v9+s23+$0x0], $0xffff;
	v9 =	vadd.s32 $0x1B, v34;
	[tilespmem:s10+$0x0] =	vst v24  }
0x5fd: {  	s13 =	sor.u32 s4, s26;
	v22 =	vld.idx.msk [tilespmem:v2+s23+$0x0], $0xffff;
	[tilespmem:s11+$0x0] =	vst v25  }
0x5fe: {  	s22 =	sor.u32 s4, s31;
	v2 =	vadd.s32 $0x1C, v34;
	v24 =	vld.idx.msk [tilespmem:v58+s23+$0x0], $0xffff;
	[tilespmem:s13+$0x0] =	vst v19  }
0x5ff: {  	v59 =	vadd.s32 $0x1D, v34;
	s15 =	sor.u32 s4, s28;
	s17 =	simm.s32 $0x20;
	v25 =	vld.idx.msk [tilespmem:v10+s23+$0x0], $0xffff;
	[dreg:$0x7] =	wrdreg s22  }
0x600: {  	s26 =	sor.u32 s4, s14;
	s16 =	sor.u32 s4, s30;
	s2 =	sand.u32 $0xFFFFFF80, s17;
	v10 =	vadd.s32 $0x1E, v34;
	[tilespmem:s15+$0x0] =	vst v26  }
0x601: {  	v11 =	vadd.s32 $0x1F, v34;
	s2 =	ssub.s32 $0x20, s2;
	s21 =	simm.s32 $0x400;
	v28 =	vld.idx.msk [tilespmem:v9+s23+$0x0], $0xffff;
	[dreg:$0x6] =	wrdreg s26  }
0x602: {  	s20 =	sor.u32 s4, s29;
	s24 =	sand.u32 $0xFFFFFF80, s2;
	s25 =	sand.u32 $0x3FFFF000, s21;
	[tilespmem:s16+$0x0] =	vst v16  }
0x603: {  	v60 =	vadd.s32 $0x3, v1;
	s6 =	sor.u32 s4, s6;
	s7 =	sor.u32 s4, s7;
	s9 =	sadd.s32 s24, s25;
	v29 =	vld.idx.msk [tilespmem:v2+s23+$0x0], $0xffff;
	[tilespmem:s20+$0x0] =	vst v17  }
0x604: {  	s29 =	sor.u32 s4, s3;
	s1 =	sadd.s32 $0x11500, s9;
	s3 =	sadd.s32 $0x11580, s9;
	v9 =	vadd.s32 $0x1, v1;
	v30 =	vld.idx.msk [tilespmem:v59+s23+$0x0], $0xffff;
	[tilespmem:s7+$0x0] =	vst v31  }
0x605: {  	v12 =	vadd.s32 $0x5, v1;
	s11 =	sor.u32 s4, s12;
	s12 =	sor.u32 s18, s1;
	s1 =	sor.u32 s19, s1;
	v31 =	vld.idx.msk [tilespmem:v10+s23+$0x0], $0xffff;
	[tilespmem:s6+$0x0] =	vst v32  }
0x606: {  	s30 =	sor.u32 s4, s5;
	s2 =	sadd.s32 $0x11600, s9;
	s0 =	sor.u32 s19, s3;
	v2 =	vadd.s32 $0x2, v1;
	v32 =	vld.idx.msk [tilespmem:v11+s23+$0x0], $0xffff;
	[tilespmem:s1+$0x0] =	vst v57  }
0x607: {  	v13 =	vadd.s32 $0x6, v1;
	s31 =	sor.u32 s4, s8;
	s4 =	sadd.s32 $0x11680, s9;
	s6 =	sor.u32 s19, s2;
	[tilespmem:s0+$0x0] =	vst v46  }
0x608: {  	s8 =	sor.u32 s19, s4;
	v16 =	vld.idx.msk [tilespmem:v60+s23+$0x0], $0xffff;
	v10 =	vadd.s32 $0x4, v1;
	s7 =	sadd.s32 $0x11700, s9;
	[tilespmem:s6+$0x0] =	vst v44  }
0x609: {  	s10 =	sadd.s32 $0x11780, s9;
	v57 =	vld.idx.msk [tilespmem:v9+s23+$0x0], $0xffff;
	v9 =	vadd.s32 $0x7, v1;
	s13 =	sor.u32 s19, s7;
	[tilespmem:s8+$0x0] =	vst v61  }
0x60a: {  	s22 =	sor.u32 s19, s10;
	s15 =	sadd.s32 $0x11800, s9;
	v12 =	vld.idx.msk [tilespmem:v12+s23+$0x0], $0xffff;
	[tilespmem:s13+$0x0] =	vst v43  }
0x60b: {  	s24 =	sadd.s32 $0x11880, s9;
	s14 =	sor.u32 s18, s3;
	s25 =	sor.u32 s19, s15;
	v58 =	vld.idx.msk [tilespmem:v2+s23+$0x0], $0xffff;
	v2 =	vadd.s32 $0x8, v1;
	[tilespmem:s22+$0x0] =	vst v42  }
0x60c: {  	s3 =	sadd.s32 $0x11980, s9;
	s26 =	sadd.s32 $0x11900, s9;
	v13 =	vld.idx.msk [tilespmem:v13+s23+$0x0], $0xffff;
	s1 =	sor.u32 s19, s24;
	[tilespmem:s25+$0x0] =	vst v41  }
0x60d: {  	s5 =	sor.u32 s18, s4;
	s4 =	sor.u32 s19, s26;
	s6 =	sor.u32 s18, s3;
	v61 =	vadd.s32 $0x9, v1;
	v11 =	vld.idx.msk [tilespmem:v10+s23+$0x0], $0xffff;
	[tilespmem:s1+$0x0] =	vst v40  }
0x60e: {  	s17 =	sor.u32 s18, s7;
	s7 =	sadd.s32 $0x11A00, s9;
	v14 =	vld.idx.msk [tilespmem:v9+s23+$0x0], $0xffff;
	[dreg:$0x14] =	wrdreg s6  }
0x60f: {  	s20 =	sor.u32 s18, s10;
	s10 =	sor.u32 s18, s7;
	v10 =	vadd.s32 $0xA, v1;
	[tilespmem:s4+$0x0] =	vst v54  }
0x610: {  	s8 =	sor.u32 s19, s3;
	s13 =	sadd.s32 $0x11A80, s9;
	v15 =	vld.idx.msk [tilespmem:v2+s23+$0x0], $0xffff;
	[dreg:$0x16] =	wrdreg s10  }
0x611: {  	v18 =	vadd.s32 $0xB, v1;
	s21 =	sor.u32 s18, s15;
	s22 =	sor.u32 s18, s24;
	s24 =	sor.u32 s18, s13;
	[tilespmem:s8+$0x0] =	vst v37  }
0x612: {  	s15 =	sor.u32 s19, s7;
	s25 =	sadd.s32 $0x11B00, s9;
	v54 =	vld.idx.msk [tilespmem:v61+s23+$0x0], $0xffff;
	[dreg:$0x18] =	wrdreg s24  }
0x613: {  	v19 =	vadd.s32 $0xC, v1;
	s28 =	sor.u32 s18, s26;
	s3 =	sor.u32 s18, s25;
	[tilespmem:s15+$0x0] =	vst v36  }
0x614: {  	s26 =	sor.u32 s19, s13;
	s4 =	sadd.s32 $0x11B80, s9;
	v17 =	vld.idx.msk [tilespmem:v10+s23+$0x0], $0xffff;
	[dreg:$0x1a] =	wrdreg s3  }
0x615: {  	v9 =	vadd.s32 $0xD, v1;
	s7 =	sor.u32 s18, s4;
	[tilespmem:s26+$0x0] =	vst v35  }
0x616: {  	s6 =	sor.u32 s19, s25;
	s8 =	sadd.s32 $0x11C00, s9;
	v18 =	vld.idx.msk [tilespmem:v18+s23+$0x0], $0xffff;
	[dreg:$0x1c] =	wrdreg s7  }
0x617: {  	v2 =	vadd.s32 $0xE, v1;
	s13 =	sor.u32 s18, s8;
	[tilespmem:s6+$0x0] =	vst v8  }
0x618: {  	s10 =	sor.u32 s19, s4;
	s15 =	sadd.s32 $0x11C80, s9;
	v19 =	vld.idx.msk [tilespmem:v19+s23+$0x0], $0xffff;
	[dreg:$0x1e] =	wrdreg s13  }
0x619: {  	v62 =	vadd.s32 $0xF, v1;
	s25 =	sor.u32 s18, s15;
	[tilespmem:s10+$0x0] =	vst v33  }
0x61a: {  	s24 =	sor.u32 s19, s8;
	s26 =	sadd.s32 $0x11D00, s9;
	v26 =	vld.idx.msk [tilespmem:v9+s23+$0x0], $0xffff;
	[smem:$0x77C] =	sst s25  }
0x61b: {  	v10 =	vadd.s32 $0x10, v1;
	s4 =	sor.u32 s18, s26;
	[tilespmem:s24+$0x0] =	vst v38  }
0x61c: {  	s3 =	sor.u32 s19, s15;
	s6 =	sadd.s32 $0x11D80, s9;
	v33 =	vld.idx.msk [tilespmem:v2+s23+$0x0], $0xffff;
	[smem:$0x77D] =	sst s4  }
0x61d: {  	v63 =	vadd.s32 $0x11, v1;
	s8 =	sor.u32 s18, s6;
	[tilespmem:s3+$0x0] =	vst v48  }
0x61e: {  	s7 =	sor.u32 s19, s26;
	v8 =	vadd.s32 $0x12, v1;
	s10 =	sadd.s32 $0x11E00, s9;
	v35 =	vld.idx.msk [tilespmem:v62+s23+$0x0], $0xffff;
	[smem:$0x77E] =	sst s8  }
0x61f: {  	v9 =	vadd.s32 $0x13, v1;
	s15 =	sor.u32 s18, s10;
	[tilespmem:s7+$0x0] =	vst v49  }
0x620: {  	s13 =	sor.u32 s19, s6;
	s24 =	sadd.s32 $0x11E80, s9;
	v36 =	vld.idx.msk [tilespmem:v10+s23+$0x0], $0xffff;
	[smem:$0x77F] =	sst s15  }
0x621: {  	v47 =	vadd.s32 $0x17, v1;
	v45 =	vadd.s32 $0x18, v1;
	s16 =	sor.u32 s18, s2;
	s26 =	sor.u32 s18, s24;
	v49 =	vadd.s32 $0x14, v1;
	[tilespmem:s13+$0x0] =	vst v6  }
0x622: {  	v34 =	vadd.s32 $0x1F, v1;
	v46 =	vadd.s32 $0x16, v1;
	s0 =	sadd.s32 $0x11F00, s9;
	v44 =	vadd.s32 $0x19, v1;
	s25 =	sor.u32 s19, s10;
	v39 =	vld.idx.msk [tilespmem:v63+s23+$0x0], $0xffff;
	[smem:$0x780] =	sst s26  }
0x623: {  	v41 =	vadd.s32 $0x1A, v1;
	v40 =	vadd.s32 $0x1B, v1;
	v37 =	vadd.s32 $0x1C, v1;
	s10 =	sor.u32 s19, s0;
	s1 =	sor.u32 s19, s24;
	s3 =	simm.s32 $0x40;
	[tilespmem:s25+$0x0] =	vst v3;
	v42 =	vld.idx.msk [tilespmem:v8+s23+$0x0], $0xffff  }
0x624: {  	v38 =	vadd.s32 $0x1D, v1;
	v48 =	vadd.s32 $0x15, v1;
	s15 =	simm.s32 $0x2;
	s13 =	simm.s32 $0x2;
	v43 =	vld.idx.msk [tilespmem:v9+s23+$0x0], $0xffff;
	[tilespmem:s1+$0x0] =	vst v0;
	v0 =	vadd.s32 $0x1E, v1;
	s1 =	sadd.s32 $0x11F80, s9  }
.LBB2_14:
0x625: {  	_ = 	snop  }
0x626: {  	v2 =	vld.idx.msk [tilespmem:v49+s23+$0x0], $0xffff;
	_ =	sdelay $0x3  }
0x627: {  	s8 =	simm.s32 $0x0  }
0x628: {  	[tilespmem:$0x1F810] =	vst v2;
	v2 =	vld.idx.msk [tilespmem:v48+s8+$0x0], $0xffff;
	_ =	sdelay $0x4  }
0x629: {  	[tilespmem:$0x1F820] =	vst v2;
	v2 =	vld.idx.msk [tilespmem:v46+s8+$0x0], $0xffff;
	_ =	sdelay $0x4  }
0x62a: {  	[tilespmem:$0x1F830] =	vst v2;
	v2 =	vld.idx.msk [tilespmem:v47+s8+$0x0], $0xffff  }
0x62b: {  	[smem:$0x772] =	sst s22  }
0x62c: {  	[smem:$0x771] =	sst s21  }
0x62d: {  	[smem:$0x773] =	sst s28;
	s2 =	sand.u32 $0x60, s3  }
0x62e: {  	s24 =	sadd.s32 $0x12000, s9;
	s7 =	sor.u32 s19, s1;
	s21 =	sadd.s32 $0x5F00, s3  }
0x62f: {  	s25 =	sadd.s32 $0x12080, s9;
	s28 =	sadd.s32 $0x12100, s9;
	s6 =	smov.u32 s30;
	[tilespmem:$0x1F840] =	vst v2;
	v2 =	vld.idx.msk [tilespmem:v45+s8+$0x0], $0xffff  }
0x630: {  	[tilespmem:s10+$0x0] =	vst v23;
	s30 =	sadd.s32 $0x12200, s9;
	s26 =	sor.u32 s19, s24;
	s10 =	sor.u32 $0x10, s2  }
0x631: {  	[tilespmem:s7+$0x0] =	vst v21;
	s22 =	sor.u32 s19, s25;
	s23 =	sand.u32 $0x7F80, s21;
	s21 =	smov.u32 s17  }
0x632: {  	s17 =	smov.u32 s29;
	s29 =	sadd.s32 $0x12180, s9;
	s4 =	sor.u32 s19, s28;
	[tilespmem:s26+$0x0] =	vst v20  }
0x633: {  	s23 =	sadd.s32 $0x1100, s23;
	s7 =	sor.u32 s19, s29;
	[tilespmem:s22+$0x0] =	vst v22;
	s22 =	smov.u32 s20  }
0x634: {  	s20 =	smov.u32 s5;
	s5 =	smov.u32 s16;
	s16 =	smov.u32 s14;
	[tilespmem:$0x1F850] =	vst v2;
	v2 =	vld.idx.msk [tilespmem:v44+s8+$0x0], $0xffff  }
0x635: {  	s14 =	smov.u32 s12;
	s12 =	smov.u32 s11;
	s11 =	smov.u32 s31;
	[tilespmem:s4+$0x0] =	vst v24  }
0x636: {  	s31 =	sor.u32 s10, s23;
	s4 =	sadd.s32 $0x12280, s9;
	[tilespmem:s7+$0x0] =	vst v25;
	s7 =	sor.u32 s19, s30  }
0x637: {  	v8 =	vld [tilespmem:s31+$0x0];
	s31 =	sadd.s32 $0x12300, s9;
	[tilespmem:s7+$0x0] =	vst v27;
	s7 =	sor.u32 s19, s4  }
0x638: {  	s23 =	sor.u32 s2, s23;
	[tilespmem:s7+$0x0] =	vst v28;
	s26 =	sor.u32 s19, s31  }
0x639: {  	s7 =	sor.u32 s18, s1;
	[tilespmem:$0x1F860] =	vst v2;
	v2 =	vld [tilespmem:s23+$0x0];
	s23 =	sor.u32 s18, s0;
	s0 =	sadd.s32 $0x12380, s9  }
0x63a: {  	v3 =	vld.idx.msk [tilespmem:v41+s8+$0x0], $0xffff;
	[smem:$0x774] =	sst s7;
	s7 =	sadd.s32 $0x12400, s9;
	[tilespmem:s26+$0x0] =	vst v29;
	s26 =	sor.u32 s19, s0  }
0x63b: {  	v4 =	vld.idx.msk [tilespmem:v40+s8+$0x0], $0xffff;
	s1 =	sor.u32 s18, s24;
	s24 =	sor.u32 s19, s7;
	s9 =	sadd.s32 $0x12480, s9;
	[tilespmem:s26+$0x0] =	vst v30  }
0x63c: {  	v5 =	vld.idx.msk [tilespmem:v37+s8+$0x0], $0xffff;
	s19 =	sor.u32 s19, s9;
	[tilespmem:s24+$0x0] =	vst v31  }
0x63d: {  	v7 =	vld.idx.msk [tilespmem:v38+s8+$0x0], $0xffff;
	[tilespmem:s19+$0x0] =	vst v32;
	s19 =	rddreg [dreg:$0x7]  }
0x63e: {  	v0 =	vld.idx.msk [tilespmem:v0+s8+$0x0], $0xffff;
	v9 =	vadd.s32 $0x1, v2;
	[tilespmem:s19+$0x0] =	vst v50  }
0x63f: {  	v10 =	vadd.s32 $0x3, v2;
	[tilespmem:$0x1F870] =	vst v9  }
0x640: {  	s19 =	rddreg [dreg:$0x6];
	[tilespmem:$0x1F890] =	vst v10  }
0x641: {  	v21 =	vadd.s32 $0x5, v2;
	v20 =	vld.idx.msk [tilespmem:v34+s8+$0x0], $0xffff;
	[tilespmem:s19+$0x0] =	vst v51  }
0x642: {  	v9 =	vadd.s32 $0x2, v2;
	[tilespmem:$0x1F8B0] =	vst v21  }
0x643: {  	v10 =	vadd.s32 $0x4, v2;
	[tilespmem:$0x1F880] =	vst v9  }
0x644: {  	v21 =	vadd.s32 $0x6, v2;
	[tilespmem:$0x1F8A0] =	vst v10  }
0x645: {  	[tilespmem:$0x1F8C0] =	vst v21  }
0x646: {  	v22 =	vld.idx.msk [tilespmem:v1+s8+$0x0], $0xffff;
	[tilespmem:s6+$0x0] =	vst v52;
	v1 =	vmov v2;
	v2 =	vmov v3  }
0x647: {  	[tilespmem:$0x1F940] =	vst v2  }
0x648: {  	v3 =	vmov v4;
	[tilespmem:s11+$0x0] =	vst v53  }
0x649: {  	v2 =	vadd.s32 $0x7, v1;
	[tilespmem:$0x1F910] =	vst v3  }
0x64a: {  	v3 =	vadd.s32 $0x9, v1;
	[tilespmem:$0x1F8D0] =	vst v2  }
0x64b: {  	[tilespmem:$0x1F8F0] =	vst v3  }
0x64c: {  	v61 =	vadd.s32 $0xB, v1;
	[tilespmem:s17+$0x0] =	vst v55  }
0x64d: {  	v63 =	vadd.s32 $0xC, v1;
	[tilespmem:$0x1F920] =	vst v61  }
0x64e: {  	v37 =	vmov v0;
	v0 =	vadd.s32 $0xF, v1;
	[tilespmem:$0x1F930] =	vst v63  }
0x64f: {  	v2 =	vadd.s32 $0x8, v1;
	[tilespmem:$0x1F970] =	vst v0  }
0x650: {  	v3 =	vadd.s32 $0xA, v1;
	[tilespmem:$0x1F8E0] =	vst v2  }
0x651: {  	v6 =	vadd.s32 $0x1, v8;
	[tilespmem:$0x1F900] =	vst v3  }
0x652: {  	v0 =	vadd.s32 $0x10, v1;
	v2 =	vadd.s32 $0x5, v8;
	[tilespmem:s12+$0x0] =	vst v56  }
0x653: {  	[tilespmem:$0x1F980] =	vst v0  }
0x654: {  	s28 =	sor.u32 s18, s28;
	s4 =	sor.u32 s18, s4;
	[tilespmem:s14+$0x0] =	vst v22  }
0x655: {  	s7 =	sor.u32 s18, s7;
	v23 =	vadd.s32 $0xD, v8;
	s0 =	sor.u32 s18, s0;
	s9 =	sor.u32 s18, s9;
	[tilespmem:s16+$0x0] =	vst v57  }
0x656: {  	v24 =	vmov v16;
	s26 =	sor.u32 s18, s25;
	s25 =	sor.u32 s18, s29;
	s29 =	sor.u32 s18, s31;
	v62 =	vld.idx.msk [tilespmem:v6+s8+$0x0], $0xffff;
	v9 =	vadd.s32 $0x2, v8;
	[tilespmem:s5+$0x0] =	vst v58  }
0x657: {  	s24 =	sor.u32 s18, s30;
	s18 =	smov.u32 s2;
	s2 =	rddreg [dreg:$0x1c];
	v10 =	vadd.s32 $0x3, v8;
	v6 =	vld.idx.msk [tilespmem:v2+s8+$0x0], $0xffff;
	v2 =	vadd.s32 $0x13, v1;
	[tilespmem:s20+$0x0] =	vst v24  }
0x658: {  	v21 =	vadd.s32 $0x4, v8;
	s14 =	sld [smem:$0x771];
	[tilespmem:$0x1F9C0] =	vst v2  }
0x659: {  	v60 =	vld.idx.msk [tilespmem:v8+s8+$0x0], $0xffff;
	v3 =	vadd.s32 $0x6, v8;
	s16 =	sld [smem:$0x772];
	[tilespmem:s21+$0x0] =	vst v11  }
0x65a: {  	v63 =	vld.idx.msk [tilespmem:v23+s8+$0x0], $0xffff;
	s17 =	sld [smem:$0x773];
	v0 =	vadd.s32 $0x9, v8;
	[tilespmem:s22+$0x0] =	vst v12  }
0x65b: {  	s19 =	smov.u32 s10;
	s10 =	smov.u32 s4;
	s4 =	rddreg [dreg:$0x1e];
	v52 =	vld.idx.msk [tilespmem:v9+s8+$0x0], $0xffff;
	v12 =	vadd.s32 $0x10, v8;
	[tilespmem:s14+$0x0] =	vst v13  }
0x65c: {  	s6 =	smov.u32 s24;
	s24 =	rddreg [dreg:$0x1a];
	v9 =	vadd.s32 $0x7, v8;
	v4 =	vld.idx.msk [tilespmem:v10+s8+$0x0], $0xffff;
	[tilespmem:s16+$0x0] =	vst v14  }
0x65d: {  	v16 =	vmov v5;
	v10 =	vadd.s32 $0x8, v8;
	v5 =	vld.idx.msk [tilespmem:v21+s8+$0x0], $0xffff;
	s20 =	rddreg [dreg:$0x14];
	[tilespmem:s17+$0x0] =	vst v15  }
0x65e: {  	v53 =	vmov v7;
	v21 =	vadd.s32 $0xB, v8;
	v7 =	vld.idx.msk [tilespmem:v3+s8+$0x0], $0xffff;
	s21 =	rddreg [dreg:$0x16];
	[tilespmem:s20+$0x0] =	vst v54  }
0x65f: {  	v2 =	vld.idx.msk [tilespmem:v0+s8+$0x0], $0xffff;
	s22 =	rddreg [dreg:$0x18];
	[tilespmem:s21+$0x0] =	vst v17  }
0x660: {  	[dreg:$0x7] =	wrdreg s6;
	v58 =	vld.idx.msk [tilespmem:v12+s8+$0x0], $0xffff;
	v12 =	vadd.s32 $0x15, v8;
	[tilespmem:s22+$0x0] =	vst v18  }
0x661: {  	v38 =	vmov v20;
	v20 =	vadd.s32 $0xA, v8;
	s5 =	sld [smem:$0x77C];
	v3 =	vld.idx.msk [tilespmem:v9+s8+$0x0], $0xffff;
	[tilespmem:s24+$0x0] =	vst v19  }
0x662: {  	s6 =	sld [smem:$0x77D];
	v22 =	vadd.s32 $0xC, v8;
	v9 =	vld.idx.msk [tilespmem:v10+s8+$0x0], $0xffff;
	[tilespmem:s2+$0x0] =	vst v26  }
0x663: {  	s30 =	smov.u32 s29;
	s29 =	smov.u32 s7;
	s7 =	sld [smem:$0x77E];
	v24 =	vadd.s32 $0xE, v8;
	v10 =	vld.idx.msk [tilespmem:v21+s8+$0x0], $0xffff;
	[tilespmem:s4+$0x0] =	vst v33  }
0x664: {  	s11 =	smov.u32 s9;
	s9 =	sld [smem:$0x77F];
	v11 =	vadd.s32 $0xF, v8;
	v17 =	vld [tilespmem:$0x1F810];
	[tilespmem:s5+$0x0] =	vst v35  }
0x665: {  	s12 =	sld [smem:$0x780];
	v21 =	vld.idx.msk [tilespmem:v12+s8+$0x0], $0xffff;
	v12 =	vadd.s32 $0x1A, v8;
	[tilespmem:s6+$0x0] =	vst v36  }
0x666: {  	v51 =	vld.idx.msk [tilespmem:v20+s8+$0x0], $0xffff;
	[tilespmem:s7+$0x0] =	vst v39  }
0x667: {  	v50 =	vld.idx.msk [tilespmem:v22+s8+$0x0], $0xffff;
	v13 =	vadd.s32 $0x11, v8;
	[tilespmem:s9+$0x0] =	vst v42  }
0x668: {  	v14 =	vadd.s32 $0x12, v8;
	v61 =	vld.idx.msk [tilespmem:v24+s8+$0x0], $0xffff;
	[tilespmem:s12+$0x0] =	vst v43  }
0x669: {  	v15 =	vadd.s32 $0x13, v8;
	v59 =	vld.idx.msk [tilespmem:v11+s8+$0x0], $0xffff;
	[tilespmem:s23+$0x0] =	vst v17;
	s23 =	simm.s32 $0x0  }
0x66a: {  	v11 =	vadd.s32 $0x14, v8;
	v27 =	vld.idx.msk [tilespmem:v12+s23+$0x0], $0xffff  }
0x66b: {  	v12 =	vld [tilespmem:$0x1F820]  }
0x66c: {  	v57 =	vld.idx.msk [tilespmem:v13+s8+$0x0], $0xffff;
	v13 =	vadd.s32 $0x16, v8  }
0x66d: {  	s16 =	sld [smem:$0x774];
	v56 =	vld.idx.msk [tilespmem:v14+s8+$0x0], $0xffff;
	v14 =	vadd.s32 $0x17, v8  }
0x66e: {  	v55 =	vld.idx.msk [tilespmem:v15+s8+$0x0], $0xffff;
	v15 =	vadd.s32 $0x18, v8  }
0x66f: {  	v23 =	vld.idx.msk [tilespmem:v11+s8+$0x0], $0xffff;
	v11 =	vadd.s32 $0x19, v8  }
0x670: {  	[tilespmem:s16+$0x0] =	vst v12;
	v12 =	vld [tilespmem:$0x1F830]  }
0x671: {  	v20 =	vld.idx.msk [tilespmem:v13+s8+$0x0], $0xffff;
	v13 =	vadd.s32 $0x1B, v8  }
0x672: {  	v22 =	vld.idx.msk [tilespmem:v14+s8+$0x0], $0xffff;
	v14 =	vadd.s32 $0x1C, v8  }
0x673: {  	v24 =	vld.idx.msk [tilespmem:v15+s8+$0x0], $0xffff;
	v15 =	vadd.s32 $0x1D, v8  }
0x674: {  	s13 =	sadd.s32 $0x2, s13;
	v25 =	vld.idx.msk [tilespmem:v11+s8+$0x0], $0xffff;
	v11 =	vadd.s32 $0x1E, v8  }
0x675: {  	[dreg:$0x6] =	wrdreg s10;
	s10 =	sshll.u32 s13, $0x4;
	[tilespmem:s1+$0x0] =	vst v12;
	v12 =	vld [tilespmem:$0x1F840]  }
0x676: {  	s15 =	sadd.s32 $0x2, s15;
	s31 =	smov.u32 s0;
	s0 =	sand.u32 $0xFFFFFF80, s10;
	v28 =	vld.idx.msk [tilespmem:v13+s23+$0x0], $0xffff  }
0x677: {  	s0 =	ssub.s32 s3, s0;
	s14 =	sshll.u32 s15, $0x9;
	v8 =	vadd.s32 $0x1F, v8;
	v29 =	vld.idx.msk [tilespmem:v14+s23+$0x0], $0xffff  }
0x678: {  	s0 =	sand.u32 $0xFFFFFF80, s0;
	s2 =	sand.u32 $0x3FFFF000, s14;
	v30 =	vld.idx.msk [tilespmem:v15+s23+$0x0], $0xffff  }
0x679: {  	s9 =	sadd.s32 s0, s2;
	v31 =	vld.idx.msk [tilespmem:v11+s23+$0x0], $0xffff  }
0x67a: {  	v32 =	vadd.s32 $0xD, v1;
	s0 =	sadd.s32 $0x11500, s9;
	[tilespmem:s26+$0x0] =	vst v12;
	v12 =	vld [tilespmem:$0x1F850]  }
0x67b: {  	[tilespmem:$0x1F950] =	vst v32;
	s17 =	sadd.s32 $0x11580, s9;
	s12 =	sor.u32 s18, s0;
	s0 =	sor.u32 s19, s0;
	v11 =	vld [tilespmem:$0x1F860]  }
0x67c: {  	s2 =	sadd.s32 $0x11600, s9;
	s20 =	sor.u32 s19, s17;
	v32 =	vld.idx.msk [tilespmem:v8+s23+$0x0], $0xffff;
	[tilespmem:s0+$0x0] =	vst v60  }
0x67d: {  	s22 =	sor.u32 s19, s2;
	[tilespmem:s20+$0x0] =	vst v62  }
0x67e: {  	[tilespmem:s22+$0x0] =	vst v52  }
0x67f: {  	s21 =	sadd.s32 $0x11680, s9;
	[tilespmem:s28+$0x0] =	vst v12  }
0x680: {  	s24 =	sadd.s32 $0x11700, s9;
	[tilespmem:s25+$0x0] =	vst v11;
	s25 =	sor.u32 s19, s21  }
0x681: {  	s4 =	sor.u32 s19, s24;
	s26 =	sadd.s32 $0x11780, s9;
	[tilespmem:s25+$0x0] =	vst v4  }
0x682: {  	s6 =	sadd.s32 $0x11800, s9;
	s7 =	sor.u32 s19, s26;
	[tilespmem:s4+$0x0] =	vst v5  }
0x683: {  	s8 =	sadd.s32 $0x11880, s9;
	s14 =	sor.u32 s18, s17;
	s10 =	sor.u32 s19, s6;
	[tilespmem:s7+$0x0] =	vst v6  }
0x684: {  	s17 =	sor.u32 s18, s24;
	s24 =	sadd.s32 $0x11900, s9;
	s25 =	sor.u32 s19, s8;
	[tilespmem:s10+$0x0] =	vst v7  }
0x685: {  	s20 =	sor.u32 s18, s26;
	s26 =	sadd.s32 $0x11980, s9;
	s4 =	sor.u32 s19, s24;
	[tilespmem:s25+$0x0] =	vst v3  }
0x686: {  	s22 =	sor.u32 s18, s8;
	s8 =	sor.u32 s19, s26;
	[tilespmem:s4+$0x0] =	vst v9  }
0x687: {  	[tilespmem:s8+$0x0] =	vst v2;
	v2 =	vld [tilespmem:$0x1F900];
	_ =	sdelay $0x7  }
0x688: {  	v17 =	vld.idx.msk [tilespmem:v2+s23+$0x0], $0xffff  }
0x689: {  	v2 =	vld [tilespmem:$0x1F920];
	_ =	sdelay $0x7  }
0x68a: {  	v18 =	vld.idx.msk [tilespmem:v2+s23+$0x0], $0xffff  }
0x68b: {  	v2 =	vld [tilespmem:$0x1F930];
	_ =	sdelay $0x7  }
0x68c: {  	v19 =	vld.idx.msk [tilespmem:v2+s23+$0x0], $0xffff  }
0x68d: {  	v2 =	vld [tilespmem:$0x1F950];
	_ =	sdelay $0x6  }
0x68e: {  	v34 =	vadd.s32 $0xE, v1  }
0x68f: {  	[tilespmem:$0x1F960] =	vst v34;
	v26 =	vld.idx.msk [tilespmem:v2+s23+$0x0], $0xffff  }
0x690: {  	v2 =	vld [tilespmem:$0x1F960];
	_ =	sdelay $0x7  }
0x691: {  	v33 =	vld.idx.msk [tilespmem:v2+s23+$0x0], $0xffff  }
0x692: {  	v2 =	vld [tilespmem:$0x1F970];
	_ =	sdelay $0x7  }
0x693: {  	v35 =	vld.idx.msk [tilespmem:v2+s23+$0x0], $0xffff  }
0x694: {  	v2 =	vld [tilespmem:$0x1F980];
	_ =	sdelay $0x3  }
0x695: {  	v11 =	vld [tilespmem:$0x1F880];
	_ =	sdelay $0x2  }
0x696: {  	v40 =	vadd.s32 $0x11, v1;
	s5 =	sor.u32 s18, s21;
	s28 =	sor.u32 s18, s24;
	s21 =	sor.u32 s18, s6  }
0x697: {  	[tilespmem:$0x1F990] =	vst v40;
	s6 =	sor.u32 s18, s26;
	s24 =	sadd.s32 $0x11A80, s9;
	s7 =	sadd.s32 $0x11A00, s9;
	v36 =	vld.idx.msk [tilespmem:v2+s23+$0x0], $0xffff  }
0x698: {  	v41 =	vadd.s32 $0x12, v1;
	[dreg:$0x14] =	wrdreg s6;
	s26 =	sor.u32 s18, s24;
	s10 =	sor.u32 s18, s7;
	v2 =	vld [tilespmem:$0x1F990]  }
0x699: {  	[tilespmem:$0x1F9A0] =	vst v41;
	v54 =	vld [tilespmem:$0x1F8B0];
	[dreg:$0x18] =	wrdreg s26;
	s25 =	sor.u32 s19, s7;
	s4 =	sadd.s32 $0x11B00, s9  }
0x69a: {  	v8 =	vld [tilespmem:$0x1F870];
	s6 =	sor.u32 s19, s24;
	[dreg:$0x16] =	wrdreg s10;
	s7 =	sor.u32 s18, s4;
	[tilespmem:s25+$0x0] =	vst v51  }
0x69b: {  	s8 =	sadd.s32 $0x11B80, s9;
	s10 =	sor.u32 s19, s4;
	v39 =	vld.idx.msk [tilespmem:v11+s23+$0x0], $0xffff;
	[dreg:$0x1a] =	wrdreg s7;
	[tilespmem:s6+$0x0] =	vst v10  }
0x69c: {  	v60 =	vld [tilespmem:$0x1F8C0];
	s24 =	sor.u32 s18, s8;
	s25 =	sadd.s32 $0x11C00, s9;
	s26 =	sor.u32 s19, s8;
	[tilespmem:s10+$0x0] =	vst v50  }
0x69d: {  	v43 =	vld [tilespmem:$0x1F8A0];
	[dreg:$0x1c] =	wrdreg s24;
	s6 =	sadd.s32 $0x11C80, s9;
	s7 =	sor.u32 s19, s25;
	[tilespmem:s26+$0x0] =	vst v63  }
0x69e: {  	v62 =	vld [tilespmem:$0x1F8D0];
	s4 =	sor.u32 s18, s25;
	s10 =	sadd.s32 $0x11D00, s9;
	s24 =	sor.u32 s19, s6;
	[tilespmem:s7+$0x0] =	vst v61  }
0x69f: {  	v3 =	vld [tilespmem:$0x1F8E0];
	[dreg:$0x1e] =	wrdreg s4;
	s4 =	sor.u32 s19, s10;
	[tilespmem:s24+$0x0] =	vst v59  }
0x6a0: {  	[tilespmem:s4+$0x0] =	vst v58;
	v58 =	vmov v39;
	v39 =	vld.idx.msk [tilespmem:v2+s23+$0x0], $0xffff  }
0x6a1: {  	v2 =	vld [tilespmem:$0x1F9A0]  }
0x6a2: {  	v8 =	vld.idx.msk [tilespmem:v8+s23+$0x0], $0xffff  }
0x6a3: {  	v12 =	vld.idx.msk [tilespmem:v54+s23+$0x0], $0xffff  }
0x6a4: {  	v13 =	vld.idx.msk [tilespmem:v60+s23+$0x0], $0xffff  }
0x6a5: {  	v11 =	vld [tilespmem:$0x1F890]  }
0x6a6: {  	v14 =	vld.idx.msk [tilespmem:v62+s23+$0x0], $0xffff  }
0x6a7: {  	v15 =	vld.idx.msk [tilespmem:v3+s23+$0x0], $0xffff  }
0x6a8: {  	v3 =	vld [tilespmem:$0x1F8F0]  }
0x6a9: {  	v42 =	vld.idx.msk [tilespmem:v2+s23+$0x0], $0xffff  }
0x6aa: {  	v2 =	vld [tilespmem:$0x1F9C0]  }
0x6ab: {  	p0 =	slt.u32 s15, $0x4E;
	v51 =	vld [tilespmem:$0x1F910];
	s8 =	sor.u32 s18, s6  }
0x6ac: {  	[tilespmem:$0x1F9D0] =	vst v37;
	s16 =	sor.u32 s18, s2;
	v50 =	vld [tilespmem:$0x1F940];
	[smem:$0x77C] =	sst s8;
	s26 =	sadd.s32 $0x11D80, s9  }
0x6ad: {  	[tilespmem:$0x1F9B0] =	vst v38;
	v52 =	vmov v16;
	s25 =	sor.u32 s18, s10;
	s7 =	sadd.s32 $0x11E00, s9;
	s8 =	sor.u32 s19, s26;
	v16 =	vld.idx.msk [tilespmem:v11+s23+$0x0], $0xffff  }
.Ltmp6:
0x6ae: {  	s24 =	sadd.s32 $0x11E80, s9;
	s2 =	sor.u32 s19, s7;
	[tilespmem:s8+$0x0] =	vst v57;
	v11 =	vld.idx.msk [tilespmem:v43+s23+$0x0], $0xffff;
	(pc) =	sbr.rel @p0 .LBB2_14-.Ltmp6, $4  }
0x6af: {  	v49 =	vadd.s32 $0x14, v1;
	v48 =	vadd.s32 $0x15, v1;
	v46 =	vadd.s32 $0x16, v1;
	[smem:$0x77D] =	sst s25;
	s6 =	sor.u32 s18, s26;
	s26 =	sor.u32 s19, s24;
	[tilespmem:s2+$0x0] =	vst v56;
	v56 =	vld [tilespmem:$0x1F9B0]  }
0x6b0: {  	v47 =	vadd.s32 $0x17, v1;
	v45 =	vadd.s32 $0x18, v1;
	v44 =	vadd.s32 $0x19, v1;
	s3 =	sadd.s32 $0x20, s3;
	[smem:$0x77E] =	sst s6;
	s10 =	sor.u32 s18, s7;
	[tilespmem:s26+$0x0] =	vst v55;
	v55 =	vld [tilespmem:$0x1F9D0]  }
0x6b1: {  	v37 =	vadd.s32 $0x1C, v1;
	v41 =	vadd.s32 $0x1A, v1;
	v40 =	vadd.s32 $0x1B, v1;
	s0 =	sadd.s32 $0x11F00, s9;
	[smem:$0x77F] =	sst s10;
	s25 =	sor.u32 s18, s24;
	v54 =	vld.idx.msk [tilespmem:v3+s23+$0x0], $0xffff  }
0x6b2: {  	v34 =	vadd.s32 $0x1F, v1;
	v38 =	vadd.s32 $0x1D, v1;
	v0 =	vadd.s32 $0x1E, v1;
	s1 =	sadd.s32 $0x11F80, s9;
	s10 =	sor.u32 s19, s0;
	v57 =	vmovc v8;
	[smem:$0x780] =	sst s25;
	v43 =	vld.idx.msk [tilespmem:v2+s23+$0x0], $0xffff  }
0x6b3: {  	_ =	sdelay $0x1  }
0x6b4: {  	[tilespmem:s10+$0x0] =	vst v23;
	s2 =	sadd.s32 $0x12000, s9;
	s3 =	sor.u32 s19, s1  }
0x6b5: {  	[tilespmem:s3+$0x0] =	vst v21;
	s3 =	sadd.s32 $0x12080, s9;
	s4 =	sor.u32 s19, s2  }
0x6b6: {  	s10 =	sadd.s32 $0x12100, s9;
	v2 =	vld.idx.msk [tilespmem:v49+s23+$0x0], $0xffff;
	s8 =	simm.s32 $0x0;
	[tilespmem:s4+$0x0] =	vst v20;
	s13 =	sor.u32 s19, s3  }
0x6b7: {  	s15 =	sor.u32 s19, s10;
	v3 =	vld.idx.msk [tilespmem:v48+s8+$0x0], $0xffff;
	[tilespmem:s13+$0x0] =	vst v22;
	s13 =	sadd.s32 $0x12180, s9  }
0x6b8: {  	v4 =	vld.idx.msk [tilespmem:v46+s8+$0x0], $0xffff;
	[tilespmem:s15+$0x0] =	vst v24;
	s15 =	sadd.s32 $0x12200, s9;
	s24 =	sor.u32 s19, s13  }
0x6b9: {  	s23 =	sadd.s32 $0x12280, s9;
	v5 =	vld.idx.msk [tilespmem:v47+s8+$0x0], $0xffff;
	[tilespmem:s24+$0x0] =	vst v25;
	s25 =	sor.u32 s19, s15  }
0x6ba: {  	s26 =	sor.u32 s19, s23;
	v6 =	vld.idx.msk [tilespmem:v45+s8+$0x0], $0xffff;
	s24 =	sadd.s32 $0x12300, s9;
	[tilespmem:s25+$0x0] =	vst v27  }
0x6bb: {  	v7 =	vld.idx.msk [tilespmem:v44+s8+$0x0], $0xffff;
	s25 =	sadd.s32 $0x12380, s9;
	s6 =	sor.u32 s19, s24;
	[tilespmem:s26+$0x0] =	vst v28  }
0x6bc: {  	v8 =	vld.idx.msk [tilespmem:v41+s8+$0x0], $0xffff;
	s26 =	sadd.s32 $0x12400, s9;
	s7 =	sor.u32 s19, s25;
	[tilespmem:s6+$0x0] =	vst v29  }
0x6bd: {  	v1 =	vld.idx.msk [tilespmem:v1+s8+$0x0], $0xffff;
	s4 =	sadd.s32 $0x12480, s9;
	[tilespmem:s7+$0x0] =	vst v30;
	s7 =	sor.u32 s19, s26  }
0x6be: {  	v9 =	vld.idx.msk [tilespmem:v40+s8+$0x0], $0xffff;
	s6 =	sor.u32 s19, s4;
	[tilespmem:s7+$0x0] =	vst v31  }
0x6bf: {  	v10 =	vld.idx.msk [tilespmem:v37+s8+$0x0], $0xffff;
	[tilespmem:s6+$0x0] =	vst v32  }
0x6c0: {  	v62 =	vld.idx.msk [tilespmem:v38+s8+$0x0], $0xffff;
	s6 =	rddreg [dreg:$0x7]  }
0x6c1: {  	v0 =	vld.idx.msk [tilespmem:v0+s8+$0x0], $0xffff;
	[tilespmem:s6+$0x0] =	vst v50  }
0x6c2: {  	v63 =	vld.idx.msk [tilespmem:v34+s8+$0x0], $0xffff;
	s6 =	rddreg [dreg:$0x6];
	[tilespmem:s12+$0x0] =	vst v1  }
0x6c3: {  	[tilespmem:s6+$0x0] =	vst v51  }
0x6c4: {  	[tilespmem:s14+$0x0] =	vst v57  }
0x6c5: {  	[tilespmem:s30+$0x0] =	vst v52  }
0x6c6: {  	[tilespmem:s16+$0x0] =	vst v58  }
0x6c7: {  	[tilespmem:s31+$0x0] =	vst v53  }
0x6c8: {  	[tilespmem:s5+$0x0] =	vst v16  }
0x6c9: {  	[tilespmem:s29+$0x0] =	vst v55  }
0x6ca: {  	[tilespmem:s17+$0x0] =	vst v11  }
0x6cb: {  	[tilespmem:s11+$0x0] =	vst v56  }
0x6cc: {  	[tilespmem:s20+$0x0] =	vst v12  }
0x6cd: {  	[tilespmem:s21+$0x0] =	vst v13  }
0x6ce: {  	[tilespmem:s22+$0x0] =	vst v14  }
0x6cf: {  	[tilespmem:s28+$0x0] =	vst v15  }
0x6d0: {  	s5 =	rddreg [dreg:$0x14]  }
0x6d1: {  	[tilespmem:s5+$0x0] =	vst v54  }
0x6d2: {  	s5 =	rddreg [dreg:$0x16]  }
0x6d3: {  	[tilespmem:s5+$0x0] =	vst v17  }
0x6d4: {  	s5 =	rddreg [dreg:$0x18]  }
0x6d5: {  	[tilespmem:s5+$0x0] =	vst v18  }
0x6d6: {  	s5 =	rddreg [dreg:$0x1a]  }
0x6d7: {  	[tilespmem:s5+$0x0] =	vst v19  }
0x6d8: {  	s5 =	rddreg [dreg:$0x1c]  }
0x6d9: {  	[tilespmem:s5+$0x0] =	vst v26  }
0x6da: {  	s5 =	rddreg [dreg:$0x1e]  }
0x6db: {  	[tilespmem:s5+$0x0] =	vst v33  }
0x6dc: {  	s5 =	sld [smem:$0x77C];
	_ =	sdelay $0x2  }
0x6dd: {  	[tilespmem:s5+$0x0] =	vst v35  }
0x6de: {  	s5 =	sld [smem:$0x77D];
	_ =	sdelay $0x2  }
0x6df: {  	[tilespmem:s5+$0x0] =	vst v36  }
0x6e0: {  	s5 =	sld [smem:$0x77E];
	_ =	sdelay $0x2  }
0x6e1: {  	[tilespmem:s5+$0x0] =	vst v39  }
0x6e2: {  	s5 =	sld [smem:$0x77F];
	_ =	sdelay $0x2  }
0x6e3: {  	[tilespmem:s5+$0x0] =	vst v42  }
0x6e4: {  	s5 =	sld [smem:$0x780];
	_ =	sdelay $0x2  }
0x6e5: {  	s0 =	sor.u32 s18, s0;
	[tilespmem:s5+$0x0] =	vst v43  }
0x6e6: {  	s8 =	sor.u32 s18, s1;
	[tilespmem:s0+$0x0] =	vst v2  }
0x6e7: {  	s9 =	sor.u32 s18, s2;
	[tilespmem:s8+$0x0] =	vst v3  }
0x6e8: {  	s11 =	sor.u32 s18, s3;
	[tilespmem:s9+$0x0] =	vst v4  }
0x6e9: {  	s12 =	sor.u32 s18, s10;
	[tilespmem:s11+$0x0] =	vst v5  }
0x6ea: {  	s14 =	sor.u32 s18, s13;
	[tilespmem:s12+$0x0] =	vst v6  }
0x6eb: {  	s16 =	sor.u32 s18, s15;
	[tilespmem:s14+$0x0] =	vst v7  }
0x6ec: {  	s17 =	sor.u32 s18, s23;
	[tilespmem:s16+$0x0] =	vst v8  }
0x6ed: {  	s19 =	sor.u32 s18, s24;
	[tilespmem:s17+$0x0] =	vst v9  }
0x6ee: {  	s20 =	sor.u32 s18, s25;
	[tilespmem:s19+$0x0] =	vst v10  }
0x6ef: {  	s21 =	sor.u32 s18, s26;
	[tilespmem:s20+$0x0] =	vst v62  }
0x6f0: {  	s22 =	sor.u32 s18, s4;
	[tilespmem:s21+$0x0] =	vst v0  }
0x6f1: {  	s23 =	simm.s32 $0x1;
	[tilespmem:s22+$0x0] =	vst v63  }
0x6f2: {  	_ =	swait.ge [sflag:s23], $0xA000  }
0x6f3: {  	s24 =	sld [smem:$0x7FA]  }
0x6f4: {  	s29 =	simm.s32 $0x2;
	s25 =	simm.s32 $0x400;
	[sflag:s23] =	ssyncset.done $0x0  }
0x6f5: {  	s26 =	simm.s32 $0x8000;
	s28 =	simm.s32 $0x11500;
	[sflag:s23] =	ssyncadd.s32 $0xFFFF6000  }
0x6f6: {  	[hbm4b:s24+s25] =	stream.strided.scatter [tilespmem:s28], [sflag:$0x2], $0xA000, s26, s25, $0x38;
	[tilespmem:$0x1B500] =	vst v63  }
0x6f7: {  	_ =	swait.ge [sflag:s29], $0xA000  }
0x6f8: {  	s30 =	sld [smem:$0x7F7]  }
0x6f9: {  	s31 =	sld [smem:$0x7FB];
	_ =	sdelay $0x1  }
0x6fa: {  	s2 =	sadd.s32 $0x1, s30  }
0x6fb: {  	p0 =	sne.s32 s2, s31  }
.Ltmp7:
0x6fc: {  	_ = 	snop;
	(pc) =	sbr.rel @p0 .LBB2_1-.Ltmp7, $4  }
0x6fd: {  	_ = 	snop  }
0x6fe: {  	s7 =	simm.s32 $0x0;
	v12 =	vld [tilespmem:$0x1FFF0]  }
0x6ff: {  	s10 =	simm.s32 $0x3;
	[sflag:s29] =	ssyncset.done $0x0;
	s8 =	sld [smem:$0x7FC]  }
0x700: {  	s11 =	simm.s32 $0x480;
	s9 =	sld [smem:$0x7FD];
	[sflag:s29] =	ssyncadd.s32 $0xFFFF6000  }
0x701: {  	_ =	sfence.sel $0x180000  }
0x702: {  	[bflag:$0x0] =	sbarrier.arrive $0xFFFF  }
0x703: {  	_ =	strace $0x90000047  }
0x704: {  	s0 =	stileid.u32;
	[bflag:$0x2] =	sbarrier.arrive $0xFFFF  }
0x705: {  	p0 =	sne.s32 s0, $0x0;
	s0 =	rddreg [dreg:$0x2]  }
0x706: {  	s0 =	sadd.s32 @!p0 $0x100000, s0  }
0x707: {  	[sflag:s0] =	ssyncadd.tile.s32 @!p0 $0x1;
	_ =	shalt  }
.Lfunc_end2:
_tile_overlayer_lowered:
.L_overlay_start_2:
0x708: {  	(tag) =	ssettag $0x2  }
0x709: {  	s0 =	rddreg [dreg:$0x0];
	s2 =	stileid.u32  }
0x70a: {  	s1 =	rddreg [dreg:$0x1];
	p0 =	sne.s32 s2, $0x0  }
0x70b: {  	s3 =	rddreg [dreg:$0x2];
	[bflag:$0x3] =	sbarrier.arrive $0xFFFF;
	s2 =	simm.s32 @!p0 $0x1C03  }
0x70c: {  	[timem:s3], [sflag:s2] =	dma.local @!p0 [hbm:s0], s1  }
0x70d: {  	s0 =	simm.s32 @!p0 $0x3  }
0x70e: {  	_ =	swait.ge @!p0 [sflag:s0], s1  }
0x70f: {  	s1 =	ssub.s32 @!p0 $0x0, s1;
	[sflag:s0] =	ssyncset.done @!p0 $0x0  }
0x710: {  	[sflag:s0] =	ssyncadd.s32 @!p0 s1  }
0x711: {  	[bflag:$0x3] =	sbarrier.arrive $0xFFFF  }
0x712: {  	_ =	shalt  }

</sc_bundles>
